<compile_context>
chip_gen: v7x
topology: tpu7x:2x2x1
jax: 0.10.2.dev20260603
libtpu: 0.0.44.dev20260713+nightly
codegen_flags: <defaults>
</compile_context>

<pallas_src>
import functools

import jax
import jax.numpy as jnp
from jax import lax
from jax.experimental import pallas as pl
from jax.experimental.pallas import tpu as pltpu
from jax.experimental.pallas import tpu_sc as plsc

S, D, F, E, K = 2048, 768, 1024, 8, 2
T = 256
NB = (S * K) // T + (E - 1)
NPAD = NB * T
MB = 32
C = 256
NCHUNK = S // C
NW = 32
TOK_W = S // NW
LANES = 16
D2 = D // 2


def _router_body(x_ref, wg_ref, slot0_ref, slot1_ref, w0_ref, w1_ref,
                 meta_ref, xbf_ref):
    x = x_ref[...]
    wg = wg_ref[...]
    logits = lax.dot_general(x, wg, (((1,), (1,)), ((), ())),
                             preferred_element_type=jnp.float32)
    eio = lax.broadcasted_iota(jnp.int32, (S, E), 1)
    m0 = jnp.max(logits, axis=1, keepdims=True)
    i0 = jnp.min(jnp.where(logits == m0, eio, E), axis=1, keepdims=True)
    l2 = jnp.where(eio == i0, -jnp.inf, logits)
    m1 = jnp.max(l2, axis=1, keepdims=True)
    i1 = jnp.min(jnp.where(l2 == m1, eio, E), axis=1, keepdims=True)
    w0 = 1.0 / (1.0 + jnp.exp(m1 - m0))
    w1 = 1.0 - w0
    w0_ref[...] = jnp.broadcast_to(w0, (S, LANES))
    w1_ref[...] = jnp.broadcast_to(w1, (S, LANES))
    bits = lax.bitcast_convert_type(x, jnp.uint32)
    blo, bhi = bits[:, :D2], bits[:, D2:]
    rlo = (blo + 0x7FFF + ((blo >> 16) & 1)) >> 16
    rhi = ((bhi + 0x7FFF + ((bhi >> 16) & 1)) >> 16) << 16
    xbf_ref[...] = lax.bitcast_convert_type(rhi | rlo, jnp.int32)

    oh0 = (eio == i0).astype(jnp.float32)
    oh1 = (eio == i1).astype(jnp.float32)
    cnt0 = jnp.sum(oh0, axis=0, keepdims=True)
    cnt = cnt0 + jnp.sum(oh1, axis=0, keepdims=True)
    nblk = jnp.floor((cnt + (T - 1)) * (1.0 / T))
    upper = (lax.broadcasted_iota(jnp.int32, (E, E), 0)
             <= lax.broadcasted_iota(jnp.int32, (E, E), 1)).astype(jnp.float32)
    inc = lax.dot_general(nblk, upper, (((1,), (0,)), ((), ())),
                          preferred_element_type=jnp.float32)
    gs = (inc - nblk) * T

    bio = lax.broadcasted_iota(jnp.int32, (MB, E), 0)
    inc_i = inc.astype(jnp.int32)
    be = jnp.sum((bio >= inc_i).astype(jnp.int32),
                 axis=1, keepdims=True)
    be_p = jnp.sum(((bio - 1) >= inc_i).astype(jnp.int32),
                   axis=1, keepdims=True)
    be = jnp.minimum(be, E - 1)
    be_p = jnp.minimum(be_p, E - 1)
    used = inc[:, E - 1:E]
    bcol = lax.broadcasted_iota(jnp.int32, (MB, 1), 0)
    act = (bcol.astype(jnp.float32) < used).astype(jnp.int32)
    sw = jnp.where((bcol > 0) & (be != be_p), 1, 0) * act
    mtri = (lax.broadcasted_iota(jnp.int32, (MB, MB), 0)
            >= lax.broadcasted_iota(jnp.int32, (MB, MB), 1)).astype(
                jnp.float32)
    run_id = lax.dot_general(mtri, sw.astype(jnp.float32),
                             (((1,), (0,)), ((), ())),
                             preferred_element_type=jnp.float32)
    par = (run_id - 2.0 * jnp.floor(run_id * 0.5)).astype(jnp.int32)
    first = jnp.where((bcol == 0) | (sw == 1), 1, 0) * act
    has = jnp.broadcast_to((nblk > 0.5), (MB, E))
    nxte = jnp.min(jnp.where((eio[:MB] > be) & has, eio[:MB], E),
                   axis=1, keepdims=True)
    issue = first * jnp.where(nxte < E, 1, 0)
    nxte = jnp.minimum(nxte, E - 1)
    meta = jnp.concatenate(
        [act, par, first, issue, nxte, be, be, be], axis=1)
    meta_ref[...] = meta

    ltri = (lax.broadcasted_iota(jnp.int32, (C, C), 0)
            > lax.broadcasted_iota(jnp.int32, (C, C), 1)).astype(jnp.float32)
    carry0 = jnp.zeros((1, E), jnp.float32)
    carry1 = cnt0
    cols0, cols1 = [], []
    for c in range(NCHUNK):
        sl = slice(c * C, (c + 1) * C)
        o0 = oh0[sl]
        o1 = oh1[sl]
        p0 = carry0 + lax.dot_general(ltri, o0, (((1,), (0,)), ((), ())),
                                      preferred_element_type=jnp.float32)
        p1 = carry1 + lax.dot_general(ltri, o1, (((1,), (0,)), ((), ())),
                                      preferred_element_type=jnp.float32)
        carry0 = carry0 + jnp.sum(o0, axis=0, keepdims=True)
        carry1 = carry1 + jnp.sum(o1, axis=0, keepdims=True)
        cols0.append(jnp.sum((p0 + gs) * o0, axis=1, keepdims=True))
        cols1.append(jnp.sum((p1 + gs) * o1, axis=1, keepdims=True))
    slot0_ref[...] = jnp.transpose(
        jnp.concatenate(cols0, axis=1), (1, 0)).astype(jnp.int32)
    slot1_ref[...] = jnp.transpose(
        jnp.concatenate(cols1, axis=1), (1, 0)).astype(jnp.int32)


_router_call = pl.pallas_call(
    _router_body,
    out_shape=(
        jax.ShapeDtypeStruct((NCHUNK, C), jnp.int32),
        jax.ShapeDtypeStruct((NCHUNK, C), jnp.int32),
        jax.ShapeDtypeStruct((S, LANES), jnp.float32),
        jax.ShapeDtypeStruct((S, LANES), jnp.float32),
        jax.ShapeDtypeStruct((MB, 8), jnp.int32),
        jax.ShapeDtypeStruct((S, D2), jnp.int32),
    ),
)


@functools.lru_cache(maxsize=None)
def _get_sc_mesh():
    return plsc.VectorSubcoreMesh(core_axis_name="c", subcore_axis_name="s")


def _dispatch_body(x_hbm, slot0_hbm, slot1_hbm, xs_hbm, rows_v, idx0_v,
                   idx1_v, sem):
    wid = lax.axis_index("s") * 2 + lax.axis_index("c")
    base = wid * TOK_W
    ch = wid // (C // TOK_W)
    off = (wid % (C // TOK_W)) * TOK_W
    pltpu.sync_copy(x_hbm.at[pl.ds(base, TOK_W)], rows_v)
    pltpu.sync_copy(slot0_hbm.at[ch, pl.ds(off, TOK_W)], idx0_v)
    pltpu.sync_copy(slot1_hbm.at[ch, pl.ds(off, TOK_W)], idx1_v)
    pltpu.async_copy(rows_v, xs_hbm.at[idx0_v], sem).wait()
    pltpu.async_copy(rows_v, xs_hbm.at[idx1_v], sem).wait()


@functools.lru_cache(maxsize=None)
def _get_dispatch():
    return pl.kernel(
        _dispatch_body,
        out_type=jax.ShapeDtypeStruct((NPAD, D2), jnp.int32),
        mesh=_get_sc_mesh(),
        scratch_types=[
            pltpu.VMEM((TOK_W, D2), jnp.int32),
            pltpu.VMEM((TOK_W,), jnp.int32),
            pltpu.VMEM((TOK_W,), jnp.int32),
            pltpu.SemaphoreType.DMA,
        ],
    )


def _wcopies(w1_hbm, w3_hbm, b3_hbm, w2_hbm, w1b, w3b, b3b, w2b, sems,
             e, slot):
    return (
        pltpu.make_async_copy(w1_hbm.at[e], w1b.at[slot], sems.at[slot, 0]),
        pltpu.make_async_copy(w3_hbm.at[e], w3b.at[slot], sems.at[slot, 1]),
        pltpu.make_async_copy(b3_hbm.at[e], b3b.at[slot], sems.at[slot, 2]),
        pltpu.make_async_copy(w2_hbm.at[e], w2b.at[slot], sems.at[slot, 3]),
    )


def _ffn_body(meta_ref, xs_ref, w1_hbm, w3_hbm, b3_hbm, w2_hbm, eo_ref,
              w1b, w3b, b3b, w2b, sems):
    b = pl.program_id(0)
    act = meta_ref[b, 0]
    par = meta_ref[b, 1]
    first = meta_ref[b, 2]
    issue = meta_ref[b, 3]
    nxte = meta_ref[b, 4]
    e_cur = meta_ref[b, 5]

    @pl.when(b == 0)
    def _():
        for cp in _wcopies(w1_hbm, w3_hbm, b3_hbm, w2_hbm,
                           w1b, w3b, b3b, w2b, sems, e_cur, 0):
            cp.start()

    @pl.when(issue == 1)
    def _():
        for cp in _wcopies(w1_hbm, w3_hbm, b3_hbm, w2_hbm,
                           w1b, w3b, b3b, w2b, sems, nxte, 1 - par):
            cp.start()

    @pl.when(first == 1)
    def _():
        for cp in _wcopies(w1_hbm, w3_hbm, b3_hbm, w2_hbm,
                           w1b, w3b, b3b, w2b, sems, e_cur, par):
            cp.wait()

    @pl.when(act == 1)
    def _():
        v = xs_ref[...]
        xlo = lax.bitcast_convert_type(v << 16, jnp.float32).astype(
            jnp.bfloat16)
        xhi = lax.bitcast_convert_type(
            v & jnp.int32(-65536), jnp.float32).astype(jnp.bfloat16)
        w1c = w1b[par].astype(jnp.bfloat16)
        w3c = w3b[par].astype(jnp.bfloat16)
        w2c = w2b[par].astype(jnp.bfloat16)
        cdim = (((1,), (1,)), ((), ()))
        h1 = (lax.dot_general(xlo, w1c[:, :D2], cdim,
                              preferred_element_type=jnp.float32)
              + lax.dot_general(xhi, w1c[:, D2:], cdim,
                                preferred_element_type=jnp.float32))
        h3 = (lax.dot_general(xlo, w3c[:, :D2], cdim,
                              preferred_element_type=jnp.float32)
              + lax.dot_general(xhi, w3c[:, D2:], cdim,
                                preferred_element_type=jnp.float32))
        h3 = h3 + b3b[par][None, :]
        h = (h1 * lax.logistic(h1) * h3).astype(jnp.bfloat16)
        eo_ref[...] = lax.dot_general(h, w2c, cdim,
                                      preferred_element_type=jnp.float32)


_ffn_call = pl.pallas_call(
    _ffn_body,
    grid_spec=pltpu.PrefetchScalarGridSpec(
        num_scalar_prefetch=1,
        grid=(NB,),
        in_specs=[
            pl.BlockSpec((T, D2), lambda b, meta: (b, 0)),
            pl.BlockSpec(memory_space=pl.ANY),
            pl.BlockSpec(memory_space=pl.ANY),
            pl.BlockSpec(memory_space=pl.ANY),
            pl.BlockSpec(memory_space=pl.ANY),
        ],
        out_specs=pl.BlockSpec((T, D), lambda b, meta: (b, 0)),
        scratch_shapes=[
            pltpu.VMEM((2, F, D), jnp.float32),
            pltpu.VMEM((2, F, D), jnp.float32),
            pltpu.VMEM((2, F), jnp.float32),
            pltpu.VMEM((2, D, F), jnp.float32),
            pltpu.SemaphoreType.DMA((2, 4)),
        ],
    ),
    out_shape=jax.ShapeDtypeStruct((NPAD, D), jnp.float32),
)


def _combine_body(eo_hbm, slot0_hbm, slot1_hbm, w0_hbm, w1_hbm, out_hbm,
                  idx0_v, idx1_v, w0_v, w1_v, r0_v, r1_v, sem):
    wid = lax.axis_index("s") * 2 + lax.axis_index("c")
    base = wid * TOK_W
    ch = wid // (C // TOK_W)
    off = (wid % (C // TOK_W)) * TOK_W
    pltpu.sync_copy(slot0_hbm.at[ch, pl.ds(off, TOK_W)], idx0_v)
    pltpu.sync_copy(slot1_hbm.at[ch, pl.ds(off, TOK_W)], idx1_v)
    pltpu.sync_copy(w0_hbm.at[pl.ds(base, TOK_W)], w0_v)
    pltpu.sync_copy(w1_hbm.at[pl.ds(base, TOK_W)], w1_v)
    H = TOK_W // 2
    ha, hb = pl.ds(0, H), pl.ds(H, H)
    cA0 = pltpu.async_copy(eo_hbm.at[idx0_v.at[ha]], r0_v.at[ha], sem.at[0])
    cA1 = pltpu.async_copy(eo_hbm.at[idx1_v.at[ha]], r1_v.at[ha], sem.at[0])
    cB0 = pltpu.async_copy(eo_hbm.at[idx0_v.at[hb]], r0_v.at[hb], sem.at[1])
    cB1 = pltpu.async_copy(eo_hbm.at[idx1_v.at[hb]], r1_v.at[hb], sem.at[1])

    def body(i, carry):
        wv0 = w0_v[i]
        wv1 = w1_v[i]
        for j in range(D // LANES):
            sl = pl.ds(j * LANES, LANES)
            r0_v[i, sl] = wv0 * r0_v[i, sl] + wv1 * r1_v[i, sl]
        return carry

    cA0.wait()
    cA1.wait()
    lax.fori_loop(0, H, body, 0)
    oA = pltpu.async_copy(r0_v.at[ha], out_hbm.at[pl.ds(base, H)], sem.at[0])
    cB0.wait()
    cB1.wait()
    lax.fori_loop(H, TOK_W, body, 0)
    oA.wait()
    pltpu.sync_copy(r0_v.at[hb], out_hbm.at[pl.ds(base + H, H)])


@functools.lru_cache(maxsize=None)
def _get_combine():
    return pl.kernel(
        _combine_body,
        out_type=jax.ShapeDtypeStruct((S, D), jnp.float32),
        mesh=_get_sc_mesh(),
        compiler_params=pltpu.CompilerParams(needs_layout_passes=False),
        scratch_types=[
            pltpu.VMEM((TOK_W,), jnp.int32),
            pltpu.VMEM((TOK_W,), jnp.int32),
            pltpu.VMEM((TOK_W, LANES), jnp.float32),
            pltpu.VMEM((TOK_W, LANES), jnp.float32),
            pltpu.VMEM((TOK_W, D), jnp.float32),
            pltpu.VMEM((TOK_W, D), jnp.float32),
            pltpu.SemaphoreType.DMA((2,)),
        ],
    )


@jax.jit
def kernel(x, Wg, W1, W3, b3, W2):
    x2 = x.reshape(S, D)
    slot0, slot1, w0b, w1b, meta, xbf = _router_call(x2, Wg)
    xs = _get_dispatch()(xbf, slot0, slot1)
    eo = _ffn_call(meta, xs, W1, W3, b3, W2)
    out = _get_combine()(eo, slot0, slot1, w0b, w1b)
    return out.reshape(1, S, D)

# --- scband reference (transcript-rebuilt; emitter-appended) ---
"""Pipeline reference for scband-transformer-block-28243704939177 (READ-ONLY COPY).

The authoritative reference and input builder live on the scoring server;
editing this copy changes nothing except your own understanding.
"""

import jax, jax.numpy as jnp
import numpy as np

B, S, D_MODEL, D_FF, E, TOPK = 1, 2048, 768, 1024, 8, 2

def setup_inputs(seed: int = 0) -> dict:
    key = jax.random.key(seed)
    ks = jax.random.split(key, 6)
    x = jax.random.normal(ks[0], (B, S, D_MODEL), dtype=jnp.float32)
    Wg = jax.random.normal(ks[1], (E, D_MODEL), dtype=jnp.float32) * 0.02
    W1 = jax.random.normal(ks[2], (E, D_FF, D_MODEL), dtype=jnp.float32) * 0.02
    W3 = jax.random.normal(ks[3], (E, D_FF, D_MODEL), dtype=jnp.float32) * 0.02
    b3 = jnp.zeros((E, D_FF), dtype=jnp.float32)
    W2 = jax.random.normal(ks[4], (E, D_MODEL, D_FF), dtype=jnp.float32) * 0.02
    return {"x": x, "Wg": Wg, "W1": W1, "W3": W3, "b3": b3, "W2": W2}

def reference(x, Wg, W1, W3, b3, W2):
    # Router (eval mode: no gaussian noise)
    router_logits = jnp.einsum('bsd,ed->bse', x, Wg)            # [B,S,E]
    router_probs = jax.nn.softmax(router_logits, axis=-1)      # full dist (aux loss only in training)
    top_k_logits, top_k_indices = jax.lax.top_k(router_logits, TOPK)  # [B,S,K]
    top_k_weights = jax.nn.softmax(top_k_logits, axis=-1)       # [B,S,K]
    # Combine weights per expert. top-k indices within a token are distinct,
    # so summing over k is exactly equivalent to the torch gather-by-argmax.
    onehot = jax.nn.one_hot(top_k_indices, E, dtype=x.dtype)    # [B,S,K,E]
    combine = jnp.einsum('bsk,bske->bse', top_k_weights, onehot)  # [B,S,E]
    # Expert FFNs: linear2(silu(linear1(x)) * linear3(x)), linear3 has bias
    h1 = jnp.einsum('bsd,efd->bsef', x, W1)                     # [B,S,E,F]
    h3 = jnp.einsum('bsd,efd->bsef', x, W3) + b3[None, None]    # [B,S,E,F]
    h = jax.nn.silu(h1) * h3
    expert_out = jnp.einsum('bsef,edf->bsed', h, W2)            # [B,S,E,D]
    output = jnp.einsum('bse,bsed->bsd', combine, expert_out)   # [B,S,D]
    return output

if __name__ == "__main__":
    import jax
    _d = setup_inputs()
    print(jax.jit(kernel)(*tuple(_d.values())))

</pallas_src>

<mosaic_0001>
#map = affine_map<(d0, d1) -> (0, 0)>
module attributes {stable_mosaic.version = 14 : i64} {
  func.func @_dispatch_body(%arg0: i32, %arg1: i32, %arg2: memref<2048x384xi32, #tpu.memory_space<hbm>>, %arg3: memref<8x256xi32, #tpu.memory_space<hbm>>, %arg4: memref<8x256xi32, #tpu.memory_space<hbm>>, %arg5: memref<5888x384xi32, #tpu.memory_space<hbm>>, %arg6: memref<64x384xi32, #tpu.memory_space<vmem>>, %arg7: memref<64xi32, #tpu.memory_space<vmem>>, %arg8: memref<64xi32, #tpu.memory_space<vmem>>, %arg9: memref<!tpu.dma_semaphore, #tpu.memory_space<semaphore_mem>>) attributes {dimension_semantics = [#tpu.dimension_semantics<core_parallel>, #tpu.dimension_semantics<subcore_parallel>], iteration_bounds = array<i64: 2, 16>, scalar_prefetch = 0 : i64, scratch_operands = 4 : i64, tpu.core_type = #tpu.core_type<sc_vector_subcore>, window_params = [{transform_indices = #map}, {transform_indices = #map}, {transform_indices = #map}, {transform_indices = #map}]} {
    %mul3A = arith.constant 2 : i32
    %mul3A_0 = arith.muli %arg1, %mul3A : i32
    %add3A = arith.addi %mul3A_0, %arg0 : i32
    %mul3A_1 = arith.constant 64 : i32
    %mul3A_2 = arith.muli %add3A, %mul3A_1 : i32
    %jit3A = arith.constant 4 : i32
    %div3A = arith.divsi %add3A, %jit3A : i32
    %sign3A = arith.constant 0 : i32
    %sign3A_3 = arith.cmpi sgt, %add3A, %sign3A : i32
    %sign3A_4 = arith.extui %sign3A_3 : i1 to i32
    %sign3A_5 = arith.constant 0 : i32
    %sign3A_6 = arith.cmpi slt, %add3A, %sign3A_5 : i32
    %sign3A_7 = arith.extui %sign3A_6 : i1 to i32
    %sign3A_8 = arith.subi %sign3A_4, %sign3A_7 : i32
    %sign3A_9 = arith.constant 0 : i32
    %sign3A_10 = arith.cmpi sgt, %jit3A, %sign3A_9 : i32
    %sign3A_11 = arith.extui %sign3A_10 : i1 to i32
    %sign3A_12 = arith.constant 0 : i32
    %sign3A_13 = arith.cmpi slt, %jit3A, %sign3A_12 : i32
    %sign3A_14 = arith.extui %sign3A_13 : i1 to i32
    %sign3A_15 = arith.subi %sign3A_11, %sign3A_14 : i32
    %ne3A = arith.cmpi ne, %sign3A_8, %sign3A_15 : i32
    %rem3A = arith.remsi %add3A, %jit3A : i32
    %ne3A_16 = arith.constant 0 : i32
    %ne3A_17 = arith.cmpi ne, %rem3A, %ne3A_16 : i32
    %and3A = arith.andi %ne3A, %ne3A_17 : i1
    %sub3A = arith.constant 1 : i32
    %sub3A_18 = arith.subi %div3A, %sub3A : i32
    %select_n3A = arith.select %and3A, %sub3A_18, %div3A : i32
    %jit3A_19 = arith.constant 4 : i32
    %eq3A = arith.constant 0 : i32
    %eq3A_20 = arith.cmpi eq, %jit3A_19, %eq3A : i32
    %jit3A_21 = arith.constant 1 : i32
    %select_n3A_22 = arith.select %eq3A_20, %jit3A_21, %jit3A_19 : i32
    %rem3A_23 = arith.remsi %add3A, %select_n3A_22 : i32
    %ne3A_24 = arith.constant 0 : i32
    %ne3A_25 = arith.cmpi ne, %rem3A_23, %ne3A_24 : i32
    %lt3A = arith.constant 0 : i32
    %lt3A_26 = arith.cmpi slt, %rem3A_23, %lt3A : i32
    %lt3A_27 = arith.constant 0 : i32
    %lt3A_28 = arith.cmpi slt, %select_n3A_22, %lt3A_27 : i32
    %ne3A_29 = arith.xori %lt3A_26, %lt3A_28 : i1
    %and3A_30 = arith.andi %ne3A_29, %ne3A_25 : i1
    %add3A_31 = arith.addi %rem3A_23, %select_n3A_22 : i32
    %select_n3A_32 = arith.select %and3A_30, %add3A_31, %rem3A_23 : i32
    %mul3A_33 = arith.constant 64 : i32
    %mul3A_34 = arith.muli %select_n3A_32, %mul3A_33 : i32
    "tpu.region"() ({
      %run_scoped3A = tpu.sem_alloc : memref<!tpu.dma_semaphore, #tpu.memory_space<semaphore_mem>>
      %dma_start3A_45 = arith.constant 0 : i32
      %dma_start3A_46 = tpu.memref_slice %arg2[%mul3A_2, %dma_start3A_45] : memref<2048x384xi32, #tpu.memory_space<hbm>> -> memref<64x384xi32, #tpu.memory_space<hbm>>
      %dma_start3A_47 = arith.constant 0 : i32
      %dma_start3A_48 = tpu.memref_slice %arg2[%mul3A_2, %dma_start3A_47] : memref<2048x384xi32, #tpu.memory_space<hbm>> -> memref<64x384xi32, #tpu.memory_space<hbm>>
      tpu.enqueue_dma source(%dma_start3A_48 : memref<64x384xi32, #tpu.memory_space<hbm>>) target(%arg6 : memref<64x384xi32, #tpu.memory_space<vmem>>) target_semaphore(%run_scoped3A : memref<!tpu.dma_semaphore, #tpu.memory_space<semaphore_mem>>)
      %dma_wait3A_49 = arith.constant 0 : i32
      %dma_wait3A_50 = tpu.memref_slice %arg2[%mul3A_2, %dma_wait3A_49] : memref<2048x384xi32, #tpu.memory_space<hbm>> -> memref<64x384xi32, #tpu.memory_space<hbm>>
      %dma_wait3A_51 = arith.constant 0 : i32
      %dma_wait3A_52 = tpu.memref_slice %arg2[%mul3A_2, %dma_wait3A_51] : memref<2048x384xi32, #tpu.memory_space<hbm>> -> memref<64x384xi32, #tpu.memory_space<hbm>>
      tpu.wait_dma2 semaphore(%run_scoped3A : memref<!tpu.dma_semaphore, #tpu.memory_space<semaphore_mem>>) src(%dma_wait3A_52 : memref<64x384xi32, #tpu.memory_space<hbm>>) dst(%arg6 : memref<64x384xi32, #tpu.memory_space<vmem>>)
      tpu.yield
    }) : () -> ()
    "tpu.region"() ({
      %run_scoped3A = tpu.sem_alloc : memref<!tpu.dma_semaphore, #tpu.memory_space<semaphore_mem>>
      %dma_start3A_45 = tpu.memref_slice %arg3[%select_n3A, %mul3A_34] : memref<8x256xi32, #tpu.memory_space<hbm>> -> memref<1x64xi32, #tpu.memory_space<hbm>>
      %dma_start3A_46 = tpu.memref_squeeze %dma_start3A_45 : memref<1x64xi32, #tpu.memory_space<hbm>> -> memref<64xi32, #tpu.memory_space<hbm>>
      %dma_start3A_47 = tpu.memref_slice %arg3[%select_n3A, %mul3A_34] : memref<8x256xi32, #tpu.memory_space<hbm>> -> memref<1x64xi32, #tpu.memory_space<hbm>>
      %dma_start3A_48 = tpu.memref_squeeze %dma_start3A_47 : memref<1x64xi32, #tpu.memory_space<hbm>> -> memref<64xi32, #tpu.memory_space<hbm>>
      tpu.enqueue_dma source(%dma_start3A_48 : memref<64xi32, #tpu.memory_space<hbm>>) target(%arg7 : memref<64xi32, #tpu.memory_space<vmem>>) target_semaphore(%run_scoped3A : memref<!tpu.dma_semaphore, #tpu.memory_space<semaphore_mem>>)
      %dma_wait3A_49 = tpu.memref_slice %arg3[%select_n3A, %mul3A_34] : memref<8x256xi32, #tpu.memory_space<hbm>> -> memref<1x64xi32, #tpu.memory_space<hbm>>
      %dma_wait3A_50 = tpu.memref_squeeze %dma_wait3A_49 : memref<1x64xi32, #tpu.memory_space<hbm>> -> memref<64xi32, #tpu.memory_space<hbm>>
      %dma_wait3A_51 = tpu.memref_slice %arg3[%select_n3A, %mul3A_34] : memref<8x256xi32, #tpu.memory_space<hbm>> -> memref<1x64xi32, #tpu.memory_space<hbm>>
      %dma_wait3A_52 = tpu.memref_squeeze %dma_wait3A_51 : memref<1x64xi32, #tpu.memory_space<hbm>> -> memref<64xi32, #tpu.memory_space<hbm>>
      tpu.wait_dma2 semaphore(%run_scoped3A : memref<!tpu.dma_semaphore, #tpu.memory_space<semaphore_mem>>) src(%dma_wait3A_52 : memref<64xi32, #tpu.memory_space<hbm>>) dst(%arg7 : memref<64xi32, #tpu.memory_space<vmem>>)
      tpu.yield
    }) : () -> ()
    "tpu.region"() ({
      %run_scoped3A = tpu.sem_alloc : memref<!tpu.dma_semaphore, #tpu.memory_space<semaphore_mem>>
      %dma_start3A_45 = tpu.memref_slice %arg4[%select_n3A, %mul3A_34] : memref<8x256xi32, #tpu.memory_space<hbm>> -> memref<1x64xi32, #tpu.memory_space<hbm>>
      %dma_start3A_46 = tpu.memref_squeeze %dma_start3A_45 : memref<1x64xi32, #tpu.memory_space<hbm>> -> memref<64xi32, #tpu.memory_space<hbm>>
      %dma_start3A_47 = tpu.memref_slice %arg4[%select_n3A, %mul3A_34] : memref<8x256xi32, #tpu.memory_space<hbm>> -> memref<1x64xi32, #tpu.memory_space<hbm>>
      %dma_start3A_48 = tpu.memref_squeeze %dma_start3A_47 : memref<1x64xi32, #tpu.memory_space<hbm>> -> memref<64xi32, #tpu.memory_space<hbm>>
      tpu.enqueue_dma source(%dma_start3A_48 : memref<64xi32, #tpu.memory_space<hbm>>) target(%arg8 : memref<64xi32, #tpu.memory_space<vmem>>) target_semaphore(%run_scoped3A : memref<!tpu.dma_semaphore, #tpu.memory_space<semaphore_mem>>)
      %dma_wait3A_49 = tpu.memref_slice %arg4[%select_n3A, %mul3A_34] : memref<8x256xi32, #tpu.memory_space<hbm>> -> memref<1x64xi32, #tpu.memory_space<hbm>>
      %dma_wait3A_50 = tpu.memref_squeeze %dma_wait3A_49 : memref<1x64xi32, #tpu.memory_space<hbm>> -> memref<64xi32, #tpu.memory_space<hbm>>
      %dma_wait3A_51 = tpu.memref_slice %arg4[%select_n3A, %mul3A_34] : memref<8x256xi32, #tpu.memory_space<hbm>> -> memref<1x64xi32, #tpu.memory_space<hbm>>
      %dma_wait3A_52 = tpu.memref_squeeze %dma_wait3A_51 : memref<1x64xi32, #tpu.memory_space<hbm>> -> memref<64xi32, #tpu.memory_space<hbm>>
      tpu.wait_dma2 semaphore(%run_scoped3A : memref<!tpu.dma_semaphore, #tpu.memory_space<semaphore_mem>>) src(%dma_wait3A_52 : memref<64xi32, #tpu.memory_space<hbm>>) dst(%arg8 : memref<64xi32, #tpu.memory_space<vmem>>)
      tpu.yield
    }) : () -> ()
    %dma_start3A = arith.constant 0 : i32
    %dma_start3A_35 = arith.constant 0 : i32
    %dma_start3A_36 = tpu.memref_slice %arg5[%dma_start3A, %dma_start3A_35] : memref<5888x384xi32, #tpu.memory_space<hbm>> -> memref<5888x384xi32, #tpu.memory_space<hbm>>
    tpu.enqueue_indirect_dma source(%arg6 : memref<64x384xi32, #tpu.memory_space<vmem>>) target(%dma_start3A_36 : memref<5888x384xi32, #tpu.memory_space<hbm>>) offsets(%arg7 : memref<64xi32, #tpu.memory_space<vmem>>) semaphore(%arg9 : memref<!tpu.dma_semaphore, #tpu.memory_space<semaphore_mem>>)
    %dma_wait3A = arith.constant 0 : i32
    %dma_wait3A_37 = arith.constant 0 : i32
    %dma_wait3A_38 = tpu.memref_slice %arg5[%dma_wait3A, %dma_wait3A_37] : memref<5888x384xi32, #tpu.memory_space<hbm>> -> memref<5888x384xi32, #tpu.memory_space<hbm>>
    tpu.wait_indirect_dma semaphore(%arg9 : memref<!tpu.dma_semaphore, #tpu.memory_space<semaphore_mem>>) src(%arg6 : memref<64x384xi32, #tpu.memory_space<vmem>>) dst(%dma_wait3A_38 : memref<5888x384xi32, #tpu.memory_space<hbm>>)
    %dma_start3A_39 = arith.constant 0 : i32
    %dma_start3A_40 = arith.constant 0 : i32
    %dma_start3A_41 = tpu.memref_slice %arg5[%dma_start3A_39, %dma_start3A_40] : memref<5888x384xi32, #tpu.memory_space<hbm>> -> memref<5888x384xi32, #tpu.memory_space<hbm>>
    tpu.enqueue_indirect_dma source(%arg6 : memref<64x384xi32, #tpu.memory_space<vmem>>) target(%dma_start3A_41 : memref<5888x384xi32, #tpu.memory_space<hbm>>) offsets(%arg8 : memref<64xi32, #tpu.memory_space<vmem>>) semaphore(%arg9 : memref<!tpu.dma_semaphore, #tpu.memory_space<semaphore_mem>>)
    %dma_wait3A_42 = arith.constant 0 : i32
    %dma_wait3A_43 = arith.constant 0 : i32
    %dma_wait3A_44 = tpu.memref_slice %arg5[%dma_wait3A_42, %dma_wait3A_43] : memref<5888x384xi32, #tpu.memory_space<hbm>> -> memref<5888x384xi32, #tpu.memory_space<hbm>>
    tpu.wait_indirect_dma semaphore(%arg9 : memref<!tpu.dma_semaphore, #tpu.memory_space<semaphore_mem>>) src(%arg6 : memref<64x384xi32, #tpu.memory_space<vmem>>) dst(%dma_wait3A_44 : memref<5888x384xi32, #tpu.memory_space<hbm>>)
    return
  }
}

#map = affine_map<(d0, d1) -> (0, 0)>
module attributes {stable_mosaic.version = 14 : i64} {
  func.func @_combine_body(%arg0: i32, %arg1: i32, %arg2: memref<5888x768xf32, #tpu.memory_space<hbm>>, %arg3: memref<8x256xi32, #tpu.memory_space<hbm>>, %arg4: memref<8x256xi32, #tpu.memory_space<hbm>>, %arg5: memref<2048x16xf32, #tpu.memory_space<hbm>>, %arg6: memref<2048x16xf32, #tpu.memory_space<hbm>>, %arg7: memref<2048x768xf32, #tpu.memory_space<hbm>>, %arg8: memref<64xi32, #tpu.memory_space<vmem>>, %arg9: memref<64xi32, #tpu.memory_space<vmem>>, %arg10: memref<64x16xf32, #tpu.memory_space<vmem>>, %arg11: memref<64x16xf32, #tpu.memory_space<vmem>>, %arg12: memref<64x768xf32, #tpu.memory_space<vmem>>, %arg13: memref<64x768xf32, #tpu.memory_space<vmem>>, %arg14: memref<2x!tpu.dma_semaphore, #tpu.memory_space<semaphore_mem>>) attributes {dimension_semantics = [#tpu.dimension_semantics<core_parallel>, #tpu.dimension_semantics<subcore_parallel>], iteration_bounds = array<i64: 2, 16>, scalar_prefetch = 0 : i64, scratch_operands = 7 : i64, tpu.core_type = #tpu.core_type<sc_vector_subcore>, window_params = [{transform_indices = #map}, {transform_indices = #map}, {transform_indices = #map}, {transform_indices = #map}, {transform_indices = #map}, {transform_indices = #map}]} {
    %mul3A = arith.constant 2 : i32
    %mul3A_0 = arith.muli %arg1, %mul3A : i32
    %add3A = arith.addi %mul3A_0, %arg0 : i32
    %mul3A_1 = arith.constant 64 : i32
    %mul3A_2 = arith.muli %add3A, %mul3A_1 : i32
    %jit3A = arith.constant 4 : i32
    %div3A = arith.divsi %add3A, %jit3A : i32
    %sign3A = arith.constant 0 : i32
    %sign3A_3 = arith.cmpi sgt, %add3A, %sign3A : i32
    %sign3A_4 = arith.extui %sign3A_3 : i1 to i32
    %sign3A_5 = arith.constant 0 : i32
    %sign3A_6 = arith.cmpi slt, %add3A, %sign3A_5 : i32
    %sign3A_7 = arith.extui %sign3A_6 : i1 to i32
    %sign3A_8 = arith.subi %sign3A_4, %sign3A_7 : i32
    %sign3A_9 = arith.constant 0 : i32
    %sign3A_10 = arith.cmpi sgt, %jit3A, %sign3A_9 : i32
    %sign3A_11 = arith.extui %sign3A_10 : i1 to i32
    %sign3A_12 = arith.constant 0 : i32
    %sign3A_13 = arith.cmpi slt, %jit3A, %sign3A_12 : i32
    %sign3A_14 = arith.extui %sign3A_13 : i1 to i32
    %sign3A_15 = arith.subi %sign3A_11, %sign3A_14 : i32
    %ne3A = arith.cmpi ne, %sign3A_8, %sign3A_15 : i32
    %rem3A = arith.remsi %add3A, %jit3A : i32
    %ne3A_16 = arith.constant 0 : i32
    %ne3A_17 = arith.cmpi ne, %rem3A, %ne3A_16 : i32
    %and3A = arith.andi %ne3A, %ne3A_17 : i1
    %sub3A = arith.constant 1 : i32
    %sub3A_18 = arith.subi %div3A, %sub3A : i32
    %select_n3A = arith.select %and3A, %sub3A_18, %div3A : i32
    %jit3A_19 = arith.constant 4 : i32
    %eq3A = arith.constant 0 : i32
    %eq3A_20 = arith.cmpi eq, %jit3A_19, %eq3A : i32
    %jit3A_21 = arith.constant 1 : i32
    %select_n3A_22 = arith.select %eq3A_20, %jit3A_21, %jit3A_19 : i32
    %rem3A_23 = arith.remsi %add3A, %select_n3A_22 : i32
    %ne3A_24 = arith.constant 0 : i32
    %ne3A_25 = arith.cmpi ne, %rem3A_23, %ne3A_24 : i32
    %lt3A = arith.constant 0 : i32
    %lt3A_26 = arith.cmpi slt, %rem3A_23, %lt3A : i32
    %lt3A_27 = arith.constant 0 : i32
    %lt3A_28 = arith.cmpi slt, %select_n3A_22, %lt3A_27 : i32
    %ne3A_29 = arith.xori %lt3A_26, %lt3A_28 : i1
    %and3A_30 = arith.andi %ne3A_29, %ne3A_25 : i1
    %add3A_31 = arith.addi %rem3A_23, %select_n3A_22 : i32
    %select_n3A_32 = arith.select %and3A_30, %add3A_31, %rem3A_23 : i32
    %mul3A_33 = arith.constant 64 : i32
    %mul3A_34 = arith.muli %select_n3A_32, %mul3A_33 : i32
    "tpu.region"() ({
      %run_scoped3A = tpu.sem_alloc : memref<!tpu.dma_semaphore, #tpu.memory_space<semaphore_mem>>
      %dma_start3A_160 = tpu.memref_slice %arg3[%select_n3A, %mul3A_34] : memref<8x256xi32, #tpu.memory_space<hbm>> -> memref<1x64xi32, #tpu.memory_space<hbm>>
      %dma_start3A_161 = tpu.memref_squeeze %dma_start3A_160 : memref<1x64xi32, #tpu.memory_space<hbm>> -> memref<64xi32, #tpu.memory_space<hbm>>
      %dma_start3A_162 = tpu.memref_slice %arg3[%select_n3A, %mul3A_34] : memref<8x256xi32, #tpu.memory_space<hbm>> -> memref<1x64xi32, #tpu.memory_space<hbm>>
      %dma_start3A_163 = tpu.memref_squeeze %dma_start3A_162 : memref<1x64xi32, #tpu.memory_space<hbm>> -> memref<64xi32, #tpu.memory_space<hbm>>
      tpu.enqueue_dma source(%dma_start3A_163 : memref<64xi32, #tpu.memory_space<hbm>>) target(%arg8 : memref<64xi32, #tpu.memory_space<vmem>>) target_semaphore(%run_scoped3A : memref<!tpu.dma_semaphore, #tpu.memory_space<semaphore_mem>>)
      %dma_wait3A_164 = tpu.memref_slice %arg3[%select_n3A, %mul3A_34] : memref<8x256xi32, #tpu.memory_space<hbm>> -> memref<1x64xi32, #tpu.memory_space<hbm>>
      %dma_wait3A_165 = tpu.memref_squeeze %dma_wait3A_164 : memref<1x64xi32, #tpu.memory_space<hbm>> -> memref<64xi32, #tpu.memory_space<hbm>>
      %dma_wait3A_166 = tpu.memref_slice %arg3[%select_n3A, %mul3A_34] : memref<8x256xi32, #tpu.memory_space<hbm>> -> memref<1x64xi32, #tpu.memory_space<hbm>>
      %dma_wait3A_167 = tpu.memref_squeeze %dma_wait3A_166 : memref<1x64xi32, #tpu.memory_space<hbm>> -> memref<64xi32, #tpu.memory_space<hbm>>
      tpu.wait_dma2 semaphore(%run_scoped3A : memref<!tpu.dma_semaphore, #tpu.memory_space<semaphore_mem>>) src(%dma_wait3A_167 : memref<64xi32, #tpu.memory_space<hbm>>) dst(%arg8 : memref<64xi32, #tpu.memory_space<vmem>>)
      tpu.yield
    }) : () -> ()
    "tpu.region"() ({
      %run_scoped3A = tpu.sem_alloc : memref<!tpu.dma_semaphore, #tpu.memory_space<semaphore_mem>>
      %dma_start3A_160 = tpu.memref_slice %arg4[%select_n3A, %mul3A_34] : memref<8x256xi32, #tpu.memory_space<hbm>> -> memref<1x64xi32, #tpu.memory_space<hbm>>
      %dma_start3A_161 = tpu.memref_squeeze %dma_start3A_160 : memref<1x64xi32, #tpu.memory_space<hbm>> -> memref<64xi32, #tpu.memory_space<hbm>>
      %dma_start3A_162 = tpu.memref_slice %arg4[%select_n3A, %mul3A_34] : memref<8x256xi32, #tpu.memory_space<hbm>> -> memref<1x64xi32, #tpu.memory_space<hbm>>
      %dma_start3A_163 = tpu.memref_squeeze %dma_start3A_162 : memref<1x64xi32, #tpu.memory_space<hbm>> -> memref<64xi32, #tpu.memory_space<hbm>>
      tpu.enqueue_dma source(%dma_start3A_163 : memref<64xi32, #tpu.memory_space<hbm>>) target(%arg9 : memref<64xi32, #tpu.memory_space<vmem>>) target_semaphore(%run_scoped3A : memref<!tpu.dma_semaphore, #tpu.memory_space<semaphore_mem>>)
      %dma_wait3A_164 = tpu.memref_slice %arg4[%select_n3A, %mul3A_34] : memref<8x256xi32, #tpu.memory_space<hbm>> -> memref<1x64xi32, #tpu.memory_space<hbm>>
      %dma_wait3A_165 = tpu.memref_squeeze %dma_wait3A_164 : memref<1x64xi32, #tpu.memory_space<hbm>> -> memref<64xi32, #tpu.memory_space<hbm>>
      %dma_wait3A_166 = tpu.memref_slice %arg4[%select_n3A, %mul3A_34] : memref<8x256xi32, #tpu.memory_space<hbm>> -> memref<1x64xi32, #tpu.memory_space<hbm>>
      %dma_wait3A_167 = tpu.memref_squeeze %dma_wait3A_166 : memref<1x64xi32, #tpu.memory_space<hbm>> -> memref<64xi32, #tpu.memory_space<hbm>>
      tpu.wait_dma2 semaphore(%run_scoped3A : memref<!tpu.dma_semaphore, #tpu.memory_space<semaphore_mem>>) src(%dma_wait3A_167 : memref<64xi32, #tpu.memory_space<hbm>>) dst(%arg9 : memref<64xi32, #tpu.memory_space<vmem>>)
      tpu.yield
    }) : () -> ()
    "tpu.region"() ({
      %run_scoped3A = tpu.sem_alloc : memref<!tpu.dma_semaphore, #tpu.memory_space<semaphore_mem>>
      %dma_start3A_160 = arith.constant 0 : i32
      %dma_start3A_161 = tpu.memref_slice %arg5[%mul3A_2, %dma_start3A_160] : memref<2048x16xf32, #tpu.memory_space<hbm>> -> memref<64x16xf32, #tpu.memory_space<hbm>>
      %dma_start3A_162 = arith.constant 0 : i32
      %dma_start3A_163 = tpu.memref_slice %arg5[%mul3A_2, %dma_start3A_162] : memref<2048x16xf32, #tpu.memory_space<hbm>> -> memref<64x16xf32, #tpu.memory_space<hbm>>
      tpu.enqueue_dma source(%dma_start3A_163 : memref<64x16xf32, #tpu.memory_space<hbm>>) target(%arg10 : memref<64x16xf32, #tpu.memory_space<vmem>>) target_semaphore(%run_scoped3A : memref<!tpu.dma_semaphore, #tpu.memory_space<semaphore_mem>>)
      %dma_wait3A_164 = arith.constant 0 : i32
      %dma_wait3A_165 = tpu.memref_slice %arg5[%mul3A_2, %dma_wait3A_164] : memref<2048x16xf32, #tpu.memory_space<hbm>> -> memref<64x16xf32, #tpu.memory_space<hbm>>
      %dma_wait3A_166 = arith.constant 0 : i32
      %dma_wait3A_167 = tpu.memref_slice %arg5[%mul3A_2, %dma_wait3A_166] : memref<2048x16xf32, #tpu.memory_space<hbm>> -> memref<64x16xf32, #tpu.memory_space<hbm>>
      tpu.wait_dma2 semaphore(%run_scoped3A : memref<!tpu.dma_semaphore, #tpu.memory_space<semaphore_mem>>) src(%dma_wait3A_167 : memref<64x16xf32, #tpu.memory_space<hbm>>) dst(%arg10 : memref<64x16xf32, #tpu.memory_space<vmem>>)
      tpu.yield
    }) : () -> ()
    "tpu.region"() ({
      %run_scoped3A = tpu.sem_alloc : memref<!tpu.dma_semaphore, #tpu.memory_space<semaphore_mem>>
      %dma_start3A_160 = arith.constant 0 : i32
      %dma_start3A_161 = tpu.memref_slice %arg6[%mul3A_2, %dma_start3A_160] : memref<2048x16xf32, #tpu.memory_space<hbm>> -> memref<64x16xf32, #tpu.memory_space<hbm>>
      %dma_start3A_162 = arith.constant 0 : i32
      %dma_start3A_163 = tpu.memref_slice %arg6[%mul3A_2, %dma_start3A_162] : memref<2048x16xf32, #tpu.memory_space<hbm>> -> memref<64x16xf32, #tpu.memory_space<hbm>>
      tpu.enqueue_dma source(%dma_start3A_163 : memref<64x16xf32, #tpu.memory_space<hbm>>) target(%arg11 : memref<64x16xf32, #tpu.memory_space<vmem>>) target_semaphore(%run_scoped3A : memref<!tpu.dma_semaphore, #tpu.memory_space<semaphore_mem>>)
      %dma_wait3A_164 = arith.constant 0 : i32
      %dma_wait3A_165 = tpu.memref_slice %arg6[%mul3A_2, %dma_wait3A_164] : memref<2048x16xf32, #tpu.memory_space<hbm>> -> memref<64x16xf32, #tpu.memory_space<hbm>>
      %dma_wait3A_166 = arith.constant 0 : i32
      %dma_wait3A_167 = tpu.memref_slice %arg6[%mul3A_2, %dma_wait3A_166] : memref<2048x16xf32, #tpu.memory_space<hbm>> -> memref<64x16xf32, #tpu.memory_space<hbm>>
      tpu.wait_dma2 semaphore(%run_scoped3A : memref<!tpu.dma_semaphore, #tpu.memory_space<semaphore_mem>>) src(%dma_wait3A_167 : memref<64x16xf32, #tpu.memory_space<hbm>>) dst(%arg11 : memref<64x16xf32, #tpu.memory_space<vmem>>)
      tpu.yield
    }) : () -> ()
    %dma_start3A = arith.constant 0 : i32
    %dma_start3A_35 = arith.constant 0 : i32
    %dma_start3A_36 = arith.constant 0 : i32
    %dma_start3A_37 = tpu.memref_slice %arg12[%dma_start3A_35, %dma_start3A_36] : memref<64x768xf32, #tpu.memory_space<vmem>> -> memref<32x768xf32, #tpu.memory_space<vmem>>
    %dma_start3A_38 = arith.constant 0 : i32
    %dma_start3A_39 = tpu.memref_slice %arg8[%dma_start3A_38] : memref<64xi32, #tpu.memory_space<vmem>> -> memref<32xi32, #tpu.memory_space<vmem>>
    %dma_start3A_40 = arith.constant 0 : i32
    %dma_start3A_41 = arith.constant 0 : i32
    %dma_start3A_42 = tpu.memref_slice %arg2[%dma_start3A_40, %dma_start3A_41] : memref<5888x768xf32, #tpu.memory_space<hbm>> -> memref<5888x768xf32, #tpu.memory_space<hbm>>
    %dma_start3A_43 = tpu.memref_slice %arg14[%dma_start3A] : memref<2x!tpu.dma_semaphore, #tpu.memory_space<semaphore_mem>> -> memref<1x!tpu.dma_semaphore, #tpu.memory_space<semaphore_mem>>
    %dma_start3A_44 = tpu.memref_squeeze %dma_start3A_43 : memref<1x!tpu.dma_semaphore, #tpu.memory_space<semaphore_mem>> -> memref<!tpu.dma_semaphore, #tpu.memory_space<semaphore_mem>>
    tpu.enqueue_indirect_dma source(%dma_start3A_42 : memref<5888x768xf32, #tpu.memory_space<hbm>>) target(%dma_start3A_37 : memref<32x768xf32, #tpu.memory_space<vmem>>) offsets(%dma_start3A_39 : memref<32xi32, #tpu.memory_space<vmem>>) semaphore(%dma_start3A_44 : memref<!tpu.dma_semaphore, #tpu.memory_space<semaphore_mem>>)
    %dma_start3A_45 = arith.constant 0 : i32
    %dma_start3A_46 = arith.constant 0 : i32
    %dma_start3A_47 = arith.constant 0 : i32
    %dma_start3A_48 = tpu.memref_slice %arg13[%dma_start3A_46, %dma_start3A_47] : memref<64x768xf32, #tpu.memory_space<vmem>> -> memref<32x768xf32, #tpu.memory_space<vmem>>
    %dma_start3A_49 = arith.constant 0 : i32
    %dma_start3A_50 = tpu.memref_slice %arg9[%dma_start3A_49] : memref<64xi32, #tpu.memory_space<vmem>> -> memref<32xi32, #tpu.memory_space<vmem>>
    %dma_start3A_51 = arith.constant 0 : i32
    %dma_start3A_52 = arith.constant 0 : i32
    %dma_start3A_53 = tpu.memref_slice %arg2[%dma_start3A_51, %dma_start3A_52] : memref<5888x768xf32, #tpu.memory_space<hbm>> -> memref<5888x768xf32, #tpu.memory_space<hbm>>
    %dma_start3A_54 = tpu.memref_slice %arg14[%dma_start3A_45] : memref<2x!tpu.dma_semaphore, #tpu.memory_space<semaphore_mem>> -> memref<1x!tpu.dma_semaphore, #tpu.memory_space<semaphore_mem>>
    %dma_start3A_55 = tpu.memref_squeeze %dma_start3A_54 : memref<1x!tpu.dma_semaphore, #tpu.memory_space<semaphore_mem>> -> memref<!tpu.dma_semaphore, #tpu.memory_space<semaphore_mem>>
    tpu.enqueue_indirect_dma source(%dma_start3A_53 : memref<5888x768xf32, #tpu.memory_space<hbm>>) target(%dma_start3A_48 : memref<32x768xf32, #tpu.memory_space<vmem>>) offsets(%dma_start3A_50 : memref<32xi32, #tpu.memory_space<vmem>>) semaphore(%dma_start3A_55 : memref<!tpu.dma_semaphore, #tpu.memory_space<semaphore_mem>>)
    %dma_start3A_56 = arith.constant 1 : i32
    %dma_start3A_57 = arith.constant 32 : i32
    %dma_start3A_58 = arith.constant 0 : i32
    %dma_start3A_59 = tpu.memref_slice %arg12[%dma_start3A_57, %dma_start3A_58] : memref<64x768xf32, #tpu.memory_space<vmem>> -> memref<32x768xf32, #tpu.memory_space<vmem>>
    %dma_start3A_60 = arith.constant 32 : i32
    %dma_start3A_61 = tpu.memref_slice %arg8[%dma_start3A_60] : memref<64xi32, #tpu.memory_space<vmem>> -> memref<32xi32, #tpu.memory_space<vmem>>
    %dma_start3A_62 = arith.constant 0 : i32
    %dma_start3A_63 = arith.constant 0 : i32
    %dma_start3A_64 = tpu.memref_slice %arg2[%dma_start3A_62, %dma_start3A_63] : memref<5888x768xf32, #tpu.memory_space<hbm>> -> memref<5888x768xf32, #tpu.memory_space<hbm>>
    %dma_start3A_65 = tpu.memref_slice %arg14[%dma_start3A_56] : memref<2x!tpu.dma_semaphore, #tpu.memory_space<semaphore_mem>> -> memref<1x!tpu.dma_semaphore, #tpu.memory_space<semaphore_mem>>
    %dma_start3A_66 = tpu.memref_squeeze %dma_start3A_65 : memref<1x!tpu.dma_semaphore, #tpu.memory_space<semaphore_mem>> -> memref<!tpu.dma_semaphore, #tpu.memory_space<semaphore_mem>>
    tpu.enqueue_indirect_dma source(%dma_start3A_64 : memref<5888x768xf32, #tpu.memory_space<hbm>>) target(%dma_start3A_59 : memref<32x768xf32, #tpu.memory_space<vmem>>) offsets(%dma_start3A_61 : memref<32xi32, #tpu.memory_space<vmem>>) semaphore(%dma_start3A_66 : memref<!tpu.dma_semaphore, #tpu.memory_space<semaphore_mem>>)
    %dma_start3A_67 = arith.constant 1 : i32
    %dma_start3A_68 = arith.constant 32 : i32
    %dma_start3A_69 = arith.constant 0 : i32
    %dma_start3A_70 = tpu.memref_slice %arg13[%dma_start3A_68, %dma_start3A_69] : memref<64x768xf32, #tpu.memory_space<vmem>> -> memref<32x768xf32, #tpu.memory_space<vmem>>
    %dma_start3A_71 = arith.constant 32 : i32
    %dma_start3A_72 = tpu.memref_slice %arg9[%dma_start3A_71] : memref<64xi32, #tpu.memory_space<vmem>> -> memref<32xi32, #tpu.memory_space<vmem>>
    %dma_start3A_73 = arith.constant 0 : i32
    %dma_start3A_74 = arith.constant 0 : i32
    %dma_start3A_75 = tpu.memref_slice %arg2[%dma_start3A_73, %dma_start3A_74] : memref<5888x768xf32, #tpu.memory_space<hbm>> -> memref<5888x768xf32, #tpu.memory_space<hbm>>
    %dma_start3A_76 = tpu.memref_slice %arg14[%dma_start3A_67] : memref<2x!tpu.dma_semaphore, #tpu.memory_space<semaphore_mem>> -> memref<1x!tpu.dma_semaphore, #tpu.memory_space<semaphore_mem>>
    %dma_start3A_77 = tpu.memref_squeeze %dma_start3A_76 : memref<1x!tpu.dma_semaphore, #tpu.memory_space<semaphore_mem>> -> memref<!tpu.dma_semaphore, #tpu.memory_space<semaphore_mem>>
    tpu.enqueue_indirect_dma source(%dma_start3A_75 : memref<5888x768xf32, #tpu.memory_space<hbm>>) target(%dma_start3A_70 : memref<32x768xf32, #tpu.memory_space<vmem>>) offsets(%dma_start3A_72 : memref<32xi32, #tpu.memory_space<vmem>>) semaphore(%dma_start3A_77 : memref<!tpu.dma_semaphore, #tpu.memory_space<semaphore_mem>>)
    %dma_wait3A = arith.constant 0 : i32
    %dma_wait3A_78 = arith.constant 0 : i32
    %dma_wait3A_79 = arith.constant 0 : i32
    %dma_wait3A_80 = tpu.memref_slice %arg12[%dma_wait3A_78, %dma_wait3A_79] : memref<64x768xf32, #tpu.memory_space<vmem>> -> memref<32x768xf32, #tpu.memory_space<vmem>>
    %dma_wait3A_81 = arith.constant 0 : i32
    %dma_wait3A_82 = tpu.memref_slice %arg8[%dma_wait3A_81] : memref<64xi32, #tpu.memory_space<vmem>> -> memref<32xi32, #tpu.memory_space<vmem>>
    %dma_wait3A_83 = arith.constant 0 : i32
    %dma_wait3A_84 = arith.constant 0 : i32
    %dma_wait3A_85 = tpu.memref_slice %arg2[%dma_wait3A_83, %dma_wait3A_84] : memref<5888x768xf32, #tpu.memory_space<hbm>> -> memref<5888x768xf32, #tpu.memory_space<hbm>>
    %dma_wait3A_86 = tpu.memref_slice %arg14[%dma_wait3A] : memref<2x!tpu.dma_semaphore, #tpu.memory_space<semaphore_mem>> -> memref<1x!tpu.dma_semaphore, #tpu.memory_space<semaphore_mem>>
    %dma_wait3A_87 = tpu.memref_squeeze %dma_wait3A_86 : memref<1x!tpu.dma_semaphore, #tpu.memory_space<semaphore_mem>> -> memref<!tpu.dma_semaphore, #tpu.memory_space<semaphore_mem>>
    tpu.wait_indirect_dma semaphore(%dma_wait3A_87 : memref<!tpu.dma_semaphore, #tpu.memory_space<semaphore_mem>>) src(%dma_wait3A_85 : memref<5888x768xf32, #tpu.memory_space<hbm>>) dst(%dma_wait3A_80 : memref<32x768xf32, #tpu.memory_space<vmem>>)
    %dma_wait3A_88 = arith.constant 0 : i32
    %dma_wait3A_89 = arith.constant 0 : i32
    %dma_wait3A_90 = arith.constant 0 : i32
    %dma_wait3A_91 = tpu.memref_slice %arg13[%dma_wait3A_89, %dma_wait3A_90] : memref<64x768xf32, #tpu.memory_space<vmem>> -> memref<32x768xf32, #tpu.memory_space<vmem>>
    %dma_wait3A_92 = arith.constant 0 : i32
    %dma_wait3A_93 = tpu.memref_slice %arg9[%dma_wait3A_92] : memref<64xi32, #tpu.memory_space<vmem>> -> memref<32xi32, #tpu.memory_space<vmem>>
    %dma_wait3A_94 = arith.constant 0 : i32
    %dma_wait3A_95 = arith.constant 0 : i32
    %dma_wait3A_96 = tpu.memref_slice %arg2[%dma_wait3A_94, %dma_wait3A_95] : memref<5888x768xf32, #tpu.memory_space<hbm>> -> memref<5888x768xf32, #tpu.memory_space<hbm>>
    %dma_wait3A_97 = tpu.memref_slice %arg14[%dma_wait3A_88] : memref<2x!tpu.dma_semaphore, #tpu.memory_space<semaphore_mem>> -> memref<1x!tpu.dma_semaphore, #tpu.memory_space<semaphore_mem>>
    %dma_wait3A_98 = tpu.memref_squeeze %dma_wait3A_97 : memref<1x!tpu.dma_semaphore, #tpu.memory_space<semaphore_mem>> -> memref<!tpu.dma_semaphore, #tpu.memory_space<semaphore_mem>>
    tpu.wait_indirect_dma semaphore(%dma_wait3A_98 : memref<!tpu.dma_semaphore, #tpu.memory_space<semaphore_mem>>) src(%dma_wait3A_96 : memref<5888x768xf32, #tpu.memory_space<hbm>>) dst(%dma_wait3A_91 : memref<32x768xf32, #tpu.memory_space<vmem>>)
    %scan3A = arith.constant 0 : i32
    %scan3A_99 = arith.constant 0 : i32
    %scan3A_100 = arith.constant 32 : i32
    %scan3A_101 = arith.addi %scan3A_99, %scan3A_100 : i32
    %scan3A_102 = arith.constant 1 : i32
    scf.for %scan3A_160 = %scan3A_99 to %scan3A_101 step %scan3A_102  : i32 {
      %get3A = arith.index_cast %scan3A_160 : i32 to index
      %get3A_161 = arith.constant 0 : index
      %get3A_162 = tpu.vector_load %arg10[%get3A, %get3A_161] {strides = array<i32>} : memref<64x16xf32, #tpu.memory_space<vmem>>, vector<16xf32>,
      %get3A_163 = arith.index_cast %scan3A_160 : i32 to index
      %get3A_164 = arith.constant 0 : index
      %get3A_165 = tpu.vector_load %arg11[%get3A_163, %get3A_164] {strides = array<i32>} : memref<64x16xf32, #tpu.memory_space<vmem>>, vector<16xf32>,
      %get3A_166 = arith.index_cast %scan3A_160 : i32 to index
      %get3A_167 = arith.constant 0 : index
      %get3A_168 = tpu.vector_load %arg12[%get3A_166, %get3A_167] {strides = array<i32>} : memref<64x768xf32, #tpu.memory_space<vmem>>, vector<16xf32>,
      %mul3A_169 = arith.mulf %get3A_162, %get3A_168 : vector<16xf32>
      %get3A_170 = arith.index_cast %scan3A_160 : i32 to index
      %get3A_171 = arith.constant 0 : index
      %get3A_172 = tpu.vector_load %arg13[%get3A_170, %get3A_171] {strides = array<i32>} : memref<64x768xf32, #tpu.memory_space<vmem>>, vector<16xf32>,
      %mul3A_173 = arith.mulf %get3A_165, %get3A_172 : vector<16xf32>
      %add3A_174 = arith.addf %mul3A_169, %mul3A_173 : vector<16xf32>
      %swap3A = arith.index_cast %scan3A_160 : i32 to index
      %swap3A_175 = arith.constant 0 : index
      %swap3A_176 = tpu.vector_load %arg12[%swap3A, %swap3A_175] {strides = array<i32>} : memref<64x768xf32, #tpu.memory_space<vmem>>, vector<16xf32>,
      tpu.vector_store %arg12[%swap3A, %swap3A_175], %add3A_174 {strides = array<i32>} : memref<64x768xf32, #tpu.memory_space<vmem>>, vector<16xf32>,
      %get3A_177 = arith.index_cast %scan3A_160 : i32 to index
      %get3A_178 = arith.constant 16 : index
      %get3A_179 = tpu.vector_load %arg12[%get3A_177, %get3A_178] {strides = array<i32>} : memref<64x768xf32, #tpu.memory_space<vmem>>, vector<16xf32>,
      %mul3A_180 = arith.mulf %get3A_162, %get3A_179 : vector<16xf32>
      %get3A_181 = arith.index_cast %scan3A_160 : i32 to index
      %get3A_182 = arith.constant 16 : index
      %get3A_183 = tpu.vector_load %arg13[%get3A_181, %get3A_182] {strides = array<i32>} : memref<64x768xf32, #tpu.memory_space<vmem>>, vector<16xf32>,
      %mul3A_184 = arith.mulf %get3A_165, %get3A_183 : vector<16xf32>
      %add3A_185 = arith.addf %mul3A_180, %mul3A_184 : vector<16xf32>
      %swap3A_186 = arith.index_cast %scan3A_160 : i32 to index
      %swap3A_187 = arith.constant 16 : index
      %swap3A_188 = tpu.vector_load %arg12[%swap3A_186, %swap3A_187] {strides = array<i32>} : memref<64x768xf32, #tpu.memory_space<vmem>>, vector<16xf32>,
      tpu.vector_store %arg12[%swap3A_186, %swap3A_187], %add3A_185 {strides = array<i32>} : memref<64x768xf32, #tpu.memory_space<vmem>>, vector<16xf32>,
      %get3A_189 = arith.index_cast %scan3A_160 : i32 to index
      %get3A_190 = arith.constant 32 : index
      %get3A_191 = tpu.vector_load %arg12[%get3A_189, %get3A_190] {strides = array<i32>} : memref<64x768xf32, #tpu.memory_space<vmem>>, vector<16xf32>,
      %mul3A_192 = arith.mulf %get3A_162, %get3A_191 : vector<16xf32>
      %get3A_193 = arith.index_cast %scan3A_160 : i32 to index
      %get3A_194 = arith.constant 32 : index
      %get3A_195 = tpu.vector_load %arg13[%get3A_193, %get3A_194] {strides = array<i32>} : memref<64x768xf32, #tpu.memory_space<vmem>>, vector<16xf32>,
      %mul3A_196 = arith.mulf %get3A_165, %get3A_195 : vector<16xf32>
      %add3A_197 = arith.addf %mul3A_192, %mul3A_196 : vector<16xf32>
      %swap3A_198 = arith.index_cast %scan3A_160 : i32 to index
      %swap3A_199 = arith.constant 32 : index
      %swap3A_200 = tpu.vector_load %arg12[%swap3A_198, %swap3A_199] {strides = array<i32>} : memref<64x768xf32, #tpu.memory_space<vmem>>, vector<16xf32>,
      tpu.vector_store %arg12[%swap3A_198, %swap3A_199], %add3A_197 {strides = array<i32>} : memref<64x768xf32, #tpu.memory_space<vmem>>, vector<16xf32>,
      %get3A_201 = arith.index_cast %scan3A_160 : i32 to index
      %get3A_202 = arith.constant 48 : index
      %get3A_203 = tpu.vector_load %arg12[%get3A_201, %get3A_202] {strides = array<i32>} : memref<64x768xf32, #tpu.memory_space<vmem>>, vector<16xf32>,
      %mul3A_204 = arith.mulf %get3A_162, %get3A_203 : vector<16xf32>
      %get3A_205 = arith.index_cast %scan3A_160 : i32 to index
      %get3A_206 = arith.constant 48 : index
      %get3A_207 = tpu.vector_load %arg13[%get3A_205, %get3A_206] {strides = array<i32>} : memref<64x768xf32, #tpu.memory_space<vmem>>, vector<16xf32>,
      %mul3A_208 = arith.mulf %get3A_165, %get3A_207 : vector<16xf32>
      %add3A_209 = arith.addf %mul3A_204, %mul3A_208 : vector<16xf32>
      %swap3A_210 = arith.index_cast %scan3A_160 : i32 to index
      %swap3A_211 = arith.constant 48 : index
      %swap3A_212 = tpu.vector_load %arg12[%swap3A_210, %swap3A_211] {strides = array<i32>} : memref<64x768xf32, #tpu.memory_space<vmem>>, vector<16xf32>,
      tpu.vector_store %arg12[%swap3A_210, %swap3A_211], %add3A_209 {strides = array<i32>} : memref<64x768xf32, #tpu.memory_space<vmem>>, vector<16xf32>,
      %get3A_213 = arith.index_cast %scan3A_160 : i32 to index
      %get3A_214 = arith.constant 64 : index
      %get3A_215 = tpu.vector_load %arg12[%get3A_213, %get3A_214] {strides = array<i32>} : memref<64x768xf32, #tpu.memory_space<vmem>>, vector<16xf32>,
      %mul3A_216 = arith.mulf %get3A_162, %get3A_215 : vector<16xf32>
      %get3A_217 = arith.index_cast %scan3A_160 : i32 to index
      %get3A_218 = arith.constant 64 : index
      %get3A_219 = tpu.vector_load %arg13[%get3A_217, %get3A_218] {strides = array<i32>} : memref<64x768xf32, #tpu.memory_space<vmem>>, vector<16xf32>,
      %mul3A_220 = arith.mulf %get3A_165, %get3A_219 : vector<16xf32>
      %add3A_221 = arith.addf %mul3A_216, %mul3A_220 : vector<16xf32>
      %swap3A_222 = arith.index_cast %scan3A_160 : i32 to index
      %swap3A_223 = arith.constant 64 : index
      %swap3A_224 = tpu.vector_load %arg12[%swap3A_222, %swap3A_223] {strides = array<i32>} : memref<64x768xf32, #tpu.memory_space<vmem>>, vector<16xf32>,
      tpu.vector_store %arg12[%swap3A_222, %swap3A_223], %add3A_221 {strides = array<i32>} : memref<64x768xf32, #tpu.memory_space<vmem>>, vector<16xf32>,
      %get3A_225 = arith.index_cast %scan3A_160 : i32 to index
      %get3A_226 = arith.constant 80 : index
      %get3A_227 = tpu.vector_load %arg12[%get3A_225, %get3A_226] {strides = array<i32>} : memref<64x768xf32, #tpu.memory_space<vmem>>, vector<16xf32>,
      %mul3A_228 = arith.mulf %get3A_162, %get3A_227 : vector<16xf32>
      %get3A_229 = arith.index_cast %scan3A_160 : i32 to index
      %get3A_230 = arith.constant 80 : index
      %get3A_231 = tpu.vector_load %arg13[%get3A_229, %get3A_230] {strides = array<i32>} : memref<64x768xf32, #tpu.memory_space<vmem>>, vector<16xf32>,
      %mul3A_232 = arith.mulf %get3A_165, %get3A_231 : vector<16xf32>
      %add3A_233 = arith.addf %mul3A_228, %mul3A_232 : vector<16xf32>
      %swap3A_234 = arith.index_cast %scan3A_160 : i32 to index
      %swap3A_235 = arith.constant 80 : index
      %swap3A_236 = tpu.vector_load %arg12[%swap3A_234, %swap3A_235] {strides = array<i32>} : memref<64x768xf32, #tpu.memory_space<vmem>>, vector<16xf32>,
      tpu.vector_store %arg12[%swap3A_234, %swap3A_235], %add3A_233 {strides = array<i32>} : memref<64x768xf32, #tpu.memory_space<vmem>>, vector<16xf32>,
      %get3A_237 = arith.index_cast %scan3A_160 : i32 to index
      %get3A_238 = arith.constant 96 : index
      %get3A_239 = tpu.vector_load %arg12[%get3A_237, %get3A_238] {strides = array<i32>} : memref<64x768xf32, #tpu.memory_space<vmem>>, vector<16xf32>,
      %mul3A_240 = arith.mulf %get3A_162, %get3A_239 : vector<16xf32>
      %get3A_241 = arith.index_cast %scan3A_160 : i32 to index
      %get3A_242 = arith.constant 96 : index
      %get3A_243 = tpu.vector_load %arg13[%get3A_241, %get3A_242] {strides = array<i32>} : memref<64x768xf32, #tpu.memory_space<vmem>>, vector<16xf32>,
      %mul3A_244 = arith.mulf %get3A_165, %get3A_243 : vector<16xf32>
      %add3A_245 = arith.addf %mul3A_240, %mul3A_244 : vector<16xf32>
      %swap3A_246 = arith.index_cast %scan3A_160 : i32 to index
      %swap3A_247 = arith.constant 96 : index
      %swap3A_248 = tpu.vector_load %arg12[%swap3A_246, %swap3A_247] {strides = array<i32>} : memref<64x768xf32, #tpu.memory_space<vmem>>, vector<16xf32>,
      tpu.vector_store %arg12[%swap3A_246, %swap3A_247], %add3A_245 {strides = array<i32>} : memref<64x768xf32, #tpu.memory_space<vmem>>, vector<16xf32>,
      %get3A_249 = arith.index_cast %scan3A_160 : i32 to index
      %get3A_250 = arith.constant 112 : index
      %get3A_251 = tpu.vector_load %arg12[%get3A_249, %get3A_250] {strides = array<i32>} : memref<64x768xf32, #tpu.memory_space<vmem>>, vector<16xf32>,
      %mul3A_252 = arith.mulf %get3A_162, %get3A_251 : vector<16xf32>
      %get3A_253 = arith.index_cast %scan3A_160 : i32 to index
      %get3A_254 = arith.constant 112 : index
      %get3A_255 = tpu.vector_load %arg13[%get3A_253, %get3A_254] {strides = array<i32>} : memref<64x768xf32, #tpu.memory_space<vmem>>, vector<16xf32>,
      %mul3A_256 = arith.mulf %get3A_165, %get3A_255 : vector<16xf32>
      %add3A_257 = arith.addf %mul3A_252, %mul3A_256 : vector<16xf32>
      %swap3A_258 = arith.index_cast %scan3A_160 : i32 to index
      %swap3A_259 = arith.constant 112 : index
      %swap3A_260 = tpu.vector_load %arg12[%swap3A_258, %swap3A_259] {strides = array<i32>} : memref<64x768xf32, #tpu.memory_space<vmem>>, vector<16xf32>,
      tpu.vector_store %arg12[%swap3A_258, %swap3A_259], %add3A_257 {strides = array<i32>} : memref<64x768xf32, #tpu.memory_space<vmem>>, vector<16xf32>,
      %get3A_261 = arith.index_cast %scan3A_160 : i32 to index
      %get3A_262 = arith.constant 128 : index
      %get3A_263 = tpu.vector_load %arg12[%get3A_261, %get3A_262] {strides = array<i32>} : memref<64x768xf32, #tpu.memory_space<vmem>>, vector<16xf32>,
      %mul3A_264 = arith.mulf %get3A_162, %get3A_263 : vector<16xf32>
      %get3A_265 = arith.index_cast %scan3A_160 : i32 to index
      %get3A_266 = arith.constant 128 : index
      %get3A_267 = tpu.vector_load %arg13[%get3A_265, %get3A_266] {strides = array<i32>} : memref<64x768xf32, #tpu.memory_space<vmem>>, vector<16xf32>,
      %mul3A_268 = arith.mulf %get3A_165, %get3A_267 : vector<16xf32>
      %add3A_269 = arith.addf %mul3A_264, %mul3A_268 : vector<16xf32>
      %swap3A_270 = arith.index_cast %scan3A_160 : i32 to index
      %swap3A_271 = arith.constant 128 : index
      %swap3A_272 = tpu.vector_load %arg12[%swap3A_270, %swap3A_271] {strides = array<i32>} : memref<64x768xf32, #tpu.memory_space<vmem>>, vector<16xf32>,
      tpu.vector_store %arg12[%swap3A_270, %swap3A_271], %add3A_269 {strides = array<i32>} : memref<64x768xf32, #tpu.memory_space<vmem>>, vector<16xf32>,
      %get3A_273 = arith.index_cast %scan3A_160 : i32 to index
      %get3A_274 = arith.constant 144 : index
      %get3A_275 = tpu.vector_load %arg12[%get3A_273, %get3A_274] {strides = array<i32>} : memref<64x768xf32, #tpu.memory_space<vmem>>, vector<16xf32>,
      %mul3A_276 = arith.mulf %get3A_162, %get3A_275 : vector<16xf32>
      %get3A_277 = arith.index_cast %scan3A_160 : i32 to index
      %get3A_278 = arith.constant 144 : index
      %get3A_279 = tpu.vector_load %arg13[%get3A_277, %get3A_278] {strides = array<i32>} : memref<64x768xf32, #tpu.memory_space<vmem>>, vector<16xf32>,
      %mul3A_280 = arith.mulf %get3A_165, %get3A_279 : vector<16xf32>
      %add3A_281 = arith.addf %mul3A_276, %mul3A_280 : vector<16xf32>
      %swap3A_282 = arith.index_cast %scan3A_160 : i32 to index
      %swap3A_283 = arith.constant 144 : index
      %swap3A_284 = tpu.vector_load %arg12[%swap3A_282, %swap3A_283] {strides = array<i32>} : memref<64x768xf32, #tpu.memory_space<vmem>>, vector<16xf32>,
      tpu.vector_store %arg12[%swap3A_282, %swap3A_283], %add3A_281 {strides = array<i32>} : memref<64x768xf32, #tpu.memory_space<vmem>>, vector<16xf32>,
      %get3A_285 = arith.index_cast %scan3A_160 : i32 to index
      %get3A_286 = arith.constant 160 : index
      %get3A_287 = tpu.vector_load %arg12[%get3A_285, %get3A_286] {strides = array<i32>} : memref<64x768xf32, #tpu.memory_space<vmem>>, vector<16xf32>,
      %mul3A_288 = arith.mulf %get3A_162, %get3A_287 : vector<16xf32>
      %get3A_289 = arith.index_cast %scan3A_160 : i32 to index
      %get3A_290 = arith.constant 160 : index
      %get3A_291 = tpu.vector_load %arg13[%get3A_289, %get3A_290] {strides = array<i32>} : memref<64x768xf32, #tpu.memory_space<vmem>>, vector<16xf32>,
      %mul3A_292 = arith.mulf %get3A_165, %get3A_291 : vector<16xf32>
      %add3A_293 = arith.addf %mul3A_288, %mul3A_292 : vector<16xf32>
      %swap3A_294 = arith.index_cast %scan3A_160 : i32 to index
      %swap3A_295 = arith.constant 160 : index
      %swap3A_296 = tpu.vector_load %arg12[%swap3A_294, %swap3A_295] {strides = array<i32>} : memref<64x768xf32, #tpu.memory_space<vmem>>, vector<16xf32>,
      tpu.vector_store %arg12[%swap3A_294, %swap3A_295], %add3A_293 {strides = array<i32>} : memref<64x768xf32, #tpu.memory_space<vmem>>, vector<16xf32>,
      %get3A_297 = arith.index_cast %scan3A_160 : i32 to index
      %get3A_298 = arith.constant 176 : index
      %get3A_299 = tpu.vector_load %arg12[%get3A_297, %get3A_298] {strides = array<i32>} : memref<64x768xf32, #tpu.memory_space<vmem>>, vector<16xf32>,
      %mul3A_300 = arith.mulf %get3A_162, %get3A_299 : vector<16xf32>
      %get3A_301 = arith.index_cast %scan3A_160 : i32 to index
      %get3A_302 = arith.constant 176 : index
      %get3A_303 = tpu.vector_load %arg13[%get3A_301, %get3A_302] {strides = array<i32>} : memref<64x768xf32, #tpu.memory_space<vmem>>, vector<16xf32>,
      %mul3A_304 = arith.mulf %get3A_165, %get3A_303 : vector<16xf32>
      %add3A_305 = arith.addf %mul3A_300, %mul3A_304 : vector<16xf32>
      %swap3A_306 = arith.index_cast %scan3A_160 : i32 to index
      %swap3A_307 = arith.constant 176 : index
      %swap3A_308 = tpu.vector_load %arg12[%swap3A_306, %swap3A_307] {strides = array<i32>} : memref<64x768xf32, #tpu.memory_space<vmem>>, vector<16xf32>,
      tpu.vector_store %arg12[%swap3A_306, %swap3A_307], %add3A_305 {strides = array<i32>} : memref<64x768xf32, #tpu.memory_space<vmem>>, vector<16xf32>,
      %get3A_309 = arith.index_cast %scan3A_160 : i32 to index
      %get3A_310 = arith.constant 192 : index
      %get3A_311 = tpu.vector_load %arg12[%get3A_309, %get3A_310] {strides = array<i32>} : memref<64x768xf32, #tpu.memory_space<vmem>>, vector<16xf32>,
      %mul3A_312 = arith.mulf %get3A_162, %get3A_311 : vector<16xf32>
      %get3A_313 = arith.index_cast %scan3A_160 : i32 to index
      %get3A_314 = arith.constant 192 : index
      %get3A_315 = tpu.vector_load %arg13[%get3A_313, %get3A_314] {strides = array<i32>} : memref<64x768xf32, #tpu.memory_space<vmem>>, vector<16xf32>,
      %mul3A_316 = arith.mulf %get3A_165, %get3A_315 : vector<16xf32>
      %add3A_317 = arith.addf %mul3A_312, %mul3A_316 : vector<16xf32>
      %swap3A_318 = arith.index_cast %scan3A_160 : i32 to index
      %swap3A_319 = arith.constant 192 : index
      %swap3A_320 = tpu.vector_load %arg12[%swap3A_318, %swap3A_319] {strides = array<i32>} : memref<64x768xf32, #tpu.memory_space<vmem>>, vector<16xf32>,
      tpu.vector_store %arg12[%swap3A_318, %swap3A_319], %add3A_317 {strides = array<i32>} : memref<64x768xf32, #tpu.memory_space<vmem>>, vector<16xf32>,
      %get3A_321 = arith.index_cast %scan3A_160 : i32 to index
      %get3A_322 = arith.constant 208 : index
      %get3A_323 = tpu.vector_load %arg12[%get3A_321, %get3A_322] {strides = array<i32>} : memref<64x768xf32, #tpu.memory_space<vmem>>, vector<16xf32>,
      %mul3A_324 = arith.mulf %get3A_162, %get3A_323 : vector<16xf32>
      %get3A_325 = arith.index_cast %scan3A_160 : i32 to index
      %get3A_326 = arith.constant 208 : index
      %get3A_327 = tpu.vector_load %arg13[%get3A_325, %get3A_326] {strides = array<i32>} : memref<64x768xf32, #tpu.memory_space<vmem>>, vector<16xf32>,
      %mul3A_328 = arith.mulf %get3A_165, %get3A_327 : vector<16xf32>
      %add3A_329 = arith.addf %mul3A_324, %mul3A_328 : vector<16xf32>
      %swap3A_330 = arith.index_cast %scan3A_160 : i32 to index
      %swap3A_331 = arith.constant 208 : index
      %swap3A_332 = tpu.vector_load %arg12[%swap3A_330, %swap3A_331] {strides = array<i32>} : memref<64x768xf32, #tpu.memory_space<vmem>>, vector<16xf32>,
      tpu.vector_store %arg12[%swap3A_330, %swap3A_331], %add3A_329 {strides = array<i32>} : memref<64x768xf32, #tpu.memory_space<vmem>>, vector<16xf32>,
      %get3A_333 = arith.index_cast %scan3A_160 : i32 to index
      %get3A_334 = arith.constant 224 : index
      %get3A_335 = tpu.vector_load %arg12[%get3A_333, %get3A_334] {strides = array<i32>} : memref<64x768xf32, #tpu.memory_space<vmem>>, vector<16xf32>,
      %mul3A_336 = arith.mulf %get3A_162, %get3A_335 : vector<16xf32>
      %get3A_337 = arith.index_cast %scan3A_160 : i32 to index
      %get3A_338 = arith.constant 224 : index
      %get3A_339 = tpu.vector_load %arg13[%get3A_337, %get3A_338] {strides = array<i32>} : memref<64x768xf32, #tpu.memory_space<vmem>>, vector<16xf32>,
      %mul3A_340 = arith.mulf %get3A_165, %get3A_339 : vector<16xf32>
      %add3A_341 = arith.addf %mul3A_336, %mul3A_340 : vector<16xf32>
      %swap3A_342 = arith.index_cast %scan3A_160 : i32 to index
      %swap3A_343 = arith.constant 224 : index
      %swap3A_344 = tpu.vector_load %arg12[%swap3A_342, %swap3A_343] {strides = array<i32>} : memref<64x768xf32, #tpu.memory_space<vmem>>, vector<16xf32>,
      tpu.vector_store %arg12[%swap3A_342, %swap3A_343], %add3A_341 {strides = array<i32>} : memref<64x768xf32, #tpu.memory_space<vmem>>, vector<16xf32>,
      %get3A_345 = arith.index_cast %scan3A_160 : i32 to index
      %get3A_346 = arith.constant 240 : index
      %get3A_347 = tpu.vector_load %arg12[%get3A_345, %get3A_346] {strides = array<i32>} : memref<64x768xf32, #tpu.memory_space<vmem>>, vector<16xf32>,
      %mul3A_348 = arith.mulf %get3A_162, %get3A_347 : vector<16xf32>
      %get3A_349 = arith.index_cast %scan3A_160 : i32 to index
      %get3A_350 = arith.constant 240 : index
      %get3A_351 = tpu.vector_load %arg13[%get3A_349, %get3A_350] {strides = array<i32>} : memref<64x768xf32, #tpu.memory_space<vmem>>, vector<16xf32>,
      %mul3A_352 = arith.mulf %get3A_165, %get3A_351 : vector<16xf32>
      %add3A_353 = arith.addf %mul3A_348, %mul3A_352 : vector<16xf32>
      %swap3A_354 = arith.index_cast %scan3A_160 : i32 to index
      %swap3A_355 = arith.constant 240 : index
      %swap3A_356 = tpu.vector_load %arg12[%swap3A_354, %swap3A_355] {strides = array<i32>} : memref<64x768xf32, #tpu.memory_space<vmem>>, vector<16xf32>,
      tpu.vector_store %arg12[%swap3A_354, %swap3A_355], %add3A_353 {strides = array<i32>} : memref<64x768xf32, #tpu.memory_space<vmem>>, vector<16xf32>,
      %get3A_357 = arith.index_cast %scan3A_160 : i32 to index
      %get3A_358 = arith.constant 256 : index
      %get3A_359 = tpu.vector_load %arg12[%get3A_357, %get3A_358] {strides = array<i32>} : memref<64x768xf32, #tpu.memory_space<vmem>>, vector<16xf32>,
      %mul3A_360 = arith.mulf %get3A_162, %get3A_359 : vector<16xf32>
      %get3A_361 = arith.index_cast %scan3A_160 : i32 to index
      %get3A_362 = arith.constant 256 : index
      %get3A_363 = tpu.vector_load %arg13[%get3A_361, %get3A_362] {strides = array<i32>} : memref<64x768xf32, #tpu.memory_space<vmem>>, vector<16xf32>,
      %mul3A_364 = arith.mulf %get3A_165, %get3A_363 : vector<16xf32>
      %add3A_365 = arith.addf %mul3A_360, %mul3A_364 : vector<16xf32>
      %swap3A_366 = arith.index_cast %scan3A_160 : i32 to index
      %swap3A_367 = arith.constant 256 : index
      %swap3A_368 = tpu.vector_load %arg12[%swap3A_366, %swap3A_367] {strides = array<i32>} : memref<64x768xf32, #tpu.memory_space<vmem>>, vector<16xf32>,
      tpu.vector_store %arg12[%swap3A_366, %swap3A_367], %add3A_365 {strides = array<i32>} : memref<64x768xf32, #tpu.memory_space<vmem>>, vector<16xf32>,
      %get3A_369 = arith.index_cast %scan3A_160 : i32 to index
      %get3A_370 = arith.constant 272 : index
      %get3A_371 = tpu.vector_load %arg12[%get3A_369, %get3A_370] {strides = array<i32>} : memref<64x768xf32, #tpu.memory_space<vmem>>, vector<16xf32>,
      %mul3A_372 = arith.mulf %get3A_162, %get3A_371 : vector<16xf32>
      %get3A_373 = arith.index_cast %scan3A_160 : i32 to index
      %get3A_374 = arith.constant 272 : index
      %get3A_375 = tpu.vector_load %arg13[%get3A_373, %get3A_374] {strides = array<i32>} : memref<64x768xf32, #tpu.memory_space<vmem>>, vector<16xf32>,
      %mul3A_376 = arith.mulf %get3A_165, %get3A_375 : vector<16xf32>
      %add3A_377 = arith.addf %mul3A_372, %mul3A_376 : vector<16xf32>
      %swap3A_378 = arith.index_cast %scan3A_160 : i32 to index
      %swap3A_379 = arith.constant 272 : index
      %swap3A_380 = tpu.vector_load %arg12[%swap3A_378, %swap3A_379] {strides = array<i32>} : memref<64x768xf32, #tpu.memory_space<vmem>>, vector<16xf32>,
      tpu.vector_store %arg12[%swap3A_378, %swap3A_379], %add3A_377 {strides = array<i32>} : memref<64x768xf32, #tpu.memory_space<vmem>>, vector<16xf32>,
      %get3A_381 = arith.index_cast %scan3A_160 : i32 to index
      %get3A_382 = arith.constant 288 : index
      %get3A_383 = tpu.vector_load %arg12[%get3A_381, %get3A_382] {strides = array<i32>} : memref<64x768xf32, #tpu.memory_space<vmem>>, vector<16xf32>,
      %mul3A_384 = arith.mulf %get3A_162, %get3A_383 : vector<16xf32>
      %get3A_385 = arith.index_cast %scan3A_160 : i32 to index
      %get3A_386 = arith.constant 288 : index
      %get3A_387 = tpu.vector_load %arg13[%get3A_385, %get3A_386] {strides = array<i32>} : memref<64x768xf32, #tpu.memory_space<vmem>>, vector<16xf32>,
      %mul3A_388 = arith.mulf %get3A_165, %get3A_387 : vector<16xf32>
      %add3A_389 = arith.addf %mul3A_384, %mul3A_388 : vector<16xf32>
      %swap3A_390 = arith.index_cast %scan3A_160 : i32 to index
      %swap3A_391 = arith.constant 288 : index
      %swap3A_392 = tpu.vector_load %arg12[%swap3A_390, %swap3A_391] {strides = array<i32>} : memref<64x768xf32, #tpu.memory_space<vmem>>, vector<16xf32>,
      tpu.vector_store %arg12[%swap3A_390, %swap3A_391], %add3A_389 {strides = array<i32>} : memref<64x768xf32, #tpu.memory_space<vmem>>, vector<16xf32>,
      %get3A_393 = arith.index_cast %scan3A_160 : i32 to index
      %get3A_394 = arith.constant 304 : index
      %get3A_395 = tpu.vector_load %arg12[%get3A_393, %get3A_394] {strides = array<i32>} : memref<64x768xf32, #tpu.memory_space<vmem>>, vector<16xf32>,
      %mul3A_396 = arith.mulf %get3A_162, %get3A_395 : vector<16xf32>
      %get3A_397 = arith.index_cast %scan3A_160 : i32 to index
      %get3A_398 = arith.constant 304 : index
      %get3A_399 = tpu.vector_load %arg13[%get3A_397, %get3A_398] {strides = array<i32>} : memref<64x768xf32, #tpu.memory_space<vmem>>, vector<16xf32>,
      %mul3A_400 = arith.mulf %get3A_165, %get3A_399 : vector<16xf32>
      %add3A_401 = arith.addf %mul3A_396, %mul3A_400 : vector<16xf32>
      %swap3A_402 = arith.index_cast %scan3A_160 : i32 to index
      %swap3A_403 = arith.constant 304 : index
      %swap3A_404 = tpu.vector_load %arg12[%swap3A_402, %swap3A_403] {strides = array<i32>} : memref<64x768xf32, #tpu.memory_space<vmem>>, vector<16xf32>,
      tpu.vector_store %arg12[%swap3A_402, %swap3A_403], %add3A_401 {strides = array<i32>} : memref<64x768xf32, #tpu.memory_space<vmem>>, vector<16xf32>,
      %get3A_405 = arith.index_cast %scan3A_160 : i32 to index
      %get3A_406 = arith.constant 320 : index
      %get3A_407 = tpu.vector_load %arg12[%get3A_405, %get3A_406] {strides = array<i32>} : memref<64x768xf32, #tpu.memory_space<vmem>>, vector<16xf32>,
      %mul3A_408 = arith.mulf %get3A_162, %get3A_407 : vector<16xf32>
      %get3A_409 = arith.index_cast %scan3A_160 : i32 to index
      %get3A_410 = arith.constant 320 : index
      %get3A_411 = tpu.vector_load %arg13[%get3A_409, %get3A_410] {strides = array<i32>} : memref<64x768xf32, #tpu.memory_space<vmem>>, vector<16xf32>,
      %mul3A_412 = arith.mulf %get3A_165, %get3A_411 : vector<16xf32>
      %add3A_413 = arith.addf %mul3A_408, %mul3A_412 : vector<16xf32>
      %swap3A_414 = arith.index_cast %scan3A_160 : i32 to index
      %swap3A_415 = arith.constant 320 : index
      %swap3A_416 = tpu.vector_load %arg12[%swap3A_414, %swap3A_415] {strides = array<i32>} : memref<64x768xf32, #tpu.memory_space<vmem>>, vector<16xf32>,
      tpu.vector_store %arg12[%swap3A_414, %swap3A_415], %add3A_413 {strides = array<i32>} : memref<64x768xf32, #tpu.memory_space<vmem>>, vector<16xf32>,
      %get3A_417 = arith.index_cast %scan3A_160 : i32 to index
      %get3A_418 = arith.constant 336 : index
      %get3A_419 = tpu.vector_load %arg12[%get3A_417, %get3A_418] {strides = array<i32>} : memref<64x768xf32, #tpu.memory_space<vmem>>, vector<16xf32>,
      %mul3A_420 = arith.mulf %get3A_162, %get3A_419 : vector<16xf32>
      %get3A_421 = arith.index_cast %scan3A_160 : i32 to index
      %get3A_422 = arith.constant 336 : index
      %get3A_423 = tpu.vector_load %arg13[%get3A_421, %get3A_422] {strides = array<i32>} : memref<64x768xf32, #tpu.memory_space<vmem>>, vector<16xf32>,
      %mul3A_424 = arith.mulf %get3A_165, %get3A_423 : vector<16xf32>
      %add3A_425 = arith.addf %mul3A_420, %mul3A_424 : vector<16xf32>
      %swap3A_426 = arith.index_cast %scan3A_160 : i32 to index
      %swap3A_427 = arith.constant 336 : index
      %swap3A_428 = tpu.vector_load %arg12[%swap3A_426, %swap3A_427] {strides = array<i32>} : memref<64x768xf32, #tpu.memory_space<vmem>>, vector<16xf32>,
      tpu.vector_store %arg12[%swap3A_426, %swap3A_427], %add3A_425 {strides = array<i32>} : memref<64x768xf32, #tpu.memory_space<vmem>>, vector<16xf32>,
      %get3A_429 = arith.index_cast %scan3A_160 : i32 to index
      %get3A_430 = arith.constant 352 : index
      %get3A_431 = tpu.vector_load %arg12[%get3A_429, %get3A_430] {strides = array<i32>} : memref<64x768xf32, #tpu.memory_space<vmem>>, vector<16xf32>,
      %mul3A_432 = arith.mulf %get3A_162, %get3A_431 : vector<16xf32>
      %get3A_433 = arith.index_cast %scan3A_160 : i32 to index
      %get3A_434 = arith.constant 352 : index
      %get3A_435 = tpu.vector_load %arg13[%get3A_433, %get3A_434] {strides = array<i32>} : memref<64x768xf32, #tpu.memory_space<vmem>>, vector<16xf32>,
      %mul3A_436 = arith.mulf %get3A_165, %get3A_435 : vector<16xf32>
      %add3A_437 = arith.addf %mul3A_432, %mul3A_436 : vector<16xf32>
      %swap3A_438 = arith.index_cast %scan3A_160 : i32 to index
      %swap3A_439 = arith.constant 352 : index
      %swap3A_440 = tpu.vector_load %arg12[%swap3A_438, %swap3A_439] {strides = array<i32>} : memref<64x768xf32, #tpu.memory_space<vmem>>, vector<16xf32>,
      tpu.vector_store %arg12[%swap3A_438, %swap3A_439], %add3A_437 {strides = array<i32>} : memref<64x768xf32, #tpu.memory_space<vmem>>, vector<16xf32>,
      %get3A_441 = arith.index_cast %scan3A_160 : i32 to index
      %get3A_442 = arith.constant 368 : index
      %get3A_443 = tpu.vector_load %arg12[%get3A_441, %get3A_442] {strides = array<i32>} : memref<64x768xf32, #tpu.memory_space<vmem>>, vector<16xf32>,
      %mul3A_444 = arith.mulf %get3A_162, %get3A_443 : vector<16xf32>
      %get3A_445 = arith.index_cast %scan3A_160 : i32 to index
      %get3A_446 = arith.constant 368 : index
      %get3A_447 = tpu.vector_load %arg13[%get3A_445, %get3A_446] {strides = array<i32>} : memref<64x768xf32, #tpu.memory_space<vmem>>, vector<16xf32>,
      %mul3A_448 = arith.mulf %get3A_165, %get3A_447 : vector<16xf32>
      %add3A_449 = arith.addf %mul3A_444, %mul3A_448 : vector<16xf32>
      %swap3A_450 = arith.index_cast %scan3A_160 : i32 to index
      %swap3A_451 = arith.constant 368 : index
      %swap3A_452 = tpu.vector_load %arg12[%swap3A_450, %swap3A_451] {strides = array<i32>} : memref<64x768xf32, #tpu.memory_space<vmem>>, vector<16xf32>,
      tpu.vector_store %arg12[%swap3A_450, %swap3A_451], %add3A_449 {strides = array<i32>} : memref<64x768xf32, #tpu.memory_space<vmem>>, vector<16xf32>,
      %get3A_453 = arith.index_cast %scan3A_160 : i32 to index
      %get3A_454 = arith.constant 384 : index
      %get3A_455 = tpu.vector_load %arg12[%get3A_453, %get3A_454] {strides = array<i32>} : memref<64x768xf32, #tpu.memory_space<vmem>>, vector<16xf32>,
      %mul3A_456 = arith.mulf %get3A_162, %get3A_455 : vector<16xf32>
      %get3A_457 = arith.index_cast %scan3A_160 : i32 to index
      %get3A_458 = arith.constant 384 : index
      %get3A_459 = tpu.vector_load %arg13[%get3A_457, %get3A_458] {strides = array<i32>} : memref<64x768xf32, #tpu.memory_space<vmem>>, vector<16xf32>,
      %mul3A_460 = arith.mulf %get3A_165, %get3A_459 : vector<16xf32>
      %add3A_461 = arith.addf %mul3A_456, %mul3A_460 : vector<16xf32>
      %swap3A_462 = arith.index_cast %scan3A_160 : i32 to index
      %swap3A_463 = arith.constant 384 : index
      %swap3A_464 = tpu.vector_load %arg12[%swap3A_462, %swap3A_463] {strides = array<i32>} : memref<64x768xf32, #tpu.memory_space<vmem>>, vector<16xf32>,
      tpu.vector_store %arg12[%swap3A_462, %swap3A_463], %add3A_461 {strides = array<i32>} : memref<64x768xf32, #tpu.memory_space<vmem>>, vector<16xf32>,
      %get3A_465 = arith.index_cast %scan3A_160 : i32 to index
      %get3A_466 = arith.constant 400 : index
      %get3A_467 = tpu.vector_load %arg12[%get3A_465, %get3A_466] {strides = array<i32>} : memref<64x768xf32, #tpu.memory_space<vmem>>, vector<16xf32>,
      %mul3A_468 = arith.mulf %get3A_162, %get3A_467 : vector<16xf32>
      %get3A_469 = arith.index_cast %scan3A_160 : i32 to index
      %get3A_470 = arith.constant 400 : index
      %get3A_471 = tpu.vector_load %arg13[%get3A_469, %get3A_470] {strides = array<i32>} : memref<64x768xf32, #tpu.memory_space<vmem>>, vector<16xf32>,
      %mul3A_472 = arith.mulf %get3A_165, %get3A_471 : vector<16xf32>
      %add3A_473 = arith.addf %mul3A_468, %mul3A_472 : vector<16xf32>
      %swap3A_474 = arith.index_cast %scan3A_160 : i32 to index
      %swap3A_475 = arith.constant 400 : index
      %swap3A_476 = tpu.vector_load %arg12[%swap3A_474, %swap3A_475] {strides = array<i32>} : memref<64x768xf32, #tpu.memory_space<vmem>>, vector<16xf32>,
      tpu.vector_store %arg12[%swap3A_474, %swap3A_475], %add3A_473 {strides = array<i32>} : memref<64x768xf32, #tpu.memory_space<vmem>>, vector<16xf32>,
      %get3A_477 = arith.index_cast %scan3A_160 : i32 to index
      %get3A_478 = arith.constant 416 : index
      %get3A_479 = tpu.vector_load %arg12[%get3A_477, %get3A_478] {strides = array<i32>} : memref<64x768xf32, #tpu.memory_space<vmem>>, vector<16xf32>,
      %mul3A_480 = arith.mulf %get3A_162, %get3A_479 : vector<16xf32>
      %get3A_481 = arith.index_cast %scan3A_160 : i32 to index
      %get3A_482 = arith.constant 416 : index
      %get3A_483 = tpu.vector_load %arg13[%get3A_481, %get3A_482] {strides = array<i32>} : memref<64x768xf32, #tpu.memory_space<vmem>>, vector<16xf32>,
      %mul3A_484 = arith.mulf %get3A_165, %get3A_483 : vector<16xf32>
      %add3A_485 = arith.addf %mul3A_480, %mul3A_484 : vector<16xf32>
      %swap3A_486 = arith.index_cast %scan3A_160 : i32 to index
      %swap3A_487 = arith.constant 416 : index
      %swap3A_488 = tpu.vector_load %arg12[%swap3A_486, %swap3A_487] {strides = array<i32>} : memref<64x768xf32, #tpu.memory_space<vmem>>, vector<16xf32>,
      tpu.vector_store %arg12[%swap3A_486, %swap3A_487], %add3A_485 {strides = array<i32>} : memref<64x768xf32, #tpu.memory_space<vmem>>, vector<16xf32>,
      %get3A_489 = arith.index_cast %scan3A_160 : i32 to index
      %get3A_490 = arith.constant 432 : index
      %get3A_491 = tpu.vector_load %arg12[%get3A_489, %get3A_490] {strides = array<i32>} : memref<64x768xf32, #tpu.memory_space<vmem>>, vector<16xf32>,
      %mul3A_492 = arith.mulf %get3A_162, %get3A_491 : vector<16xf32>
      %get3A_493 = arith.index_cast %scan3A_160 : i32 to index
      %get3A_494 = arith.constant 432 : index
      %get3A_495 = tpu.vector_load %arg13[%get3A_493, %get3A_494] {strides = array<i32>} : memref<64x768xf32, #tpu.memory_space<vmem>>, vector<16xf32>,
      %mul3A_496 = arith.mulf %get3A_165, %get3A_495 : vector<16xf32>
      %add3A_497 = arith.addf %mul3A_492, %mul3A_496 : vector<16xf32>
      %swap3A_498 = arith.index_cast %scan3A_160 : i32 to index
      %swap3A_499 = arith.constant 432 : index
      %swap3A_500 = tpu.vector_load %arg12[%swap3A_498, %swap3A_499] {strides = array<i32>} : memref<64x768xf32, #tpu.memory_space<vmem>>, vector<16xf32>,
      tpu.vector_store %arg12[%swap3A_498, %swap3A_499], %add3A_497 {strides = array<i32>} : memref<64x768xf32, #tpu.memory_space<vmem>>, vector<16xf32>,
      %get3A_501 = arith.index_cast %scan3A_160 : i32 to index
      %get3A_502 = arith.constant 448 : index
      %get3A_503 = tpu.vector_load %arg12[%get3A_501, %get3A_502] {strides = array<i32>} : memref<64x768xf32, #tpu.memory_space<vmem>>, vector<16xf32>,
      %mul3A_504 = arith.mulf %get3A_162, %get3A_503 : vector<16xf32>
      %get3A_505 = arith.index_cast %scan3A_160 : i32 to index
      %get3A_506 = arith.constant 448 : index
      %get3A_507 = tpu.vector_load %arg13[%get3A_505, %get3A_506] {strides = array<i32>} : memref<64x768xf32, #tpu.memory_space<vmem>>, vector<16xf32>,
      %mul3A_508 = arith.mulf %get3A_165, %get3A_507 : vector<16xf32>
      %add3A_509 = arith.addf %mul3A_504, %mul3A_508 : vector<16xf32>
      %swap3A_510 = arith.index_cast %scan3A_160 : i32 to index
      %swap3A_511 = arith.constant 448 : index
      %swap3A_512 = tpu.vector_load %arg12[%swap3A_510, %swap3A_511] {strides = array<i32>} : memref<64x768xf32, #tpu.memory_space<vmem>>, vector<16xf32>,
      tpu.vector_store %arg12[%swap3A_510, %swap3A_511], %add3A_509 {strides = array<i32>} : memref<64x768xf32, #tpu.memory_space<vmem>>, vector<16xf32>,
      %get3A_513 = arith.index_cast %scan3A_160 : i32 to index
      %get3A_514 = arith.constant 464 : index
      %get3A_515 = tpu.vector_load %arg12[%get3A_513, %get3A_514] {strides = array<i32>} : memref<64x768xf32, #tpu.memory_space<vmem>>, vector<16xf32>,
      %mul3A_516 = arith.mulf %get3A_162, %get3A_515 : vector<16xf32>
      %get3A_517 = arith.index_cast %scan3A_160 : i32 to index
      %get3A_518 = arith.constant 464 : index
      %get3A_519 = tpu.vector_load %arg13[%get3A_517, %get3A_518] {strides = array<i32>} : memref<64x768xf32, #tpu.memory_space<vmem>>, vector<16xf32>,
      %mul3A_520 = arith.mulf %get3A_165, %get3A_519 : vector<16xf32>
      %add3A_521 = arith.addf %mul3A_516, %mul3A_520 : vector<16xf32>
      %swap3A_522 = arith.index_cast %scan3A_160 : i32 to index
      %swap3A_523 = arith.constant 464 : index
      %swap3A_524 = tpu.vector_load %arg12[%swap3A_522, %swap3A_523] {strides = array<i32>} : memref<64x768xf32, #tpu.memory_space<vmem>>, vector<16xf32>,
      tpu.vector_store %arg12[%swap3A_522, %swap3A_523], %add3A_521 {strides = array<i32>} : memref<64x768xf32, #tpu.memory_space<vmem>>, vector<16xf32>,
      %get3A_525 = arith.index_cast %scan3A_160 : i32 to index
      %get3A_526 = arith.constant 480 : index
      %get3A_527 = tpu.vector_load %arg12[%get3A_525, %get3A_526] {strides = array<i32>} : memref<64x768xf32, #tpu.memory_space<vmem>>, vector<16xf32>,
      %mul3A_528 = arith.mulf %get3A_162, %get3A_527 : vector<16xf32>
      %get3A_529 = arith.index_cast %scan3A_160 : i32 to index
      %get3A_530 = arith.constant 480 : index
      %get3A_531 = tpu.vector_load %arg13[%get3A_529, %get3A_530] {strides = array<i32>} : memref<64x768xf32, #tpu.memory_space<vmem>>, vector<16xf32>,
      %mul3A_532 = arith.mulf %get3A_165, %get3A_531 : vector<16xf32>
      %add3A_533 = arith.addf %mul3A_528, %mul3A_532 : vector<16xf32>
      %swap3A_534 = arith.index_cast %scan3A_160 : i32 to index
      %swap3A_535 = arith.constant 480 : index
      %swap3A_536 = tpu.vector_load %arg12[%swap3A_534, %swap3A_535] {strides = array<i32>} : memref<64x768xf32, #tpu.memory_space<vmem>>, vector<16xf32>,
      tpu.vector_store %arg12[%swap3A_534, %swap3A_535], %add3A_533 {strides = array<i32>} : memref<64x768xf32, #tpu.memory_space<vmem>>, vector<16xf32>,
      %get3A_537 = arith.index_cast %scan3A_160 : i32 to index
      %get3A_538 = arith.constant 496 : index
      %get3A_539 = tpu.vector_load %arg12[%get3A_537, %get3A_538] {strides = array<i32>} : memref<64x768xf32, #tpu.memory_space<vmem>>, vector<16xf32>,
      %mul3A_540 = arith.mulf %get3A_162, %get3A_539 : vector<16xf32>
      %get3A_541 = arith.index_cast %scan3A_160 : i32 to index
      %get3A_542 = arith.constant 496 : index
      %get3A_543 = tpu.vector_load %arg13[%get3A_541, %get3A_542] {strides = array<i32>} : memref<64x768xf32, #tpu.memory_space<vmem>>, vector<16xf32>,
      %mul3A_544 = arith.mulf %get3A_165, %get3A_543 : vector<16xf32>
      %add3A_545 = arith.addf %mul3A_540, %mul3A_544 : vector<16xf32>
      %swap3A_546 = arith.index_cast %scan3A_160 : i32 to index
      %swap3A_547 = arith.constant 496 : index
      %swap3A_548 = tpu.vector_load %arg12[%swap3A_546, %swap3A_547] {strides = array<i32>} : memref<64x768xf32, #tpu.memory_space<vmem>>, vector<16xf32>,
      tpu.vector_store %arg12[%swap3A_546, %swap3A_547], %add3A_545 {strides = array<i32>} : memref<64x768xf32, #tpu.memory_space<vmem>>, vector<16xf32>,
      %get3A_549 = arith.index_cast %scan3A_160 : i32 to index
      %get3A_550 = arith.constant 512 : index
      %get3A_551 = tpu.vector_load %arg12[%get3A_549, %get3A_550] {strides = array<i32>} : memref<64x768xf32, #tpu.memory_space<vmem>>, vector<16xf32>,
      %mul3A_552 = arith.mulf %get3A_162, %get3A_551 : vector<16xf32>
      %get3A_553 = arith.index_cast %scan3A_160 : i32 to index
      %get3A_554 = arith.constant 512 : index
      %get3A_555 = tpu.vector_load %arg13[%get3A_553, %get3A_554] {strides = array<i32>} : memref<64x768xf32, #tpu.memory_space<vmem>>, vector<16xf32>,
      %mul3A_556 = arith.mulf %get3A_165, %get3A_555 : vector<16xf32>
      %add3A_557 = arith.addf %mul3A_552, %mul3A_556 : vector<16xf32>
      %swap3A_558 = arith.index_cast %scan3A_160 : i32 to index
      %swap3A_559 = arith.constant 512 : index
      %swap3A_560 = tpu.vector_load %arg12[%swap3A_558, %swap3A_559] {strides = array<i32>} : memref<64x768xf32, #tpu.memory_space<vmem>>, vector<16xf32>,
      tpu.vector_store %arg12[%swap3A_558, %swap3A_559], %add3A_557 {strides = array<i32>} : memref<64x768xf32, #tpu.memory_space<vmem>>, vector<16xf32>,
      %get3A_561 = arith.index_cast %scan3A_160 : i32 to index
      %get3A_562 = arith.constant 528 : index
      %get3A_563 = tpu.vector_load %arg12[%get3A_561, %get3A_562] {strides = array<i32>} : memref<64x768xf32, #tpu.memory_space<vmem>>, vector<16xf32>,
      %mul3A_564 = arith.mulf %get3A_162, %get3A_563 : vector<16xf32>
      %get3A_565 = arith.index_cast %scan3A_160 : i32 to index
      %get3A_566 = arith.constant 528 : index
      %get3A_567 = tpu.vector_load %arg13[%get3A_565, %get3A_566] {strides = array<i32>} : memref<64x768xf32, #tpu.memory_space<vmem>>, vector<16xf32>,
      %mul3A_568 = arith.mulf %get3A_165, %get3A_567 : vector<16xf32>
      %add3A_569 = arith.addf %mul3A_564, %mul3A_568 : vector<16xf32>
      %swap3A_570 = arith.index_cast %scan3A_160 : i32 to index
      %swap3A_571 = arith.constant 528 : index
      %swap3A_572 = tpu.vector_load %arg12[%swap3A_570, %swap3A_571] {strides = array<i32>} : memref<64x768xf32, #tpu.memory_space<vmem>>, vector<16xf32>,
      tpu.vector_store %arg12[%swap3A_570, %swap3A_571], %add3A_569 {strides = array<i32>} : memref<64x768xf32, #tpu.memory_space<vmem>>, vector<16xf32>,
      %get3A_573 = arith.index_cast %scan3A_160 : i32 to index
      %get3A_574 = arith.constant 544 : index
      %get3A_575 = tpu.vector_load %arg12[%get3A_573, %get3A_574] {strides = array<i32>} : memref<64x768xf32, #tpu.memory_space<vmem>>, vector<16xf32>,
      %mul3A_576 = arith.mulf %get3A_162, %get3A_575 : vector<16xf32>
      %get3A_577 = arith.index_cast %scan3A_160 : i32 to index
      %get3A_578 = arith.constant 544 : index
      %get3A_579 = tpu.vector_load %arg13[%get3A_577, %get3A_578] {strides = array<i32>} : memref<64x768xf32, #tpu.memory_space<vmem>>, vector<16xf32>,
      %mul3A_580 = arith.mulf %get3A_165, %get3A_579 : vector<16xf32>
      %add3A_581 = arith.addf %mul3A_576, %mul3A_580 : vector<16xf32>
      %swap3A_582 = arith.index_cast %scan3A_160 : i32 to index
      %swap3A_583 = arith.constant 544 : index
      %swap3A_584 = tpu.vector_load %arg12[%swap3A_582, %swap3A_583] {strides = array<i32>} : memref<64x768xf32, #tpu.memory_space<vmem>>, vector<16xf32>,
      tpu.vector_store %arg12[%swap3A_582, %swap3A_583], %add3A_581 {strides = array<i32>} : memref<64x768xf32, #tpu.memory_space<vmem>>, vector<16xf32>,
      %get3A_585 = arith.index_cast %scan3A_160 : i32 to index
      %get3A_586 = arith.constant 560 : index
      %get3A_587 = tpu.vector_load %arg12[%get3A_585, %get3A_586] {strides = array<i32>} : memref<64x768xf32, #tpu.memory_space<vmem>>, vector<16xf32>,
      %mul3A_588 = arith.mulf %get3A_162, %get3A_587 : vector<16xf32>
      %get3A_589 = arith.index_cast %scan3A_160 : i32 to index
      %get3A_590 = arith.constant 560 : index
      %get3A_591 = tpu.vector_load %arg13[%get3A_589, %get3A_590] {strides = array<i32>} : memref<64x768xf32, #tpu.memory_space<vmem>>, vector<16xf32>,
      %mul3A_592 = arith.mulf %get3A_165, %get3A_591 : vector<16xf32>
      %add3A_593 = arith.addf %mul3A_588, %mul3A_592 : vector<16xf32>
      %swap3A_594 = arith.index_cast %scan3A_160 : i32 to index
      %swap3A_595 = arith.constant 560 : index
      %swap3A_596 = tpu.vector_load %arg12[%swap3A_594, %swap3A_595] {strides = array<i32>} : memref<64x768xf32, #tpu.memory_space<vmem>>, vector<16xf32>,
      tpu.vector_store %arg12[%swap3A_594, %swap3A_595], %add3A_593 {strides = array<i32>} : memref<64x768xf32, #tpu.memory_space<vmem>>, vector<16xf32>,
      %get3A_597 = arith.index_cast %scan3A_160 : i32 to index
      %get3A_598 = arith.constant 576 : index
      %get3A_599 = tpu.vector_load %arg12[%get3A_597, %get3A_598] {strides = array<i32>} : memref<64x768xf32, #tpu.memory_space<vmem>>, vector<16xf32>,
      %mul3A_600 = arith.mulf %get3A_162, %get3A_599 : vector<16xf32>
      %get3A_601 = arith.index_cast %scan3A_160 : i32 to index
      %get3A_602 = arith.constant 576 : index
      %get3A_603 = tpu.vector_load %arg13[%get3A_601, %get3A_602] {strides = array<i32>} : memref<64x768xf32, #tpu.memory_space<vmem>>, vector<16xf32>,
      %mul3A_604 = arith.mulf %get3A_165, %get3A_603 : vector<16xf32>
      %add3A_605 = arith.addf %mul3A_600, %mul3A_604 : vector<16xf32>
      %swap3A_606 = arith.index_cast %scan3A_160 : i32 to index
      %swap3A_607 = arith.constant 576 : index
      %swap3A_608 = tpu.vector_load %arg12[%swap3A_606, %swap3A_607] {strides = array<i32>} : memref<64x768xf32, #tpu.memory_space<vmem>>, vector<16xf32>,
      tpu.vector_store %arg12[%swap3A_606, %swap3A_607], %add3A_605 {strides = array<i32>} : memref<64x768xf32, #tpu.memory_space<vmem>>, vector<16xf32>,
      %get3A_609 = arith.index_cast %scan3A_160 : i32 to index
      %get3A_610 = arith.constant 592 : index
      %get3A_611 = tpu.vector_load %arg12[%get3A_609, %get3A_610] {strides = array<i32>} : memref<64x768xf32, #tpu.memory_space<vmem>>, vector<16xf32>,
      %mul3A_612 = arith.mulf %get3A_162, %get3A_611 : vector<16xf32>
      %get3A_613 = arith.index_cast %scan3A_160 : i32 to index
      %get3A_614 = arith.constant 592 : index
      %get3A_615 = tpu.vector_load %arg13[%get3A_613, %get3A_614] {strides = array<i32>} : memref<64x768xf32, #tpu.memory_space<vmem>>, vector<16xf32>,
      %mul3A_616 = arith.mulf %get3A_165, %get3A_615 : vector<16xf32>
      %add3A_617 = arith.addf %mul3A_612, %mul3A_616 : vector<16xf32>
      %swap3A_618 = arith.index_cast %scan3A_160 : i32 to index
      %swap3A_619 = arith.constant 592 : index
      %swap3A_620 = tpu.vector_load %arg12[%swap3A_618, %swap3A_619] {strides = array<i32>} : memref<64x768xf32, #tpu.memory_space<vmem>>, vector<16xf32>,
      tpu.vector_store %arg12[%swap3A_618, %swap3A_619], %add3A_617 {strides = array<i32>} : memref<64x768xf32, #tpu.memory_space<vmem>>, vector<16xf32>,
      %get3A_621 = arith.index_cast %scan3A_160 : i32 to index
      %get3A_622 = arith.constant 608 : index
      %get3A_623 = tpu.vector_load %arg12[%get3A_621, %get3A_622] {strides = array<i32>} : memref<64x768xf32, #tpu.memory_space<vmem>>, vector<16xf32>,
      %mul3A_624 = arith.mulf %get3A_162, %get3A_623 : vector<16xf32>
      %get3A_625 = arith.index_cast %scan3A_160 : i32 to index
      %get3A_626 = arith.constant 608 : index
      %get3A_627 = tpu.vector_load %arg13[%get3A_625, %get3A_626] {strides = array<i32>} : memref<64x768xf32, #tpu.memory_space<vmem>>, vector<16xf32>,
      %mul3A_628 = arith.mulf %get3A_165, %get3A_627 : vector<16xf32>
      %add3A_629 = arith.addf %mul3A_624, %mul3A_628 : vector<16xf32>
      %swap3A_630 = arith.index_cast %scan3A_160 : i32 to index
      %swap3A_631 = arith.constant 608 : index
      %swap3A_632 = tpu.vector_load %arg12[%swap3A_630, %swap3A_631] {strides = array<i32>} : memref<64x768xf32, #tpu.memory_space<vmem>>, vector<16xf32>,
      tpu.vector_store %arg12[%swap3A_630, %swap3A_631], %add3A_629 {strides = array<i32>} : memref<64x768xf32, #tpu.memory_space<vmem>>, vector<16xf32>,
      %get3A_633 = arith.index_cast %scan3A_160 : i32 to index
      %get3A_634 = arith.constant 624 : index
      %get3A_635 = tpu.vector_load %arg12[%get3A_633, %get3A_634] {strides = array<i32>} : memref<64x768xf32, #tpu.memory_space<vmem>>, vector<16xf32>,
      %mul3A_636 = arith.mulf %get3A_162, %get3A_635 : vector<16xf32>
      %get3A_637 = arith.index_cast %scan3A_160 : i32 to index
      %get3A_638 = arith.constant 624 : index
      %get3A_639 = tpu.vector_load %arg13[%get3A_637, %get3A_638] {strides = array<i32>} : memref<64x768xf32, #tpu.memory_space<vmem>>, vector<16xf32>,
      %mul3A_640 = arith.mulf %get3A_165, %get3A_639 : vector<16xf32>
      %add3A_641 = arith.addf %mul3A_636, %mul3A_640 : vector<16xf32>
      %swap3A_642 = arith.index_cast %scan3A_160 : i32 to index
      %swap3A_643 = arith.constant 624 : index
      %swap3A_644 = tpu.vector_load %arg12[%swap3A_642, %swap3A_643] {strides = array<i32>} : memref<64x768xf32, #tpu.memory_space<vmem>>, vector<16xf32>,
      tpu.vector_store %arg12[%swap3A_642, %swap3A_643], %add3A_641 {strides = array<i32>} : memref<64x768xf32, #tpu.memory_space<vmem>>, vector<16xf32>,
      %get3A_645 = arith.index_cast %scan3A_160 : i32 to index
      %get3A_646 = arith.constant 640 : index
      %get3A_647 = tpu.vector_load %arg12[%get3A_645, %get3A_646] {strides = array<i32>} : memref<64x768xf32, #tpu.memory_space<vmem>>, vector<16xf32>,
      %mul3A_648 = arith.mulf %get3A_162, %get3A_647 : vector<16xf32>
      %get3A_649 = arith.index_cast %scan3A_160 : i32 to index
      %get3A_650 = arith.constant 640 : index
      %get3A_651 = tpu.vector_load %arg13[%get3A_649, %get3A_650] {strides = array<i32>} : memref<64x768xf32, #tpu.memory_space<vmem>>, vector<16xf32>,
      %mul3A_652 = arith.mulf %get3A_165, %get3A_651 : vector<16xf32>
      %add3A_653 = arith.addf %mul3A_648, %mul3A_652 : vector<16xf32>
      %swap3A_654 = arith.index_cast %scan3A_160 : i32 to index
      %swap3A_655 = arith.constant 640 : index
      %swap3A_656 = tpu.vector_load %arg12[%swap3A_654, %swap3A_655] {strides = array<i32>} : memref<64x768xf32, #tpu.memory_space<vmem>>, vector<16xf32>,
      tpu.vector_store %arg12[%swap3A_654, %swap3A_655], %add3A_653 {strides = array<i32>} : memref<64x768xf32, #tpu.memory_space<vmem>>, vector<16xf32>,
      %get3A_657 = arith.index_cast %scan3A_160 : i32 to index
      %get3A_658 = arith.constant 656 : index
      %get3A_659 = tpu.vector_load %arg12[%get3A_657, %get3A_658] {strides = array<i32>} : memref<64x768xf32, #tpu.memory_space<vmem>>, vector<16xf32>,
      %mul3A_660 = arith.mulf %get3A_162, %get3A_659 : vector<16xf32>
      %get3A_661 = arith.index_cast %scan3A_160 : i32 to index
      %get3A_662 = arith.constant 656 : index
      %get3A_663 = tpu.vector_load %arg13[%get3A_661, %get3A_662] {strides = array<i32>} : memref<64x768xf32, #tpu.memory_space<vmem>>, vector<16xf32>,
      %mul3A_664 = arith.mulf %get3A_165, %get3A_663 : vector<16xf32>
      %add3A_665 = arith.addf %mul3A_660, %mul3A_664 : vector<16xf32>
      %swap3A_666 = arith.index_cast %scan3A_160 : i32 to index
      %swap3A_667 = arith.constant 656 : index
      %swap3A_668 = tpu.vector_load %arg12[%swap3A_666, %swap3A_667] {strides = array<i32>} : memref<64x768xf32, #tpu.memory_space<vmem>>, vector<16xf32>,
      tpu.vector_store %arg12[%swap3A_666, %swap3A_667], %add3A_665 {strides = array<i32>} : memref<64x768xf32, #tpu.memory_space<vmem>>, vector<16xf32>,
      %get3A_669 = arith.index_cast %scan3A_160 : i32 to index
      %get3A_670 = arith.constant 672 : index
      %get3A_671 = tpu.vector_load %arg12[%get3A_669, %get3A_670] {strides = array<i32>} : memref<64x768xf32, #tpu.memory_space<vmem>>, vector<16xf32>,
      %mul3A_672 = arith.mulf %get3A_162, %get3A_671 : vector<16xf32>
      %get3A_673 = arith.index_cast %scan3A_160 : i32 to index
      %get3A_674 = arith.constant 672 : index
      %get3A_675 = tpu.vector_load %arg13[%get3A_673, %get3A_674] {strides = array<i32>} : memref<64x768xf32, #tpu.memory_space<vmem>>, vector<16xf32>,
      %mul3A_676 = arith.mulf %get3A_165, %get3A_675 : vector<16xf32>
      %add3A_677 = arith.addf %mul3A_672, %mul3A_676 : vector<16xf32>
      %swap3A_678 = arith.index_cast %scan3A_160 : i32 to index
      %swap3A_679 = arith.constant 672 : index
      %swap3A_680 = tpu.vector_load %arg12[%swap3A_678, %swap3A_679] {strides = array<i32>} : memref<64x768xf32, #tpu.memory_space<vmem>>, vector<16xf32>,
      tpu.vector_store %arg12[%swap3A_678, %swap3A_679], %add3A_677 {strides = array<i32>} : memref<64x768xf32, #tpu.memory_space<vmem>>, vector<16xf32>,
      %get3A_681 = arith.index_cast %scan3A_160 : i32 to index
      %get3A_682 = arith.constant 688 : index
      %get3A_683 = tpu.vector_load %arg12[%get3A_681, %get3A_682] {strides = array<i32>} : memref<64x768xf32, #tpu.memory_space<vmem>>, vector<16xf32>,
      %mul3A_684 = arith.mulf %get3A_162, %get3A_683 : vector<16xf32>
      %get3A_685 = arith.index_cast %scan3A_160 : i32 to index
      %get3A_686 = arith.constant 688 : index
      %get3A_687 = tpu.vector_load %arg13[%get3A_685, %get3A_686] {strides = array<i32>} : memref<64x768xf32, #tpu.memory_space<vmem>>, vector<16xf32>,
      %mul3A_688 = arith.mulf %get3A_165, %get3A_687 : vector<16xf32>
      %add3A_689 = arith.addf %mul3A_684, %mul3A_688 : vector<16xf32>
      %swap3A_690 = arith.index_cast %scan3A_160 : i32 to index
      %swap3A_691 = arith.constant 688 : index
      %swap3A_692 = tpu.vector_load %arg12[%swap3A_690, %swap3A_691] {strides = array<i32>} : memref<64x768xf32, #tpu.memory_space<vmem>>, vector<16xf32>,
      tpu.vector_store %arg12[%swap3A_690, %swap3A_691], %add3A_689 {strides = array<i32>} : memref<64x768xf32, #tpu.memory_space<vmem>>, vector<16xf32>,
      %get3A_693 = arith.index_cast %scan3A_160 : i32 to index
      %get3A_694 = arith.constant 704 : index
      %get3A_695 = tpu.vector_load %arg12[%get3A_693, %get3A_694] {strides = array<i32>} : memref<64x768xf32, #tpu.memory_space<vmem>>, vector<16xf32>,
      %mul3A_696 = arith.mulf %get3A_162, %get3A_695 : vector<16xf32>
      %get3A_697 = arith.index_cast %scan3A_160 : i32 to index
      %get3A_698 = arith.constant 704 : index
      %get3A_699 = tpu.vector_load %arg13[%get3A_697, %get3A_698] {strides = array<i32>} : memref<64x768xf32, #tpu.memory_space<vmem>>, vector<16xf32>,
      %mul3A_700 = arith.mulf %get3A_165, %get3A_699 : vector<16xf32>
      %add3A_701 = arith.addf %mul3A_696, %mul3A_700 : vector<16xf32>
      %swap3A_702 = arith.index_cast %scan3A_160 : i32 to index
      %swap3A_703 = arith.constant 704 : index
      %swap3A_704 = tpu.vector_load %arg12[%swap3A_702, %swap3A_703] {strides = array<i32>} : memref<64x768xf32, #tpu.memory_space<vmem>>, vector<16xf32>,
      tpu.vector_store %arg12[%swap3A_702, %swap3A_703], %add3A_701 {strides = array<i32>} : memref<64x768xf32, #tpu.memory_space<vmem>>, vector<16xf32>,
      %get3A_705 = arith.index_cast %scan3A_160 : i32 to index
      %get3A_706 = arith.constant 720 : index
      %get3A_707 = tpu.vector_load %arg12[%get3A_705, %get3A_706] {strides = array<i32>} : memref<64x768xf32, #tpu.memory_space<vmem>>, vector<16xf32>,
      %mul3A_708 = arith.mulf %get3A_162, %get3A_707 : vector<16xf32>
      %get3A_709 = arith.index_cast %scan3A_160 : i32 to index
      %get3A_710 = arith.constant 720 : index
      %get3A_711 = tpu.vector_load %arg13[%get3A_709, %get3A_710] {strides = array<i32>} : memref<64x768xf32, #tpu.memory_space<vmem>>, vector<16xf32>,
      %mul3A_712 = arith.mulf %get3A_165, %get3A_711 : vector<16xf32>
      %add3A_713 = arith.addf %mul3A_708, %mul3A_712 : vector<16xf32>
      %swap3A_714 = arith.index_cast %scan3A_160 : i32 to index
      %swap3A_715 = arith.constant 720 : index
      %swap3A_716 = tpu.vector_load %arg12[%swap3A_714, %swap3A_715] {strides = array<i32>} : memref<64x768xf32, #tpu.memory_space<vmem>>, vector<16xf32>,
      tpu.vector_store %arg12[%swap3A_714, %swap3A_715], %add3A_713 {strides = array<i32>} : memref<64x768xf32, #tpu.memory_space<vmem>>, vector<16xf32>,
      %get3A_717 = arith.index_cast %scan3A_160 : i32 to index
      %get3A_718 = arith.constant 736 : index
      %get3A_719 = tpu.vector_load %arg12[%get3A_717, %get3A_718] {strides = array<i32>} : memref<64x768xf32, #tpu.memory_space<vmem>>, vector<16xf32>,
      %mul3A_720 = arith.mulf %get3A_162, %get3A_719 : vector<16xf32>
      %get3A_721 = arith.index_cast %scan3A_160 : i32 to index
      %get3A_722 = arith.constant 736 : index
      %get3A_723 = tpu.vector_load %arg13[%get3A_721, %get3A_722] {strides = array<i32>} : memref<64x768xf32, #tpu.memory_space<vmem>>, vector<16xf32>,
      %mul3A_724 = arith.mulf %get3A_165, %get3A_723 : vector<16xf32>
      %add3A_725 = arith.addf %mul3A_720, %mul3A_724 : vector<16xf32>
      %swap3A_726 = arith.index_cast %scan3A_160 : i32 to index
      %swap3A_727 = arith.constant 736 : index
      %swap3A_728 = tpu.vector_load %arg12[%swap3A_726, %swap3A_727] {strides = array<i32>} : memref<64x768xf32, #tpu.memory_space<vmem>>, vector<16xf32>,
      tpu.vector_store %arg12[%swap3A_726, %swap3A_727], %add3A_725 {strides = array<i32>} : memref<64x768xf32, #tpu.memory_space<vmem>>, vector<16xf32>,
      %get3A_729 = arith.index_cast %scan3A_160 : i32 to index
      %get3A_730 = arith.constant 752 : index
      %get3A_731 = tpu.vector_load %arg12[%get3A_729, %get3A_730] {strides = array<i32>} : memref<64x768xf32, #tpu.memory_space<vmem>>, vector<16xf32>,
      %mul3A_732 = arith.mulf %get3A_162, %get3A_731 : vector<16xf32>
      %get3A_733 = arith.index_cast %scan3A_160 : i32 to index
      %get3A_734 = arith.constant 752 : index
      %get3A_735 = tpu.vector_load %arg13[%get3A_733, %get3A_734] {strides = array<i32>} : memref<64x768xf32, #tpu.memory_space<vmem>>, vector<16xf32>,
      %mul3A_736 = arith.mulf %get3A_165, %get3A_735 : vector<16xf32>
      %add3A_737 = arith.addf %mul3A_732, %mul3A_736 : vector<16xf32>
      %swap3A_738 = arith.index_cast %scan3A_160 : i32 to index
      %swap3A_739 = arith.constant 752 : index
      %swap3A_740 = tpu.vector_load %arg12[%swap3A_738, %swap3A_739] {strides = array<i32>} : memref<64x768xf32, #tpu.memory_space<vmem>>, vector<16xf32>,
      tpu.vector_store %arg12[%swap3A_738, %swap3A_739], %add3A_737 {strides = array<i32>} : memref<64x768xf32, #tpu.memory_space<vmem>>, vector<16xf32>,
    }
    %scan3A_103 = arith.constant 32 : i32
    %dma_start3A_104 = arith.constant 0 : i32
    %dma_start3A_105 = arith.constant 0 : i32
    %dma_start3A_106 = arith.constant 0 : i32
    %dma_start3A_107 = tpu.memref_slice %arg12[%dma_start3A_105, %dma_start3A_106] : memref<64x768xf32, #tpu.memory_space<vmem>> -> memref<32x768xf32, #tpu.memory_space<vmem>>
    %dma_start3A_108 = arith.constant 0 : i32
    %dma_start3A_109 = tpu.memref_slice %arg7[%mul3A_2, %dma_start3A_108] : memref<2048x768xf32, #tpu.memory_space<hbm>> -> memref<32x768xf32, #tpu.memory_space<hbm>>
    %dma_start3A_110 = tpu.memref_slice %arg14[%dma_start3A_104] : memref<2x!tpu.dma_semaphore, #tpu.memory_space<semaphore_mem>> -> memref<1x!tpu.dma_semaphore, #tpu.memory_space<semaphore_mem>>
    %dma_start3A_111 = tpu.memref_squeeze %dma_start3A_110 : memref<1x!tpu.dma_semaphore, #tpu.memory_space<semaphore_mem>> -> memref<!tpu.dma_semaphore, #tpu.memory_space<semaphore_mem>>
    %dma_start3A_112 = arith.constant 0 : i32
    %dma_start3A_113 = tpu.memref_slice %arg7[%mul3A_2, %dma_start3A_112] : memref<2048x768xf32, #tpu.memory_space<hbm>> -> memref<32x768xf32, #tpu.memory_space<hbm>>
    %dma_start3A_114 = arith.constant 0 : i32
    %dma_start3A_115 = arith.constant 0 : i32
    %dma_start3A_116 = tpu.memref_slice %arg12[%dma_start3A_114, %dma_start3A_115] : memref<64x768xf32, #tpu.memory_space<vmem>> -> memref<32x768xf32, #tpu.memory_space<vmem>>
    tpu.enqueue_dma source(%dma_start3A_116 : memref<32x768xf32, #tpu.memory_space<vmem>>) target(%dma_start3A_113 : memref<32x768xf32, #tpu.memory_space<hbm>>) target_semaphore(%dma_start3A_111 : memref<!tpu.dma_semaphore, #tpu.memory_space<semaphore_mem>>)
    %dma_wait3A_117 = arith.constant 1 : i32
    %dma_wait3A_118 = arith.constant 32 : i32
    %dma_wait3A_119 = arith.constant 0 : i32
    %dma_wait3A_120 = tpu.memref_slice %arg12[%dma_wait3A_118, %dma_wait3A_119] : memref<64x768xf32, #tpu.memory_space<vmem>> -> memref<32x768xf32, #tpu.memory_space<vmem>>
    %dma_wait3A_121 = arith.constant 32 : i32
    %dma_wait3A_122 = tpu.memref_slice %arg8[%dma_wait3A_121] : memref<64xi32, #tpu.memory_space<vmem>> -> memref<32xi32, #tpu.memory_space<vmem>>
    %dma_wait3A_123 = arith.constant 0 : i32
    %dma_wait3A_124 = arith.constant 0 : i32
    %dma_wait3A_125 = tpu.memref_slice %arg2[%dma_wait3A_123, %dma_wait3A_124] : memref<5888x768xf32, #tpu.memory_space<hbm>> -> memref<5888x768xf32, #tpu.memory_space<hbm>>
    %dma_wait3A_126 = tpu.memref_slice %arg14[%dma_wait3A_117] : memref<2x!tpu.dma_semaphore, #tpu.memory_space<semaphore_mem>> -> memref<1x!tpu.dma_semaphore, #tpu.memory_space<semaphore_mem>>
    %dma_wait3A_127 = tpu.memref_squeeze %dma_wait3A_126 : memref<1x!tpu.dma_semaphore, #tpu.memory_space<semaphore_mem>> -> memref<!tpu.dma_semaphore, #tpu.memory_space<semaphore_mem>>
    tpu.wait_indirect_dma semaphore(%dma_wait3A_127 : memref<!tpu.dma_semaphore, #tpu.memory_space<semaphore_mem>>) src(%dma_wait3A_125 : memref<5888x768xf32, #tpu.memory_space<hbm>>) dst(%dma_wait3A_120 : memref<32x768xf32, #tpu.memory_space<vmem>>)
    %dma_wait3A_128 = arith.constant 1 : i32
    %dma_wait3A_129 = arith.constant 32 : i32
    %dma_wait3A_130 = arith.constant 0 : i32
    %dma_wait3A_131 = tpu.memref_slice %arg13[%dma_wait3A_129, %dma_wait3A_130] : memref<64x768xf32, #tpu.memory_space<vmem>> -> memref<32x768xf32, #tpu.memory_space<vmem>>
    %dma_wait3A_132 = arith.constant 32 : i32
    %dma_wait3A_133 = tpu.memref_slice %arg9[%dma_wait3A_132] : memref<64xi32, #tpu.memory_space<vmem>> -> memref<32xi32, #tpu.memory_space<vmem>>
    %dma_wait3A_134 = arith.constant 0 : i32
    %dma_wait3A_135 = arith.constant 0 : i32
    %dma_wait3A_136 = tpu.memref_slice %arg2[%dma_wait3A_134, %dma_wait3A_135] : memref<5888x768xf32, #tpu.memory_space<hbm>> -> memref<5888x768xf32, #tpu.memory_space<hbm>>
    %dma_wait3A_137 = tpu.memref_slice %arg14[%dma_wait3A_128] : memref<2x!tpu.dma_semaphore, #tpu.memory_space<semaphore_mem>> -> memref<1x!tpu.dma_semaphore, #tpu.memory_space<semaphore_mem>>
    %dma_wait3A_138 = tpu.memref_squeeze %dma_wait3A_137 : memref<1x!tpu.dma_semaphore, #tpu.memory_space<semaphore_mem>> -> memref<!tpu.dma_semaphore, #tpu.memory_space<semaphore_mem>>
    tpu.wait_indirect_dma semaphore(%dma_wait3A_138 : memref<!tpu.dma_semaphore, #tpu.memory_space<semaphore_mem>>) src(%dma_wait3A_136 : memref<5888x768xf32, #tpu.memory_space<hbm>>) dst(%dma_wait3A_131 : memref<32x768xf32, #tpu.memory_space<vmem>>)
    %scan3A_139 = arith.constant 0 : i32
    %scan3A_140 = arith.constant 32 : i32
    %scan3A_141 = arith.constant 32 : i32
    %scan3A_142 = arith.addi %scan3A_140, %scan3A_141 : i32
    %scan3A_143 = arith.constant 1 : i32
    scf.for %scan3A_160 = %scan3A_140 to %scan3A_142 step %scan3A_143  : i32 {
      %get3A = arith.index_cast %scan3A_160 : i32 to index
      %get3A_161 = arith.constant 0 : index
      %get3A_162 = tpu.vector_load %arg10[%get3A, %get3A_161] {strides = array<i32>} : memref<64x16xf32, #tpu.memory_space<vmem>>, vector<16xf32>,
      %get3A_163 = arith.index_cast %scan3A_160 : i32 to index
      %get3A_164 = arith.constant 0 : index
      %get3A_165 = tpu.vector_load %arg11[%get3A_163, %get3A_164] {strides = array<i32>} : memref<64x16xf32, #tpu.memory_space<vmem>>, vector<16xf32>,
      %get3A_166 = arith.index_cast %scan3A_160 : i32 to index
      %get3A_167 = arith.constant 0 : index
      %get3A_168 = tpu.vector_load %arg12[%get3A_166, %get3A_167] {strides = array<i32>} : memref<64x768xf32, #tpu.memory_space<vmem>>, vector<16xf32>,
      %mul3A_169 = arith.mulf %get3A_162, %get3A_168 : vector<16xf32>
      %get3A_170 = arith.index_cast %scan3A_160 : i32 to index
      %get3A_171 = arith.constant 0 : index
      %get3A_172 = tpu.vector_load %arg13[%get3A_170, %get3A_171] {strides = array<i32>} : memref<64x768xf32, #tpu.memory_space<vmem>>, vector<16xf32>,
      %mul3A_173 = arith.mulf %get3A_165, %get3A_172 : vector<16xf32>
      %add3A_174 = arith.addf %mul3A_169, %mul3A_173 : vector<16xf32>
      %swap3A = arith.index_cast %scan3A_160 : i32 to index
      %swap3A_175 = arith.constant 0 : index
      %swap3A_176 = tpu.vector_load %arg12[%swap3A, %swap3A_175] {strides = array<i32>} : memref<64x768xf32, #tpu.memory_space<vmem>>, vector<16xf32>,
      tpu.vector_store %arg12[%swap3A, %swap3A_175], %add3A_174 {strides = array<i32>} : memref<64x768xf32, #tpu.memory_space<vmem>>, vector<16xf32>,
      %get3A_177 = arith.index_cast %scan3A_160 : i32 to index
      %get3A_178 = arith.constant 16 : index
      %get3A_179 = tpu.vector_load %arg12[%get3A_177, %get3A_178] {strides = array<i32>} : memref<64x768xf32, #tpu.memory_space<vmem>>, vector<16xf32>,
      %mul3A_180 = arith.mulf %get3A_162, %get3A_179 : vector<16xf32>
      %get3A_181 = arith.index_cast %scan3A_160 : i32 to index
      %get3A_182 = arith.constant 16 : index
      %get3A_183 = tpu.vector_load %arg13[%get3A_181, %get3A_182] {strides = array<i32>} : memref<64x768xf32, #tpu.memory_space<vmem>>, vector<16xf32>,
      %mul3A_184 = arith.mulf %get3A_165, %get3A_183 : vector<16xf32>
      %add3A_185 = arith.addf %mul3A_180, %mul3A_184 : vector<16xf32>
      %swap3A_186 = arith.index_cast %scan3A_160 : i32 to index
      %swap3A_187 = arith.constant 16 : index
      %swap3A_188 = tpu.vector_load %arg12[%swap3A_186, %swap3A_187] {strides = array<i32>} : memref<64x768xf32, #tpu.memory_space<vmem>>, vector<16xf32>,
      tpu.vector_store %arg12[%swap3A_186, %swap3A_187], %add3A_185 {strides = array<i32>} : memref<64x768xf32, #tpu.memory_space<vmem>>, vector<16xf32>,
      %get3A_189 = arith.index_cast %scan3A_160 : i32 to index
      %get3A_190 = arith.constant 32 : index
      %get3A_191 = tpu.vector_load %arg12[%get3A_189, %get3A_190] {strides = array<i32>} : memref<64x768xf32, #tpu.memory_space<vmem>>, vector<16xf32>,
      %mul3A_192 = arith.mulf %get3A_162, %get3A_191 : vector<16xf32>
      %get3A_193 = arith.index_cast %scan3A_160 : i32 to index
      %get3A_194 = arith.constant 32 : index
      %get3A_195 = tpu.vector_load %arg13[%get3A_193, %get3A_194] {strides = array<i32>} : memref<64x768xf32, #tpu.memory_space<vmem>>, vector<16xf32>,
      %mul3A_196 = arith.mulf %get3A_165, %get3A_195 : vector<16xf32>
      %add3A_197 = arith.addf %mul3A_192, %mul3A_196 : vector<16xf32>
      %swap3A_198 = arith.index_cast %scan3A_160 : i32 to index
      %swap3A_199 = arith.constant 32 : index
      %swap3A_200 = tpu.vector_load %arg12[%swap3A_198, %swap3A_199] {strides = array<i32>} : memref<64x768xf32, #tpu.memory_space<vmem>>, vector<16xf32>,
      tpu.vector_store %arg12[%swap3A_198, %swap3A_199], %add3A_197 {strides = array<i32>} : memref<64x768xf32, #tpu.memory_space<vmem>>, vector<16xf32>,
      %get3A_201 = arith.index_cast %scan3A_160 : i32 to index
      %get3A_202 = arith.constant 48 : index
      %get3A_203 = tpu.vector_load %arg12[%get3A_201, %get3A_202] {strides = array<i32>} : memref<64x768xf32, #tpu.memory_space<vmem>>, vector<16xf32>,
      %mul3A_204 = arith.mulf %get3A_162, %get3A_203 : vector<16xf32>
      %get3A_205 = arith.index_cast %scan3A_160 : i32 to index
      %get3A_206 = arith.constant 48 : index
      %get3A_207 = tpu.vector_load %arg13[%get3A_205, %get3A_206] {strides = array<i32>} : memref<64x768xf32, #tpu.memory_space<vmem>>, vector<16xf32>,
      %mul3A_208 = arith.mulf %get3A_165, %get3A_207 : vector<16xf32>
      %add3A_209 = arith.addf %mul3A_204, %mul3A_208 : vector<16xf32>
      %swap3A_210 = arith.index_cast %scan3A_160 : i32 to index
      %swap3A_211 = arith.constant 48 : index
      %swap3A_212 = tpu.vector_load %arg12[%swap3A_210, %swap3A_211] {strides = array<i32>} : memref<64x768xf32, #tpu.memory_space<vmem>>, vector<16xf32>,
      tpu.vector_store %arg12[%swap3A_210, %swap3A_211], %add3A_209 {strides = array<i32>} : memref<64x768xf32, #tpu.memory_space<vmem>>, vector<16xf32>,
      %get3A_213 = arith.index_cast %scan3A_160 : i32 to index
      %get3A_214 = arith.constant 64 : index
      %get3A_215 = tpu.vector_load %arg12[%get3A_213, %get3A_214] {strides = array<i32>} : memref<64x768xf32, #tpu.memory_space<vmem>>, vector<16xf32>,
      %mul3A_216 = arith.mulf %get3A_162, %get3A_215 : vector<16xf32>
      %get3A_217 = arith.index_cast %scan3A_160 : i32 to index
      %get3A_218 = arith.constant 64 : index
      %get3A_219 = tpu.vector_load %arg13[%get3A_217, %get3A_218] {strides = array<i32>} : memref<64x768xf32, #tpu.memory_space<vmem>>, vector<16xf32>,
      %mul3A_220 = arith.mulf %get3A_165, %get3A_219 : vector<16xf32>
      %add3A_221 = arith.addf %mul3A_216, %mul3A_220 : vector<16xf32>
      %swap3A_222 = arith.index_cast %scan3A_160 : i32 to index
      %swap3A_223 = arith.constant 64 : index
      %swap3A_224 = tpu.vector_load %arg12[%swap3A_222, %swap3A_223] {strides = array<i32>} : memref<64x768xf32, #tpu.memory_space<vmem>>, vector<16xf32>,
      tpu.vector_store %arg12[%swap3A_222, %swap3A_223], %add3A_221 {strides = array<i32>} : memref<64x768xf32, #tpu.memory_space<vmem>>, vector<16xf32>,
      %get3A_225 = arith.index_cast %scan3A_160 : i32 to index
      %get3A_226 = arith.constant 80 : index
      %get3A_227 = tpu.vector_load %arg12[%get3A_225, %get3A_226] {strides = array<i32>} : memref<64x768xf32, #tpu.memory_space<vmem>>, vector<16xf32>,
      %mul3A_228 = arith.mulf %get3A_162, %get3A_227 : vector<16xf32>
      %get3A_229 = arith.index_cast %scan3A_160 : i32 to index
      %get3A_230 = arith.constant 80 : index
      %get3A_231 = tpu.vector_load %arg13[%get3A_229, %get3A_230] {strides = array<i32>} : memref<64x768xf32, #tpu.memory_space<vmem>>, vector<16xf32>,
      %mul3A_232 = arith.mulf %get3A_165, %get3A_231 : vector<16xf32>
      %add3A_233 = arith.addf %mul3A_228, %mul3A_232 : vector<16xf32>
      %swap3A_234 = arith.index_cast %scan3A_160 : i32 to index
      %swap3A_235 = arith.constant 80 : index
      %swap3A_236 = tpu.vector_load %arg12[%swap3A_234, %swap3A_235] {strides = array<i32>} : memref<64x768xf32, #tpu.memory_space<vmem>>, vector<16xf32>,
      tpu.vector_store %arg12[%swap3A_234, %swap3A_235], %add3A_233 {strides = array<i32>} : memref<64x768xf32, #tpu.memory_space<vmem>>, vector<16xf32>,
      %get3A_237 = arith.index_cast %scan3A_160 : i32 to index
      %get3A_238 = arith.constant 96 : index
      %get3A_239 = tpu.vector_load %arg12[%get3A_237, %get3A_238] {strides = array<i32>} : memref<64x768xf32, #tpu.memory_space<vmem>>, vector<16xf32>,
      %mul3A_240 = arith.mulf %get3A_162, %get3A_239 : vector<16xf32>
      %get3A_241 = arith.index_cast %scan3A_160 : i32 to index
      %get3A_242 = arith.constant 96 : index
      %get3A_243 = tpu.vector_load %arg13[%get3A_241, %get3A_242] {strides = array<i32>} : memref<64x768xf32, #tpu.memory_space<vmem>>, vector<16xf32>,
      %mul3A_244 = arith.mulf %get3A_165, %get3A_243 : vector<16xf32>
      %add3A_245 = arith.addf %mul3A_240, %mul3A_244 : vector<16xf32>
      %swap3A_246 = arith.index_cast %scan3A_160 : i32 to index
      %swap3A_247 = arith.constant 96 : index
      %swap3A_248 = tpu.vector_load %arg12[%swap3A_246, %swap3A_247] {strides = array<i32>} : memref<64x768xf32, #tpu.memory_space<vmem>>, vector<16xf32>,
      tpu.vector_store %arg12[%swap3A_246, %swap3A_247], %add3A_245 {strides = array<i32>} : memref<64x768xf32, #tpu.memory_space<vmem>>, vector<16xf32>,
      %get3A_249 = arith.index_cast %scan3A_160 : i32 to index
      %get3A_250 = arith.constant 112 : index
      %get3A_251 = tpu.vector_load %arg12[%get3A_249, %get3A_250] {strides = array<i32>} : memref<64x768xf32, #tpu.memory_space<vmem>>, vector<16xf32>,
      %mul3A_252 = arith.mulf %get3A_162, %get3A_251 : vector<16xf32>
      %get3A_253 = arith.index_cast %scan3A_160 : i32 to index
      %get3A_254 = arith.constant 112 : index
      %get3A_255 = tpu.vector_load %arg13[%get3A_253, %get3A_254] {strides = array<i32>} : memref<64x768xf32, #tpu.memory_space<vmem>>, vector<16xf32>,
      %mul3A_256 = arith.mulf %get3A_165, %get3A_255 : vector<16xf32>
      %add3A_257 = arith.addf %mul3A_252, %mul3A_256 : vector<16xf32>
      %swap3A_258 = arith.index_cast %scan3A_160 : i32 to index
      %swap3A_259 = arith.constant 112 : index
      %swap3A_260 = tpu.vector_load %arg12[%swap3A_258, %swap3A_259] {strides = array<i32>} : memref<64x768xf32, #tpu.memory_space<vmem>>, vector<16xf32>,
      tpu.vector_store %arg12[%swap3A_258, %swap3A_259], %add3A_257 {strides = array<i32>} : memref<64x768xf32, #tpu.memory_space<vmem>>, vector<16xf32>,
      %get3A_261 = arith.index_cast %scan3A_160 : i32 to index
      %get3A_262 = arith.constant 128 : index
      %get3A_263 = tpu.vector_load %arg12[%get3A_261, %get3A_262] {strides = array<i32>} : memref<64x768xf32, #tpu.memory_space<vmem>>, vector<16xf32>,
      %mul3A_264 = arith.mulf %get3A_162, %get3A_263 : vector<16xf32>
      %get3A_265 = arith.index_cast %scan3A_160 : i32 to index
      %get3A_266 = arith.constant 128 : index
      %get3A_267 = tpu.vector_load %arg13[%get3A_265, %get3A_266] {strides = array<i32>} : memref<64x768xf32, #tpu.memory_space<vmem>>, vector<16xf32>,
      %mul3A_268 = arith.mulf %get3A_165, %get3A_267 : vector<16xf32>
      %add3A_269 = arith.addf %mul3A_264, %mul3A_268 : vector<16xf32>
      %swap3A_270 = arith.index_cast %scan3A_160 : i32 to index
      %swap3A_271 = arith.constant 128 : index
      %swap3A_272 = tpu.vector_load %arg12[%swap3A_270, %swap3A_271] {strides = array<i32>} : memref<64x768xf32, #tpu.memory_space<vmem>>, vector<16xf32>,
      tpu.vector_store %arg12[%swap3A_270, %swap3A_271], %add3A_269 {strides = array<i32>} : memref<64x768xf32, #tpu.memory_space<vmem>>, vector<16xf32>,
      %get3A_273 = arith.index_cast %scan3A_160 : i32 to index
      %get3A_274 = arith.constant 144 : index
      %get3A_275 = tpu.vector_load %arg12[%get3A_273, %get3A_274] {strides = array<i32>} : memref<64x768xf32, #tpu.memory_space<vmem>>, vector<16xf32>,
      %mul3A_276 = arith.mulf %get3A_162, %get3A_275 : vector<16xf32>
      %get3A_277 = arith.index_cast %scan3A_160 : i32 to index
      %get3A_278 = arith.constant 144 : index
      %get3A_279 = tpu.vector_load %arg13[%get3A_277, %get3A_278] {strides = array<i32>} : memref<64x768xf32, #tpu.memory_space<vmem>>, vector<16xf32>,
      %mul3A_280 = arith.mulf %get3A_165, %get3A_279 : vector<16xf32>
      %add3A_281 = arith.addf %mul3A_276, %mul3A_280 : vector<16xf32>
      %swap3A_282 = arith.index_cast %scan3A_160 : i32 to index
      %swap3A_283 = arith.constant 144 : index
      %swap3A_284 = tpu.vector_load %arg12[%swap3A_282, %swap3A_283] {strides = array<i32>} : memref<64x768xf32, #tpu.memory_space<vmem>>, vector<16xf32>,
      tpu.vector_store %arg12[%swap3A_282, %swap3A_283], %add3A_281 {strides = array<i32>} : memref<64x768xf32, #tpu.memory_space<vmem>>, vector<16xf32>,
      %get3A_285 = arith.index_cast %scan3A_160 : i32 to index
      %get3A_286 = arith.constant 160 : index
      %get3A_287 = tpu.vector_load %arg12[%get3A_285, %get3A_286] {strides = array<i32>} : memref<64x768xf32, #tpu.memory_space<vmem>>, vector<16xf32>,
      %mul3A_288 = arith.mulf %get3A_162, %get3A_287 : vector<16xf32>
      %get3A_289 = arith.index_cast %scan3A_160 : i32 to index
      %get3A_290 = arith.constant 160 : index
      %get3A_291 = tpu.vector_load %arg13[%get3A_289, %get3A_290] {strides = array<i32>} : memref<64x768xf32, #tpu.memory_space<vmem>>, vector<16xf32>,
      %mul3A_292 = arith.mulf %get3A_165, %get3A_291 : vector<16xf32>
      %add3A_293 = arith.addf %mul3A_288, %mul3A_292 : vector<16xf32>
      %swap3A_294 = arith.index_cast %scan3A_160 : i32 to index
      %swap3A_295 = arith.constant 160 : index
      %swap3A_296 = tpu.vector_load %arg12[%swap3A_294, %swap3A_295] {strides = array<i32>} : memref<64x768xf32, #tpu.memory_space<vmem>>, vector<16xf32>,
      tpu.vector_store %arg12[%swap3A_294, %swap3A_295], %add3A_293 {strides = array<i32>} : memref<64x768xf32, #tpu.memory_space<vmem>>, vector<16xf32>,
      %get3A_297 = arith.index_cast %scan3A_160 : i32 to index
      %get3A_298 = arith.constant 176 : index
      %get3A_299 = tpu.vector_load %arg12[%get3A_297, %get3A_298] {strides = array<i32>} : memref<64x768xf32, #tpu.memory_space<vmem>>, vector<16xf32>,
      %mul3A_300 = arith.mulf %get3A_162, %get3A_299 : vector<16xf32>
      %get3A_301 = arith.index_cast %scan3A_160 : i32 to index
      %get3A_302 = arith.constant 176 : index
      %get3A_303 = tpu.vector_load %arg13[%get3A_301, %get3A_302] {strides = array<i32>} : memref<64x768xf32, #tpu.memory_space<vmem>>, vector<16xf32>,
      %mul3A_304 = arith.mulf %get3A_165, %get3A_303 : vector<16xf32>
      %add3A_305 = arith.addf %mul3A_300, %mul3A_304 : vector<16xf32>
      %swap3A_306 = arith.index_cast %scan3A_160 : i32 to index
      %swap3A_307 = arith.constant 176 : index
      %swap3A_308 = tpu.vector_load %arg12[%swap3A_306, %swap3A_307] {strides = array<i32>} : memref<64x768xf32, #tpu.memory_space<vmem>>, vector<16xf32>,
      tpu.vector_store %arg12[%swap3A_306, %swap3A_307], %add3A_305 {strides = array<i32>} : memref<64x768xf32, #tpu.memory_space<vmem>>, vector<16xf32>,
      %get3A_309 = arith.index_cast %scan3A_160 : i32 to index
      %get3A_310 = arith.constant 192 : index
      %get3A_311 = tpu.vector_load %arg12[%get3A_309, %get3A_310] {strides = array<i32>} : memref<64x768xf32, #tpu.memory_space<vmem>>, vector<16xf32>,
      %mul3A_312 = arith.mulf %get3A_162, %get3A_311 : vector<16xf32>
      %get3A_313 = arith.index_cast %scan3A_160 : i32 to index
      %get3A_314 = arith.constant 192 : index
      %get3A_315 = tpu.vector_load %arg13[%get3A_313, %get3A_314] {strides = array<i32>} : memref<64x768xf32, #tpu.memory_space<vmem>>, vector<16xf32>,
      %mul3A_316 = arith.mulf %get3A_165, %get3A_315 : vector<16xf32>
      %add3A_317 = arith.addf %mul3A_312, %mul3A_316 : vector<16xf32>
      %swap3A_318 = arith.index_cast %scan3A_160 : i32 to index
      %swap3A_319 = arith.constant 192 : index
      %swap3A_320 = tpu.vector_load %arg12[%swap3A_318, %swap3A_319] {strides = array<i32>} : memref<64x768xf32, #tpu.memory_space<vmem>>, vector<16xf32>,
      tpu.vector_store %arg12[%swap3A_318, %swap3A_319], %add3A_317 {strides = array<i32>} : memref<64x768xf32, #tpu.memory_space<vmem>>, vector<16xf32>,
      %get3A_321 = arith.index_cast %scan3A_160 : i32 to index
      %get3A_322 = arith.constant 208 : index
      %get3A_323 = tpu.vector_load %arg12[%get3A_321, %get3A_322] {strides = array<i32>} : memref<64x768xf32, #tpu.memory_space<vmem>>, vector<16xf32>,
      %mul3A_324 = arith.mulf %get3A_162, %get3A_323 : vector<16xf32>
      %get3A_325 = arith.index_cast %scan3A_160 : i32 to index
      %get3A_326 = arith.constant 208 : index
      %get3A_327 = tpu.vector_load %arg13[%get3A_325, %get3A_326] {strides = array<i32>} : memref<64x768xf32, #tpu.memory_space<vmem>>, vector<16xf32>,
      %mul3A_328 = arith.mulf %get3A_165, %get3A_327 : vector<16xf32>
      %add3A_329 = arith.addf %mul3A_324, %mul3A_328 : vector<16xf32>
      %swap3A_330 = arith.index_cast %scan3A_160 : i32 to index
      %swap3A_331 = arith.constant 208 : index
      %swap3A_332 = tpu.vector_load %arg12[%swap3A_330, %swap3A_331] {strides = array<i32>} : memref<64x768xf32, #tpu.memory_space<vmem>>, vector<16xf32>,
      tpu.vector_store %arg12[%swap3A_330, %swap3A_331], %add3A_329 {strides = array<i32>} : memref<64x768xf32, #tpu.memory_space<vmem>>, vector<16xf32>,
      %get3A_333 = arith.index_cast %scan3A_160 : i32 to index
      %get3A_334 = arith.constant 224 : index
      %get3A_335 = tpu.vector_load %arg12[%get3A_333, %get3A_334] {strides = array<i32>} : memref<64x768xf32, #tpu.memory_space<vmem>>, vector<16xf32>,
      %mul3A_336 = arith.mulf %get3A_162, %get3A_335 : vector<16xf32>
      %get3A_337 = arith.index_cast %scan3A_160 : i32 to index
      %get3A_338 = arith.constant 224 : index
      %get3A_339 = tpu.vector_load %arg13[%get3A_337, %get3A_338] {strides = array<i32>} : memref<64x768xf32, #tpu.memory_space<vmem>>, vector<16xf32>,
      %mul3A_340 = arith.mulf %get3A_165, %get3A_339 : vector<16xf32>
      %add3A_341 = arith.addf %mul3A_336, %mul3A_340 : vector<16xf32>
      %swap3A_342 = arith.index_cast %scan3A_160 : i32 to index
      %swap3A_343 = arith.constant 224 : index
      %swap3A_344 = tpu.vector_load %arg12[%swap3A_342, %swap3A_343] {strides = array<i32>} : memref<64x768xf32, #tpu.memory_space<vmem>>, vector<16xf32>,
      tpu.vector_store %arg12[%swap3A_342, %swap3A_343], %add3A_341 {strides = array<i32>} : memref<64x768xf32, #tpu.memory_space<vmem>>, vector<16xf32>,
      %get3A_345 = arith.index_cast %scan3A_160 : i32 to index
      %get3A_346 = arith.constant 240 : index
      %get3A_347 = tpu.vector_load %arg12[%get3A_345, %get3A_346] {strides = array<i32>} : memref<64x768xf32, #tpu.memory_space<vmem>>, vector<16xf32>,
      %mul3A_348 = arith.mulf %get3A_162, %get3A_347 : vector<16xf32>
      %get3A_349 = arith.index_cast %scan3A_160 : i32 to index
      %get3A_350 = arith.constant 240 : index
      %get3A_351 = tpu.vector_load %arg13[%get3A_349, %get3A_350] {strides = array<i32>} : memref<64x768xf32, #tpu.memory_space<vmem>>, vector<16xf32>,
      %mul3A_352 = arith.mulf %get3A_165, %get3A_351 : vector<16xf32>
      %add3A_353 = arith.addf %mul3A_348, %mul3A_352 : vector<16xf32>
      %swap3A_354 = arith.index_cast %scan3A_160 : i32 to index
      %swap3A_355 = arith.constant 240 : index
      %swap3A_356 = tpu.vector_load %arg12[%swap3A_354, %swap3A_355] {strides = array<i32>} : memref<64x768xf32, #tpu.memory_space<vmem>>, vector<16xf32>,
      tpu.vector_store %arg12[%swap3A_354, %swap3A_355], %add3A_353 {strides = array<i32>} : memref<64x768xf32, #tpu.memory_space<vmem>>, vector<16xf32>,
      %get3A_357 = arith.index_cast %scan3A_160 : i32 to index
      %get3A_358 = arith.constant 256 : index
      %get3A_359 = tpu.vector_load %arg12[%get3A_357, %get3A_358] {strides = array<i32>} : memref<64x768xf32, #tpu.memory_space<vmem>>, vector<16xf32>,
      %mul3A_360 = arith.mulf %get3A_162, %get3A_359 : vector<16xf32>
      %get3A_361 = arith.index_cast %scan3A_160 : i32 to index
      %get3A_362 = arith.constant 256 : index
      %get3A_363 = tpu.vector_load %arg13[%get3A_361, %get3A_362] {strides = array<i32>} : memref<64x768xf32, #tpu.memory_space<vmem>>, vector<16xf32>,
      %mul3A_364 = arith.mulf %get3A_165, %get3A_363 : vector<16xf32>
      %add3A_365 = arith.addf %mul3A_360, %mul3A_364 : vector<16xf32>
      %swap3A_366 = arith.index_cast %scan3A_160 : i32 to index
      %swap3A_367 = arith.constant 256 : index
      %swap3A_368 = tpu.vector_load %arg12[%swap3A_366, %swap3A_367] {strides = array<i32>} : memref<64x768xf32, #tpu.memory_space<vmem>>, vector<16xf32>,
      tpu.vector_store %arg12[%swap3A_366, %swap3A_367], %add3A_365 {strides = array<i32>} : memref<64x768xf32, #tpu.memory_space<vmem>>, vector<16xf32>,
      %get3A_369 = arith.index_cast %scan3A_160 : i32 to index
      %get3A_370 = arith.constant 272 : index
      %get3A_371 = tpu.vector_load %arg12[%get3A_369, %get3A_370] {strides = array<i32>} : memref<64x768xf32, #tpu.memory_space<vmem>>, vector<16xf32>,
      %mul3A_372 = arith.mulf %get3A_162, %get3A_371 : vector<16xf32>
      %get3A_373 = arith.index_cast %scan3A_160 : i32 to index
      %get3A_374 = arith.constant 272 : index
      %get3A_375 = tpu.vector_load %arg13[%get3A_373, %get3A_374] {strides = array<i32>} : memref<64x768xf32, #tpu.memory_space<vmem>>, vector<16xf32>,
      %mul3A_376 = arith.mulf %get3A_165, %get3A_375 : vector<16xf32>
      %add3A_377 = arith.addf %mul3A_372, %mul3A_376 : vector<16xf32>
      %swap3A_378 = arith.index_cast %scan3A_160 : i32 to index
      %swap3A_379 = arith.constant 272 : index
      %swap3A_380 = tpu.vector_load %arg12[%swap3A_378, %swap3A_379] {strides = array<i32>} : memref<64x768xf32, #tpu.memory_space<vmem>>, vector<16xf32>,
      tpu.vector_store %arg12[%swap3A_378, %swap3A_379], %add3A_377 {strides = array<i32>} : memref<64x768xf32, #tpu.memory_space<vmem>>, vector<16xf32>,
      %get3A_381 = arith.index_cast %scan3A_160 : i32 to index
      %get3A_382 = arith.constant 288 : index
      %get3A_383 = tpu.vector_load %arg12[%get3A_381, %get3A_382] {strides = array<i32>} : memref<64x768xf32, #tpu.memory_space<vmem>>, vector<16xf32>,
      %mul3A_384 = arith.mulf %get3A_162, %get3A_383 : vector<16xf32>
      %get3A_385 = arith.index_cast %scan3A_160 : i32 to index
      %get3A_386 = arith.constant 288 : index
      %get3A_387 = tpu.vector_load %arg13[%get3A_385, %get3A_386] {strides = array<i32>} : memref<64x768xf32, #tpu.memory_space<vmem>>, vector<16xf32>,
      %mul3A_388 = arith.mulf %get3A_165, %get3A_387 : vector<16xf32>
      %add3A_389 = arith.addf %mul3A_384, %mul3A_388 : vector<16xf32>
      %swap3A_390 = arith.index_cast %scan3A_160 : i32 to index
      %swap3A_391 = arith.constant 288 : index
      %swap3A_392 = tpu.vector_load %arg12[%swap3A_390, %swap3A_391] {strides = array<i32>} : memref<64x768xf32, #tpu.memory_space<vmem>>, vector<16xf32>,
      tpu.vector_store %arg12[%swap3A_390, %swap3A_391], %add3A_389 {strides = array<i32>} : memref<64x768xf32, #tpu.memory_space<vmem>>, vector<16xf32>,
      %get3A_393 = arith.index_cast %scan3A_160 : i32 to index
      %get3A_394 = arith.constant 304 : index
      %get3A_395 = tpu.vector_load %arg12[%get3A_393, %get3A_394] {strides = array<i32>} : memref<64x768xf32, #tpu.memory_space<vmem>>, vector<16xf32>,
      %mul3A_396 = arith.mulf %get3A_162, %get3A_395 : vector<16xf32>
      %get3A_397 = arith.index_cast %scan3A_160 : i32 to index
      %get3A_398 = arith.constant 304 : index
      %get3A_399 = tpu.vector_load %arg13[%get3A_397, %get3A_398] {strides = array<i32>} : memref<64x768xf32, #tpu.memory_space<vmem>>, vector<16xf32>,
      %mul3A_400 = arith.mulf %get3A_165, %get3A_399 : vector<16xf32>
      %add3A_401 = arith.addf %mul3A_396, %mul3A_400 : vector<16xf32>
      %swap3A_402 = arith.index_cast %scan3A_160 : i32 to index
      %swap3A_403 = arith.constant 304 : index
      %swap3A_404 = tpu.vector_load %arg12[%swap3A_402, %swap3A_403] {strides = array<i32>} : memref<64x768xf32, #tpu.memory_space<vmem>>, vector<16xf32>,
      tpu.vector_store %arg12[%swap3A_402, %swap3A_403], %add3A_401 {strides = array<i32>} : memref<64x768xf32, #tpu.memory_space<vmem>>, vector<16xf32>,
      %get3A_405 = arith.index_cast %scan3A_160 : i32 to index
      %get3A_406 = arith.constant 320 : index
      %get3A_407 = tpu.vector_load %arg12[%get3A_405, %get3A_406] {strides = array<i32>} : memref<64x768xf32, #tpu.memory_space<vmem>>, vector<16xf32>,
      %mul3A_408 = arith.mulf %get3A_162, %get3A_407 : vector<16xf32>
      %get3A_409 = arith.index_cast %scan3A_160 : i32 to index
      %get3A_410 = arith.constant 320 : index
      %get3A_411 = tpu.vector_load %arg13[%get3A_409, %get3A_410] {strides = array<i32>} : memref<64x768xf32, #tpu.memory_space<vmem>>, vector<16xf32>,
      %mul3A_412 = arith.mulf %get3A_165, %get3A_411 : vector<16xf32>
      %add3A_413 = arith.addf %mul3A_408, %mul3A_412 : vector<16xf32>
      %swap3A_414 = arith.index_cast %scan3A_160 : i32 to index
      %swap3A_415 = arith.constant 320 : index
      %swap3A_416 = tpu.vector_load %arg12[%swap3A_414, %swap3A_415] {strides = array<i32>} : memref<64x768xf32, #tpu.memory_space<vmem>>, vector<16xf32>,
      tpu.vector_store %arg12[%swap3A_414, %swap3A_415], %add3A_413 {strides = array<i32>} : memref<64x768xf32, #tpu.memory_space<vmem>>, vector<16xf32>,
      %get3A_417 = arith.index_cast %scan3A_160 : i32 to index
      %get3A_418 = arith.constant 336 : index
      %get3A_419 = tpu.vector_load %arg12[%get3A_417, %get3A_418] {strides = array<i32>} : memref<64x768xf32, #tpu.memory_space<vmem>>, vector<16xf32>,
      %mul3A_420 = arith.mulf %get3A_162, %get3A_419 : vector<16xf32>
      %get3A_421 = arith.index_cast %scan3A_160 : i32 to index
      %get3A_422 = arith.constant 336 : index
      %get3A_423 = tpu.vector_load %arg13[%get3A_421, %get3A_422] {strides = array<i32>} : memref<64x768xf32, #tpu.memory_space<vmem>>, vector<16xf32>,
      %mul3A_424 = arith.mulf %get3A_165, %get3A_423 : vector<16xf32>
      %add3A_425 = arith.addf %mul3A_420, %mul3A_424 : vector<16xf32>
      %swap3A_426 = arith.index_cast %scan3A_160 : i32 to index
      %swap3A_427 = arith.constant 336 : index
      %swap3A_428 = tpu.vector_load %arg12[%swap3A_426, %swap3A_427] {strides = array<i32>} : memref<64x768xf32, #tpu.memory_space<vmem>>, vector<16xf32>,
      tpu.vector_store %arg12[%swap3A_426, %swap3A_427], %add3A_425 {strides = array<i32>} : memref<64x768xf32, #tpu.memory_space<vmem>>, vector<16xf32>,
      %get3A_429 = arith.index_cast %scan3A_160 : i32 to index
      %get3A_430 = arith.constant 352 : index
      %get3A_431 = tpu.vector_load %arg12[%get3A_429, %get3A_430] {strides = array<i32>} : memref<64x768xf32, #tpu.memory_space<vmem>>, vector<16xf32>,
      %mul3A_432 = arith.mulf %get3A_162, %get3A_431 : vector<16xf32>
      %get3A_433 = arith.index_cast %scan3A_160 : i32 to index
      %get3A_434 = arith.constant 352 : index
      %get3A_435 = tpu.vector_load %arg13[%get3A_433, %get3A_434] {strides = array<i32>} : memref<64x768xf32, #tpu.memory_space<vmem>>, vector<16xf32>,
      %mul3A_436 = arith.mulf %get3A_165, %get3A_435 : vector<16xf32>
      %add3A_437 = arith.addf %mul3A_432, %mul3A_436 : vector<16xf32>
      %swap3A_438 = arith.index_cast %scan3A_160 : i32 to index
      %swap3A_439 = arith.constant 352 : index
      %swap3A_440 = tpu.vector_load %arg12[%swap3A_438, %swap3A_439] {strides = array<i32>} : memref<64x768xf32, #tpu.memory_space<vmem>>, vector<16xf32>,
      tpu.vector_store %arg12[%swap3A_438, %swap3A_439], %add3A_437 {strides = array<i32>} : memref<64x768xf32, #tpu.memory_space<vmem>>, vector<16xf32>,
      %get3A_441 = arith.index_cast %scan3A_160 : i32 to index
      %get3A_442 = arith.constant 368 : index
      %get3A_443 = tpu.vector_load %arg12[%get3A_441, %get3A_442] {strides = array<i32>} : memref<64x768xf32, #tpu.memory_space<vmem>>, vector<16xf32>,
      %mul3A_444 = arith.mulf %get3A_162, %get3A_443 : vector<16xf32>
      %get3A_445 = arith.index_cast %scan3A_160 : i32 to index
      %get3A_446 = arith.constant 368 : index
      %get3A_447 = tpu.vector_load %arg13[%get3A_445, %get3A_446] {strides = array<i32>} : memref<64x768xf32, #tpu.memory_space<vmem>>, vector<16xf32>,
      %mul3A_448 = arith.mulf %get3A_165, %get3A_447 : vector<16xf32>
      %add3A_449 = arith.addf %mul3A_444, %mul3A_448 : vector<16xf32>
      %swap3A_450 = arith.index_cast %scan3A_160 : i32 to index
      %swap3A_451 = arith.constant 368 : index
      %swap3A_452 = tpu.vector_load %arg12[%swap3A_450, %swap3A_451] {strides = array<i32>} : memref<64x768xf32, #tpu.memory_space<vmem>>, vector<16xf32>,
      tpu.vector_store %arg12[%swap3A_450, %swap3A_451], %add3A_449 {strides = array<i32>} : memref<64x768xf32, #tpu.memory_space<vmem>>, vector<16xf32>,
      %get3A_453 = arith.index_cast %scan3A_160 : i32 to index
      %get3A_454 = arith.constant 384 : index
      %get3A_455 = tpu.vector_load %arg12[%get3A_453, %get3A_454] {strides = array<i32>} : memref<64x768xf32, #tpu.memory_space<vmem>>, vector<16xf32>,
      %mul3A_456 = arith.mulf %get3A_162, %get3A_455 : vector<16xf32>
      %get3A_457 = arith.index_cast %scan3A_160 : i32 to index
      %get3A_458 = arith.constant 384 : index
      %get3A_459 = tpu.vector_load %arg13[%get3A_457, %get3A_458] {strides = array<i32>} : memref<64x768xf32, #tpu.memory_space<vmem>>, vector<16xf32>,
      %mul3A_460 = arith.mulf %get3A_165, %get3A_459 : vector<16xf32>
      %add3A_461 = arith.addf %mul3A_456, %mul3A_460 : vector<16xf32>
      %swap3A_462 = arith.index_cast %scan3A_160 : i32 to index
      %swap3A_463 = arith.constant 384 : index
      %swap3A_464 = tpu.vector_load %arg12[%swap3A_462, %swap3A_463] {strides = array<i32>} : memref<64x768xf32, #tpu.memory_space<vmem>>, vector<16xf32>,
      tpu.vector_store %arg12[%swap3A_462, %swap3A_463], %add3A_461 {strides = array<i32>} : memref<64x768xf32, #tpu.memory_space<vmem>>, vector<16xf32>,
      %get3A_465 = arith.index_cast %scan3A_160 : i32 to index
      %get3A_466 = arith.constant 400 : index
      %get3A_467 = tpu.vector_load %arg12[%get3A_465, %get3A_466] {strides = array<i32>} : memref<64x768xf32, #tpu.memory_space<vmem>>, vector<16xf32>,
      %mul3A_468 = arith.mulf %get3A_162, %get3A_467 : vector<16xf32>
      %get3A_469 = arith.index_cast %scan3A_160 : i32 to index
      %get3A_470 = arith.constant 400 : index
      %get3A_471 = tpu.vector_load %arg13[%get3A_469, %get3A_470] {strides = array<i32>} : memref<64x768xf32, #tpu.memory_space<vmem>>, vector<16xf32>,
      %mul3A_472 = arith.mulf %get3A_165, %get3A_471 : vector<16xf32>
      %add3A_473 = arith.addf %mul3A_468, %mul3A_472 : vector<16xf32>
      %swap3A_474 = arith.index_cast %scan3A_160 : i32 to index
      %swap3A_475 = arith.constant 400 : index
      %swap3A_476 = tpu.vector_load %arg12[%swap3A_474, %swap3A_475] {strides = array<i32>} : memref<64x768xf32, #tpu.memory_space<vmem>>, vector<16xf32>,
      tpu.vector_store %arg12[%swap3A_474, %swap3A_475], %add3A_473 {strides = array<i32>} : memref<64x768xf32, #tpu.memory_space<vmem>>, vector<16xf32>,
      %get3A_477 = arith.index_cast %scan3A_160 : i32 to index
      %get3A_478 = arith.constant 416 : index
      %get3A_479 = tpu.vector_load %arg12[%get3A_477, %get3A_478] {strides = array<i32>} : memref<64x768xf32, #tpu.memory_space<vmem>>, vector<16xf32>,
      %mul3A_480 = arith.mulf %get3A_162, %get3A_479 : vector<16xf32>
      %get3A_481 = arith.index_cast %scan3A_160 : i32 to index
      %get3A_482 = arith.constant 416 : index
      %get3A_483 = tpu.vector_load %arg13[%get3A_481, %get3A_482] {strides = array<i32>} : memref<64x768xf32, #tpu.memory_space<vmem>>, vector<16xf32>,
      %mul3A_484 = arith.mulf %get3A_165, %get3A_483 : vector<16xf32>
      %add3A_485 = arith.addf %mul3A_480, %mul3A_484 : vector<16xf32>
      %swap3A_486 = arith.index_cast %scan3A_160 : i32 to index
      %swap3A_487 = arith.constant 416 : index
      %swap3A_488 = tpu.vector_load %arg12[%swap3A_486, %swap3A_487] {strides = array<i32>} : memref<64x768xf32, #tpu.memory_space<vmem>>, vector<16xf32>,
      tpu.vector_store %arg12[%swap3A_486, %swap3A_487], %add3A_485 {strides = array<i32>} : memref<64x768xf32, #tpu.memory_space<vmem>>, vector<16xf32>,
      %get3A_489 = arith.index_cast %scan3A_160 : i32 to index
      %get3A_490 = arith.constant 432 : index
      %get3A_491 = tpu.vector_load %arg12[%get3A_489, %get3A_490] {strides = array<i32>} : memref<64x768xf32, #tpu.memory_space<vmem>>, vector<16xf32>,
      %mul3A_492 = arith.mulf %get3A_162, %get3A_491 : vector<16xf32>
      %get3A_493 = arith.index_cast %scan3A_160 : i32 to index
      %get3A_494 = arith.constant 432 : index
      %get3A_495 = tpu.vector_load %arg13[%get3A_493, %get3A_494] {strides = array<i32>} : memref<64x768xf32, #tpu.memory_space<vmem>>, vector<16xf32>,
      %mul3A_496 = arith.mulf %get3A_165, %get3A_495 : vector<16xf32>
      %add3A_497 = arith.addf %mul3A_492, %mul3A_496 : vector<16xf32>
      %swap3A_498 = arith.index_cast %scan3A_160 : i32 to index
      %swap3A_499 = arith.constant 432 : index
      %swap3A_500 = tpu.vector_load %arg12[%swap3A_498, %swap3A_499] {strides = array<i32>} : memref<64x768xf32, #tpu.memory_space<vmem>>, vector<16xf32>,
      tpu.vector_store %arg12[%swap3A_498, %swap3A_499], %add3A_497 {strides = array<i32>} : memref<64x768xf32, #tpu.memory_space<vmem>>, vector<16xf32>,
      %get3A_501 = arith.index_cast %scan3A_160 : i32 to index
      %get3A_502 = arith.constant 448 : index
      %get3A_503 = tpu.vector_load %arg12[%get3A_501, %get3A_502] {strides = array<i32>} : memref<64x768xf32, #tpu.memory_space<vmem>>, vector<16xf32>,
      %mul3A_504 = arith.mulf %get3A_162, %get3A_503 : vector<16xf32>
      %get3A_505 = arith.index_cast %scan3A_160 : i32 to index
      %get3A_506 = arith.constant 448 : index
      %get3A_507 = tpu.vector_load %arg13[%get3A_505, %get3A_506] {strides = array<i32>} : memref<64x768xf32, #tpu.memory_space<vmem>>, vector<16xf32>,
      %mul3A_508 = arith.mulf %get3A_165, %get3A_507 : vector<16xf32>
      %add3A_509 = arith.addf %mul3A_504, %mul3A_508 : vector<16xf32>
      %swap3A_510 = arith.index_cast %scan3A_160 : i32 to index
      %swap3A_511 = arith.constant 448 : index
      %swap3A_512 = tpu.vector_load %arg12[%swap3A_510, %swap3A_511] {strides = array<i32>} : memref<64x768xf32, #tpu.memory_space<vmem>>, vector<16xf32>,
      tpu.vector_store %arg12[%swap3A_510, %swap3A_511], %add3A_509 {strides = array<i32>} : memref<64x768xf32, #tpu.memory_space<vmem>>, vector<16xf32>,
      %get3A_513 = arith.index_cast %scan3A_160 : i32 to index
      %get3A_514 = arith.constant 464 : index
      %get3A_515 = tpu.vector_load %arg12[%get3A_513, %get3A_514] {strides = array<i32>} : memref<64x768xf32, #tpu.memory_space<vmem>>, vector<16xf32>,
      %mul3A_516 = arith.mulf %get3A_162, %get3A_515 : vector<16xf32>
      %get3A_517 = arith.index_cast %scan3A_160 : i32 to index
      %get3A_518 = arith.constant 464 : index
      %get3A_519 = tpu.vector_load %arg13[%get3A_517, %get3A_518] {strides = array<i32>} : memref<64x768xf32, #tpu.memory_space<vmem>>, vector<16xf32>,
      %mul3A_520 = arith.mulf %get3A_165, %get3A_519 : vector<16xf32>
      %add3A_521 = arith.addf %mul3A_516, %mul3A_520 : vector<16xf32>
      %swap3A_522 = arith.index_cast %scan3A_160 : i32 to index
      %swap3A_523 = arith.constant 464 : index
      %swap3A_524 = tpu.vector_load %arg12[%swap3A_522, %swap3A_523] {strides = array<i32>} : memref<64x768xf32, #tpu.memory_space<vmem>>, vector<16xf32>,
      tpu.vector_store %arg12[%swap3A_522, %swap3A_523], %add3A_521 {strides = array<i32>} : memref<64x768xf32, #tpu.memory_space<vmem>>, vector<16xf32>,
      %get3A_525 = arith.index_cast %scan3A_160 : i32 to index
      %get3A_526 = arith.constant 480 : index
      %get3A_527 = tpu.vector_load %arg12[%get3A_525, %get3A_526] {strides = array<i32>} : memref<64x768xf32, #tpu.memory_space<vmem>>, vector<16xf32>,
      %mul3A_528 = arith.mulf %get3A_162, %get3A_527 : vector<16xf32>
      %get3A_529 = arith.index_cast %scan3A_160 : i32 to index
      %get3A_530 = arith.constant 480 : index
      %get3A_531 = tpu.vector_load %arg13[%get3A_529, %get3A_530] {strides = array<i32>} : memref<64x768xf32, #tpu.memory_space<vmem>>, vector<16xf32>,
      %mul3A_532 = arith.mulf %get3A_165, %get3A_531 : vector<16xf32>
      %add3A_533 = arith.addf %mul3A_528, %mul3A_532 : vector<16xf32>
      %swap3A_534 = arith.index_cast %scan3A_160 : i32 to index
      %swap3A_535 = arith.constant 480 : index
      %swap3A_536 = tpu.vector_load %arg12[%swap3A_534, %swap3A_535] {strides = array<i32>} : memref<64x768xf32, #tpu.memory_space<vmem>>, vector<16xf32>,
      tpu.vector_store %arg12[%swap3A_534, %swap3A_535], %add3A_533 {strides = array<i32>} : memref<64x768xf32, #tpu.memory_space<vmem>>, vector<16xf32>,
      %get3A_537 = arith.index_cast %scan3A_160 : i32 to index
      %get3A_538 = arith.constant 496 : index
      %get3A_539 = tpu.vector_load %arg12[%get3A_537, %get3A_538] {strides = array<i32>} : memref<64x768xf32, #tpu.memory_space<vmem>>, vector<16xf32>,
      %mul3A_540 = arith.mulf %get3A_162, %get3A_539 : vector<16xf32>
      %get3A_541 = arith.index_cast %scan3A_160 : i32 to index
      %get3A_542 = arith.constant 496 : index
      %get3A_543 = tpu.vector_load %arg13[%get3A_541, %get3A_542] {strides = array<i32>} : memref<64x768xf32, #tpu.memory_space<vmem>>, vector<16xf32>,
      %mul3A_544 = arith.mulf %get3A_165, %get3A_543 : vector<16xf32>
      %add3A_545 = arith.addf %mul3A_540, %mul3A_544 : vector<16xf32>
      %swap3A_546 = arith.index_cast %scan3A_160 : i32 to index
      %swap3A_547 = arith.constant 496 : index
      %swap3A_548 = tpu.vector_load %arg12[%swap3A_546, %swap3A_547] {strides = array<i32>} : memref<64x768xf32, #tpu.memory_space<vmem>>, vector<16xf32>,
      tpu.vector_store %arg12[%swap3A_546, %swap3A_547], %add3A_545 {strides = array<i32>} : memref<64x768xf32, #tpu.memory_space<vmem>>, vector<16xf32>,
      %get3A_549 = arith.index_cast %scan3A_160 : i32 to index
      %get3A_550 = arith.constant 512 : index
      %get3A_551 = tpu.vector_load %arg12[%get3A_549, %get3A_550] {strides = array<i32>} : memref<64x768xf32, #tpu.memory_space<vmem>>, vector<16xf32>,
      %mul3A_552 = arith.mulf %get3A_162, %get3A_551 : vector<16xf32>
      %get3A_553 = arith.index_cast %scan3A_160 : i32 to index
      %get3A_554 = arith.constant 512 : index
      %get3A_555 = tpu.vector_load %arg13[%get3A_553, %get3A_554] {strides = array<i32>} : memref<64x768xf32, #tpu.memory_space<vmem>>, vector<16xf32>,
      %mul3A_556 = arith.mulf %get3A_165, %get3A_555 : vector<16xf32>
      %add3A_557 = arith.addf %mul3A_552, %mul3A_556 : vector<16xf32>
      %swap3A_558 = arith.index_cast %scan3A_160 : i32 to index
      %swap3A_559 = arith.constant 512 : index
      %swap3A_560 = tpu.vector_load %arg12[%swap3A_558, %swap3A_559] {strides = array<i32>} : memref<64x768xf32, #tpu.memory_space<vmem>>, vector<16xf32>,
      tpu.vector_store %arg12[%swap3A_558, %swap3A_559], %add3A_557 {strides = array<i32>} : memref<64x768xf32, #tpu.memory_space<vmem>>, vector<16xf32>,
      %get3A_561 = arith.index_cast %scan3A_160 : i32 to index
      %get3A_562 = arith.constant 528 : index
      %get3A_563 = tpu.vector_load %arg12[%get3A_561, %get3A_562] {strides = array<i32>} : memref<64x768xf32, #tpu.memory_space<vmem>>, vector<16xf32>,
      %mul3A_564 = arith.mulf %get3A_162, %get3A_563 : vector<16xf32>
      %get3A_565 = arith.index_cast %scan3A_160 : i32 to index
      %get3A_566 = arith.constant 528 : index
      %get3A_567 = tpu.vector_load %arg13[%get3A_565, %get3A_566] {strides = array<i32>} : memref<64x768xf32, #tpu.memory_space<vmem>>, vector<16xf32>,
      %mul3A_568 = arith.mulf %get3A_165, %get3A_567 : vector<16xf32>
      %add3A_569 = arith.addf %mul3A_564, %mul3A_568 : vector<16xf32>
      %swap3A_570 = arith.index_cast %scan3A_160 : i32 to index
      %swap3A_571 = arith.constant 528 : index
      %swap3A_572 = tpu.vector_load %arg12[%swap3A_570, %swap3A_571] {strides = array<i32>} : memref<64x768xf32, #tpu.memory_space<vmem>>, vector<16xf32>,
      tpu.vector_store %arg12[%swap3A_570, %swap3A_571], %add3A_569 {strides = array<i32>} : memref<64x768xf32, #tpu.memory_space<vmem>>, vector<16xf32>,
      %get3A_573 = arith.index_cast %scan3A_160 : i32 to index
      %get3A_574 = arith.constant 544 : index
      %get3A_575 = tpu.vector_load %arg12[%get3A_573, %get3A_574] {strides = array<i32>} : memref<64x768xf32, #tpu.memory_space<vmem>>, vector<16xf32>,
      %mul3A_576 = arith.mulf %get3A_162, %get3A_575 : vector<16xf32>
      %get3A_577 = arith.index_cast %scan3A_160 : i32 to index
      %get3A_578 = arith.constant 544 : index
      %get3A_579 = tpu.vector_load %arg13[%get3A_577, %get3A_578] {strides = array<i32>} : memref<64x768xf32, #tpu.memory_space<vmem>>, vector<16xf32>,
      %mul3A_580 = arith.mulf %get3A_165, %get3A_579 : vector<16xf32>
      %add3A_581 = arith.addf %mul3A_576, %mul3A_580 : vector<16xf32>
      %swap3A_582 = arith.index_cast %scan3A_160 : i32 to index
      %swap3A_583 = arith.constant 544 : index
      %swap3A_584 = tpu.vector_load %arg12[%swap3A_582, %swap3A_583] {strides = array<i32>} : memref<64x768xf32, #tpu.memory_space<vmem>>, vector<16xf32>,
      tpu.vector_store %arg12[%swap3A_582, %swap3A_583], %add3A_581 {strides = array<i32>} : memref<64x768xf32, #tpu.memory_space<vmem>>, vector<16xf32>,
      %get3A_585 = arith.index_cast %scan3A_160 : i32 to index
      %get3A_586 = arith.constant 560 : index
      %get3A_587 = tpu.vector_load %arg12[%get3A_585, %get3A_586] {strides = array<i32>} : memref<64x768xf32, #tpu.memory_space<vmem>>, vector<16xf32>,
      %mul3A_588 = arith.mulf %get3A_162, %get3A_587 : vector<16xf32>
      %get3A_589 = arith.index_cast %scan3A_160 : i32 to index
      %get3A_590 = arith.constant 560 : index
      %get3A_591 = tpu.vector_load %arg13[%get3A_589, %get3A_590] {strides = array<i32>} : memref<64x768xf32, #tpu.memory_space<vmem>>, vector<16xf32>,
      %mul3A_592 = arith.mulf %get3A_165, %get3A_591 : vector<16xf32>
      %add3A_593 = arith.addf %mul3A_588, %mul3A_592 : vector<16xf32>
      %swap3A_594 = arith.index_cast %scan3A_160 : i32 to index
      %swap3A_595 = arith.constant 560 : index
      %swap3A_596 = tpu.vector_load %arg12[%swap3A_594, %swap3A_595] {strides = array<i32>} : memref<64x768xf32, #tpu.memory_space<vmem>>, vector<16xf32>,
      tpu.vector_store %arg12[%swap3A_594, %swap3A_595], %add3A_593 {strides = array<i32>} : memref<64x768xf32, #tpu.memory_space<vmem>>, vector<16xf32>,
      %get3A_597 = arith.index_cast %scan3A_160 : i32 to index
      %get3A_598 = arith.constant 576 : index
      %get3A_599 = tpu.vector_load %arg12[%get3A_597, %get3A_598] {strides = array<i32>} : memref<64x768xf32, #tpu.memory_space<vmem>>, vector<16xf32>,
      %mul3A_600 = arith.mulf %get3A_162, %get3A_599 : vector<16xf32>
      %get3A_601 = arith.index_cast %scan3A_160 : i32 to index
      %get3A_602 = arith.constant 576 : index
      %get3A_603 = tpu.vector_load %arg13[%get3A_601, %get3A_602] {strides = array<i32>} : memref<64x768xf32, #tpu.memory_space<vmem>>, vector<16xf32>,
      %mul3A_604 = arith.mulf %get3A_165, %get3A_603 : vector<16xf32>
      %add3A_605 = arith.addf %mul3A_600, %mul3A_604 : vector<16xf32>
      %swap3A_606 = arith.index_cast %scan3A_160 : i32 to index
      %swap3A_607 = arith.constant 576 : index
      %swap3A_608 = tpu.vector_load %arg12[%swap3A_606, %swap3A_607] {strides = array<i32>} : memref<64x768xf32, #tpu.memory_space<vmem>>, vector<16xf32>,
      tpu.vector_store %arg12[%swap3A_606, %swap3A_607], %add3A_605 {strides = array<i32>} : memref<64x768xf32, #tpu.memory_space<vmem>>, vector<16xf32>,
      %get3A_609 = arith.index_cast %scan3A_160 : i32 to index
      %get3A_610 = arith.constant 592 : index
      %get3A_611 = tpu.vector_load %arg12[%get3A_609, %get3A_610] {strides = array<i32>} : memref<64x768xf32, #tpu.memory_space<vmem>>, vector<16xf32>,
      %mul3A_612 = arith.mulf %get3A_162, %get3A_611 : vector<16xf32>
      %get3A_613 = arith.index_cast %scan3A_160 : i32 to index
      %get3A_614 = arith.constant 592 : index
      %get3A_615 = tpu.vector_load %arg13[%get3A_613, %get3A_614] {strides = array<i32>} : memref<64x768xf32, #tpu.memory_space<vmem>>, vector<16xf32>,
      %mul3A_616 = arith.mulf %get3A_165, %get3A_615 : vector<16xf32>
      %add3A_617 = arith.addf %mul3A_612, %mul3A_616 : vector<16xf32>
      %swap3A_618 = arith.index_cast %scan3A_160 : i32 to index
      %swap3A_619 = arith.constant 592 : index
      %swap3A_620 = tpu.vector_load %arg12[%swap3A_618, %swap3A_619] {strides = array<i32>} : memref<64x768xf32, #tpu.memory_space<vmem>>, vector<16xf32>,
      tpu.vector_store %arg12[%swap3A_618, %swap3A_619], %add3A_617 {strides = array<i32>} : memref<64x768xf32, #tpu.memory_space<vmem>>, vector<16xf32>,
      %get3A_621 = arith.index_cast %scan3A_160 : i32 to index
      %get3A_622 = arith.constant 608 : index
      %get3A_623 = tpu.vector_load %arg12[%get3A_621, %get3A_622] {strides = array<i32>} : memref<64x768xf32, #tpu.memory_space<vmem>>, vector<16xf32>,
      %mul3A_624 = arith.mulf %get3A_162, %get3A_623 : vector<16xf32>
      %get3A_625 = arith.index_cast %scan3A_160 : i32 to index
      %get3A_626 = arith.constant 608 : index
      %get3A_627 = tpu.vector_load %arg13[%get3A_625, %get3A_626] {strides = array<i32>} : memref<64x768xf32, #tpu.memory_space<vmem>>, vector<16xf32>,
      %mul3A_628 = arith.mulf %get3A_165, %get3A_627 : vector<16xf32>
      %add3A_629 = arith.addf %mul3A_624, %mul3A_628 : vector<16xf32>
      %swap3A_630 = arith.index_cast %scan3A_160 : i32 to index
      %swap3A_631 = arith.constant 608 : index
      %swap3A_632 = tpu.vector_load %arg12[%swap3A_630, %swap3A_631] {strides = array<i32>} : memref<64x768xf32, #tpu.memory_space<vmem>>, vector<16xf32>,
      tpu.vector_store %arg12[%swap3A_630, %swap3A_631], %add3A_629 {strides = array<i32>} : memref<64x768xf32, #tpu.memory_space<vmem>>, vector<16xf32>,
      %get3A_633 = arith.index_cast %scan3A_160 : i32 to index
      %get3A_634 = arith.constant 624 : index
      %get3A_635 = tpu.vector_load %arg12[%get3A_633, %get3A_634] {strides = array<i32>} : memref<64x768xf32, #tpu.memory_space<vmem>>, vector<16xf32>,
      %mul3A_636 = arith.mulf %get3A_162, %get3A_635 : vector<16xf32>
      %get3A_637 = arith.index_cast %scan3A_160 : i32 to index
      %get3A_638 = arith.constant 624 : index
      %get3A_639 = tpu.vector_load %arg13[%get3A_637, %get3A_638] {strides = array<i32>} : memref<64x768xf32, #tpu.memory_space<vmem>>, vector<16xf32>,
      %mul3A_640 = arith.mulf %get3A_165, %get3A_639 : vector<16xf32>
      %add3A_641 = arith.addf %mul3A_636, %mul3A_640 : vector<16xf32>
      %swap3A_642 = arith.index_cast %scan3A_160 : i32 to index
      %swap3A_643 = arith.constant 624 : index
      %swap3A_644 = tpu.vector_load %arg12[%swap3A_642, %swap3A_643] {strides = array<i32>} : memref<64x768xf32, #tpu.memory_space<vmem>>, vector<16xf32>,
      tpu.vector_store %arg12[%swap3A_642, %swap3A_643], %add3A_641 {strides = array<i32>} : memref<64x768xf32, #tpu.memory_space<vmem>>, vector<16xf32>,
      %get3A_645 = arith.index_cast %scan3A_160 : i32 to index
      %get3A_646 = arith.constant 640 : index
      %get3A_647 = tpu.vector_load %arg12[%get3A_645, %get3A_646] {strides = array<i32>} : memref<64x768xf32, #tpu.memory_space<vmem>>, vector<16xf32>,
      %mul3A_648 = arith.mulf %get3A_162, %get3A_647 : vector<16xf32>
      %get3A_649 = arith.index_cast %scan3A_160 : i32 to index
      %get3A_650 = arith.constant 640 : index
      %get3A_651 = tpu.vector_load %arg13[%get3A_649, %get3A_650] {strides = array<i32>} : memref<64x768xf32, #tpu.memory_space<vmem>>, vector<16xf32>,
      %mul3A_652 = arith.mulf %get3A_165, %get3A_651 : vector<16xf32>
      %add3A_653 = arith.addf %mul3A_648, %mul3A_652 : vector<16xf32>
      %swap3A_654 = arith.index_cast %scan3A_160 : i32 to index
      %swap3A_655 = arith.constant 640 : index
      %swap3A_656 = tpu.vector_load %arg12[%swap3A_654, %swap3A_655] {strides = array<i32>} : memref<64x768xf32, #tpu.memory_space<vmem>>, vector<16xf32>,
      tpu.vector_store %arg12[%swap3A_654, %swap3A_655], %add3A_653 {strides = array<i32>} : memref<64x768xf32, #tpu.memory_space<vmem>>, vector<16xf32>,
      %get3A_657 = arith.index_cast %scan3A_160 : i32 to index
      %get3A_658 = arith.constant 656 : index
      %get3A_659 = tpu.vector_load %arg12[%get3A_657, %get3A_658] {strides = array<i32>} : memref<64x768xf32, #tpu.memory_space<vmem>>, vector<16xf32>,
      %mul3A_660 = arith.mulf %get3A_162, %get3A_659 : vector<16xf32>
      %get3A_661 = arith.index_cast %scan3A_160 : i32 to index
      %get3A_662 = arith.constant 656 : index
      %get3A_663 = tpu.vector_load %arg13[%get3A_661, %get3A_662] {strides = array<i32>} : memref<64x768xf32, #tpu.memory_space<vmem>>, vector<16xf32>,
      %mul3A_664 = arith.mulf %get3A_165, %get3A_663 : vector<16xf32>
      %add3A_665 = arith.addf %mul3A_660, %mul3A_664 : vector<16xf32>
      %swap3A_666 = arith.index_cast %scan3A_160 : i32 to index
      %swap3A_667 = arith.constant 656 : index
      %swap3A_668 = tpu.vector_load %arg12[%swap3A_666, %swap3A_667] {strides = array<i32>} : memref<64x768xf32, #tpu.memory_space<vmem>>, vector<16xf32>,
      tpu.vector_store %arg12[%swap3A_666, %swap3A_667], %add3A_665 {strides = array<i32>} : memref<64x768xf32, #tpu.memory_space<vmem>>, vector<16xf32>,
      %get3A_669 = arith.index_cast %scan3A_160 : i32 to index
      %get3A_670 = arith.constant 672 : index
      %get3A_671 = tpu.vector_load %arg12[%get3A_669, %get3A_670] {strides = array<i32>} : memref<64x768xf32, #tpu.memory_space<vmem>>, vector<16xf32>,
      %mul3A_672 = arith.mulf %get3A_162, %get3A_671 : vector<16xf32>
      %get3A_673 = arith.index_cast %scan3A_160 : i32 to index
      %get3A_674 = arith.constant 672 : index
      %get3A_675 = tpu.vector_load %arg13[%get3A_673, %get3A_674] {strides = array<i32>} : memref<64x768xf32, #tpu.memory_space<vmem>>, vector<16xf32>,
      %mul3A_676 = arith.mulf %get3A_165, %get3A_675 : vector<16xf32>
      %add3A_677 = arith.addf %mul3A_672, %mul3A_676 : vector<16xf32>
      %swap3A_678 = arith.index_cast %scan3A_160 : i32 to index
      %swap3A_679 = arith.constant 672 : index
      %swap3A_680 = tpu.vector_load %arg12[%swap3A_678, %swap3A_679] {strides = array<i32>} : memref<64x768xf32, #tpu.memory_space<vmem>>, vector<16xf32>,
      tpu.vector_store %arg12[%swap3A_678, %swap3A_679], %add3A_677 {strides = array<i32>} : memref<64x768xf32, #tpu.memory_space<vmem>>, vector<16xf32>,
      %get3A_681 = arith.index_cast %scan3A_160 : i32 to index
      %get3A_682 = arith.constant 688 : index
      %get3A_683 = tpu.vector_load %arg12[%get3A_681, %get3A_682] {strides = array<i32>} : memref<64x768xf32, #tpu.memory_space<vmem>>, vector<16xf32>,
      %mul3A_684 = arith.mulf %get3A_162, %get3A_683 : vector<16xf32>
      %get3A_685 = arith.index_cast %scan3A_160 : i32 to index
      %get3A_686 = arith.constant 688 : index
      %get3A_687 = tpu.vector_load %arg13[%get3A_685, %get3A_686] {strides = array<i32>} : memref<64x768xf32, #tpu.memory_space<vmem>>, vector<16xf32>,
      %mul3A_688 = arith.mulf %get3A_165, %get3A_687 : vector<16xf32>
      %add3A_689 = arith.addf %mul3A_684, %mul3A_688 : vector<16xf32>
      %swap3A_690 = arith.index_cast %scan3A_160 : i32 to index
      %swap3A_691 = arith.constant 688 : index
      %swap3A_692 = tpu.vector_load %arg12[%swap3A_690, %swap3A_691] {strides = array<i32>} : memref<64x768xf32, #tpu.memory_space<vmem>>, vector<16xf32>,
      tpu.vector_store %arg12[%swap3A_690, %swap3A_691], %add3A_689 {strides = array<i32>} : memref<64x768xf32, #tpu.memory_space<vmem>>, vector<16xf32>,
      %get3A_693 = arith.index_cast %scan3A_160 : i32 to index
      %get3A_694 = arith.constant 704 : index
      %get3A_695 = tpu.vector_load %arg12[%get3A_693, %get3A_694] {strides = array<i32>} : memref<64x768xf32, #tpu.memory_space<vmem>>, vector<16xf32>,
      %mul3A_696 = arith.mulf %get3A_162, %get3A_695 : vector<16xf32>
      %get3A_697 = arith.index_cast %scan3A_160 : i32 to index
      %get3A_698 = arith.constant 704 : index
      %get3A_699 = tpu.vector_load %arg13[%get3A_697, %get3A_698] {strides = array<i32>} : memref<64x768xf32, #tpu.memory_space<vmem>>, vector<16xf32>,
      %mul3A_700 = arith.mulf %get3A_165, %get3A_699 : vector<16xf32>
      %add3A_701 = arith.addf %mul3A_696, %mul3A_700 : vector<16xf32>
      %swap3A_702 = arith.index_cast %scan3A_160 : i32 to index
      %swap3A_703 = arith.constant 704 : index
      %swap3A_704 = tpu.vector_load %arg12[%swap3A_702, %swap3A_703] {strides = array<i32>} : memref<64x768xf32, #tpu.memory_space<vmem>>, vector<16xf32>,
      tpu.vector_store %arg12[%swap3A_702, %swap3A_703], %add3A_701 {strides = array<i32>} : memref<64x768xf32, #tpu.memory_space<vmem>>, vector<16xf32>,
      %get3A_705 = arith.index_cast %scan3A_160 : i32 to index
      %get3A_706 = arith.constant 720 : index
      %get3A_707 = tpu.vector_load %arg12[%get3A_705, %get3A_706] {strides = array<i32>} : memref<64x768xf32, #tpu.memory_space<vmem>>, vector<16xf32>,
      %mul3A_708 = arith.mulf %get3A_162, %get3A_707 : vector<16xf32>
      %get3A_709 = arith.index_cast %scan3A_160 : i32 to index
      %get3A_710 = arith.constant 720 : index
      %get3A_711 = tpu.vector_load %arg13[%get3A_709, %get3A_710] {strides = array<i32>} : memref<64x768xf32, #tpu.memory_space<vmem>>, vector<16xf32>,
      %mul3A_712 = arith.mulf %get3A_165, %get3A_711 : vector<16xf32>
      %add3A_713 = arith.addf %mul3A_708, %mul3A_712 : vector<16xf32>
      %swap3A_714 = arith.index_cast %scan3A_160 : i32 to index
      %swap3A_715 = arith.constant 720 : index
      %swap3A_716 = tpu.vector_load %arg12[%swap3A_714, %swap3A_715] {strides = array<i32>} : memref<64x768xf32, #tpu.memory_space<vmem>>, vector<16xf32>,
      tpu.vector_store %arg12[%swap3A_714, %swap3A_715], %add3A_713 {strides = array<i32>} : memref<64x768xf32, #tpu.memory_space<vmem>>, vector<16xf32>,
      %get3A_717 = arith.index_cast %scan3A_160 : i32 to index
      %get3A_718 = arith.constant 736 : index
      %get3A_719 = tpu.vector_load %arg12[%get3A_717, %get3A_718] {strides = array<i32>} : memref<64x768xf32, #tpu.memory_space<vmem>>, vector<16xf32>,
      %mul3A_720 = arith.mulf %get3A_162, %get3A_719 : vector<16xf32>
      %get3A_721 = arith.index_cast %scan3A_160 : i32 to index
      %get3A_722 = arith.constant 736 : index
      %get3A_723 = tpu.vector_load %arg13[%get3A_721, %get3A_722] {strides = array<i32>} : memref<64x768xf32, #tpu.memory_space<vmem>>, vector<16xf32>,
      %mul3A_724 = arith.mulf %get3A_165, %get3A_723 : vector<16xf32>
      %add3A_725 = arith.addf %mul3A_720, %mul3A_724 : vector<16xf32>
      %swap3A_726 = arith.index_cast %scan3A_160 : i32 to index
      %swap3A_727 = arith.constant 736 : index
      %swap3A_728 = tpu.vector_load %arg12[%swap3A_726, %swap3A_727] {strides = array<i32>} : memref<64x768xf32, #tpu.memory_space<vmem>>, vector<16xf32>,
      tpu.vector_store %arg12[%swap3A_726, %swap3A_727], %add3A_725 {strides = array<i32>} : memref<64x768xf32, #tpu.memory_space<vmem>>, vector<16xf32>,
      %get3A_729 = arith.index_cast %scan3A_160 : i32 to index
      %get3A_730 = arith.constant 752 : index
      %get3A_731 = tpu.vector_load %arg12[%get3A_729, %get3A_730] {strides = array<i32>} : memref<64x768xf32, #tpu.memory_space<vmem>>, vector<16xf32>,
      %mul3A_732 = arith.mulf %get3A_162, %get3A_731 : vector<16xf32>
      %get3A_733 = arith.index_cast %scan3A_160 : i32 to index
      %get3A_734 = arith.constant 752 : index
      %get3A_735 = tpu.vector_load %arg13[%get3A_733, %get3A_734] {strides = array<i32>} : memref<64x768xf32, #tpu.memory_space<vmem>>, vector<16xf32>,
      %mul3A_736 = arith.mulf %get3A_165, %get3A_735 : vector<16xf32>
      %add3A_737 = arith.addf %mul3A_732, %mul3A_736 : vector<16xf32>
      %swap3A_738 = arith.index_cast %scan3A_160 : i32 to index
      %swap3A_739 = arith.constant 752 : index
      %swap3A_740 = tpu.vector_load %arg12[%swap3A_738, %swap3A_739] {strides = array<i32>} : memref<64x768xf32, #tpu.memory_space<vmem>>, vector<16xf32>,
      tpu.vector_store %arg12[%swap3A_738, %swap3A_739], %add3A_737 {strides = array<i32>} : memref<64x768xf32, #tpu.memory_space<vmem>>, vector<16xf32>,
    }
    %scan3A_144 = arith.constant 32 : i32
    %dma_wait3A_145 = arith.constant 0 : i32
    %dma_wait3A_146 = arith.constant 0 : i32
    %dma_wait3A_147 = arith.constant 0 : i32
    %dma_wait3A_148 = tpu.memref_slice %arg12[%dma_wait3A_146, %dma_wait3A_147] : memref<64x768xf32, #tpu.memory_space<vmem>> -> memref<32x768xf32, #tpu.memory_space<vmem>>
    %dma_wait3A_149 = arith.constant 0 : i32
    %dma_wait3A_150 = tpu.memref_slice %arg7[%mul3A_2, %dma_wait3A_149] : memref<2048x768xf32, #tpu.memory_space<hbm>> -> memref<32x768xf32, #tpu.memory_space<hbm>>
    %dma_wait3A_151 = tpu.memref_slice %arg14[%dma_wait3A_145] : memref<2x!tpu.dma_semaphore, #tpu.memory_space<semaphore_mem>> -> memref<1x!tpu.dma_semaphore, #tpu.memory_space<semaphore_mem>>
    %dma_wait3A_152 = tpu.memref_squeeze %dma_wait3A_151 : memref<1x!tpu.dma_semaphore, #tpu.memory_space<semaphore_mem>> -> memref<!tpu.dma_semaphore, #tpu.memory_space<semaphore_mem>>
    %dma_wait3A_153 = arith.constant 0 : i32
    %dma_wait3A_154 = tpu.memref_slice %arg7[%mul3A_2, %dma_wait3A_153] : memref<2048x768xf32, #tpu.memory_space<hbm>> -> memref<32x768xf32, #tpu.memory_space<hbm>>
    %dma_wait3A_155 = arith.constant 0 : i32
    %dma_wait3A_156 = arith.constant 0 : i32
    %dma_wait3A_157 = tpu.memref_slice %arg12[%dma_wait3A_155, %dma_wait3A_156] : memref<64x768xf32, #tpu.memory_space<vmem>> -> memref<32x768xf32, #tpu.memory_space<vmem>>
    tpu.wait_dma2 semaphore(%dma_wait3A_152 : memref<!tpu.dma_semaphore, #tpu.memory_space<semaphore_mem>>) src(%dma_wait3A_157 : memref<32x768xf32, #tpu.memory_space<vmem>>) dst(%dma_wait3A_154 : memref<32x768xf32, #tpu.memory_space<hbm>>)
    %add3A_158 = arith.constant 32 : i32
    %add3A_159 = arith.addi %mul3A_2, %add3A_158 : i32
    "tpu.region"() ({
      %run_scoped3A = tpu.sem_alloc : memref<!tpu.dma_semaphore, #tpu.memory_space<semaphore_mem>>
      %dma_start3A_160 = arith.constant 32 : i32
      %dma_start3A_161 = arith.constant 0 : i32
      %dma_start3A_162 = tpu.memref_slice %arg12[%dma_start3A_160, %dma_start3A_161] : memref<64x768xf32, #tpu.memory_space<vmem>> -> memref<32x768xf32, #tpu.memory_space<vmem>>
      %dma_start3A_163 = arith.constant 0 : i32
      %dma_start3A_164 = tpu.memref_slice %arg7[%add3A_159, %dma_start3A_163] : memref<2048x768xf32, #tpu.memory_space<hbm>> -> memref<32x768xf32, #tpu.memory_space<hbm>>
      %dma_start3A_165 = arith.constant 0 : i32
      %dma_start3A_166 = tpu.memref_slice %arg7[%add3A_159, %dma_start3A_165] : memref<2048x768xf32, #tpu.memory_space<hbm>> -> memref<32x768xf32, #tpu.memory_space<hbm>>
      %dma_start3A_167 = arith.constant 32 : i32
      %dma_start3A_168 = arith.constant 0 : i32
      %dma_start3A_169 = tpu.memref_slice %arg12[%dma_start3A_167, %dma_start3A_168] : memref<64x768xf32, #tpu.memory_space<vmem>> -> memref<32x768xf32, #tpu.memory_space<vmem>>
      tpu.enqueue_dma source(%dma_start3A_169 : memref<32x768xf32, #tpu.memory_space<vmem>>) target(%dma_start3A_166 : memref<32x768xf32, #tpu.memory_space<hbm>>) target_semaphore(%run_scoped3A : memref<!tpu.dma_semaphore, #tpu.memory_space<semaphore_mem>>)
      %dma_wait3A_170 = arith.constant 32 : i32
      %dma_wait3A_171 = arith.constant 0 : i32
      %dma_wait3A_172 = tpu.memref_slice %arg12[%dma_wait3A_170, %dma_wait3A_171] : memref<64x768xf32, #tpu.memory_space<vmem>> -> memref<32x768xf32, #tpu.memory_space<vmem>>
      %dma_wait3A_173 = arith.constant 0 : i32
      %dma_wait3A_174 = tpu.memref_slice %arg7[%add3A_159, %dma_wait3A_173] : memref<2048x768xf32, #tpu.memory_space<hbm>> -> memref<32x768xf32, #tpu.memory_space<hbm>>
      %dma_wait3A_175 = arith.constant 0 : i32
      %dma_wait3A_176 = tpu.memref_slice %arg7[%add3A_159, %dma_wait3A_175] : memref<2048x768xf32, #tpu.memory_space<hbm>> -> memref<32x768xf32, #tpu.memory_space<hbm>>
      %dma_wait3A_177 = arith.constant 32 : i32
      %dma_wait3A_178 = arith.constant 0 : i32
      %dma_wait3A_179 = tpu.memref_slice %arg12[%dma_wait3A_177, %dma_wait3A_178] : memref<64x768xf32, #tpu.memory_space<vmem>> -> memref<32x768xf32, #tpu.memory_space<vmem>>
      tpu.wait_dma2 semaphore(%run_scoped3A : memref<!tpu.dma_semaphore, #tpu.memory_space<semaphore_mem>>) src(%dma_wait3A_179 : memref<32x768xf32, #tpu.memory_space<vmem>>) dst(%dma_wait3A_176 : memref<32x768xf32, #tpu.memory_space<hbm>>)
      tpu.yield
    }) : () -> ()
    return
  }
}

module attributes {stable_mosaic.version = 14 : i64} {
  func.func @_router_body(%arg0: memref<2048x768xf32, #tpu.memory_space<vmem>>, %arg1: memref<8x768xf32, #tpu.memory_space<vmem>>, %arg2: memref<8x256xi32, #tpu.memory_space<vmem>>, %arg3: memref<8x256xi32, #tpu.memory_space<vmem>>, %arg4: memref<2048x16xf32, #tpu.memory_space<vmem>>, %arg5: memref<2048x16xf32, #tpu.memory_space<vmem>>, %arg6: memref<32x8xi32, #tpu.memory_space<vmem>>, %arg7: memref<2048x384xi32, #tpu.memory_space<vmem>>) attributes {dimension_semantics = [], scalar_prefetch = 0 : i64, scratch_operands = 0 : i64, tpu.core_type = #tpu.core_type<tc>} {
    %get3A = arith.constant 0 : index
    %get3A_0 = arith.constant 0 : index
    %get3A_1 = vector.load %arg0[%get3A, %get3A_0] : memref<2048x768xf32, #tpu.memory_space<vmem>>, vector<2048x768xf32>
    %get3A_2 = arith.constant 0 : index
    %get3A_3 = arith.constant 0 : index
    %get3A_4 = vector.load %arg1[%get3A_2, %get3A_3] : memref<8x768xf32, #tpu.memory_space<vmem>>, vector<8x768xf32>
    %dot_general3A = arith.constant dense<0.000000e+00> : vector<2048x8xf32>
    %dot_general3A_5 = tpu.matmul %get3A_1, %get3A_4, %dot_general3A {dimension_numbers = #tpu.dot_dimension_numbers<[1], [1], [0], [0], [0, 0, 1, 0], [], []>, transpose_lhs_hint = false} : vector<2048x768xf32>, vector<8x768xf32>, vector<2048x8xf32> -> vector<2048x8xf32>
    %iota3A = tpu.iota {dimensions = array<i32: 1>} : vector<2048x8xi32>
    %reduce_max3A = arith.constant dense<0xFF800000> : vector<2048xf32>
    %reduce_max3A_6 = vector.multi_reduction <maximumf>, %dot_general3A_5, %reduce_max3A [1] : vector<2048x8xf32> to vector<2048xf32>
    %broadcast_in_dim3A = vector.shape_cast %reduce_max3A_6 : vector<2048xf32> to vector<2048x1xf32>
    %eq3A = vector.broadcast %broadcast_in_dim3A : vector<2048x1xf32> to vector<2048x8xf32>
    %eq3A_7 = arith.cmpf oeq, %dot_general3A_5, %eq3A : vector<2048x8xf32>
    %jit3A = arith.constant 8 : i32
    %broadcast_in_dim3A_8 = vector.broadcast %jit3A : i32 to vector<2048x8xi32>
    %select_n3A = arith.select %eq3A_7, %iota3A, %broadcast_in_dim3A_8 : vector<2048x8xi1>, vector<2048x8xi32>
    %reduce_min3A = arith.constant dense<2147483647> : vector<2048xi32>
    %reduce_min3A_9 = vector.multi_reduction <minsi>, %select_n3A, %reduce_min3A [1] : vector<2048x8xi32> to vector<2048xi32>
    %broadcast_in_dim3A_10 = vector.shape_cast %reduce_min3A_9 : vector<2048xi32> to vector<2048x1xi32>
    %eq3A_11 = vector.broadcast %broadcast_in_dim3A_10 : vector<2048x1xi32> to vector<2048x8xi32>
    %eq3A_12 = arith.cmpi eq, %iota3A, %eq3A_11 : vector<2048x8xi32>
    %jit3A_13 = arith.constant 0xFF800000 : f32
    %broadcast_in_dim3A_14 = vector.broadcast %jit3A_13 : f32 to vector<2048x8xf32>
    %select_n3A_15 = arith.select %eq3A_12, %broadcast_in_dim3A_14, %dot_general3A_5 : vector<2048x8xi1>, vector<2048x8xf32>
    %reduce_max3A_16 = arith.constant dense<0xFF800000> : vector<2048xf32>
    %reduce_max3A_17 = vector.multi_reduction <maximumf>, %select_n3A_15, %reduce_max3A_16 [1] : vector<2048x8xf32> to vector<2048xf32>
    %broadcast_in_dim3A_18 = vector.shape_cast %reduce_max3A_17 : vector<2048xf32> to vector<2048x1xf32>
    %eq3A_19 = vector.broadcast %broadcast_in_dim3A_18 : vector<2048x1xf32> to vector<2048x8xf32>
    %eq3A_20 = arith.cmpf oeq, %select_n3A_15, %eq3A_19 : vector<2048x8xf32>
    %jit3A_21 = arith.constant 8 : i32
    %broadcast_in_dim3A_22 = vector.broadcast %jit3A_21 : i32 to vector<2048x8xi32>
    %select_n3A_23 = arith.select %eq3A_20, %iota3A, %broadcast_in_dim3A_22 : vector<2048x8xi1>, vector<2048x8xi32>
    %reduce_min3A_24 = arith.constant dense<2147483647> : vector<2048xi32>
    %reduce_min3A_25 = vector.multi_reduction <minsi>, %select_n3A_23, %reduce_min3A_24 [1] : vector<2048x8xi32> to vector<2048xi32>
    %broadcast_in_dim3A_26 = vector.shape_cast %reduce_min3A_25 : vector<2048xi32> to vector<2048x1xi32>
    %sub3A = arith.subf %broadcast_in_dim3A_18, %broadcast_in_dim3A : vector<2048x1xf32>
    %exp3A = math.exp %sub3A : vector<2048x1xf32>
    %add3A = arith.constant 1.000000e+00 : f32
    %add3A_27 = vector.broadcast %add3A : f32 to vector<2048x1xf32>
    %add3A_28 = arith.addf %add3A_27, %exp3A : vector<2048x1xf32>
    %div3A = arith.constant 1.000000e+00 : f32
    %div3A_29 = vector.broadcast %div3A : f32 to vector<2048x1xf32>
    %div3A_30 = arith.divf %div3A_29, %add3A_28 : vector<2048x1xf32>
    %sub3A_31 = arith.constant 1.000000e+00 : f32
    %sub3A_32 = vector.broadcast %sub3A_31 : f32 to vector<2048x1xf32>
    %sub3A_33 = arith.subf %sub3A_32, %div3A_30 : vector<2048x1xf32>
    %broadcast_in_dim3A_34 = vector.shape_cast %div3A_30 : vector<2048x1xf32> to vector<2048x1xf32>
    %broadcast_in_dim3A_35 = vector.broadcast %broadcast_in_dim3A_34 : vector<2048x1xf32> to vector<2048x16xf32>
    %swap3A = arith.constant 0 : index
    %swap3A_36 = arith.constant 0 : index
    %swap3A_37 = vector.load %arg4[%swap3A, %swap3A_36] : memref<2048x16xf32, #tpu.memory_space<vmem>>, vector<2048x16xf32>
    tpu.vector_store %arg4[%swap3A, %swap3A_36], %broadcast_in_dim3A_35 {strides = array<i32>} : memref<2048x16xf32, #tpu.memory_space<vmem>>, vector<2048x16xf32>,
    %broadcast_in_dim3A_38 = vector.shape_cast %sub3A_33 : vector<2048x1xf32> to vector<2048x1xf32>
    %broadcast_in_dim3A_39 = vector.broadcast %broadcast_in_dim3A_38 : vector<2048x1xf32> to vector<2048x16xf32>
    %swap3A_40 = arith.constant 0 : index
    %swap3A_41 = arith.constant 0 : index
    %swap3A_42 = vector.load %arg5[%swap3A_40, %swap3A_41] : memref<2048x16xf32, #tpu.memory_space<vmem>>, vector<2048x16xf32>
    tpu.vector_store %arg5[%swap3A_40, %swap3A_41], %broadcast_in_dim3A_39 {strides = array<i32>} : memref<2048x16xf32, #tpu.memory_space<vmem>>, vector<2048x16xf32>,
    %bitcast_convert_type3A = tpu.bitcast %get3A_1 : vector<2048x768xf32> -> vector<2048x768xi32>
    %slice3A = vector.extract_strided_slice %bitcast_convert_type3A {offsets = [0, 0], sizes = [2048, 384], strides = [1, 1]} : vector<2048x768xi32> to vector<2048x384xi32>
    %slice3A_43 = vector.extract_strided_slice %bitcast_convert_type3A {offsets = [0, 384], sizes = [2048, 384], strides = [1, 1]} : vector<2048x768xi32> to vector<2048x384xi32>
    %add3A_44 = arith.constant 32767 : i32
    %add3A_45 = vector.broadcast %add3A_44 : i32 to vector<2048x384xi32>
    %add3A_46 = arith.addi %slice3A, %add3A_45 : vector<2048x384xi32>
    %shift_right_logical3A = arith.constant 16 : i32
    %shift_right_logical3A_47 = vector.broadcast %shift_right_logical3A : i32 to vector<2048x384xi32>
    %shift_right_logical3A_48 = arith.shrui %slice3A, %shift_right_logical3A_47 : vector<2048x384xi32>
    %and3A = arith.constant 1 : i32
    %and3A_49 = vector.broadcast %and3A : i32 to vector<2048x384xi32>
    %and3A_50 = arith.andi %shift_right_logical3A_48, %and3A_49 : vector<2048x384xi32>
    %add3A_51 = arith.addi %add3A_46, %and3A_50 : vector<2048x384xi32>
    %shift_right_logical3A_52 = arith.constant 16 : i32
    %shift_right_logical3A_53 = vector.broadcast %shift_right_logical3A_52 : i32 to vector<2048x384xi32>
    %shift_right_logical3A_54 = arith.shrui %add3A_51, %shift_right_logical3A_53 : vector<2048x384xi32>
    %add3A_55 = arith.constant 32767 : i32
    %add3A_56 = vector.broadcast %add3A_55 : i32 to vector<2048x384xi32>
    %add3A_57 = arith.addi %slice3A_43, %add3A_56 : vector<2048x384xi32>
    %shift_right_logical3A_58 = arith.constant 16 : i32
    %shift_right_logical3A_59 = vector.broadcast %shift_right_logical3A_58 : i32 to vector<2048x384xi32>
    %shift_right_logical3A_60 = arith.shrui %slice3A_43, %shift_right_logical3A_59 : vector<2048x384xi32>
    %and3A_61 = arith.constant 1 : i32
    %and3A_62 = vector.broadcast %and3A_61 : i32 to vector<2048x384xi32>
    %and3A_63 = arith.andi %shift_right_logical3A_60, %and3A_62 : vector<2048x384xi32>
    %add3A_64 = arith.addi %add3A_57, %and3A_63 : vector<2048x384xi32>
    %shift_right_logical3A_65 = arith.constant 16 : i32
    %shift_right_logical3A_66 = vector.broadcast %shift_right_logical3A_65 : i32 to vector<2048x384xi32>
    %shift_right_logical3A_67 = arith.shrui %add3A_64, %shift_right_logical3A_66 : vector<2048x384xi32>
    %shift_left3A = arith.constant 16 : i32
    %shift_left3A_68 = vector.broadcast %shift_left3A : i32 to vector<2048x384xi32>
    %shift_left3A_69 = arith.shli %shift_right_logical3A_67, %shift_left3A_68 : vector<2048x384xi32>
    %or3A = arith.ori %shift_left3A_69, %shift_right_logical3A_54 : vector<2048x384xi32>
    %bitcast_convert_type3A_70 = tpu.bitcast %or3A : vector<2048x384xi32> -> vector<2048x384xi32>
    %swap3A_71 = arith.constant 0 : index
    %swap3A_72 = arith.constant 0 : index
    %swap3A_73 = vector.load %arg7[%swap3A_71, %swap3A_72] : memref<2048x384xi32, #tpu.memory_space<vmem>>, vector<2048x384xi32>
    tpu.vector_store %arg7[%swap3A_71, %swap3A_72], %bitcast_convert_type3A_70 {strides = array<i32>} : memref<2048x384xi32, #tpu.memory_space<vmem>>, vector<2048x384xi32>,
    %eq3A_74 = vector.broadcast %broadcast_in_dim3A_10 : vector<2048x1xi32> to vector<2048x8xi32>
    %eq3A_75 = arith.cmpi eq, %iota3A, %eq3A_74 : vector<2048x8xi32>
    %convert_element_type3A = arith.extui %eq3A_75 : vector<2048x8xi1> to vector<2048x8xi32>
    %convert_element_type3A_76 = arith.sitofp %convert_element_type3A : vector<2048x8xi32> to vector<2048x8xf32>
    %eq3A_77 = vector.broadcast %broadcast_in_dim3A_26 : vector<2048x1xi32> to vector<2048x8xi32>
    %eq3A_78 = arith.cmpi eq, %iota3A, %eq3A_77 : vector<2048x8xi32>
    %convert_element_type3A_79 = arith.extui %eq3A_78 : vector<2048x8xi1> to vector<2048x8xi32>
    %convert_element_type3A_80 = arith.sitofp %convert_element_type3A_79 : vector<2048x8xi32> to vector<2048x8xf32>
    %reduce_sum3A = arith.constant dense<0.000000e+00> : vector<8xf32>
    %reduce_sum3A_81 = vector.multi_reduction <add>, %convert_element_type3A_76, %reduce_sum3A [0] : vector<2048x8xf32> to vector<8xf32>
    %broadcast_in_dim3A_82 = vector.shape_cast %reduce_sum3A_81 : vector<8xf32> to vector<1x8xf32>
    %reduce_sum3A_83 = arith.constant dense<0.000000e+00> : vector<8xf32>
    %reduce_sum3A_84 = vector.multi_reduction <add>, %convert_element_type3A_80, %reduce_sum3A_83 [0] : vector<2048x8xf32> to vector<8xf32>
    %broadcast_in_dim3A_85 = vector.shape_cast %reduce_sum3A_84 : vector<8xf32> to vector<1x8xf32>
    %add3A_86 = arith.addf %broadcast_in_dim3A_82, %broadcast_in_dim3A_85 : vector<1x8xf32>
    %add3A_87 = arith.constant 2.550000e+02 : f32
    %add3A_88 = vector.broadcast %add3A_87 : f32 to vector<1x8xf32>
    %add3A_89 = arith.addf %add3A_86, %add3A_88 : vector<1x8xf32>
    %mul3A = arith.constant 3.906250e-03 : f32
    %mul3A_90 = vector.broadcast %mul3A : f32 to vector<1x8xf32>
    %mul3A_91 = arith.mulf %add3A_89, %mul3A_90 : vector<1x8xf32>
    %floor3A = math.floor %mul3A_91 : vector<1x8xf32>
    %iota3A_92 = tpu.iota {dimensions = array<i32: 0>} : vector<8x8xi32>
    %iota3A_93 = tpu.iota {dimensions = array<i32: 1>} : vector<8x8xi32>
    %le3A = arith.cmpi sle, %iota3A_92, %iota3A_93 : vector<8x8xi32>
    %convert_element_type3A_94 = arith.extui %le3A : vector<8x8xi1> to vector<8x8xi32>
    %convert_element_type3A_95 = arith.sitofp %convert_element_type3A_94 : vector<8x8xi32> to vector<8x8xf32>
    %dot_general3A_96 = arith.constant dense<0.000000e+00> : vector<1x8xf32>
    %dot_general3A_97 = tpu.matmul %floor3A, %convert_element_type3A_95, %dot_general3A_96 {dimension_numbers = #tpu.dot_dimension_numbers<[1], [0], [0], [1], [0, 0, 1, 1], [], []>, transpose_lhs_hint = false} : vector<1x8xf32>, vector<8x8xf32>, vector<1x8xf32> -> vector<1x8xf32>
    %sub3A_98 = arith.subf %dot_general3A_97, %floor3A : vector<1x8xf32>
    %mul3A_99 = arith.constant 2.560000e+02 : f32
    %mul3A_100 = vector.broadcast %mul3A_99 : f32 to vector<1x8xf32>
    %mul3A_101 = arith.mulf %sub3A_98, %mul3A_100 : vector<1x8xf32>
    %iota3A_102 = tpu.iota {dimensions = array<i32: 0>} : vector<32x8xi32>
    %convert_element_type3A_103 = arith.fptosi %dot_general3A_97 : vector<1x8xf32> to vector<1x8xi32>
    %ge3A = vector.broadcast %convert_element_type3A_103 : vector<1x8xi32> to vector<32x8xi32>
    %ge3A_104 = arith.cmpi sge, %iota3A_102, %ge3A : vector<32x8xi32>
    %convert_element_type3A_105 = arith.extui %ge3A_104 : vector<32x8xi1> to vector<32x8xi32>
    %reduce_sum3A_106 = arith.constant dense<0> : vector<32xi32>
    %reduce_sum3A_107 = vector.multi_reduction <add>, %convert_element_type3A_105, %reduce_sum3A_106 [1] : vector<32x8xi32> to vector<32xi32>
    %broadcast_in_dim3A_108 = vector.shape_cast %reduce_sum3A_107 : vector<32xi32> to vector<32x1xi32>
    %sub3A_109 = arith.constant 1 : i32
    %sub3A_110 = vector.broadcast %sub3A_109 : i32 to vector<32x8xi32>
    %sub3A_111 = arith.subi %iota3A_102, %sub3A_110 : vector<32x8xi32>
    %ge3A_112 = vector.broadcast %convert_element_type3A_103 : vector<1x8xi32> to vector<32x8xi32>
    %ge3A_113 = arith.cmpi sge, %sub3A_111, %ge3A_112 : vector<32x8xi32>
    %convert_element_type3A_114 = arith.extui %ge3A_113 : vector<32x8xi1> to vector<32x8xi32>
    %reduce_sum3A_115 = arith.constant dense<0> : vector<32xi32>
    %reduce_sum3A_116 = vector.multi_reduction <add>, %convert_element_type3A_114, %reduce_sum3A_115 [1] : vector<32x8xi32> to vector<32xi32>
    %broadcast_in_dim3A_117 = vector.shape_cast %reduce_sum3A_116 : vector<32xi32> to vector<32x1xi32>
    %min3A = arith.constant 7 : i32
    %min3A_118 = vector.broadcast %min3A : i32 to vector<32x1xi32>
    %min3A_119 = arith.minsi %broadcast_in_dim3A_108, %min3A_118 : vector<32x1xi32>
    %min3A_120 = arith.constant 7 : i32
    %min3A_121 = vector.broadcast %min3A_120 : i32 to vector<32x1xi32>
    %min3A_122 = arith.minsi %broadcast_in_dim3A_117, %min3A_121 : vector<32x1xi32>
    %slice3A_123 = vector.extract_strided_slice %dot_general3A_97 {offsets = [0, 7], sizes = [1, 1], strides = [1, 1]} : vector<1x8xf32> to vector<1x1xf32>
    %iota3A_124 = tpu.iota {dimensions = array<i32: 0>} : vector<32x1xi32>
    %convert_element_type3A_125 = arith.sitofp %iota3A_124 : vector<32x1xi32> to vector<32x1xf32>
    %lt3A = vector.broadcast %slice3A_123 : vector<1x1xf32> to vector<32x1xf32>
    %lt3A_126 = arith.cmpf olt, %convert_element_type3A_125, %lt3A : vector<32x1xf32>
    %convert_element_type3A_127 = arith.extui %lt3A_126 : vector<32x1xi1> to vector<32x1xi32>
    %gt3A = arith.constant 0 : i32
    %gt3A_128 = vector.broadcast %gt3A : i32 to vector<32x1xi32>
    %gt3A_129 = arith.cmpi sgt, %iota3A_124, %gt3A_128 : vector<32x1xi32>
    %ne3A = arith.cmpi ne, %min3A_119, %min3A_122 : vector<32x1xi32>
    %and3A_130 = arith.andi %gt3A_129, %ne3A : vector<32x1xi1>
    %jit3A_131 = arith.constant 1 : i32
    %jit3A_132 = arith.constant 0 : i32
    %broadcast_in_dim3A_133 = vector.broadcast %jit3A_131 : i32 to vector<32x1xi32>
    %broadcast_in_dim3A_134 = vector.broadcast %jit3A_132 : i32 to vector<32x1xi32>
    %select_n3A_135 = arith.select %and3A_130, %broadcast_in_dim3A_133, %broadcast_in_dim3A_134 : vector<32x1xi1>, vector<32x1xi32>
    %mul3A_136 = arith.muli %select_n3A_135, %convert_element_type3A_127 : vector<32x1xi32>
    %iota3A_137 = tpu.iota {dimensions = array<i32: 0>} : vector<32x32xi32>
    %iota3A_138 = tpu.iota {dimensions = array<i32: 1>} : vector<32x32xi32>
    %ge3A_139 = arith.cmpi sge, %iota3A_137, %iota3A_138 : vector<32x32xi32>
    %convert_element_type3A_140 = arith.extui %ge3A_139 : vector<32x32xi1> to vector<32x32xi32>
    %convert_element_type3A_141 = arith.sitofp %convert_element_type3A_140 : vector<32x32xi32> to vector<32x32xf32>
    %convert_element_type3A_142 = arith.sitofp %mul3A_136 : vector<32x1xi32> to vector<32x1xf32>
    %dot_general3A_143 = arith.constant dense<0.000000e+00> : vector<32x1xf32>
    %dot_general3A_144 = tpu.matmul %convert_element_type3A_141, %convert_element_type3A_142, %dot_general3A_143 {dimension_numbers = #tpu.dot_dimension_numbers<[1], [0], [0], [1], [0, 0, 1, 1], [], []>, transpose_lhs_hint = false} : vector<32x32xf32>, vector<32x1xf32>, vector<32x1xf32> -> vector<32x1xf32>
    %mul3A_145 = arith.constant 5.000000e-01 : f32
    %mul3A_146 = vector.broadcast %mul3A_145 : f32 to vector<32x1xf32>
    %mul3A_147 = arith.mulf %dot_general3A_144, %mul3A_146 : vector<32x1xf32>
    %floor3A_148 = math.floor %mul3A_147 : vector<32x1xf32>
    %mul3A_149 = arith.constant 2.000000e+00 : f32
    %mul3A_150 = vector.broadcast %mul3A_149 : f32 to vector<32x1xf32>
    %mul3A_151 = arith.mulf %mul3A_150, %floor3A_148 : vector<32x1xf32>
    %sub3A_152 = arith.subf %dot_general3A_144, %mul3A_151 : vector<32x1xf32>
    %convert_element_type3A_153 = arith.fptosi %sub3A_152 : vector<32x1xf32> to vector<32x1xi32>
    %eq3A_154 = arith.constant 0 : i32
    %eq3A_155 = vector.broadcast %eq3A_154 : i32 to vector<32x1xi32>
    %eq3A_156 = arith.cmpi eq, %iota3A_124, %eq3A_155 : vector<32x1xi32>
    %eq3A_157 = arith.constant 1 : i32
    %eq3A_158 = vector.broadcast %eq3A_157 : i32 to vector<32x1xi32>
    %eq3A_159 = arith.cmpi eq, %mul3A_136, %eq3A_158 : vector<32x1xi32>
    %or3A_160 = arith.ori %eq3A_156, %eq3A_159 : vector<32x1xi1>
    %jit3A_161 = arith.constant 1 : i32
    %jit3A_162 = arith.constant 0 : i32
    %broadcast_in_dim3A_163 = vector.broadcast %jit3A_161 : i32 to vector<32x1xi32>
    %broadcast_in_dim3A_164 = vector.broadcast %jit3A_162 : i32 to vector<32x1xi32>
    %select_n3A_165 = arith.select %or3A_160, %broadcast_in_dim3A_163, %broadcast_in_dim3A_164 : vector<32x1xi1>, vector<32x1xi32>
    %mul3A_166 = arith.muli %select_n3A_165, %convert_element_type3A_127 : vector<32x1xi32>
    %gt3A_167 = arith.constant 5.000000e-01 : f32
    %gt3A_168 = vector.broadcast %gt3A_167 : f32 to vector<1x8xf32>
    %gt3A_169 = arith.cmpf ogt, %floor3A, %gt3A_168 : vector<1x8xf32>
    %broadcast_in_dim3A_170 = vector.shape_cast %gt3A_169 : vector<1x8xi1> to vector<1x8xi1>
    %broadcast_in_dim3A_171 = vector.broadcast %broadcast_in_dim3A_170 : vector<1x8xi1> to vector<32x8xi1>
    %slice3A_172 = vector.extract_strided_slice %iota3A {offsets = [0, 0], sizes = [32, 8], strides = [1, 1]} : vector<2048x8xi32> to vector<32x8xi32>
    %gt3A_173 = vector.broadcast %min3A_119 : vector<32x1xi32> to vector<32x8xi32>
    %gt3A_174 = arith.cmpi sgt, %slice3A_172, %gt3A_173 : vector<32x8xi32>
    %and3A_175 = arith.andi %gt3A_174, %broadcast_in_dim3A_171 : vector<32x8xi1>
    %slice3A_176 = vector.extract_strided_slice %iota3A {offsets = [0, 0], sizes = [32, 8], strides = [1, 1]} : vector<2048x8xi32> to vector<32x8xi32>
    %jit3A_177 = arith.constant 8 : i32
    %broadcast_in_dim3A_178 = vector.broadcast %jit3A_177 : i32 to vector<32x8xi32>
    %select_n3A_179 = arith.select %and3A_175, %slice3A_176, %broadcast_in_dim3A_178 : vector<32x8xi1>, vector<32x8xi32>
    %reduce_min3A_180 = arith.constant dense<2147483647> : vector<32xi32>
    %reduce_min3A_181 = vector.multi_reduction <minsi>, %select_n3A_179, %reduce_min3A_180 [1] : vector<32x8xi32> to vector<32xi32>
    %broadcast_in_dim3A_182 = vector.shape_cast %reduce_min3A_181 : vector<32xi32> to vector<32x1xi32>
    %lt3A_183 = arith.constant 8 : i32
    %lt3A_184 = vector.broadcast %lt3A_183 : i32 to vector<32x1xi32>
    %lt3A_185 = arith.cmpi slt, %broadcast_in_dim3A_182, %lt3A_184 : vector<32x1xi32>
    %jit3A_186 = arith.constant 1 : i32
    %jit3A_187 = arith.constant 0 : i32
    %broadcast_in_dim3A_188 = vector.broadcast %jit3A_186 : i32 to vector<32x1xi32>
    %broadcast_in_dim3A_189 = vector.broadcast %jit3A_187 : i32 to vector<32x1xi32>
    %select_n3A_190 = arith.select %lt3A_185, %broadcast_in_dim3A_188, %broadcast_in_dim3A_189 : vector<32x1xi1>, vector<32x1xi32>
    %mul3A_191 = arith.muli %mul3A_166, %select_n3A_190 : vector<32x1xi32>
    %min3A_192 = arith.constant 7 : i32
    %min3A_193 = vector.broadcast %min3A_192 : i32 to vector<32x1xi32>
    %min3A_194 = arith.minsi %broadcast_in_dim3A_182, %min3A_193 : vector<32x1xi32>
    %concatenate3A = tpu.concatenate %convert_element_type3A_127, %convert_element_type3A_153, %mul3A_166, %mul3A_191, %min3A_194, %min3A_119, %min3A_119, %min3A_119 in 1 : vector<32x1xi32>, vector<32x1xi32>, vector<32x1xi32>, vector<32x1xi32>, vector<32x1xi32>, vector<32x1xi32>, vector<32x1xi32>, vector<32x1xi32> -> vector<32x8xi32>
    %swap3A_195 = arith.constant 0 : index
    %swap3A_196 = arith.constant 0 : index
    %swap3A_197 = vector.load %arg6[%swap3A_195, %swap3A_196] : memref<32x8xi32, #tpu.memory_space<vmem>>, vector<32x8xi32>
    tpu.vector_store %arg6[%swap3A_195, %swap3A_196], %concatenate3A {strides = array<i32>} : memref<32x8xi32, #tpu.memory_space<vmem>>, vector<32x8xi32>,
    %iota3A_198 = tpu.iota {dimensions = array<i32: 0>} : vector<256x256xi32>
    %iota3A_199 = tpu.iota {dimensions = array<i32: 1>} : vector<256x256xi32>
    %gt3A_200 = arith.cmpi sgt, %iota3A_198, %iota3A_199 : vector<256x256xi32>
    %convert_element_type3A_201 = arith.extui %gt3A_200 : vector<256x256xi1> to vector<256x256xi32>
    %convert_element_type3A_202 = arith.sitofp %convert_element_type3A_201 : vector<256x256xi32> to vector<256x256xf32>
    %broadcast_in_dim3A_203 = arith.constant 0.000000e+00 : f32
    %broadcast_in_dim3A_204 = vector.broadcast %broadcast_in_dim3A_203 : f32 to vector<1x8xf32>
    %slice3A_205 = vector.extract_strided_slice %convert_element_type3A_76 {offsets = [0, 0], sizes = [256, 8], strides = [1, 1]} : vector<2048x8xf32> to vector<256x8xf32>
    %slice3A_206 = vector.extract_strided_slice %convert_element_type3A_80 {offsets = [0, 0], sizes = [256, 8], strides = [1, 1]} : vector<2048x8xf32> to vector<256x8xf32>
    %dot_general3A_207 = arith.constant dense<0.000000e+00> : vector<256x8xf32>
    %dot_general3A_208 = tpu.matmul %convert_element_type3A_202, %slice3A_205, %dot_general3A_207 {dimension_numbers = #tpu.dot_dimension_numbers<[1], [0], [0], [1], [0, 0, 1, 1], [], []>, transpose_lhs_hint = false} : vector<256x256xf32>, vector<256x8xf32>, vector<256x8xf32> -> vector<256x8xf32>
    %add3A_209 = vector.broadcast %broadcast_in_dim3A_204 : vector<1x8xf32> to vector<256x8xf32>
    %add3A_210 = arith.addf %add3A_209, %dot_general3A_208 : vector<256x8xf32>
    %dot_general3A_211 = arith.constant dense<0.000000e+00> : vector<256x8xf32>
    %dot_general3A_212 = tpu.matmul %convert_element_type3A_202, %slice3A_206, %dot_general3A_211 {dimension_numbers = #tpu.dot_dimension_numbers<[1], [0], [0], [1], [0, 0, 1, 1], [], []>, transpose_lhs_hint = false} : vector<256x256xf32>, vector<256x8xf32>, vector<256x8xf32> -> vector<256x8xf32>
    %add3A_213 = vector.broadcast %broadcast_in_dim3A_82 : vector<1x8xf32> to vector<256x8xf32>
    %add3A_214 = arith.addf %add3A_213, %dot_general3A_212 : vector<256x8xf32>
    %reduce_sum3A_215 = arith.constant dense<0.000000e+00> : vector<8xf32>
    %reduce_sum3A_216 = vector.multi_reduction <add>, %slice3A_205, %reduce_sum3A_215 [0] : vector<256x8xf32> to vector<8xf32>
    %broadcast_in_dim3A_217 = vector.shape_cast %reduce_sum3A_216 : vector<8xf32> to vector<1x8xf32>
    %add3A_218 = arith.addf %broadcast_in_dim3A_204, %broadcast_in_dim3A_217 : vector<1x8xf32>
    %reduce_sum3A_219 = arith.constant dense<0.000000e+00> : vector<8xf32>
    %reduce_sum3A_220 = vector.multi_reduction <add>, %slice3A_206, %reduce_sum3A_219 [0] : vector<256x8xf32> to vector<8xf32>
    %broadcast_in_dim3A_221 = vector.shape_cast %reduce_sum3A_220 : vector<8xf32> to vector<1x8xf32>
    %add3A_222 = arith.addf %broadcast_in_dim3A_82, %broadcast_in_dim3A_221 : vector<1x8xf32>
    %add3A_223 = vector.broadcast %mul3A_101 : vector<1x8xf32> to vector<256x8xf32>
    %add3A_224 = arith.addf %add3A_210, %add3A_223 : vector<256x8xf32>
    %mul3A_225 = arith.mulf %add3A_224, %slice3A_205 : vector<256x8xf32>
    %reduce_sum3A_226 = arith.constant dense<0.000000e+00> : vector<256xf32>
    %reduce_sum3A_227 = vector.multi_reduction <add>, %mul3A_225, %reduce_sum3A_226 [1] : vector<256x8xf32> to vector<256xf32>
    %broadcast_in_dim3A_228 = vector.shape_cast %reduce_sum3A_227 : vector<256xf32> to vector<256x1xf32>
    %add3A_229 = vector.broadcast %mul3A_101 : vector<1x8xf32> to vector<256x8xf32>
    %add3A_230 = arith.addf %add3A_214, %add3A_229 : vector<256x8xf32>
    %mul3A_231 = arith.mulf %add3A_230, %slice3A_206 : vector<256x8xf32>
    %reduce_sum3A_232 = arith.constant dense<0.000000e+00> : vector<256xf32>
    %reduce_sum3A_233 = vector.multi_reduction <add>, %mul3A_231, %reduce_sum3A_232 [1] : vector<256x8xf32> to vector<256xf32>
    %broadcast_in_dim3A_234 = vector.shape_cast %reduce_sum3A_233 : vector<256xf32> to vector<256x1xf32>
    %slice3A_235 = vector.extract_strided_slice %convert_element_type3A_76 {offsets = [256, 0], sizes = [256, 8], strides = [1, 1]} : vector<2048x8xf32> to vector<256x8xf32>
    %slice3A_236 = vector.extract_strided_slice %convert_element_type3A_80 {offsets = [256, 0], sizes = [256, 8], strides = [1, 1]} : vector<2048x8xf32> to vector<256x8xf32>
    %dot_general3A_237 = arith.constant dense<0.000000e+00> : vector<256x8xf32>
    %dot_general3A_238 = tpu.matmul %convert_element_type3A_202, %slice3A_235, %dot_general3A_237 {dimension_numbers = #tpu.dot_dimension_numbers<[1], [0], [0], [1], [0, 0, 1, 1], [], []>, transpose_lhs_hint = false} : vector<256x256xf32>, vector<256x8xf32>, vector<256x8xf32> -> vector<256x8xf32>
    %add3A_239 = vector.broadcast %add3A_218 : vector<1x8xf32> to vector<256x8xf32>
    %add3A_240 = arith.addf %add3A_239, %dot_general3A_238 : vector<256x8xf32>
    %dot_general3A_241 = arith.constant dense<0.000000e+00> : vector<256x8xf32>
    %dot_general3A_242 = tpu.matmul %convert_element_type3A_202, %slice3A_236, %dot_general3A_241 {dimension_numbers = #tpu.dot_dimension_numbers<[1], [0], [0], [1], [0, 0, 1, 1], [], []>, transpose_lhs_hint = false} : vector<256x256xf32>, vector<256x8xf32>, vector<256x8xf32> -> vector<256x8xf32>
    %add3A_243 = vector.broadcast %add3A_222 : vector<1x8xf32> to vector<256x8xf32>
    %add3A_244 = arith.addf %add3A_243, %dot_general3A_242 : vector<256x8xf32>
    %reduce_sum3A_245 = arith.constant dense<0.000000e+00> : vector<8xf32>
    %reduce_sum3A_246 = vector.multi_reduction <add>, %slice3A_235, %reduce_sum3A_245 [0] : vector<256x8xf32> to vector<8xf32>
    %broadcast_in_dim3A_247 = vector.shape_cast %reduce_sum3A_246 : vector<8xf32> to vector<1x8xf32>
    %add3A_248 = arith.addf %add3A_218, %broadcast_in_dim3A_247 : vector<1x8xf32>
    %reduce_sum3A_249 = arith.constant dense<0.000000e+00> : vector<8xf32>
    %reduce_sum3A_250 = vector.multi_reduction <add>, %slice3A_236, %reduce_sum3A_249 [0] : vector<256x8xf32> to vector<8xf32>
    %broadcast_in_dim3A_251 = vector.shape_cast %reduce_sum3A_250 : vector<8xf32> to vector<1x8xf32>
    %add3A_252 = arith.addf %add3A_222, %broadcast_in_dim3A_251 : vector<1x8xf32>
    %add3A_253 = vector.broadcast %mul3A_101 : vector<1x8xf32> to vector<256x8xf32>
    %add3A_254 = arith.addf %add3A_240, %add3A_253 : vector<256x8xf32>
    %mul3A_255 = arith.mulf %add3A_254, %slice3A_235 : vector<256x8xf32>
    %reduce_sum3A_256 = arith.constant dense<0.000000e+00> : vector<256xf32>
    %reduce_sum3A_257 = vector.multi_reduction <add>, %mul3A_255, %reduce_sum3A_256 [1] : vector<256x8xf32> to vector<256xf32>
    %broadcast_in_dim3A_258 = vector.shape_cast %reduce_sum3A_257 : vector<256xf32> to vector<256x1xf32>
    %add3A_259 = vector.broadcast %mul3A_101 : vector<1x8xf32> to vector<256x8xf32>
    %add3A_260 = arith.addf %add3A_244, %add3A_259 : vector<256x8xf32>
    %mul3A_261 = arith.mulf %add3A_260, %slice3A_236 : vector<256x8xf32>
    %reduce_sum3A_262 = arith.constant dense<0.000000e+00> : vector<256xf32>
    %reduce_sum3A_263 = vector.multi_reduction <add>, %mul3A_261, %reduce_sum3A_262 [1] : vector<256x8xf32> to vector<256xf32>
    %broadcast_in_dim3A_264 = vector.shape_cast %reduce_sum3A_263 : vector<256xf32> to vector<256x1xf32>
    %slice3A_265 = vector.extract_strided_slice %convert_element_type3A_76 {offsets = [512, 0], sizes = [256, 8], strides = [1, 1]} : vector<2048x8xf32> to vector<256x8xf32>
    %slice3A_266 = vector.extract_strided_slice %convert_element_type3A_80 {offsets = [512, 0], sizes = [256, 8], strides = [1, 1]} : vector<2048x8xf32> to vector<256x8xf32>
    %dot_general3A_267 = arith.constant dense<0.000000e+00> : vector<256x8xf32>
    %dot_general3A_268 = tpu.matmul %convert_element_type3A_202, %slice3A_265, %dot_general3A_267 {dimension_numbers = #tpu.dot_dimension_numbers<[1], [0], [0], [1], [0, 0, 1, 1], [], []>, transpose_lhs_hint = false} : vector<256x256xf32>, vector<256x8xf32>, vector<256x8xf32> -> vector<256x8xf32>
    %add3A_269 = vector.broadcast %add3A_248 : vector<1x8xf32> to vector<256x8xf32>
    %add3A_270 = arith.addf %add3A_269, %dot_general3A_268 : vector<256x8xf32>
    %dot_general3A_271 = arith.constant dense<0.000000e+00> : vector<256x8xf32>
    %dot_general3A_272 = tpu.matmul %convert_element_type3A_202, %slice3A_266, %dot_general3A_271 {dimension_numbers = #tpu.dot_dimension_numbers<[1], [0], [0], [1], [0, 0, 1, 1], [], []>, transpose_lhs_hint = false} : vector<256x256xf32>, vector<256x8xf32>, vector<256x8xf32> -> vector<256x8xf32>
    %add3A_273 = vector.broadcast %add3A_252 : vector<1x8xf32> to vector<256x8xf32>
    %add3A_274 = arith.addf %add3A_273, %dot_general3A_272 : vector<256x8xf32>
    %reduce_sum3A_275 = arith.constant dense<0.000000e+00> : vector<8xf32>
    %reduce_sum3A_276 = vector.multi_reduction <add>, %slice3A_265, %reduce_sum3A_275 [0] : vector<256x8xf32> to vector<8xf32>
    %broadcast_in_dim3A_277 = vector.shape_cast %reduce_sum3A_276 : vector<8xf32> to vector<1x8xf32>
    %add3A_278 = arith.addf %add3A_248, %broadcast_in_dim3A_277 : vector<1x8xf32>
    %reduce_sum3A_279 = arith.constant dense<0.000000e+00> : vector<8xf32>
    %reduce_sum3A_280 = vector.multi_reduction <add>, %slice3A_266, %reduce_sum3A_279 [0] : vector<256x8xf32> to vector<8xf32>
    %broadcast_in_dim3A_281 = vector.shape_cast %reduce_sum3A_280 : vector<8xf32> to vector<1x8xf32>
    %add3A_282 = arith.addf %add3A_252, %broadcast_in_dim3A_281 : vector<1x8xf32>
    %add3A_283 = vector.broadcast %mul3A_101 : vector<1x8xf32> to vector<256x8xf32>
    %add3A_284 = arith.addf %add3A_270, %add3A_283 : vector<256x8xf32>
    %mul3A_285 = arith.mulf %add3A_284, %slice3A_265 : vector<256x8xf32>
    %reduce_sum3A_286 = arith.constant dense<0.000000e+00> : vector<256xf32>
    %reduce_sum3A_287 = vector.multi_reduction <add>, %mul3A_285, %reduce_sum3A_286 [1] : vector<256x8xf32> to vector<256xf32>
    %broadcast_in_dim3A_288 = vector.shape_cast %reduce_sum3A_287 : vector<256xf32> to vector<256x1xf32>
    %add3A_289 = vector.broadcast %mul3A_101 : vector<1x8xf32> to vector<256x8xf32>
    %add3A_290 = arith.addf %add3A_274, %add3A_289 : vector<256x8xf32>
    %mul3A_291 = arith.mulf %add3A_290, %slice3A_266 : vector<256x8xf32>
    %reduce_sum3A_292 = arith.constant dense<0.000000e+00> : vector<256xf32>
    %reduce_sum3A_293 = vector.multi_reduction <add>, %mul3A_291, %reduce_sum3A_292 [1] : vector<256x8xf32> to vector<256xf32>
    %broadcast_in_dim3A_294 = vector.shape_cast %reduce_sum3A_293 : vector<256xf32> to vector<256x1xf32>
    %slice3A_295 = vector.extract_strided_slice %convert_element_type3A_76 {offsets = [768, 0], sizes = [256, 8], strides = [1, 1]} : vector<2048x8xf32> to vector<256x8xf32>
    %slice3A_296 = vector.extract_strided_slice %convert_element_type3A_80 {offsets = [768, 0], sizes = [256, 8], strides = [1, 1]} : vector<2048x8xf32> to vector<256x8xf32>
    %dot_general3A_297 = arith.constant dense<0.000000e+00> : vector<256x8xf32>
    %dot_general3A_298 = tpu.matmul %convert_element_type3A_202, %slice3A_295, %dot_general3A_297 {dimension_numbers = #tpu.dot_dimension_numbers<[1], [0], [0], [1], [0, 0, 1, 1], [], []>, transpose_lhs_hint = false} : vector<256x256xf32>, vector<256x8xf32>, vector<256x8xf32> -> vector<256x8xf32>
    %add3A_299 = vector.broadcast %add3A_278 : vector<1x8xf32> to vector<256x8xf32>
    %add3A_300 = arith.addf %add3A_299, %dot_general3A_298 : vector<256x8xf32>
    %dot_general3A_301 = arith.constant dense<0.000000e+00> : vector<256x8xf32>
    %dot_general3A_302 = tpu.matmul %convert_element_type3A_202, %slice3A_296, %dot_general3A_301 {dimension_numbers = #tpu.dot_dimension_numbers<[1], [0], [0], [1], [0, 0, 1, 1], [], []>, transpose_lhs_hint = false} : vector<256x256xf32>, vector<256x8xf32>, vector<256x8xf32> -> vector<256x8xf32>
    %add3A_303 = vector.broadcast %add3A_282 : vector<1x8xf32> to vector<256x8xf32>
    %add3A_304 = arith.addf %add3A_303, %dot_general3A_302 : vector<256x8xf32>
    %reduce_sum3A_305 = arith.constant dense<0.000000e+00> : vector<8xf32>
    %reduce_sum3A_306 = vector.multi_reduction <add>, %slice3A_295, %reduce_sum3A_305 [0] : vector<256x8xf32> to vector<8xf32>
    %broadcast_in_dim3A_307 = vector.shape_cast %reduce_sum3A_306 : vector<8xf32> to vector<1x8xf32>
    %add3A_308 = arith.addf %add3A_278, %broadcast_in_dim3A_307 : vector<1x8xf32>
    %reduce_sum3A_309 = arith.constant dense<0.000000e+00> : vector<8xf32>
    %reduce_sum3A_310 = vector.multi_reduction <add>, %slice3A_296, %reduce_sum3A_309 [0] : vector<256x8xf32> to vector<8xf32>
    %broadcast_in_dim3A_311 = vector.shape_cast %reduce_sum3A_310 : vector<8xf32> to vector<1x8xf32>
    %add3A_312 = arith.addf %add3A_282, %broadcast_in_dim3A_311 : vector<1x8xf32>
    %add3A_313 = vector.broadcast %mul3A_101 : vector<1x8xf32> to vector<256x8xf32>
    %add3A_314 = arith.addf %add3A_300, %add3A_313 : vector<256x8xf32>
    %mul3A_315 = arith.mulf %add3A_314, %slice3A_295 : vector<256x8xf32>
    %reduce_sum3A_316 = arith.constant dense<0.000000e+00> : vector<256xf32>
    %reduce_sum3A_317 = vector.multi_reduction <add>, %mul3A_315, %reduce_sum3A_316 [1] : vector<256x8xf32> to vector<256xf32>
    %broadcast_in_dim3A_318 = vector.shape_cast %reduce_sum3A_317 : vector<256xf32> to vector<256x1xf32>
    %add3A_319 = vector.broadcast %mul3A_101 : vector<1x8xf32> to vector<256x8xf32>
    %add3A_320 = arith.addf %add3A_304, %add3A_319 : vector<256x8xf32>
    %mul3A_321 = arith.mulf %add3A_320, %slice3A_296 : vector<256x8xf32>
    %reduce_sum3A_322 = arith.constant dense<0.000000e+00> : vector<256xf32>
    %reduce_sum3A_323 = vector.multi_reduction <add>, %mul3A_321, %reduce_sum3A_322 [1] : vector<256x8xf32> to vector<256xf32>
    %broadcast_in_dim3A_324 = vector.shape_cast %reduce_sum3A_323 : vector<256xf32> to vector<256x1xf32>
    %slice3A_325 = vector.extract_strided_slice %convert_element_type3A_76 {offsets = [1024, 0], sizes = [256, 8], strides = [1, 1]} : vector<2048x8xf32> to vector<256x8xf32>
    %slice3A_326 = vector.extract_strided_slice %convert_element_type3A_80 {offsets = [1024, 0], sizes = [256, 8], strides = [1, 1]} : vector<2048x8xf32> to vector<256x8xf32>
    %dot_general3A_327 = arith.constant dense<0.000000e+00> : vector<256x8xf32>
    %dot_general3A_328 = tpu.matmul %convert_element_type3A_202, %slice3A_325, %dot_general3A_327 {dimension_numbers = #tpu.dot_dimension_numbers<[1], [0], [0], [1], [0, 0, 1, 1], [], []>, transpose_lhs_hint = false} : vector<256x256xf32>, vector<256x8xf32>, vector<256x8xf32> -> vector<256x8xf32>
    %add3A_329 = vector.broadcast %add3A_308 : vector<1x8xf32> to vector<256x8xf32>
    %add3A_330 = arith.addf %add3A_329, %dot_general3A_328 : vector<256x8xf32>
    %dot_general3A_331 = arith.constant dense<0.000000e+00> : vector<256x8xf32>
    %dot_general3A_332 = tpu.matmul %convert_element_type3A_202, %slice3A_326, %dot_general3A_331 {dimension_numbers = #tpu.dot_dimension_numbers<[1], [0], [0], [1], [0, 0, 1, 1], [], []>, transpose_lhs_hint = false} : vector<256x256xf32>, vector<256x8xf32>, vector<256x8xf32> -> vector<256x8xf32>
    %add3A_333 = vector.broadcast %add3A_312 : vector<1x8xf32> to vector<256x8xf32>
    %add3A_334 = arith.addf %add3A_333, %dot_general3A_332 : vector<256x8xf32>
    %reduce_sum3A_335 = arith.constant dense<0.000000e+00> : vector<8xf32>
    %reduce_sum3A_336 = vector.multi_reduction <add>, %slice3A_325, %reduce_sum3A_335 [0] : vector<256x8xf32> to vector<8xf32>
    %broadcast_in_dim3A_337 = vector.shape_cast %reduce_sum3A_336 : vector<8xf32> to vector<1x8xf32>
    %add3A_338 = arith.addf %add3A_308, %broadcast_in_dim3A_337 : vector<1x8xf32>
    %reduce_sum3A_339 = arith.constant dense<0.000000e+00> : vector<8xf32>
    %reduce_sum3A_340 = vector.multi_reduction <add>, %slice3A_326, %reduce_sum3A_339 [0] : vector<256x8xf32> to vector<8xf32>
    %broadcast_in_dim3A_341 = vector.shape_cast %reduce_sum3A_340 : vector<8xf32> to vector<1x8xf32>
    %add3A_342 = arith.addf %add3A_312, %broadcast_in_dim3A_341 : vector<1x8xf32>
    %add3A_343 = vector.broadcast %mul3A_101 : vector<1x8xf32> to vector<256x8xf32>
    %add3A_344 = arith.addf %add3A_330, %add3A_343 : vector<256x8xf32>
    %mul3A_345 = arith.mulf %add3A_344, %slice3A_325 : vector<256x8xf32>
    %reduce_sum3A_346 = arith.constant dense<0.000000e+00> : vector<256xf32>
    %reduce_sum3A_347 = vector.multi_reduction <add>, %mul3A_345, %reduce_sum3A_346 [1] : vector<256x8xf32> to vector<256xf32>
    %broadcast_in_dim3A_348 = vector.shape_cast %reduce_sum3A_347 : vector<256xf32> to vector<256x1xf32>
    %add3A_349 = vector.broadcast %mul3A_101 : vector<1x8xf32> to vector<256x8xf32>
    %add3A_350 = arith.addf %add3A_334, %add3A_349 : vector<256x8xf32>
    %mul3A_351 = arith.mulf %add3A_350, %slice3A_326 : vector<256x8xf32>
    %reduce_sum3A_352 = arith.constant dense<0.000000e+00> : vector<256xf32>
    %reduce_sum3A_353 = vector.multi_reduction <add>, %mul3A_351, %reduce_sum3A_352 [1] : vector<256x8xf32> to vector<256xf32>
    %broadcast_in_dim3A_354 = vector.shape_cast %reduce_sum3A_353 : vector<256xf32> to vector<256x1xf32>
    %slice3A_355 = vector.extract_strided_slice %convert_element_type3A_76 {offsets = [1280, 0], sizes = [256, 8], strides = [1, 1]} : vector<2048x8xf32> to vector<256x8xf32>
    %slice3A_356 = vector.extract_strided_slice %convert_element_type3A_80 {offsets = [1280, 0], sizes = [256, 8], strides = [1, 1]} : vector<2048x8xf32> to vector<256x8xf32>
    %dot_general3A_357 = arith.constant dense<0.000000e+00> : vector<256x8xf32>
    %dot_general3A_358 = tpu.matmul %convert_element_type3A_202, %slice3A_355, %dot_general3A_357 {dimension_numbers = #tpu.dot_dimension_numbers<[1], [0], [0], [1], [0, 0, 1, 1], [], []>, transpose_lhs_hint = false} : vector<256x256xf32>, vector<256x8xf32>, vector<256x8xf32> -> vector<256x8xf32>
    %add3A_359 = vector.broadcast %add3A_338 : vector<1x8xf32> to vector<256x8xf32>
    %add3A_360 = arith.addf %add3A_359, %dot_general3A_358 : vector<256x8xf32>
    %dot_general3A_361 = arith.constant dense<0.000000e+00> : vector<256x8xf32>
    %dot_general3A_362 = tpu.matmul %convert_element_type3A_202, %slice3A_356, %dot_general3A_361 {dimension_numbers = #tpu.dot_dimension_numbers<[1], [0], [0], [1], [0, 0, 1, 1], [], []>, transpose_lhs_hint = false} : vector<256x256xf32>, vector<256x8xf32>, vector<256x8xf32> -> vector<256x8xf32>
    %add3A_363 = vector.broadcast %add3A_342 : vector<1x8xf32> to vector<256x8xf32>
    %add3A_364 = arith.addf %add3A_363, %dot_general3A_362 : vector<256x8xf32>
    %reduce_sum3A_365 = arith.constant dense<0.000000e+00> : vector<8xf32>
    %reduce_sum3A_366 = vector.multi_reduction <add>, %slice3A_355, %reduce_sum3A_365 [0] : vector<256x8xf32> to vector<8xf32>
    %broadcast_in_dim3A_367 = vector.shape_cast %reduce_sum3A_366 : vector<8xf32> to vector<1x8xf32>
    %add3A_368 = arith.addf %add3A_338, %broadcast_in_dim3A_367 : vector<1x8xf32>
    %reduce_sum3A_369 = arith.constant dense<0.000000e+00> : vector<8xf32>
    %reduce_sum3A_370 = vector.multi_reduction <add>, %slice3A_356, %reduce_sum3A_369 [0] : vector<256x8xf32> to vector<8xf32>
    %broadcast_in_dim3A_371 = vector.shape_cast %reduce_sum3A_370 : vector<8xf32> to vector<1x8xf32>
    %add3A_372 = arith.addf %add3A_342, %broadcast_in_dim3A_371 : vector<1x8xf32>
    %add3A_373 = vector.broadcast %mul3A_101 : vector<1x8xf32> to vector<256x8xf32>
    %add3A_374 = arith.addf %add3A_360, %add3A_373 : vector<256x8xf32>
    %mul3A_375 = arith.mulf %add3A_374, %slice3A_355 : vector<256x8xf32>
    %reduce_sum3A_376 = arith.constant dense<0.000000e+00> : vector<256xf32>
    %reduce_sum3A_377 = vector.multi_reduction <add>, %mul3A_375, %reduce_sum3A_376 [1] : vector<256x8xf32> to vector<256xf32>
    %broadcast_in_dim3A_378 = vector.shape_cast %reduce_sum3A_377 : vector<256xf32> to vector<256x1xf32>
    %add3A_379 = vector.broadcast %mul3A_101 : vector<1x8xf32> to vector<256x8xf32>
    %add3A_380 = arith.addf %add3A_364, %add3A_379 : vector<256x8xf32>
    %mul3A_381 = arith.mulf %add3A_380, %slice3A_356 : vector<256x8xf32>
    %reduce_sum3A_382 = arith.constant dense<0.000000e+00> : vector<256xf32>
    %reduce_sum3A_383 = vector.multi_reduction <add>, %mul3A_381, %reduce_sum3A_382 [1] : vector<256x8xf32> to vector<256xf32>
    %broadcast_in_dim3A_384 = vector.shape_cast %reduce_sum3A_383 : vector<256xf32> to vector<256x1xf32>
    %slice3A_385 = vector.extract_strided_slice %convert_element_type3A_76 {offsets = [1536, 0], sizes = [256, 8], strides = [1, 1]} : vector<2048x8xf32> to vector<256x8xf32>
    %slice3A_386 = vector.extract_strided_slice %convert_element_type3A_80 {offsets = [1536, 0], sizes = [256, 8], strides = [1, 1]} : vector<2048x8xf32> to vector<256x8xf32>
    %dot_general3A_387 = arith.constant dense<0.000000e+00> : vector<256x8xf32>
    %dot_general3A_388 = tpu.matmul %convert_element_type3A_202, %slice3A_385, %dot_general3A_387 {dimension_numbers = #tpu.dot_dimension_numbers<[1], [0], [0], [1], [0, 0, 1, 1], [], []>, transpose_lhs_hint = false} : vector<256x256xf32>, vector<256x8xf32>, vector<256x8xf32> -> vector<256x8xf32>
    %add3A_389 = vector.broadcast %add3A_368 : vector<1x8xf32> to vector<256x8xf32>
    %add3A_390 = arith.addf %add3A_389, %dot_general3A_388 : vector<256x8xf32>
    %dot_general3A_391 = arith.constant dense<0.000000e+00> : vector<256x8xf32>
    %dot_general3A_392 = tpu.matmul %convert_element_type3A_202, %slice3A_386, %dot_general3A_391 {dimension_numbers = #tpu.dot_dimension_numbers<[1], [0], [0], [1], [0, 0, 1, 1], [], []>, transpose_lhs_hint = false} : vector<256x256xf32>, vector<256x8xf32>, vector<256x8xf32> -> vector<256x8xf32>
    %add3A_393 = vector.broadcast %add3A_372 : vector<1x8xf32> to vector<256x8xf32>
    %add3A_394 = arith.addf %add3A_393, %dot_general3A_392 : vector<256x8xf32>
    %reduce_sum3A_395 = arith.constant dense<0.000000e+00> : vector<8xf32>
    %reduce_sum3A_396 = vector.multi_reduction <add>, %slice3A_385, %reduce_sum3A_395 [0] : vector<256x8xf32> to vector<8xf32>
    %broadcast_in_dim3A_397 = vector.shape_cast %reduce_sum3A_396 : vector<8xf32> to vector<1x8xf32>
    %add3A_398 = arith.addf %add3A_368, %broadcast_in_dim3A_397 : vector<1x8xf32>
    %reduce_sum3A_399 = arith.constant dense<0.000000e+00> : vector<8xf32>
    %reduce_sum3A_400 = vector.multi_reduction <add>, %slice3A_386, %reduce_sum3A_399 [0] : vector<256x8xf32> to vector<8xf32>
    %broadcast_in_dim3A_401 = vector.shape_cast %reduce_sum3A_400 : vector<8xf32> to vector<1x8xf32>
    %add3A_402 = arith.addf %add3A_372, %broadcast_in_dim3A_401 : vector<1x8xf32>
    %add3A_403 = vector.broadcast %mul3A_101 : vector<1x8xf32> to vector<256x8xf32>
    %add3A_404 = arith.addf %add3A_390, %add3A_403 : vector<256x8xf32>
    %mul3A_405 = arith.mulf %add3A_404, %slice3A_385 : vector<256x8xf32>
    %reduce_sum3A_406 = arith.constant dense<0.000000e+00> : vector<256xf32>
    %reduce_sum3A_407 = vector.multi_reduction <add>, %mul3A_405, %reduce_sum3A_406 [1] : vector<256x8xf32> to vector<256xf32>
    %broadcast_in_dim3A_408 = vector.shape_cast %reduce_sum3A_407 : vector<256xf32> to vector<256x1xf32>
    %add3A_409 = vector.broadcast %mul3A_101 : vector<1x8xf32> to vector<256x8xf32>
    %add3A_410 = arith.addf %add3A_394, %add3A_409 : vector<256x8xf32>
    %mul3A_411 = arith.mulf %add3A_410, %slice3A_386 : vector<256x8xf32>
    %reduce_sum3A_412 = arith.constant dense<0.000000e+00> : vector<256xf32>
    %reduce_sum3A_413 = vector.multi_reduction <add>, %mul3A_411, %reduce_sum3A_412 [1] : vector<256x8xf32> to vector<256xf32>
    %broadcast_in_dim3A_414 = vector.shape_cast %reduce_sum3A_413 : vector<256xf32> to vector<256x1xf32>
    %slice3A_415 = vector.extract_strided_slice %convert_element_type3A_76 {offsets = [1792, 0], sizes = [256, 8], strides = [1, 1]} : vector<2048x8xf32> to vector<256x8xf32>
    %slice3A_416 = vector.extract_strided_slice %convert_element_type3A_80 {offsets = [1792, 0], sizes = [256, 8], strides = [1, 1]} : vector<2048x8xf32> to vector<256x8xf32>
    %dot_general3A_417 = arith.constant dense<0.000000e+00> : vector<256x8xf32>
    %dot_general3A_418 = tpu.matmul %convert_element_type3A_202, %slice3A_415, %dot_general3A_417 {dimension_numbers = #tpu.dot_dimension_numbers<[1], [0], [0], [1], [0, 0, 1, 1], [], []>, transpose_lhs_hint = false} : vector<256x256xf32>, vector<256x8xf32>, vector<256x8xf32> -> vector<256x8xf32>
    %add3A_419 = vector.broadcast %add3A_398 : vector<1x8xf32> to vector<256x8xf32>
    %add3A_420 = arith.addf %add3A_419, %dot_general3A_418 : vector<256x8xf32>
    %dot_general3A_421 = arith.constant dense<0.000000e+00> : vector<256x8xf32>
    %dot_general3A_422 = tpu.matmul %convert_element_type3A_202, %slice3A_416, %dot_general3A_421 {dimension_numbers = #tpu.dot_dimension_numbers<[1], [0], [0], [1], [0, 0, 1, 1], [], []>, transpose_lhs_hint = false} : vector<256x256xf32>, vector<256x8xf32>, vector<256x8xf32> -> vector<256x8xf32>
    %add3A_423 = vector.broadcast %add3A_402 : vector<1x8xf32> to vector<256x8xf32>
    %add3A_424 = arith.addf %add3A_423, %dot_general3A_422 : vector<256x8xf32>
    %add3A_425 = vector.broadcast %mul3A_101 : vector<1x8xf32> to vector<256x8xf32>
    %add3A_426 = arith.addf %add3A_420, %add3A_425 : vector<256x8xf32>
    %mul3A_427 = arith.mulf %add3A_426, %slice3A_415 : vector<256x8xf32>
    %reduce_sum3A_428 = arith.constant dense<0.000000e+00> : vector<256xf32>
    %reduce_sum3A_429 = vector.multi_reduction <add>, %mul3A_427, %reduce_sum3A_428 [1] : vector<256x8xf32> to vector<256xf32>
    %broadcast_in_dim3A_430 = vector.shape_cast %reduce_sum3A_429 : vector<256xf32> to vector<256x1xf32>
    %add3A_431 = vector.broadcast %mul3A_101 : vector<1x8xf32> to vector<256x8xf32>
    %add3A_432 = arith.addf %add3A_424, %add3A_431 : vector<256x8xf32>
    %mul3A_433 = arith.mulf %add3A_432, %slice3A_416 : vector<256x8xf32>
    %reduce_sum3A_434 = arith.constant dense<0.000000e+00> : vector<256xf32>
    %reduce_sum3A_435 = vector.multi_reduction <add>, %mul3A_433, %reduce_sum3A_434 [1] : vector<256x8xf32> to vector<256xf32>
    %broadcast_in_dim3A_436 = vector.shape_cast %reduce_sum3A_435 : vector<256xf32> to vector<256x1xf32>
    %concatenate3A_437 = tpu.concatenate %broadcast_in_dim3A_228, %broadcast_in_dim3A_258, %broadcast_in_dim3A_288, %broadcast_in_dim3A_318, %broadcast_in_dim3A_348, %broadcast_in_dim3A_378, %broadcast_in_dim3A_408, %broadcast_in_dim3A_430 in 1 : vector<256x1xf32>, vector<256x1xf32>, vector<256x1xf32>, vector<256x1xf32>, vector<256x1xf32>, vector<256x1xf32>, vector<256x1xf32>, vector<256x1xf32> -> vector<256x8xf32>
    %transpose3A = tpu.transpose %concatenate3A_437, [1, 0] : vector<256x8xf32> -> vector<8x256xf32>
    %convert_element_type3A_438 = arith.fptosi %transpose3A : vector<8x256xf32> to vector<8x256xi32>
    %swap3A_439 = arith.constant 0 : index
    %swap3A_440 = arith.constant 0 : index
    %swap3A_441 = vector.load %arg2[%swap3A_439, %swap3A_440] : memref<8x256xi32, #tpu.memory_space<vmem>>, vector<8x256xi32>
    tpu.vector_store %arg2[%swap3A_439, %swap3A_440], %convert_element_type3A_438 {strides = array<i32>} : memref<8x256xi32, #tpu.memory_space<vmem>>, vector<8x256xi32>,
    %concatenate3A_442 = tpu.concatenate %broadcast_in_dim3A_234, %broadcast_in_dim3A_264, %broadcast_in_dim3A_294, %broadcast_in_dim3A_324, %broadcast_in_dim3A_354, %broadcast_in_dim3A_384, %broadcast_in_dim3A_414, %broadcast_in_dim3A_436 in 1 : vector<256x1xf32>, vector<256x1xf32>, vector<256x1xf32>, vector<256x1xf32>, vector<256x1xf32>, vector<256x1xf32>, vector<256x1xf32>, vector<256x1xf32> -> vector<256x8xf32>
    %transpose3A_443 = tpu.transpose %concatenate3A_442, [1, 0] : vector<256x8xf32> -> vector<8x256xf32>
    %convert_element_type3A_444 = arith.fptosi %transpose3A_443 : vector<8x256xf32> to vector<8x256xi32>
    %swap3A_445 = arith.constant 0 : index
    %swap3A_446 = arith.constant 0 : index
    %swap3A_447 = vector.load %arg3[%swap3A_445, %swap3A_446] : memref<8x256xi32, #tpu.memory_space<vmem>>, vector<8x256xi32>
    tpu.vector_store %arg3[%swap3A_445, %swap3A_446], %convert_element_type3A_444 {strides = array<i32>} : memref<8x256xi32, #tpu.memory_space<vmem>>, vector<8x256xi32>,
    return
  }
}

module attributes {stable_mosaic.version = 14 : i64} {
  func.func @_ffn_body(%arg0: i32, %arg1: memref<32x8xi32, #tpu.memory_space<smem>>, %arg2: memref<256x384xi32, #tpu.memory_space<vmem>>, %arg3: memref<8x1024x768xf32, #tpu.memory_space<any>>, %arg4: memref<8x1024x768xf32, #tpu.memory_space<any>>, %arg5: memref<8x1024xf32, #tpu.memory_space<any>>, %arg6: memref<8x768x1024xf32, #tpu.memory_space<any>>, %arg7: memref<256x768xf32, #tpu.memory_space<vmem>>, %arg8: memref<2x1024x768xf32, #tpu.memory_space<vmem>>, %arg9: memref<2x1024x768xf32, #tpu.memory_space<vmem>>, %arg10: memref<2x1024xf32, #tpu.memory_space<vmem>>, %arg11: memref<2x768x1024xf32, #tpu.memory_space<vmem>>, %arg12: memref<2x4x!tpu.dma_semaphore, #tpu.memory_space<semaphore_mem>>) attributes {dimension_semantics = [#tpu.dimension_semantics<arbitrary>], iteration_bounds = array<i64: 23>, scalar_prefetch = 1 : i64, scratch_operands = 5 : i64, tpu.core_type = #tpu.core_type<tc>, window_params = [{transform_indices = @transform_0, window_bounds = array<i64: 256, 384>}, {}, {}, {}, {}, {transform_indices = @transform_5, window_bounds = array<i64: 256, 768>}]} {
    %get3A = arith.index_cast %arg0 : i32 to index
    %get3A_0 = arith.constant 0 : index
    %get3A_1 = memref.load %arg1[%get3A, %get3A_0] : memref<32x8xi32, #tpu.memory_space<smem>>
    %get3A_2 = arith.index_cast %arg0 : i32 to index
    %get3A_3 = arith.constant 1 : index
    %get3A_4 = memref.load %arg1[%get3A_2, %get3A_3] : memref<32x8xi32, #tpu.memory_space<smem>>
    %get3A_5 = arith.index_cast %arg0 : i32 to index
    %get3A_6 = arith.constant 2 : index
    %get3A_7 = memref.load %arg1[%get3A_5, %get3A_6] : memref<32x8xi32, #tpu.memory_space<smem>>
    %get3A_8 = arith.index_cast %arg0 : i32 to index
    %get3A_9 = arith.constant 3 : index
    %get3A_10 = memref.load %arg1[%get3A_8, %get3A_9] : memref<32x8xi32, #tpu.memory_space<smem>>
    %get3A_11 = arith.index_cast %arg0 : i32 to index
    %get3A_12 = arith.constant 4 : index
    %get3A_13 = memref.load %arg1[%get3A_11, %get3A_12] : memref<32x8xi32, #tpu.memory_space<smem>>
    %get3A_14 = arith.index_cast %arg0 : i32 to index
    %get3A_15 = arith.constant 5 : index
    %get3A_16 = memref.load %arg1[%get3A_14, %get3A_15] : memref<32x8xi32, #tpu.memory_space<smem>>
    %eq3A = arith.constant 0 : i32
    %eq3A_17 = arith.cmpi eq, %arg0, %eq3A : i32
    %convert_element_type3A = arith.extui %eq3A_17 : i1 to i32
    %cond3A = arith.constant 0 : i32
    %cond3A_18 = arith.cmpi ne, %convert_element_type3A, %cond3A : i32
    scf.if %cond3A_18 {
      %dma_start3A = arith.constant 0 : i32
      %dma_start3A_34 = arith.constant 0 : i32
      %dma_start3A_35 = arith.constant 0 : i32
      %dma_start3A_36 = tpu.memref_slice %arg12[%dma_start3A_34, %dma_start3A_35] : memref<2x4x!tpu.dma_semaphore, #tpu.memory_space<semaphore_mem>> -> memref<1x1x!tpu.dma_semaphore, #tpu.memory_space<semaphore_mem>>
      %dma_start3A_37 = tpu.memref_squeeze %dma_start3A_36 : memref<1x1x!tpu.dma_semaphore, #tpu.memory_space<semaphore_mem>> -> memref<!tpu.dma_semaphore, #tpu.memory_space<semaphore_mem>>
      %dma_start3A_38 = arith.constant 0 : i32
      %dma_start3A_39 = arith.constant 0 : i32
      %dma_start3A_40 = tpu.memref_slice %arg8[%dma_start3A, %dma_start3A_38, %dma_start3A_39] : memref<2x1024x768xf32, #tpu.memory_space<vmem>> -> memref<1x1024x768xf32, #tpu.memory_space<vmem>>
      %dma_start3A_41 = tpu.memref_squeeze %dma_start3A_40 : memref<1x1024x768xf32, #tpu.memory_space<vmem>> -> memref<1024x768xf32, #tpu.memory_space<vmem>>
      %dma_start3A_42 = arith.constant 0 : i32
      %dma_start3A_43 = arith.constant 0 : i32
      %dma_start3A_44 = tpu.memref_slice %arg3[%get3A_16, %dma_start3A_42, %dma_start3A_43] : memref<8x1024x768xf32, #tpu.memory_space<any>> -> memref<1x1024x768xf32, #tpu.memory_space<any>>
      %dma_start3A_45 = tpu.memref_squeeze %dma_start3A_44 : memref<1x1024x768xf32, #tpu.memory_space<any>> -> memref<1024x768xf32, #tpu.memory_space<any>>
      tpu.enqueue_dma source(%dma_start3A_45 : memref<1024x768xf32, #tpu.memory_space<any>>) target(%dma_start3A_41 : memref<1024x768xf32, #tpu.memory_space<vmem>>) target_semaphore(%dma_start3A_37 : memref<!tpu.dma_semaphore, #tpu.memory_space<semaphore_mem>>)
      %dma_start3A_46 = arith.constant 0 : i32
      %dma_start3A_47 = arith.constant 0 : i32
      %dma_start3A_48 = arith.constant 1 : i32
      %dma_start3A_49 = tpu.memref_slice %arg12[%dma_start3A_47, %dma_start3A_48] : memref<2x4x!tpu.dma_semaphore, #tpu.memory_space<semaphore_mem>> -> memref<1x1x!tpu.dma_semaphore, #tpu.memory_space<semaphore_mem>>
      %dma_start3A_50 = tpu.memref_squeeze %dma_start3A_49 : memref<1x1x!tpu.dma_semaphore, #tpu.memory_space<semaphore_mem>> -> memref<!tpu.dma_semaphore, #tpu.memory_space<semaphore_mem>>
      %dma_start3A_51 = arith.constant 0 : i32
      %dma_start3A_52 = arith.constant 0 : i32
      %dma_start3A_53 = tpu.memref_slice %arg9[%dma_start3A_46, %dma_start3A_51, %dma_start3A_52] : memref<2x1024x768xf32, #tpu.memory_space<vmem>> -> memref<1x1024x768xf32, #tpu.memory_space<vmem>>
      %dma_start3A_54 = tpu.memref_squeeze %dma_start3A_53 : memref<1x1024x768xf32, #tpu.memory_space<vmem>> -> memref<1024x768xf32, #tpu.memory_space<vmem>>
      %dma_start3A_55 = arith.constant 0 : i32
      %dma_start3A_56 = arith.constant 0 : i32
      %dma_start3A_57 = tpu.memref_slice %arg4[%get3A_16, %dma_start3A_55, %dma_start3A_56] : memref<8x1024x768xf32, #tpu.memory_space<any>> -> memref<1x1024x768xf32, #tpu.memory_space<any>>
      %dma_start3A_58 = tpu.memref_squeeze %dma_start3A_57 : memref<1x1024x768xf32, #tpu.memory_space<any>> -> memref<1024x768xf32, #tpu.memory_space<any>>
      tpu.enqueue_dma source(%dma_start3A_58 : memref<1024x768xf32, #tpu.memory_space<any>>) target(%dma_start3A_54 : memref<1024x768xf32, #tpu.memory_space<vmem>>) target_semaphore(%dma_start3A_50 : memref<!tpu.dma_semaphore, #tpu.memory_space<semaphore_mem>>)
      %dma_start3A_59 = arith.constant 0 : i32
      %dma_start3A_60 = arith.constant 0 : i32
      %dma_start3A_61 = arith.constant 2 : i32
      %dma_start3A_62 = tpu.memref_slice %arg12[%dma_start3A_60, %dma_start3A_61] : memref<2x4x!tpu.dma_semaphore, #tpu.memory_space<semaphore_mem>> -> memref<1x1x!tpu.dma_semaphore, #tpu.memory_space<semaphore_mem>>
      %dma_start3A_63 = tpu.memref_squeeze %dma_start3A_62 : memref<1x1x!tpu.dma_semaphore, #tpu.memory_space<semaphore_mem>> -> memref<!tpu.dma_semaphore, #tpu.memory_space<semaphore_mem>>
      %dma_start3A_64 = arith.constant 0 : i32
      %dma_start3A_65 = tpu.memref_slice %arg10[%dma_start3A_59, %dma_start3A_64] : memref<2x1024xf32, #tpu.memory_space<vmem>> -> memref<1x1024xf32, #tpu.memory_space<vmem>>
      %dma_start3A_66 = tpu.memref_squeeze %dma_start3A_65 : memref<1x1024xf32, #tpu.memory_space<vmem>> -> memref<1024xf32, #tpu.memory_space<vmem>>
      %dma_start3A_67 = arith.constant 0 : i32
      %dma_start3A_68 = tpu.memref_slice %arg5[%get3A_16, %dma_start3A_67] : memref<8x1024xf32, #tpu.memory_space<any>> -> memref<1x1024xf32, #tpu.memory_space<any>>
      %dma_start3A_69 = tpu.memref_squeeze %dma_start3A_68 : memref<1x1024xf32, #tpu.memory_space<any>> -> memref<1024xf32, #tpu.memory_space<any>>
      tpu.enqueue_dma source(%dma_start3A_69 : memref<1024xf32, #tpu.memory_space<any>>) target(%dma_start3A_66 : memref<1024xf32, #tpu.memory_space<vmem>>) target_semaphore(%dma_start3A_63 : memref<!tpu.dma_semaphore, #tpu.memory_space<semaphore_mem>>)
      %dma_start3A_70 = arith.constant 0 : i32
      %dma_start3A_71 = arith.constant 0 : i32
      %dma_start3A_72 = arith.constant 3 : i32
      %dma_start3A_73 = tpu.memref_slice %arg12[%dma_start3A_71, %dma_start3A_72] : memref<2x4x!tpu.dma_semaphore, #tpu.memory_space<semaphore_mem>> -> memref<1x1x!tpu.dma_semaphore, #tpu.memory_space<semaphore_mem>>
      %dma_start3A_74 = tpu.memref_squeeze %dma_start3A_73 : memref<1x1x!tpu.dma_semaphore, #tpu.memory_space<semaphore_mem>> -> memref<!tpu.dma_semaphore, #tpu.memory_space<semaphore_mem>>
      %dma_start3A_75 = arith.constant 0 : i32
      %dma_start3A_76 = arith.constant 0 : i32
      %dma_start3A_77 = tpu.memref_slice %arg11[%dma_start3A_70, %dma_start3A_75, %dma_start3A_76] : memref<2x768x1024xf32, #tpu.memory_space<vmem>> -> memref<1x768x1024xf32, #tpu.memory_space<vmem>>
      %dma_start3A_78 = tpu.memref_squeeze %dma_start3A_77 : memref<1x768x1024xf32, #tpu.memory_space<vmem>> -> memref<768x1024xf32, #tpu.memory_space<vmem>>
      %dma_start3A_79 = arith.constant 0 : i32
      %dma_start3A_80 = arith.constant 0 : i32
      %dma_start3A_81 = tpu.memref_slice %arg6[%get3A_16, %dma_start3A_79, %dma_start3A_80] : memref<8x768x1024xf32, #tpu.memory_space<any>> -> memref<1x768x1024xf32, #tpu.memory_space<any>>
      %dma_start3A_82 = tpu.memref_squeeze %dma_start3A_81 : memref<1x768x1024xf32, #tpu.memory_space<any>> -> memref<768x1024xf32, #tpu.memory_space<any>>
      tpu.enqueue_dma source(%dma_start3A_82 : memref<768x1024xf32, #tpu.memory_space<any>>) target(%dma_start3A_78 : memref<768x1024xf32, #tpu.memory_space<vmem>>) target_semaphore(%dma_start3A_74 : memref<!tpu.dma_semaphore, #tpu.memory_space<semaphore_mem>>)
    } else {
    }
    %eq3A_19 = arith.constant 1 : i32
    %eq3A_20 = arith.cmpi eq, %get3A_10, %eq3A_19 : i32
    %convert_element_type3A_21 = arith.extui %eq3A_20 : i1 to i32
    %cond3A_22 = arith.constant 0 : i32
    %cond3A_23 = arith.cmpi ne, %convert_element_type3A_21, %cond3A_22 : i32
    scf.if %cond3A_23 {
      %sub3A = arith.constant 1 : i32
      %sub3A_34 = arith.subi %sub3A, %get3A_4 : i32
      %dma_start3A = arith.constant 0 : i32
      %dma_start3A_35 = tpu.memref_slice %arg12[%sub3A_34, %dma_start3A] : memref<2x4x!tpu.dma_semaphore, #tpu.memory_space<semaphore_mem>> -> memref<1x1x!tpu.dma_semaphore, #tpu.memory_space<semaphore_mem>>
      %dma_start3A_36 = tpu.memref_squeeze %dma_start3A_35 : memref<1x1x!tpu.dma_semaphore, #tpu.memory_space<semaphore_mem>> -> memref<!tpu.dma_semaphore, #tpu.memory_space<semaphore_mem>>
      %dma_start3A_37 = arith.constant 0 : i32
      %dma_start3A_38 = arith.constant 0 : i32
      %dma_start3A_39 = tpu.memref_slice %arg8[%sub3A_34, %dma_start3A_37, %dma_start3A_38] : memref<2x1024x768xf32, #tpu.memory_space<vmem>> -> memref<1x1024x768xf32, #tpu.memory_space<vmem>>
      %dma_start3A_40 = tpu.memref_squeeze %dma_start3A_39 : memref<1x1024x768xf32, #tpu.memory_space<vmem>> -> memref<1024x768xf32, #tpu.memory_space<vmem>>
      %dma_start3A_41 = arith.constant 0 : i32
      %dma_start3A_42 = arith.constant 0 : i32
      %dma_start3A_43 = tpu.memref_slice %arg3[%get3A_13, %dma_start3A_41, %dma_start3A_42] : memref<8x1024x768xf32, #tpu.memory_space<any>> -> memref<1x1024x768xf32, #tpu.memory_space<any>>
      %dma_start3A_44 = tpu.memref_squeeze %dma_start3A_43 : memref<1x1024x768xf32, #tpu.memory_space<any>> -> memref<1024x768xf32, #tpu.memory_space<any>>
      tpu.enqueue_dma source(%dma_start3A_44 : memref<1024x768xf32, #tpu.memory_space<any>>) target(%dma_start3A_40 : memref<1024x768xf32, #tpu.memory_space<vmem>>) target_semaphore(%dma_start3A_36 : memref<!tpu.dma_semaphore, #tpu.memory_space<semaphore_mem>>)
      %dma_start3A_45 = arith.constant 1 : i32
      %dma_start3A_46 = tpu.memref_slice %arg12[%sub3A_34, %dma_start3A_45] : memref<2x4x!tpu.dma_semaphore, #tpu.memory_space<semaphore_mem>> -> memref<1x1x!tpu.dma_semaphore, #tpu.memory_space<semaphore_mem>>
      %dma_start3A_47 = tpu.memref_squeeze %dma_start3A_46 : memref<1x1x!tpu.dma_semaphore, #tpu.memory_space<semaphore_mem>> -> memref<!tpu.dma_semaphore, #tpu.memory_space<semaphore_mem>>
      %dma_start3A_48 = arith.constant 0 : i32
      %dma_start3A_49 = arith.constant 0 : i32
      %dma_start3A_50 = tpu.memref_slice %arg9[%sub3A_34, %dma_start3A_48, %dma_start3A_49] : memref<2x1024x768xf32, #tpu.memory_space<vmem>> -> memref<1x1024x768xf32, #tpu.memory_space<vmem>>
      %dma_start3A_51 = tpu.memref_squeeze %dma_start3A_50 : memref<1x1024x768xf32, #tpu.memory_space<vmem>> -> memref<1024x768xf32, #tpu.memory_space<vmem>>
      %dma_start3A_52 = arith.constant 0 : i32
      %dma_start3A_53 = arith.constant 0 : i32
      %dma_start3A_54 = tpu.memref_slice %arg4[%get3A_13, %dma_start3A_52, %dma_start3A_53] : memref<8x1024x768xf32, #tpu.memory_space<any>> -> memref<1x1024x768xf32, #tpu.memory_space<any>>
      %dma_start3A_55 = tpu.memref_squeeze %dma_start3A_54 : memref<1x1024x768xf32, #tpu.memory_space<any>> -> memref<1024x768xf32, #tpu.memory_space<any>>
      tpu.enqueue_dma source(%dma_start3A_55 : memref<1024x768xf32, #tpu.memory_space<any>>) target(%dma_start3A_51 : memref<1024x768xf32, #tpu.memory_space<vmem>>) target_semaphore(%dma_start3A_47 : memref<!tpu.dma_semaphore, #tpu.memory_space<semaphore_mem>>)
      %dma_start3A_56 = arith.constant 2 : i32
      %dma_start3A_57 = tpu.memref_slice %arg12[%sub3A_34, %dma_start3A_56] : memref<2x4x!tpu.dma_semaphore, #tpu.memory_space<semaphore_mem>> -> memref<1x1x!tpu.dma_semaphore, #tpu.memory_space<semaphore_mem>>
      %dma_start3A_58 = tpu.memref_squeeze %dma_start3A_57 : memref<1x1x!tpu.dma_semaphore, #tpu.memory_space<semaphore_mem>> -> memref<!tpu.dma_semaphore, #tpu.memory_space<semaphore_mem>>
      %dma_start3A_59 = arith.constant 0 : i32
      %dma_start3A_60 = tpu.memref_slice %arg10[%sub3A_34, %dma_start3A_59] : memref<2x1024xf32, #tpu.memory_space<vmem>> -> memref<1x1024xf32, #tpu.memory_space<vmem>>
      %dma_start3A_61 = tpu.memref_squeeze %dma_start3A_60 : memref<1x1024xf32, #tpu.memory_space<vmem>> -> memref<1024xf32, #tpu.memory_space<vmem>>
      %dma_start3A_62 = arith.constant 0 : i32
      %dma_start3A_63 = tpu.memref_slice %arg5[%get3A_13, %dma_start3A_62] : memref<8x1024xf32, #tpu.memory_space<any>> -> memref<1x1024xf32, #tpu.memory_space<any>>
      %dma_start3A_64 = tpu.memref_squeeze %dma_start3A_63 : memref<1x1024xf32, #tpu.memory_space<any>> -> memref<1024xf32, #tpu.memory_space<any>>
      tpu.enqueue_dma source(%dma_start3A_64 : memref<1024xf32, #tpu.memory_space<any>>) target(%dma_start3A_61 : memref<1024xf32, #tpu.memory_space<vmem>>) target_semaphore(%dma_start3A_58 : memref<!tpu.dma_semaphore, #tpu.memory_space<semaphore_mem>>)
      %dma_start3A_65 = arith.constant 3 : i32
      %dma_start3A_66 = tpu.memref_slice %arg12[%sub3A_34, %dma_start3A_65] : memref<2x4x!tpu.dma_semaphore, #tpu.memory_space<semaphore_mem>> -> memref<1x1x!tpu.dma_semaphore, #tpu.memory_space<semaphore_mem>>
      %dma_start3A_67 = tpu.memref_squeeze %dma_start3A_66 : memref<1x1x!tpu.dma_semaphore, #tpu.memory_space<semaphore_mem>> -> memref<!tpu.dma_semaphore, #tpu.memory_space<semaphore_mem>>
      %dma_start3A_68 = arith.constant 0 : i32
      %dma_start3A_69 = arith.constant 0 : i32
      %dma_start3A_70 = tpu.memref_slice %arg11[%sub3A_34, %dma_start3A_68, %dma_start3A_69] : memref<2x768x1024xf32, #tpu.memory_space<vmem>> -> memref<1x768x1024xf32, #tpu.memory_space<vmem>>
      %dma_start3A_71 = tpu.memref_squeeze %dma_start3A_70 : memref<1x768x1024xf32, #tpu.memory_space<vmem>> -> memref<768x1024xf32, #tpu.memory_space<vmem>>
      %dma_start3A_72 = arith.constant 0 : i32
      %dma_start3A_73 = arith.constant 0 : i32
      %dma_start3A_74 = tpu.memref_slice %arg6[%get3A_13, %dma_start3A_72, %dma_start3A_73] : memref<8x768x1024xf32, #tpu.memory_space<any>> -> memref<1x768x1024xf32, #tpu.memory_space<any>>
      %dma_start3A_75 = tpu.memref_squeeze %dma_start3A_74 : memref<1x768x1024xf32, #tpu.memory_space<any>> -> memref<768x1024xf32, #tpu.memory_space<any>>
      tpu.enqueue_dma source(%dma_start3A_75 : memref<768x1024xf32, #tpu.memory_space<any>>) target(%dma_start3A_71 : memref<768x1024xf32, #tpu.memory_space<vmem>>) target_semaphore(%dma_start3A_67 : memref<!tpu.dma_semaphore, #tpu.memory_space<semaphore_mem>>)
    } else {
    }
    %eq3A_24 = arith.constant 1 : i32
    %eq3A_25 = arith.cmpi eq, %get3A_7, %eq3A_24 : i32
    %convert_element_type3A_26 = arith.extui %eq3A_25 : i1 to i32
    %cond3A_27 = arith.constant 0 : i32
    %cond3A_28 = arith.cmpi ne, %convert_element_type3A_26, %cond3A_27 : i32
    scf.if %cond3A_28 {
      %dma_wait3A = arith.constant 0 : i32
      %dma_wait3A_34 = tpu.memref_slice %arg12[%get3A_4, %dma_wait3A] : memref<2x4x!tpu.dma_semaphore, #tpu.memory_space<semaphore_mem>> -> memref<1x1x!tpu.dma_semaphore, #tpu.memory_space<semaphore_mem>>
      %dma_wait3A_35 = tpu.memref_squeeze %dma_wait3A_34 : memref<1x1x!tpu.dma_semaphore, #tpu.memory_space<semaphore_mem>> -> memref<!tpu.dma_semaphore, #tpu.memory_space<semaphore_mem>>
      %dma_wait3A_36 = arith.constant 0 : i32
      %dma_wait3A_37 = arith.constant 0 : i32
      %dma_wait3A_38 = tpu.memref_slice %arg8[%get3A_4, %dma_wait3A_36, %dma_wait3A_37] : memref<2x1024x768xf32, #tpu.memory_space<vmem>> -> memref<1x1024x768xf32, #tpu.memory_space<vmem>>
      %dma_wait3A_39 = tpu.memref_squeeze %dma_wait3A_38 : memref<1x1024x768xf32, #tpu.memory_space<vmem>> -> memref<1024x768xf32, #tpu.memory_space<vmem>>
      %dma_wait3A_40 = arith.constant 0 : i32
      %dma_wait3A_41 = arith.constant 0 : i32
      %dma_wait3A_42 = tpu.memref_slice %arg3[%get3A_16, %dma_wait3A_40, %dma_wait3A_41] : memref<8x1024x768xf32, #tpu.memory_space<any>> -> memref<1x1024x768xf32, #tpu.memory_space<any>>
      %dma_wait3A_43 = tpu.memref_squeeze %dma_wait3A_42 : memref<1x1024x768xf32, #tpu.memory_space<any>> -> memref<1024x768xf32, #tpu.memory_space<any>>
      tpu.wait_dma2 semaphore(%dma_wait3A_35 : memref<!tpu.dma_semaphore, #tpu.memory_space<semaphore_mem>>) src(%dma_wait3A_43 : memref<1024x768xf32, #tpu.memory_space<any>>) dst(%dma_wait3A_39 : memref<1024x768xf32, #tpu.memory_space<vmem>>)
      %dma_wait3A_44 = arith.constant 1 : i32
      %dma_wait3A_45 = tpu.memref_slice %arg12[%get3A_4, %dma_wait3A_44] : memref<2x4x!tpu.dma_semaphore, #tpu.memory_space<semaphore_mem>> -> memref<1x1x!tpu.dma_semaphore, #tpu.memory_space<semaphore_mem>>
      %dma_wait3A_46 = tpu.memref_squeeze %dma_wait3A_45 : memref<1x1x!tpu.dma_semaphore, #tpu.memory_space<semaphore_mem>> -> memref<!tpu.dma_semaphore, #tpu.memory_space<semaphore_mem>>
      %dma_wait3A_47 = arith.constant 0 : i32
      %dma_wait3A_48 = arith.constant 0 : i32
      %dma_wait3A_49 = tpu.memref_slice %arg9[%get3A_4, %dma_wait3A_47, %dma_wait3A_48] : memref<2x1024x768xf32, #tpu.memory_space<vmem>> -> memref<1x1024x768xf32, #tpu.memory_space<vmem>>
      %dma_wait3A_50 = tpu.memref_squeeze %dma_wait3A_49 : memref<1x1024x768xf32, #tpu.memory_space<vmem>> -> memref<1024x768xf32, #tpu.memory_space<vmem>>
      %dma_wait3A_51 = arith.constant 0 : i32
      %dma_wait3A_52 = arith.constant 0 : i32
      %dma_wait3A_53 = tpu.memref_slice %arg4[%get3A_16, %dma_wait3A_51, %dma_wait3A_52] : memref<8x1024x768xf32, #tpu.memory_space<any>> -> memref<1x1024x768xf32, #tpu.memory_space<any>>
      %dma_wait3A_54 = tpu.memref_squeeze %dma_wait3A_53 : memref<1x1024x768xf32, #tpu.memory_space<any>> -> memref<1024x768xf32, #tpu.memory_space<any>>
      tpu.wait_dma2 semaphore(%dma_wait3A_46 : memref<!tpu.dma_semaphore, #tpu.memory_space<semaphore_mem>>) src(%dma_wait3A_54 : memref<1024x768xf32, #tpu.memory_space<any>>) dst(%dma_wait3A_50 : memref<1024x768xf32, #tpu.memory_space<vmem>>)
      %dma_wait3A_55 = arith.constant 2 : i32
      %dma_wait3A_56 = tpu.memref_slice %arg12[%get3A_4, %dma_wait3A_55] : memref<2x4x!tpu.dma_semaphore, #tpu.memory_space<semaphore_mem>> -> memref<1x1x!tpu.dma_semaphore, #tpu.memory_space<semaphore_mem>>
      %dma_wait3A_57 = tpu.memref_squeeze %dma_wait3A_56 : memref<1x1x!tpu.dma_semaphore, #tpu.memory_space<semaphore_mem>> -> memref<!tpu.dma_semaphore, #tpu.memory_space<semaphore_mem>>
      %dma_wait3A_58 = arith.constant 0 : i32
      %dma_wait3A_59 = tpu.memref_slice %arg10[%get3A_4, %dma_wait3A_58] : memref<2x1024xf32, #tpu.memory_space<vmem>> -> memref<1x1024xf32, #tpu.memory_space<vmem>>
      %dma_wait3A_60 = tpu.memref_squeeze %dma_wait3A_59 : memref<1x1024xf32, #tpu.memory_space<vmem>> -> memref<1024xf32, #tpu.memory_space<vmem>>
      %dma_wait3A_61 = arith.constant 0 : i32
      %dma_wait3A_62 = tpu.memref_slice %arg5[%get3A_16, %dma_wait3A_61] : memref<8x1024xf32, #tpu.memory_space<any>> -> memref<1x1024xf32, #tpu.memory_space<any>>
      %dma_wait3A_63 = tpu.memref_squeeze %dma_wait3A_62 : memref<1x1024xf32, #tpu.memory_space<any>> -> memref<1024xf32, #tpu.memory_space<any>>
      tpu.wait_dma2 semaphore(%dma_wait3A_57 : memref<!tpu.dma_semaphore, #tpu.memory_space<semaphore_mem>>) src(%dma_wait3A_63 : memref<1024xf32, #tpu.memory_space<any>>) dst(%dma_wait3A_60 : memref<1024xf32, #tpu.memory_space<vmem>>)
      %dma_wait3A_64 = arith.constant 3 : i32
      %dma_wait3A_65 = tpu.memref_slice %arg12[%get3A_4, %dma_wait3A_64] : memref<2x4x!tpu.dma_semaphore, #tpu.memory_space<semaphore_mem>> -> memref<1x1x!tpu.dma_semaphore, #tpu.memory_space<semaphore_mem>>
      %dma_wait3A_66 = tpu.memref_squeeze %dma_wait3A_65 : memref<1x1x!tpu.dma_semaphore, #tpu.memory_space<semaphore_mem>> -> memref<!tpu.dma_semaphore, #tpu.memory_space<semaphore_mem>>
      %dma_wait3A_67 = arith.constant 0 : i32
      %dma_wait3A_68 = arith.constant 0 : i32
      %dma_wait3A_69 = tpu.memref_slice %arg11[%get3A_4, %dma_wait3A_67, %dma_wait3A_68] : memref<2x768x1024xf32, #tpu.memory_space<vmem>> -> memref<1x768x1024xf32, #tpu.memory_space<vmem>>
      %dma_wait3A_70 = tpu.memref_squeeze %dma_wait3A_69 : memref<1x768x1024xf32, #tpu.memory_space<vmem>> -> memref<768x1024xf32, #tpu.memory_space<vmem>>
      %dma_wait3A_71 = arith.constant 0 : i32
      %dma_wait3A_72 = arith.constant 0 : i32
      %dma_wait3A_73 = tpu.memref_slice %arg6[%get3A_16, %dma_wait3A_71, %dma_wait3A_72] : memref<8x768x1024xf32, #tpu.memory_space<any>> -> memref<1x768x1024xf32, #tpu.memory_space<any>>
      %dma_wait3A_74 = tpu.memref_squeeze %dma_wait3A_73 : memref<1x768x1024xf32, #tpu.memory_space<any>> -> memref<768x1024xf32, #tpu.memory_space<any>>
      tpu.wait_dma2 semaphore(%dma_wait3A_66 : memref<!tpu.dma_semaphore, #tpu.memory_space<semaphore_mem>>) src(%dma_wait3A_74 : memref<768x1024xf32, #tpu.memory_space<any>>) dst(%dma_wait3A_70 : memref<768x1024xf32, #tpu.memory_space<vmem>>)
    } else {
    }
    %eq3A_29 = arith.constant 1 : i32
    %eq3A_30 = arith.cmpi eq, %get3A_1, %eq3A_29 : i32
    %convert_element_type3A_31 = arith.extui %eq3A_30 : i1 to i32
    %cond3A_32 = arith.constant 0 : i32
    %cond3A_33 = arith.cmpi ne, %convert_element_type3A_31, %cond3A_32 : i32
    scf.if %cond3A_33 {
      %get3A_34 = arith.constant 0 : index
      %get3A_35 = arith.constant 0 : index
      %get3A_36 = vector.load %arg2[%get3A_34, %get3A_35] : memref<256x384xi32, #tpu.memory_space<vmem>>, vector<256x384xi32>
      %shift_left3A = arith.constant 16 : i32
      %shift_left3A_37 = vector.broadcast %shift_left3A : i32 to vector<256x384xi32>
      %shift_left3A_38 = arith.shli %get3A_36, %shift_left3A_37 : vector<256x384xi32>
      %bitcast_convert_type3A = tpu.bitcast %shift_left3A_38 : vector<256x384xi32> -> vector<256x384xf32>
      %convert_element_type3A_39 = arith.truncf %bitcast_convert_type3A : vector<256x384xf32> to vector<256x384xbf16>
      %and3A = arith.constant -65536 : i32
      %and3A_40 = vector.broadcast %and3A : i32 to vector<256x384xi32>
      %and3A_41 = arith.andi %get3A_36, %and3A_40 : vector<256x384xi32>
      %bitcast_convert_type3A_42 = tpu.bitcast %and3A_41 : vector<256x384xi32> -> vector<256x384xf32>
      %convert_element_type3A_43 = arith.truncf %bitcast_convert_type3A_42 : vector<256x384xf32> to vector<256x384xbf16>
      %get3A_44 = arith.index_cast %get3A_4 : i32 to index
      %get3A_45 = arith.constant 0 : index
      %get3A_46 = arith.constant 0 : index
      %get3A_47 = vector.load %arg8[%get3A_44, %get3A_45, %get3A_46] : memref<2x1024x768xf32, #tpu.memory_space<vmem>>, vector<1x1024x768xf32>
      %get3A_48 = vector.shape_cast %get3A_47 : vector<1x1024x768xf32> to vector<1024x768xf32>
      %convert_element_type3A_49 = arith.truncf %get3A_48 : vector<1024x768xf32> to vector<1024x768xbf16>
      %get3A_50 = arith.index_cast %get3A_4 : i32 to index
      %get3A_51 = arith.constant 0 : index
      %get3A_52 = arith.constant 0 : index
      %get3A_53 = vector.load %arg9[%get3A_50, %get3A_51, %get3A_52] : memref<2x1024x768xf32, #tpu.memory_space<vmem>>, vector<1x1024x768xf32>
      %get3A_54 = vector.shape_cast %get3A_53 : vector<1x1024x768xf32> to vector<1024x768xf32>
      %convert_element_type3A_55 = arith.truncf %get3A_54 : vector<1024x768xf32> to vector<1024x768xbf16>
      %get3A_56 = arith.index_cast %get3A_4 : i32 to index
      %get3A_57 = arith.constant 0 : index
      %get3A_58 = arith.constant 0 : index
      %get3A_59 = vector.load %arg11[%get3A_56, %get3A_57, %get3A_58] : memref<2x768x1024xf32, #tpu.memory_space<vmem>>, vector<1x768x1024xf32>
      %get3A_60 = vector.shape_cast %get3A_59 : vector<1x768x1024xf32> to vector<768x1024xf32>
      %convert_element_type3A_61 = arith.truncf %get3A_60 : vector<768x1024xf32> to vector<768x1024xbf16>
      %slice3A = vector.extract_strided_slice %convert_element_type3A_49 {offsets = [0, 0], sizes = [1024, 384], strides = [1, 1]} : vector<1024x768xbf16> to vector<1024x384xbf16>
      %dot_general3A = arith.constant dense<0.000000e+00> : vector<256x1024xf32>
      %dot_general3A_62 = tpu.matmul %convert_element_type3A_39, %slice3A, %dot_general3A {dimension_numbers = #tpu.dot_dimension_numbers<[1], [1], [0], [0], [0, 0, 1, 0], [], []>, transpose_lhs_hint = false} : vector<256x384xbf16>, vector<1024x384xbf16>, vector<256x1024xf32> -> vector<256x1024xf32>
      %slice3A_63 = vector.extract_strided_slice %convert_element_type3A_49 {offsets = [0, 384], sizes = [1024, 384], strides = [1, 1]} : vector<1024x768xbf16> to vector<1024x384xbf16>
      %dot_general3A_64 = arith.constant dense<0.000000e+00> : vector<256x1024xf32>
      %dot_general3A_65 = tpu.matmul %convert_element_type3A_43, %slice3A_63, %dot_general3A_64 {dimension_numbers = #tpu.dot_dimension_numbers<[1], [1], [0], [0], [0, 0, 1, 0], [], []>, transpose_lhs_hint = false} : vector<256x384xbf16>, vector<1024x384xbf16>, vector<256x1024xf32> -> vector<256x1024xf32>
      %add3A = arith.addf %dot_general3A_62, %dot_general3A_65 : vector<256x1024xf32>
      %slice3A_66 = vector.extract_strided_slice %convert_element_type3A_55 {offsets = [0, 0], sizes = [1024, 384], strides = [1, 1]} : vector<1024x768xbf16> to vector<1024x384xbf16>
      %dot_general3A_67 = arith.constant dense<0.000000e+00> : vector<256x1024xf32>
      %dot_general3A_68 = tpu.matmul %convert_element_type3A_39, %slice3A_66, %dot_general3A_67 {dimension_numbers = #tpu.dot_dimension_numbers<[1], [1], [0], [0], [0, 0, 1, 0], [], []>, transpose_lhs_hint = false} : vector<256x384xbf16>, vector<1024x384xbf16>, vector<256x1024xf32> -> vector<256x1024xf32>
      %slice3A_69 = vector.extract_strided_slice %convert_element_type3A_55 {offsets = [0, 384], sizes = [1024, 384], strides = [1, 1]} : vector<1024x768xbf16> to vector<1024x384xbf16>
      %dot_general3A_70 = arith.constant dense<0.000000e+00> : vector<256x1024xf32>
      %dot_general3A_71 = tpu.matmul %convert_element_type3A_43, %slice3A_69, %dot_general3A_70 {dimension_numbers = #tpu.dot_dimension_numbers<[1], [1], [0], [0], [0, 0, 1, 0], [], []>, transpose_lhs_hint = false} : vector<256x384xbf16>, vector<1024x384xbf16>, vector<256x1024xf32> -> vector<256x1024xf32>
      %add3A_72 = arith.addf %dot_general3A_68, %dot_general3A_71 : vector<256x1024xf32>
      %get3A_73 = arith.index_cast %get3A_4 : i32 to index
      %get3A_74 = arith.constant 0 : index
      %get3A_75 = vector.load %arg10[%get3A_73, %get3A_74] : memref<2x1024xf32, #tpu.memory_space<vmem>>, vector<1x1024xf32>
      %get3A_76 = vector.shape_cast %get3A_75 : vector<1x1024xf32> to vector<1024xf32>
      %broadcast_in_dim3A = vector.shape_cast %get3A_76 : vector<1024xf32> to vector<1x1024xf32>
      %add3A_77 = vector.broadcast %broadcast_in_dim3A : vector<1x1024xf32> to vector<256x1024xf32>
      %add3A_78 = arith.addf %add3A_72, %add3A_77 : vector<256x1024xf32>
      %logistic3A = arith.negf %add3A : vector<256x1024xf32>
      %logistic3A_79 = math.exp %logistic3A : vector<256x1024xf32>
      %logistic3A_80 = arith.constant 1.000000e+00 : f32
      %logistic3A_81 = vector.broadcast %logistic3A_80 : f32 to vector<256x1024xf32>
      %logistic3A_82 = arith.addf %logistic3A_81, %logistic3A_79 : vector<256x1024xf32>
      %logistic3A_83 = arith.divf %logistic3A_81, %logistic3A_82 : vector<256x1024xf32>
      %mul3A = arith.mulf %add3A, %logistic3A_83 : vector<256x1024xf32>
      %mul3A_84 = arith.mulf %mul3A, %add3A_78 : vector<256x1024xf32>
      %convert_element_type3A_85 = arith.truncf %mul3A_84 : vector<256x1024xf32> to vector<256x1024xbf16>
      %dot_general3A_86 = arith.constant dense<0.000000e+00> : vector<256x768xf32>
      %dot_general3A_87 = tpu.matmul %convert_element_type3A_85, %convert_element_type3A_61, %dot_general3A_86 {dimension_numbers = #tpu.dot_dimension_numbers<[1], [1], [0], [0], [0, 0, 1, 0], [], []>, transpose_lhs_hint = false} : vector<256x1024xbf16>, vector<768x1024xbf16>, vector<256x768xf32> -> vector<256x768xf32>
      %swap3A = arith.constant 0 : index
      %swap3A_88 = arith.constant 0 : index
      %swap3A_89 = vector.load %arg7[%swap3A, %swap3A_88] : memref<256x768xf32, #tpu.memory_space<vmem>>, vector<256x768xf32>
      tpu.vector_store %arg7[%swap3A, %swap3A_88], %dot_general3A_87 {strides = array<i32>} : memref<256x768xf32, #tpu.memory_space<vmem>>, vector<256x768xf32>,
    } else {
    }
    return
  }
  func.func @transform_0(%arg0: i32, %arg1: memref<32x8xi32, #tpu.memory_space<smem>>) -> (i32, i32) {
    %c0_i32 = arith.constant 0 : i32
    %c0_i32_0 = arith.constant 0 : i32
    return %arg0, %c0_i32 : i32, i32
  }
  func.func @transform_5(%arg0: i32, %arg1: memref<32x8xi32, #tpu.memory_space<smem>>) -> (i32, i32) {
    %c0_i32 = arith.constant 0 : i32
    %c0_i32_0 = arith.constant 0 : i32
    return %arg0, %c0_i32 : i32, i32
  }
}

</mosaic_0001>

<sc_bundles>
// kernel: kernel.6.cloned.1.call-start
scs
__scs_entry_jumppad:
0x0: {  	(pc) =	sbr.rel $0x88, $3  }
0x1: {  	(tag) =	ssettag $0x0;
	lr =	simm.s32 $0x1  }
0x2: {  	[smem:$0x3F9B] =	sst lr;
	_ =	strace $0xD0000000  }
0x3: {  	_ = 	snop  }
0x4: {  	_ = 	snop  }
0x5: {  	_ = 	snop  }
0x6: {  	_ = 	snop  }
0x7: {  	_ = 	snop  }
__scs_overlays_trampoline_lowered:
0x8: {  	[smem:$0x3FAA] =	sst s0  }
0x9: {  	[smem:$0x3FAB] =	sst s1  }
0xa: {  	[smem:$0x3FAC] =	sst s2  }
0xb: {  	[smem:$0x3FAD] =	sst s3  }
0xc: {  	[smem:$0x3FAE] =	sst s4  }
0xd: {  	[smem:$0x3FAF] =	sst s5  }
0xe: {  	[smem:$0x3FB0] =	sst s6  }
0xf: {  	[smem:$0x3FB1] =	sst s7  }
0x10: {  	[smem:$0x3FB2] =	sst s8  }
0x11: {  	[smem:$0x3FB3] =	sst s9;
	s0 =	simm.s32 @!p0 $0x0  }
0x12: {  	s1 =	sld [smem:$0x3F99];
	s0 =	simm.s32 @p0 $0x1  }
0x13: {  	[smem:$0x3FB4] =	sst s0;
	s0 =	simm.s32 @!p1 $0x0  }
0x14: {  	s2 =	sld [smem:$0x3F98];
	s0 =	simm.s32 @p1 $0x1  }
0x15: {  	[smem:$0x3FB5] =	sst s0;
	s0 =	simm.s32 @!p2 $0x0  }
0x16: {  	s3 =	sld [smem:$0x3FDB];
	s0 =	simm.s32 @p2 $0x1  }
0x17: {  	s4 =	simm.s32 $0x1BF5;
	[smem:$0x3FB7] =	sst s0  }
0x18: {  	s0 =	sld [smem:$0x3F9A];
	_ =	swait.ge [sflag:s4], $0x0  }
0x19: {  	s7 =	sld [smem:$0x3F9B]  }
0x1a: {  	s8 =	sadd.s32 $0xFFFFE003, lr  }
0x1b: {  	s9 =	sadd.s32 $0xFFFFFEF7, lr;
	s5 =	simm.s32 $0xFFFFFFFF;
	p2 =	slt.u32 s8, $0xFFFFF086  }
0x1c: {  	p1 =	slt.u32 s9, $0xF7A;
	s5 =	simm.s32 @!p2 $0x0  }
0x1d: {  	s5 =	simm.s32 @p1 $0x1;
	p0 =	seq.s32 s7, s2  }
0x1e: {  	s7 =	smul.u32 @!p0 $0xF7A, s2;
	p2 =	seq.s32 @!p0 s5, $0x0  }
0x1f: {  	s9 =	smul.u32 $0xF7A, s1;
	s8 =	simm.s32 @!p0 $0x1BF5;
	p2 =	por !p2, p0  }
0x20: {  	[sflag:s8] =	ssyncset.s32 @!p0 $0xFFFFF086;
	s6 =	sadd.s32 @!p0 s3, s7;
	s7 =	simm.s32 @!p0 $0x108  }
0x21: {  	s3 =	sadd.s32 s3, s9;
	s6 =	sadd.s32 @!p0 $0x88, s6;
	s7 =	simm.s32 @p2 $0x1082  }
0x22: {  	[simem:s7], [sflag:s8] =	dma.local @!p0 [hbm:s6], $0xF7A  }
0x23: {  	s9 =	sor.u32 $0xD0000000, s2;
	s6 =	simm.s32 $0x108;
	_ =	swait.ge @!p0 [sflag:s8], $0x0  }
0x24: {  	s3 =	sadd.s32 $0x88, s3;
	s6 =	simm.s32 @!p1 $0x1082;
	[sflag:s4] =	ssyncset.s32 $0xFFFFF086  }
0x25: {  	[simem:s6], [sflag:s4] =	dma.local [hbm:s3], $0xF7A  }
0x26: {  	[smem:$0x3F9B] =	sst s1;
	(tag) =	ssettag s2;
	_ =	strace s9  }
0x27: {  	s1 =	sld [smem:$0x3FAB]  }
0x28: {  	s2 =	sld [smem:$0x3FAC]  }
0x29: {  	s4 =	sld [smem:$0x3FAE]  }
0x2a: {  	p0 =	seq.s32 s5, $0x0;
	s5 =	sld [smem:$0x3FAF]  }
0x2b: {  	s6 =	sld [smem:$0x3FB0]  }
0x2c: {  	s7 =	sld [smem:$0x3FB1]  }
0x2d: {  	s3 =	simm.s32 $0x108;
	s8 =	sld [smem:$0x3FB2]  }
0x2e: {  	s3 =	simm.s32 @!p0 $0x1082;
	s9 =	sld [smem:$0x3FB3]  }
0x2f: {  	lr =	sadd.s32 s0, s3;
	s0 =	sld [smem:$0x3FAA]  }
0x30: {  	s3 =	sld [smem:$0x3FAD]  }
0x31: {  	[smem:$0x3FB6] =	sst s10  }
0x32: {  	s10 =	sld [smem:$0x3FB4];
	_ =	sdelay $0x3  }
0x33: {  	p0 =	seq.s32 s10, $0x1;
	s10 =	sld [smem:$0x3FB6];
	_ =	sdelay $0x3  }
0x34: {  	[smem:$0x3FB6] =	sst s10  }
0x35: {  	s10 =	sld [smem:$0x3FB5];
	_ =	sdelay $0x3  }
0x36: {  	p1 =	seq.s32 s10, $0x1;
	s10 =	sld [smem:$0x3FB6];
	_ =	sdelay $0x3  }
0x37: {  	[smem:$0x3FB6] =	sst s10  }
0x38: {  	s10 =	sld [smem:$0x3FB7]  }
0x39: {  	_ = 	snop;
	(pc) =	sbr.ind lr, $3  }
0x3a: {  	_ = 	snop  }
0x3b: {  	_ = 	snop  }
0x3c: {  	p2 =	seq.s32 s10, $0x1;
	s10 =	sld [smem:$0x3FB6]  }
0x3d: {  	_ =	shalt  }
0x3e: {  	_ =	shalt  }
0x3f: {  	_ =	shalt  }
0x40: {  	_ =	shalt  }
0x41: {  	_ =	shalt  }
0x42: {  	_ =	shalt  }
0x43: {  	_ =	shalt  }
0x44: {  	_ =	shalt  }
0x45: {  	_ =	shalt  }
0x46: {  	_ =	shalt  }
0x47: {  	_ =	shalt  }
0x48: {  	_ =	shalt  }
0x49: {  	_ =	shalt  }
0x4a: {  	_ =	shalt  }
0x4b: {  	_ =	shalt  }
0x4c: {  	_ =	shalt  }
0x4d: {  	_ =	shalt  }
0x4e: {  	_ =	shalt  }
0x4f: {  	_ =	shalt  }
0x50: {  	_ =	shalt  }
0x51: {  	_ =	shalt  }
0x52: {  	_ =	shalt  }
0x53: {  	_ =	shalt  }
0x54: {  	_ =	shalt  }
0x55: {  	_ =	shalt  }
0x56: {  	_ =	shalt  }
0x57: {  	_ =	shalt  }
0x58: {  	_ =	shalt  }
0x59: {  	_ =	shalt  }
0x5a: {  	_ =	shalt  }
0x5b: {  	_ =	shalt  }
0x5c: {  	_ =	shalt  }
0x5d: {  	_ =	shalt  }
0x5e: {  	_ =	shalt  }
0x5f: {  	_ =	shalt  }
0x60: {  	_ =	shalt  }
0x61: {  	_ =	shalt  }
0x62: {  	_ =	shalt  }
0x63: {  	_ =	shalt  }
0x64: {  	_ =	shalt  }
0x65: {  	_ =	shalt  }
0x66: {  	_ =	shalt  }
0x67: {  	_ =	shalt  }
0x68: {  	_ =	shalt  }
0x69: {  	_ =	shalt  }
0x6a: {  	_ =	shalt  }
0x6b: {  	_ =	shalt  }
0x6c: {  	_ =	shalt  }
0x6d: {  	_ =	shalt  }
0x6e: {  	_ =	shalt  }
0x6f: {  	_ =	shalt  }
0x70: {  	_ =	shalt  }
0x71: {  	_ =	shalt  }
0x72: {  	_ =	shalt  }
0x73: {  	_ =	shalt  }
0x74: {  	_ =	shalt  }
0x75: {  	_ =	shalt  }
0x76: {  	_ =	shalt  }
0x77: {  	_ =	shalt  }
0x78: {  	_ =	shalt  }
0x79: {  	_ =	shalt  }
0x7a: {  	_ =	shalt  }
0x7b: {  	_ =	shalt  }
0x7c: {  	_ =	shalt  }
0x7d: {  	_ =	shalt  }
0x7e: {  	_ =	shalt  }
0x7f: {  	_ =	shalt  }
0x80: {  	_ =	shalt  }
0x81: {  	_ =	shalt  }
0x82: {  	_ =	shalt  }
0x83: {  	_ =	shalt  }
0x84: {  	_ =	shalt  }
0x85: {  	_ =	shalt  }
0x86: {  	_ =	shalt  }
0x87: {  	_ =	shalt  }
.Lfunc_end0:
.L_simem_size_0:
called_computation_lowered:
.L_overlay_start_0:
0x88: {  	s2 =	sld [smem:$0x3FD9]  }
0x89: {  	s3 =	sld [smem:$0x3FFE];
	_ =	sdelay $0x1  }
0x8a: {  	s1 =	srdreg.scid  }
0x8b: {  	s0 =	sand.u32 $0x1, s1  }
0x8c: {  	s17 =	sshll.u32 s0, $0xA;
	s2 =	sadd.s32 s3, s2  }
0x8d: {  	s2 =	sadd.s32 s2, s17  }
0x8e: {  	[smem:$0x3FC2] =	sst s2  }
0x8f: {  	_ = 	snop  }
0x90: {  	s2 =	sld [smem:$0x3FD0];
	(tm) =	ssettm $0x1  }
0x91: {  	s18 =	sld [smem:$0x3FFB];
	_ =	sdelay $0x3  }
0x92: {  	_ =	strace s18  }
0x93: {  	s3 =	sld [smem:$0x3FFC];
	_ =	sdelay $0x3  }
0x94: {  	_ =	strace s3  }
0x95: {  	s3 =	sld [smem:$0x3FFD];
	_ =	sdelay $0x3  }
0x96: {  	_ =	strace s3  }
0x97: {  	_ =	strace $0x8FFFFFFF  }
0x98: {  	s19 =	sld [smem:$0x3FDB];
	_ =	sdelay $0x1  }
0x99: {  	s4 =	simm.s32 $_scs_section_size  }
0x9a: {  	s5 =	simm.s32 $_size__tile_overlayer_lowered;
	s6 =	simm.s32 $_tile_overlayer_lowered  }
0x9b: {  	s22 =	simm.s32 $0x1BFF;
	s21 =	sshll.u32 s6, $0x1;
	s3 =	sadd.s32 s4, s19  }
0x9c: {  	s7 =	simm.s32 $0x0;
	s20 =	sshll.u32 s5, $0x1;
	s5 =	sadd.s32 s21, s3  }
0x9d: {  	[timem:s7], [sflag:s22] =	dma.local [hbm:s5], s20  }
0x9e: {  	_ =	swait.ge [sflag:s22], s20  }
0x9f: {  	s4 =	ssub.s32 $0x0, s20;
	[sflag:s22] =	ssyncset.done $0x0  }
0xa0: {  	[sflag:s22] =	ssyncadd.s32 s4;
	_ =	sdelay $0x1  }
0xa1: {  	s23 =	simm.s32 $0x1B8B  }
0xa2: {  	_ =	swait.ge [sflag:s23], $0x1  }
0xa3: {  	[sflag:s23] =	ssyncset.done $0x0  }
0xa4: {  	s25 =	simm.s32 $0x1B8E;
	s24 =	sld [smem:$0x3FFE];
	[sflag:s23] =	ssyncadd.s32 $0xFFFFFFFF  }
0xa5: {  	s26 =	simm.s32 $execute0_lowered;
	[smem:$0x3FD2] =	sst s25  }
0xa6: {  	s5 =	sshll.u32 s26, $0x1;
	_ =	strace $0x80000046;
	[dreg:$0x1] =	wrdreg $0xFFFFFFFF  }
0xa7: {  	s28 =	simm.s32 $_size_execute0_lowered;
	s3 =	sadd.s32 s3, s5;
	[dreg:$0x0] =	wrdreg $0x0  }
0xa8: {  	s5 =	sshll.u32 s28, $0x1;
	[dreg:$0x2] =	wrdreg s3  }
0xa9: {  	[dreg:$0x3] =	wrdreg s5  }
0xaa: {  	[dreg:$0x4] =	wrdreg $0xC0  }
0xab: {  	_ =	task [dreg:s7], $0x5FFFF  }
0xac: {  	[dreg:$0x1] =	wrdreg $0xFFFFFFFF  }
0xad: {  	[dreg:$0x0] =	wrdreg $0x60  }
0xae: {  	[dreg:$0x2] =	wrdreg s2  }
0xaf: {  	[dreg:$0x3] =	wrdreg s24  }
0xb0: {  	[dreg:$0x4] =	wrdreg $0x9  }
0xb1: {  	_ =	task.clear_ibuf [dreg:s7], $0x5FFFF;
	_ =	strace $0x90000046  }
0xb2: {  	s29 =	simm.s32 $0x9;
	_ =	strace $0x80000048  }
0xb3: {  	_ =	swait.ge [sflag:s29], $0x1  }
0xb4: {  	[sflag:s29] =	ssyncadd.s32 $0xFFFFFFFF  }
0xb5: {  	_ =	strace $0x90000048  }
0xb6: {  	_ =	sfence  }
0xb7: {  	s30 =	sld [smem:$0x0];
	_ =	sdelay $0x2  }
0xb8: {  	s31 =	sshll.u32 s1, $0xD;
	s1 =	sshrl.u32 s1, $0x2  }
0xb9: {  	s3 =	sand.u32 $0x4000, s31;
	s1 =	sadd.s32 s1, s30  }
0xba: {  	s0 =	sor.u32 s3, s0;
	s1 =	sshll.u32 s1, $0x11  }
0xbb: {  	s0 =	sor.u32 s1, s0  }
0xbc: {  	s0 =	sadd.s32 $0x8F2B, s0  }
0xbd: {  	[sflag:s0] =	ssyncadd.remote.s32 $0x1  }
0xbe: {  	_ =	sfence.sel $0xFFFF  }
0xbf: {  	[dreg:$0x0] =	wrdreg $0xFFFFFFFF;
	(pc) =	sbr.abs _section_cstart, $3  }
0xc0: {  	[dreg:$0x1] =	wrdreg $0xFFFFFFFF  }
0xc1: {  	_ =	task.clear_ibuf [dreg:s7], $0x2FFFF;
	_ =	strace $0x9FFFFFFF  }
0xc2: {  	(tm) =	ssettm $0x7FFFFFFF  }
0xc3: {  	_ =	shalt  }
tec
execute0_lowered:
.L_overlay_start_1:
0x0: {  	(tag) =	ssettag $0x1  }
0x1: {  	s4 =	rddreg [dreg:$0x0]  }
0x2: {  	s7 =	rddreg [dreg:$0x1]  }
0x3: {  	s0 =	rddreg [dreg:$0x2];
	s2 =	simm.s32 $0x0;
	s3 =	srdreg.scid  }
0x4: {  	s1 =	stileid.u32;
	s11 =	simm.s32 $0x6080;
	s12 =	simm.s32 $0x800  }
0x5: {  	s13 =	simm.s32 $0xC00;
	s14 =	simm.s32 $0x1400;
	s15 =	simm.s32 $0x1800  }
0x6: {  	s16 =	simm.s32 $0x2000;
	s17 =	simm.s32 $0x2400;
	s18 =	simm.s32 $0x2C00  }
0x7: {  	s19 =	simm.s32 $0x3000;
	s20 =	simm.s32 $0x3800;
	s21 =	simm.s32 $0x3C00  }
0x8: {  	s22 =	simm.s32 $0x4400;
	s23 =	simm.s32 $0x4800;
	s24 =	simm.s32 $0x5000  }
0x9: {  	s25 =	simm.s32 $0x5400;
	s28 =	simm.s32 $0x1;
	[smem:$0x7FF] =	sst s2  }
0xa: {  	s3 =	sand.u32 $0x1, s3;
	s5 =	sshll.u32 s1, $0x7;
	s6 =	sshll.u32 s1, $0x3  }
0xb: {  	s26 =	sshll.u32 s1, $0x4;
	_ =	strace $0x80000047;
	s8 =	sshll.u32 s3, $0x3  }
0xc: {  	s5 =	sor.u32 s6, s5;
	s9 =	ssub.s32 $0x2, s3;
	s3 =	sadd.s32 $0x12000, s7  }
0xd: {  	s5 =	sand.u32 $0xF0, s5;
	s29 =	sor.u32 s8, s26;
	s30 =	sshrl.u32 s9, $0x1  }
0xe: {  	s26 =	simm.s32 $0x5C00;
	s5 =	sor.u32 s8, s5;
	s31 =	smul.u32 $0x180, s29  }
0xf: {  	v2 =	vlaneseq.u32;
	s9 =	ssub.s32 s9, s30;
	s10 =	sadd.s32 s5, s7;
	s7 =	sadd.s32 $0x12100, s7  }
0x10: {  	vm0 =	vmmov $0xffff;
	vm1 =	vmmov $0xff;
	v1 =	vshrl.u32 v2, $0x3;
	s8 =	smax.u32 s9, $0x1;
	s9 =	simm.s32 $0x2;
	s4 =	sadd.s32 s4, s31  }
0x11: {  	v0 =	vand.u32 $0x7, v2;
	v2 =	vor.u32 $0x8, v2;
	v1 =	vmul.u32 $0x8, v1;
	s5 =	sadd.s32 $0x1C00, s10;
	s6 =	sadd.s32 $0x1E00, s10;
	s10 =	simm.s32 $0x6000  }
.LBB2_1:
0x12: {  	[tilespmem:s2], [sflag:$0x2] =	stream.linear.gather [hbm4b:s4+s2], $0x6000, $0x38;
	[tilespmem:$0x6100] =	vst v63  }
0x13: {  	_ =	swait.ge [sflag:s9], $0x6000  }
0x14: {  	[sflag:s9] =	ssyncset.done $0x0  }
0x15: {  	[sflag:s9] =	ssyncadd.s32 $0xFFFFA000  }
0x16: {  	[tilespmem:s10], [sflag:$0x2] =	stream.linear.gather [hbm4b:s5+s2], $0x40, $0x38;
	[tilespmem:$0x6100] =	vst v63  }
0x17: {  	_ =	swait.ge [sflag:s9], $0x40  }
0x18: {  	[sflag:s9] =	ssyncset.done $0x0  }
0x19: {  	[sflag:s9] =	ssyncadd.s32 $0xFFFFFFC0  }
0x1a: {  	[tilespmem:s11], [sflag:$0x2] =	stream.linear.gather [hbm4b:s6+s2], $0x40, $0x38;
	[tilespmem:$0x6100] =	vst v63  }
0x1b: {  	_ =	swait.ge [sflag:s9], $0x40  }
0x1c: {  	[sflag:s9] =	ssyncset.done $0x0  }
0x1d: {  	[sflag:s9] =	ssyncadd.s32 $0xFFFFFFC0  }
0x1e: {  	v3 =	vld [tilespmem:$0x6000];
	_ =	sdelay $0x4  }
0x1f: {  	v4 =	vshrl.u32 v3, $0x3  }
0x20: {  	v4 =	vmul.u32 $0x18, v4  }
0x21: {  	v3 =	vand.u32 $0x7, v3  }
0x22: {  	v3 =	vor.u32 v3, v4  }
0x23: {  	v4 =	vperm.xlane v3, v0;
	_ =	sdelay $0x1  }
0x24: {  	v4 =	vadd.s32 v1, v4;
	_ =	sdelay $0x1  }
0x25: {  	v3 =	vperm.xlane v3, v2;
	_ =	sdelay $0x1  }
0x26: {  	v3 =	vadd.s32 v1, v3  }
0x27: {  	[hbm4b:s3+s2] =	stream.indirect_vreg.scatter [tilespmem:s2], [sflag:$0x1], $0x80, v4, vm0, $0xb8;
	[tilespmem:$0x6100] =	vst v63  }
0x28: {  	_ = 	snop  }
0x29: {  	[hbm4b:s7+s2] =	stream.indirect_vreg.scatter [tilespmem:s12], [sflag:$0x1], $0x80, v4, vm1, $0xb8;
	[tilespmem:$0x6100] =	vst v63  }
0x2a: {  	_ = 	snop  }
0x2b: {  	[hbm4b:s3+s2] =	stream.indirect_vreg.scatter [tilespmem:s13], [sflag:$0x1], $0x80, v3, vm0, $0xb8;
	[tilespmem:$0x6100] =	vst v63  }
0x2c: {  	_ = 	snop  }
0x2d: {  	[hbm4b:s7+s2] =	stream.indirect_vreg.scatter [tilespmem:s14], [sflag:$0x1], $0x80, v3, vm1, $0xb8;
	[tilespmem:$0x6100] =	vst v63  }
0x2e: {  	v3 =	vld [tilespmem:$0x6010];
	_ =	sdelay $0x4  }
0x2f: {  	v57 =	vshrl.u32 v3, $0x3  }
0x30: {  	v4 =	vmul.u32 $0x18, v57  }
0x31: {  	v3 =	vand.u32 $0x7, v3  }
0x32: {  	v3 =	vor.u32 v3, v4  }
0x33: {  	v4 =	vperm.xlane v3, v0;
	_ =	sdelay $0x1  }
0x34: {  	v4 =	vadd.s32 v1, v4;
	_ =	sdelay $0x1  }
0x35: {  	v3 =	vperm.xlane v3, v2;
	_ =	sdelay $0x1  }
0x36: {  	v3 =	vadd.s32 v1, v3  }
0x37: {  	[hbm4b:s3+s2] =	stream.indirect_vreg.scatter [tilespmem:s15], [sflag:$0x1], $0x80, v4, vm0, $0xb8;
	[tilespmem:$0x6100] =	vst v63  }
0x38: {  	_ = 	snop  }
0x39: {  	[hbm4b:s7+s2] =	stream.indirect_vreg.scatter [tilespmem:s16], [sflag:$0x1], $0x80, v4, vm1, $0xb8;
	[tilespmem:$0x6100] =	vst v63  }
0x3a: {  	_ = 	snop  }
0x3b: {  	[hbm4b:s3+s2] =	stream.indirect_vreg.scatter [tilespmem:s17], [sflag:$0x1], $0x80, v3, vm0, $0xb8;
	[tilespmem:$0x6100] =	vst v63  }
0x3c: {  	_ = 	snop  }
0x3d: {  	[hbm4b:s7+s2] =	stream.indirect_vreg.scatter [tilespmem:s18], [sflag:$0x1], $0x80, v3, vm1, $0xb8;
	[tilespmem:$0x6100] =	vst v63  }
0x3e: {  	v3 =	vld [tilespmem:$0x6020];
	_ =	sdelay $0x4  }
0x3f: {  	v58 =	vshrl.u32 v3, $0x3  }
0x40: {  	v4 =	vmul.u32 $0x18, v58  }
0x41: {  	v3 =	vand.u32 $0x7, v3  }
0x42: {  	v3 =	vor.u32 v3, v4  }
0x43: {  	v4 =	vperm.xlane v3, v0;
	_ =	sdelay $0x1  }
0x44: {  	v4 =	vadd.s32 v1, v4;
	_ =	sdelay $0x1  }
0x45: {  	v3 =	vperm.xlane v3, v2;
	_ =	sdelay $0x1  }
0x46: {  	v3 =	vadd.s32 v1, v3  }
0x47: {  	[hbm4b:s3+s2] =	stream.indirect_vreg.scatter [tilespmem:s19], [sflag:$0x1], $0x80, v4, vm0, $0xb8;
	[tilespmem:$0x6100] =	vst v63  }
0x48: {  	_ = 	snop  }
0x49: {  	[hbm4b:s7+s2] =	stream.indirect_vreg.scatter [tilespmem:s20], [sflag:$0x1], $0x80, v4, vm1, $0xb8;
	[tilespmem:$0x6100] =	vst v63  }
0x4a: {  	_ = 	snop  }
0x4b: {  	[hbm4b:s3+s2] =	stream.indirect_vreg.scatter [tilespmem:s21], [sflag:$0x1], $0x80, v3, vm0, $0xb8;
	[tilespmem:$0x6100] =	vst v63  }
0x4c: {  	_ = 	snop  }
0x4d: {  	[hbm4b:s7+s2] =	stream.indirect_vreg.scatter [tilespmem:s22], [sflag:$0x1], $0x80, v3, vm1, $0xb8;
	[tilespmem:$0x6100] =	vst v63  }
0x4e: {  	v3 =	vld [tilespmem:$0x6030];
	_ =	sdelay $0x4  }
0x4f: {  	v59 =	vshrl.u32 v3, $0x3  }
0x50: {  	v4 =	vmul.u32 $0x18, v59  }
0x51: {  	v3 =	vand.u32 $0x7, v3  }
0x52: {  	v3 =	vor.u32 v3, v4  }
0x53: {  	v4 =	vperm.xlane v3, v0;
	_ =	sdelay $0x1  }
0x54: {  	v4 =	vadd.s32 v1, v4;
	_ =	sdelay $0x1  }
0x55: {  	v3 =	vperm.xlane v3, v2;
	_ =	sdelay $0x1  }
0x56: {  	v3 =	vadd.s32 v1, v3  }
0x57: {  	[hbm4b:s3+s2] =	stream.indirect_vreg.scatter [tilespmem:s23], [sflag:$0x1], $0x80, v4, vm0, $0xb8;
	[tilespmem:$0x6100] =	vst v63  }
0x58: {  	_ = 	snop  }
0x59: {  	[hbm4b:s7+s2] =	stream.indirect_vreg.scatter [tilespmem:s24], [sflag:$0x1], $0x80, v4, vm1, $0xb8;
	[tilespmem:$0x6100] =	vst v63  }
0x5a: {  	_ = 	snop  }
0x5b: {  	[hbm4b:s3+s2] =	stream.indirect_vreg.scatter [tilespmem:s25], [sflag:$0x1], $0x80, v3, vm0, $0xb8;
	[tilespmem:$0x6100] =	vst v63  }
0x5c: {  	_ = 	snop  }
0x5d: {  	[hbm4b:s7+s2] =	stream.indirect_vreg.scatter [tilespmem:s26], [sflag:$0x1], $0x80, v3, vm1, $0xb8;
	[tilespmem:$0x6100] =	vst v63  }
0x5e: {  	_ =	swait.ge [sflag:s28], $0x6000  }
0x5f: {  	[sflag:s28] =	ssyncset.done $0x0  }
0x60: {  	[sflag:s28] =	ssyncadd.s32 $0xFFFFA000  }
0x61: {  	v3 =	vld [tilespmem:$0x6080];
	_ =	sdelay $0x4  }
0x62: {  	v60 =	vshrl.u32 v3, $0x3  }
0x63: {  	v4 =	vmul.u32 $0x18, v60  }
0x64: {  	v3 =	vand.u32 $0x7, v3  }
0x65: {  	v3 =	vor.u32 v3, v4  }
0x66: {  	v4 =	vperm.xlane v3, v0;
	_ =	sdelay $0x1  }
0x67: {  	v4 =	vadd.s32 v1, v4;
	_ =	sdelay $0x1  }
0x68: {  	v3 =	vperm.xlane v3, v2;
	_ =	sdelay $0x1  }
0x69: {  	v3 =	vadd.s32 v1, v3  }
0x6a: {  	[hbm4b:s3+s2] =	stream.indirect_vreg.scatter [tilespmem:s2], [sflag:$0x1], $0x80, v4, vm0, $0xb8;
	[tilespmem:$0x6100] =	vst v63  }
0x6b: {  	_ = 	snop  }
0x6c: {  	[hbm4b:s7+s2] =	stream.indirect_vreg.scatter [tilespmem:s12], [sflag:$0x1], $0x80, v4, vm1, $0xb8;
	[tilespmem:$0x6100] =	vst v63  }
0x6d: {  	_ = 	snop  }
0x6e: {  	[hbm4b:s3+s2] =	stream.indirect_vreg.scatter [tilespmem:s13], [sflag:$0x1], $0x80, v3, vm0, $0xb8;
	[tilespmem:$0x6100] =	vst v63  }
0x6f: {  	_ = 	snop  }
0x70: {  	[hbm4b:s7+s2] =	stream.indirect_vreg.scatter [tilespmem:s14], [sflag:$0x1], $0x80, v3, vm1, $0xb8;
	[tilespmem:$0x6100] =	vst v63  }
0x71: {  	v3 =	vld [tilespmem:$0x6090];
	_ =	sdelay $0x4  }
0x72: {  	v61 =	vshrl.u32 v3, $0x3  }
0x73: {  	v4 =	vmul.u32 $0x18, v61  }
0x74: {  	v3 =	vand.u32 $0x7, v3  }
0x75: {  	v3 =	vor.u32 v3, v4  }
0x76: {  	v4 =	vperm.xlane v3, v0;
	_ =	sdelay $0x1  }
0x77: {  	v4 =	vadd.s32 v1, v4;
	_ =	sdelay $0x1  }
0x78: {  	v3 =	vperm.xlane v3, v2;
	_ =	sdelay $0x1  }
0x79: {  	v3 =	vadd.s32 v1, v3  }
0x7a: {  	[hbm4b:s3+s2] =	stream.indirect_vreg.scatter [tilespmem:s15], [sflag:$0x1], $0x80, v4, vm0, $0xb8;
	[tilespmem:$0x6100] =	vst v63  }
0x7b: {  	_ = 	snop  }
0x7c: {  	[hbm4b:s7+s2] =	stream.indirect_vreg.scatter [tilespmem:s16], [sflag:$0x1], $0x80, v4, vm1, $0xb8;
	[tilespmem:$0x6100] =	vst v63  }
0x7d: {  	_ = 	snop  }
0x7e: {  	[hbm4b:s3+s2] =	stream.indirect_vreg.scatter [tilespmem:s17], [sflag:$0x1], $0x80, v3, vm0, $0xb8;
	[tilespmem:$0x6100] =	vst v63  }
0x7f: {  	_ = 	snop  }
0x80: {  	[hbm4b:s7+s2] =	stream.indirect_vreg.scatter [tilespmem:s18], [sflag:$0x1], $0x80, v3, vm1, $0xb8;
	[tilespmem:$0x6100] =	vst v63  }
0x81: {  	v3 =	vld [tilespmem:$0x60A0];
	_ =	sdelay $0x4  }
0x82: {  	v62 =	vshrl.u32 v3, $0x3  }
0x83: {  	v4 =	vmul.u32 $0x18, v62  }
0x84: {  	v3 =	vand.u32 $0x7, v3  }
0x85: {  	v3 =	vor.u32 v3, v4  }
0x86: {  	v4 =	vperm.xlane v3, v0;
	_ =	sdelay $0x1  }
0x87: {  	v4 =	vadd.s32 v1, v4;
	_ =	sdelay $0x1  }
0x88: {  	v3 =	vperm.xlane v3, v2;
	_ =	sdelay $0x1  }
0x89: {  	v3 =	vadd.s32 v1, v3  }
0x8a: {  	[hbm4b:s3+s2] =	stream.indirect_vreg.scatter [tilespmem:s19], [sflag:$0x1], $0x80, v4, vm0, $0xb8;
	[tilespmem:$0x6100] =	vst v63  }
0x8b: {  	_ = 	snop  }
0x8c: {  	[hbm4b:s7+s2] =	stream.indirect_vreg.scatter [tilespmem:s20], [sflag:$0x1], $0x80, v4, vm1, $0xb8;
	[tilespmem:$0x6100] =	vst v63  }
0x8d: {  	_ = 	snop  }
0x8e: {  	[hbm4b:s3+s2] =	stream.indirect_vreg.scatter [tilespmem:s21], [sflag:$0x1], $0x80, v3, vm0, $0xb8;
	[tilespmem:$0x6100] =	vst v63  }
0x8f: {  	_ = 	snop  }
0x90: {  	[hbm4b:s7+s2] =	stream.indirect_vreg.scatter [tilespmem:s22], [sflag:$0x1], $0x80, v3, vm1, $0xb8;
	[tilespmem:$0x6100] =	vst v63  }
0x91: {  	v3 =	vld [tilespmem:$0x60B0];
	_ =	sdelay $0x4  }
0x92: {  	v63 =	vshrl.u32 v3, $0x3  }
0x93: {  	v4 =	vmul.u32 $0x18, v63  }
0x94: {  	v3 =	vand.u32 $0x7, v3  }
0x95: {  	v3 =	vor.u32 v3, v4  }
0x96: {  	v4 =	vperm.xlane v3, v0;
	_ =	sdelay $0x1  }
0x97: {  	v4 =	vadd.s32 v1, v4;
	_ =	sdelay $0x1  }
0x98: {  	v3 =	vperm.xlane v3, v2;
	_ =	sdelay $0x1  }
0x99: {  	v3 =	vadd.s32 v1, v3  }
0x9a: {  	[hbm4b:s3+s2] =	stream.indirect_vreg.scatter [tilespmem:s23], [sflag:$0x1], $0x80, v4, vm0, $0xb8;
	[tilespmem:$0x6100] =	vst v63  }
0x9b: {  	_ = 	snop  }
0x9c: {  	[hbm4b:s7+s2] =	stream.indirect_vreg.scatter [tilespmem:s24], [sflag:$0x1], $0x80, v4, vm1, $0xb8;
	[tilespmem:$0x6100] =	vst v63  }
0x9d: {  	p0 =	sne.s32 s8, $0x1  }
0x9e: {  	[hbm4b:s3+s2] =	stream.indirect_vreg.scatter [tilespmem:s25], [sflag:$0x1], $0x80, v3, vm0, $0xb8;
	[tilespmem:$0x6100] =	vst v63  }
.Ltmp0:
0x9f: {  	_ = 	snop;
	(pc) =	sbr.rel @p0 .LBB2_1-.Ltmp0, $4  }
0xa0: {  	[hbm4b:s7+s2] =	stream.indirect_vreg.scatter [tilespmem:s26], [sflag:$0x1], $0x80, v3, vm1, $0xb8;
	[tilespmem:$0x6100] =	vst v63  }
0xa1: {  	_ =	swait.ge [sflag:s28], $0x6000  }
0xa2: {  	[sflag:s28] =	ssyncset.done $0x0  }
0xa3: {  	s8 =	sadd.s32 $0xFFFFFFFF, s8;
	[sflag:s28] =	ssyncadd.s32 $0xFFFFA000  }
0xa4: {  	_ =	sfence.sel $0x180000  }
0xa5: {  	[bflag:$0x0] =	sbarrier.arrive $0xFFFF  }
0xa6: {  	p0 =	sne.s32 s1, $0x0;
	_ =	strace $0x90000047  }
0xa7: {  	s0 =	sadd.s32 @!p0 $0x100000, s0;
	[bflag:$0x2] =	sbarrier.arrive $0xFFFF  }
0xa8: {  	[sflag:s0] =	ssyncadd.tile.s32 @!p0 $0x1;
	_ =	shalt  }
.Lfunc_end2:
_tile_overlayer_lowered:
.L_overlay_start_2:
0xa9: {  	(tag) =	ssettag $0x2  }
0xaa: {  	s0 =	rddreg [dreg:$0x0];
	s2 =	stileid.u32  }
0xab: {  	s1 =	rddreg [dreg:$0x1];
	p0 =	sne.s32 s2, $0x0  }
0xac: {  	s3 =	rddreg [dreg:$0x2];
	[bflag:$0x3] =	sbarrier.arrive $0xFFFF;
	s2 =	simm.s32 @!p0 $0x1C02  }
0xad: {  	[timem:s3], [sflag:s2] =	dma.local @!p0 [hbm:s0], s1  }
0xae: {  	s0 =	simm.s32 @!p0 $0x2  }
0xaf: {  	_ =	swait.ge @!p0 [sflag:s0], s1  }
0xb0: {  	s1 =	ssub.s32 @!p0 $0x0, s1;
	[sflag:s0] =	ssyncset.done @!p0 $0x0  }
0xb1: {  	[sflag:s0] =	ssyncadd.s32 @!p0 s1  }
0xb2: {  	[bflag:$0x3] =	sbarrier.arrive $0xFFFF  }
0xb3: {  	_ =	shalt  }

// kernel: kernel.9.cloned.1.call-start
scs
__scs_entry_jumppad:
0x0: {  	(pc) =	sbr.rel $0x88, $3  }
0x1: {  	(tag) =	ssettag $0x0;
	lr =	simm.s32 $0x1  }
0x2: {  	[smem:$0x3F9B] =	sst lr;
	_ =	strace $0xD0000000  }
0x3: {  	_ = 	snop  }
0x4: {  	_ = 	snop  }
0x5: {  	_ = 	snop  }
0x6: {  	_ = 	snop  }
0x7: {  	_ = 	snop  }
__scs_overlays_trampoline_lowered:
0x8: {  	[smem:$0x3FAA] =	sst s0  }
0x9: {  	[smem:$0x3FAB] =	sst s1  }
0xa: {  	[smem:$0x3FAC] =	sst s2  }
0xb: {  	[smem:$0x3FAD] =	sst s3  }
0xc: {  	[smem:$0x3FAE] =	sst s4  }
0xd: {  	[smem:$0x3FAF] =	sst s5  }
0xe: {  	[smem:$0x3FB0] =	sst s6  }
0xf: {  	[smem:$0x3FB1] =	sst s7  }
0x10: {  	[smem:$0x3FB2] =	sst s8  }
0x11: {  	[smem:$0x3FB3] =	sst s9;
	s0 =	simm.s32 @!p0 $0x0  }
0x12: {  	s1 =	sld [smem:$0x3F99];
	s0 =	simm.s32 @p0 $0x1  }
0x13: {  	[smem:$0x3FB4] =	sst s0;
	s0 =	simm.s32 @!p1 $0x0  }
0x14: {  	s2 =	sld [smem:$0x3F98];
	s0 =	simm.s32 @p1 $0x1  }
0x15: {  	[smem:$0x3FB5] =	sst s0;
	s0 =	simm.s32 @!p2 $0x0  }
0x16: {  	s3 =	sld [smem:$0x3FDB];
	s0 =	simm.s32 @p2 $0x1  }
0x17: {  	s4 =	simm.s32 $0x1BF5;
	[smem:$0x3FB7] =	sst s0  }
0x18: {  	s0 =	sld [smem:$0x3F9A];
	_ =	swait.ge [sflag:s4], $0x0  }
0x19: {  	s7 =	sld [smem:$0x3F9B]  }
0x1a: {  	s8 =	sadd.s32 $0xFFFFE003, lr  }
0x1b: {  	s9 =	sadd.s32 $0xFFFFFEF7, lr;
	s5 =	simm.s32 $0xFFFFFFFF;
	p2 =	slt.u32 s8, $0xFFFFF086  }
0x1c: {  	p1 =	slt.u32 s9, $0xF7A;
	s5 =	simm.s32 @!p2 $0x0  }
0x1d: {  	s5 =	simm.s32 @p1 $0x1;
	p0 =	seq.s32 s7, s2  }
0x1e: {  	s7 =	smul.u32 @!p0 $0xF7A, s2;
	p2 =	seq.s32 @!p0 s5, $0x0  }
0x1f: {  	s9 =	smul.u32 $0xF7A, s1;
	s8 =	simm.s32 @!p0 $0x1BF5;
	p2 =	por !p2, p0  }
0x20: {  	[sflag:s8] =	ssyncset.s32 @!p0 $0xFFFFF086;
	s6 =	sadd.s32 @!p0 s3, s7;
	s7 =	simm.s32 @!p0 $0x108  }
0x21: {  	s3 =	sadd.s32 s3, s9;
	s6 =	sadd.s32 @!p0 $0x88, s6;
	s7 =	simm.s32 @p2 $0x1082  }
0x22: {  	[simem:s7], [sflag:s8] =	dma.local @!p0 [hbm:s6], $0xF7A  }
0x23: {  	s9 =	sor.u32 $0xD0000000, s2;
	s6 =	simm.s32 $0x108;
	_ =	swait.ge @!p0 [sflag:s8], $0x0  }
0x24: {  	s3 =	sadd.s32 $0x88, s3;
	s6 =	simm.s32 @!p1 $0x1082;
	[sflag:s4] =	ssyncset.s32 $0xFFFFF086  }
0x25: {  	[simem:s6], [sflag:s4] =	dma.local [hbm:s3], $0xF7A  }
0x26: {  	[smem:$0x3F9B] =	sst s1;
	(tag) =	ssettag s2;
	_ =	strace s9  }
0x27: {  	s1 =	sld [smem:$0x3FAB]  }
0x28: {  	s2 =	sld [smem:$0x3FAC]  }
0x29: {  	s4 =	sld [smem:$0x3FAE]  }
0x2a: {  	p0 =	seq.s32 s5, $0x0;
	s5 =	sld [smem:$0x3FAF]  }
0x2b: {  	s6 =	sld [smem:$0x3FB0]  }
0x2c: {  	s7 =	sld [smem:$0x3FB1]  }
0x2d: {  	s3 =	simm.s32 $0x108;
	s8 =	sld [smem:$0x3FB2]  }
0x2e: {  	s3 =	simm.s32 @!p0 $0x1082;
	s9 =	sld [smem:$0x3FB3]  }
0x2f: {  	lr =	sadd.s32 s0, s3;
	s0 =	sld [smem:$0x3FAA]  }
0x30: {  	s3 =	sld [smem:$0x3FAD]  }
0x31: {  	[smem:$0x3FB6] =	sst s10  }
0x32: {  	s10 =	sld [smem:$0x3FB4];
	_ =	sdelay $0x3  }
0x33: {  	p0 =	seq.s32 s10, $0x1;
	s10 =	sld [smem:$0x3FB6];
	_ =	sdelay $0x3  }
0x34: {  	[smem:$0x3FB6] =	sst s10  }
0x35: {  	s10 =	sld [smem:$0x3FB5];
	_ =	sdelay $0x3  }
0x36: {  	p1 =	seq.s32 s10, $0x1;
	s10 =	sld [smem:$0x3FB6];
	_ =	sdelay $0x3  }
0x37: {  	[smem:$0x3FB6] =	sst s10  }
0x38: {  	s10 =	sld [smem:$0x3FB7]  }
0x39: {  	_ = 	snop;
	(pc) =	sbr.ind lr, $3  }
0x3a: {  	_ = 	snop  }
0x3b: {  	_ = 	snop  }
0x3c: {  	p2 =	seq.s32 s10, $0x1;
	s10 =	sld [smem:$0x3FB6]  }
0x3d: {  	_ =	shalt  }
0x3e: {  	_ =	shalt  }
0x3f: {  	_ =	shalt  }
0x40: {  	_ =	shalt  }
0x41: {  	_ =	shalt  }
0x42: {  	_ =	shalt  }
0x43: {  	_ =	shalt  }
0x44: {  	_ =	shalt  }
0x45: {  	_ =	shalt  }
0x46: {  	_ =	shalt  }
0x47: {  	_ =	shalt  }
0x48: {  	_ =	shalt  }
0x49: {  	_ =	shalt  }
0x4a: {  	_ =	shalt  }
0x4b: {  	_ =	shalt  }
0x4c: {  	_ =	shalt  }
0x4d: {  	_ =	shalt  }
0x4e: {  	_ =	shalt  }
0x4f: {  	_ =	shalt  }
0x50: {  	_ =	shalt  }
0x51: {  	_ =	shalt  }
0x52: {  	_ =	shalt  }
0x53: {  	_ =	shalt  }
0x54: {  	_ =	shalt  }
0x55: {  	_ =	shalt  }
0x56: {  	_ =	shalt  }
0x57: {  	_ =	shalt  }
0x58: {  	_ =	shalt  }
0x59: {  	_ =	shalt  }
0x5a: {  	_ =	shalt  }
0x5b: {  	_ =	shalt  }
0x5c: {  	_ =	shalt  }
0x5d: {  	_ =	shalt  }
0x5e: {  	_ =	shalt  }
0x5f: {  	_ =	shalt  }
0x60: {  	_ =	shalt  }
0x61: {  	_ =	shalt  }
0x62: {  	_ =	shalt  }
0x63: {  	_ =	shalt  }
0x64: {  	_ =	shalt  }
0x65: {  	_ =	shalt  }
0x66: {  	_ =	shalt  }
0x67: {  	_ =	shalt  }
0x68: {  	_ =	shalt  }
0x69: {  	_ =	shalt  }
0x6a: {  	_ =	shalt  }
0x6b: {  	_ =	shalt  }
0x6c: {  	_ =	shalt  }
0x6d: {  	_ =	shalt  }
0x6e: {  	_ =	shalt  }
0x6f: {  	_ =	shalt  }
0x70: {  	_ =	shalt  }
0x71: {  	_ =	shalt  }
0x72: {  	_ =	shalt  }
0x73: {  	_ =	shalt  }
0x74: {  	_ =	shalt  }
0x75: {  	_ =	shalt  }
0x76: {  	_ =	shalt  }
0x77: {  	_ =	shalt  }
0x78: {  	_ =	shalt  }
0x79: {  	_ =	shalt  }
0x7a: {  	_ =	shalt  }
0x7b: {  	_ =	shalt  }
0x7c: {  	_ =	shalt  }
0x7d: {  	_ =	shalt  }
0x7e: {  	_ =	shalt  }
0x7f: {  	_ =	shalt  }
0x80: {  	_ =	shalt  }
0x81: {  	_ =	shalt  }
0x82: {  	_ =	shalt  }
0x83: {  	_ =	shalt  }
0x84: {  	_ =	shalt  }
0x85: {  	_ =	shalt  }
0x86: {  	_ =	shalt  }
0x87: {  	_ =	shalt  }
.Lfunc_end0:
.L_simem_size_0:
called_computation.1_lowered:
.L_overlay_start_0:
0x88: {  	s2 =	sld [smem:$0x3FD9]  }
0x89: {  	s3 =	sld [smem:$0x3FFE];
	_ =	sdelay $0x1  }
0x8a: {  	s1 =	srdreg.scid  }
0x8b: {  	s0 =	sand.u32 $0x1, s1  }
0x8c: {  	s17 =	sshll.u32 s0, $0xA;
	s2 =	sadd.s32 s3, s2  }
0x8d: {  	s2 =	sadd.s32 s2, s17  }
0x8e: {  	[smem:$0x3FC2] =	sst s2  }
0x8f: {  	_ = 	snop  }
0x90: {  	s2 =	sld [smem:$0x3FD0];
	(tm) =	ssettm $0x1  }
0x91: {  	s18 =	sld [smem:$0x3FFB];
	_ =	sdelay $0x3  }
0x92: {  	_ =	strace s18  }
0x93: {  	s3 =	sld [smem:$0x3FFC];
	_ =	sdelay $0x3  }
0x94: {  	_ =	strace s3  }
0x95: {  	s3 =	sld [smem:$0x3FFD];
	_ =	sdelay $0x3  }
0x96: {  	_ =	strace s3  }
0x97: {  	_ =	strace $0x8FFFFFFF  }
0x98: {  	s19 =	sld [smem:$0x3FDB];
	_ =	sdelay $0x1  }
0x99: {  	s4 =	simm.s32 $_scs_section_size  }
0x9a: {  	s5 =	simm.s32 $_size__tile_overlayer_lowered;
	s6 =	simm.s32 $_tile_overlayer_lowered  }
0x9b: {  	s22 =	simm.s32 $0x1BFF;
	s21 =	sshll.u32 s6, $0x1;
	s3 =	sadd.s32 s4, s19  }
0x9c: {  	s7 =	simm.s32 $0x0;
	s20 =	sshll.u32 s5, $0x1;
	s5 =	sadd.s32 s21, s3  }
0x9d: {  	[timem:s7], [sflag:s22] =	dma.local [hbm:s5], s20  }
0x9e: {  	_ =	swait.ge [sflag:s22], s20  }
0x9f: {  	s4 =	ssub.s32 $0x0, s20;
	[sflag:s22] =	ssyncset.done $0x0  }
0xa0: {  	[sflag:s22] =	ssyncadd.s32 s4;
	_ =	sdelay $0x1  }
0xa1: {  	s23 =	simm.s32 $0x1B8B  }
0xa2: {  	_ =	swait.ge [sflag:s23], $0x1  }
0xa3: {  	[sflag:s23] =	ssyncset.done $0x0  }
0xa4: {  	s25 =	simm.s32 $0x1B8E;
	s24 =	sld [smem:$0x3FFE];
	[sflag:s23] =	ssyncadd.s32 $0xFFFFFFFF  }
0xa5: {  	s26 =	simm.s32 $execute0_lowered;
	[smem:$0x3FD2] =	sst s25  }
0xa6: {  	s5 =	sshll.u32 s26, $0x1;
	_ =	strace $0x80000049;
	[dreg:$0x1] =	wrdreg $0xFFFFFFFF  }
0xa7: {  	s28 =	simm.s32 $_size_execute0_lowered;
	s3 =	sadd.s32 s3, s5;
	[dreg:$0x0] =	wrdreg $0x0  }
0xa8: {  	s5 =	sshll.u32 s28, $0x1;
	[dreg:$0x2] =	wrdreg s3  }
0xa9: {  	[dreg:$0x3] =	wrdreg s5  }
0xaa: {  	[dreg:$0x4] =	wrdreg $0xC0  }
0xab: {  	_ =	task [dreg:s7], $0x5FFFF  }
0xac: {  	[dreg:$0x1] =	wrdreg $0xFFFFFFFF  }
0xad: {  	[dreg:$0x0] =	wrdreg $0x60  }
0xae: {  	[dreg:$0x2] =	wrdreg s24  }
0xaf: {  	[dreg:$0x3] =	wrdreg s2  }
0xb0: {  	[dreg:$0x4] =	wrdreg $0x9  }
0xb1: {  	_ =	task.clear_ibuf [dreg:s7], $0x5FFFF;
	_ =	strace $0x90000049  }
0xb2: {  	s29 =	simm.s32 $0x9;
	_ =	strace $0x8000004B  }
0xb3: {  	_ =	swait.ge [sflag:s29], $0x1  }
0xb4: {  	[sflag:s29] =	ssyncadd.s32 $0xFFFFFFFF  }
0xb5: {  	_ =	strace $0x9000004B  }
0xb6: {  	_ =	sfence  }
0xb7: {  	s30 =	sld [smem:$0x0];
	_ =	sdelay $0x2  }
0xb8: {  	s31 =	sshll.u32 s1, $0xD;
	s1 =	sshrl.u32 s1, $0x2  }
0xb9: {  	s3 =	sand.u32 $0x4000, s31;
	s1 =	sadd.s32 s1, s30  }
0xba: {  	s0 =	sor.u32 s3, s0;
	s1 =	sshll.u32 s1, $0x11  }
0xbb: {  	s0 =	sor.u32 s1, s0  }
0xbc: {  	s0 =	sadd.s32 $0x8F2B, s0  }
0xbd: {  	[sflag:s0] =	ssyncadd.remote.s32 $0x1  }
0xbe: {  	_ =	sfence.sel $0xFFFF  }
0xbf: {  	[dreg:$0x0] =	wrdreg $0xFFFFFFFF;
	(pc) =	sbr.abs _section_cstart, $3  }
0xc0: {  	[dreg:$0x1] =	wrdreg $0xFFFFFFFF  }
0xc1: {  	_ =	task.clear_ibuf [dreg:s7], $0x2FFFF;
	_ =	strace $0x9FFFFFFF  }
0xc2: {  	(tm) =	ssettm $0x7FFFFFFF  }
0xc3: {  	_ =	shalt  }
tec
execute0_lowered:
.L_overlay_start_1:
0x0: {  	(tag) =	ssettag $0x1  }
0x1: {  	s0 =	rddreg [dreg:$0x0]  }
0x2: {  	s1 =	rddreg [dreg:$0x1];
	s2 =	simm.s32 $0x0;
	s7 =	stileid.u32  }
0x3: {  	s3 =	srdreg.scid;
	s13 =	simm.s32 $0x3;
	s15 =	simm.s32 $0x4100  }
0x4: {  	s21 =	simm.s32 $0xA100;
	s20 =	simm.s32 $0x18900;
	s22 =	simm.s32 $0x19100  }
0x5: {  	s28 =	simm.s32 $0x1B900;
	s29 =	simm.s32 $0x1;
	s30 =	simm.s32 $0x2  }
0x6: {  	s31 =	simm.s32 $0x0;
	[smem:$0x7FF] =	sst s2;
	s4 =	sshll.u32 s7, $0x7  }
0x7: {  	s5 =	sshll.u32 s7, $0x3;
	s6 =	sand.u32 $0x1, s3;
	s7 =	sshll.u32 s7, $0x1  }
0x8: {  	s3 =	sadd.s32 $0x12000, s0;
	_ =	strace $0x8000004A;
	s23 =	sor.u32 s5, s4  }
0x9: {  	s24 =	sshll.u32 s6, $0x3;
	s7 =	sor.u32 s6, s7;
	s6 =	ssub.s32 $0x2, s6  }
0xa: {  	s4 =	sand.u32 $0xF0, s23;
	s25 =	sshll.u32 s7, $0xA;
	s9 =	smul.u32 $0xC000, s7  }
0xb: {  	s26 =	sshrl.u32 s6, $0x1;
	s10 =	smul.u32 $0x1800, s7;
	s23 =	simm.s32 $0x19900  }
0xc: {  	s4 =	sor.u32 s24, s4;
	s8 =	sadd.s32 s25, s0;
	s12 =	ssub.s32 s6, s26  }
0xd: {  	s24 =	simm.s32 $0x1A100;
	s25 =	simm.s32 $0x1A900;
	s26 =	simm.s32 $0x1B100  }
0xe: {  	s5 =	sadd.s32 s4, s0;
	s6 =	sadd.s32 $0x2000, s8;
	s9 =	sshrl.u32 s9, $0x3  }
0xf: {  	v2 =	vlaneseq.u32;
	s7 =	sadd.s32 $0xA000, s8;
	s8 =	sadd.s32 $0x12100, s0;
	s10 =	sadd.s32 s1, s10  }
0x10: {  	vm0 =	vmmov $0xffff;
	v1 =	vshrl.u32 v2, $0x3;
	s12 =	smax.u32 s12, $0x1;
	s4 =	sadd.s32 $0x1C00, s5;
	s11 =	sadd.s32 s1, s9  }
0x11: {  	v0 =	vand.u32 $0x7, v2;
	v2 =	vor.u32 $0x8, v2;
	v1 =	vmul.u32 $0x8, v1;
	s5 =	sadd.s32 $0x1E00, s5;
	s9 =	sadd.s32 $0x12200, s0;
	s11 =	sadd.s32 $0xC00, s11  }
.LBB2_1:
0x12: {  	[tilespmem:s2], [sflag:$0x3] =	stream.linear.gather [hbm4b:s4+s2], $0x40, $0x38;
	[tilespmem:$0x1C100] =	vst v63  }
0x13: {  	_ =	swait.ge [sflag:s13], $0x40  }
0x14: {  	[sflag:s13] =	ssyncset.done $0x0  }
0x15: {  	s0 =	simm.s32 $0x80;
	[sflag:s13] =	ssyncadd.s32 $0xFFFFFFC0  }
0x16: {  	[tilespmem:s0], [sflag:$0x3] =	stream.linear.gather [hbm4b:s5+s2], $0x40, $0x38;
	[tilespmem:$0x1C100] =	vst v63  }
0x17: {  	_ =	swait.ge [sflag:s13], $0x40  }
0x18: {  	[sflag:s13] =	ssyncset.done $0x0  }
0x19: {  	s0 =	simm.s32 $0x100;
	[sflag:s13] =	ssyncadd.s32 $0xFFFFFFC0  }
0x1a: {  	[tilespmem:s0], [sflag:$0x3] =	stream.linear.gather [hbm4b:s6+s2], $0x2000, $0x38;
	[tilespmem:$0x1C100] =	vst v63  }
0x1b: {  	_ =	swait.ge [sflag:s13], $0x2000  }
0x1c: {  	[sflag:s13] =	ssyncset.done $0x0  }
0x1d: {  	s1 =	simm.s32 $0x2100;
	[sflag:s13] =	ssyncadd.s32 $0xFFFFE000  }
0x1e: {  	[tilespmem:s1], [sflag:$0x3] =	stream.linear.gather [hbm4b:s7+s2], $0x2000, $0x38;
	[tilespmem:$0x1C100] =	vst v63  }
0x1f: {  	_ =	swait.ge [sflag:s13], $0x2000  }
0x20: {  	[sflag:s13] =	ssyncset.done $0x0  }
0x21: {  	[sflag:s13] =	ssyncadd.s32 $0xFFFFE000  }
0x22: {  	v3 =	vld [tilespmem:$0x0];
	_ =	sdelay $0x4  }
0x23: {  	v4 =	vshrl.u32 v3, $0x3  }
0x24: {  	v4 =	vmul.u32 $0x30, v4  }
0x25: {  	v3 =	vand.u32 $0x7, v3  }
0x26: {  	v3 =	vor.u32 v3, v4  }
0x27: {  	v4 =	vperm.xlane v3, v0;
	_ =	sdelay $0x1  }
0x28: {  	v4 =	vadd.s32 v1, v4;
	_ =	sdelay $0x3  }
0x29: {  	v3 =	vperm.xlane v3, v2  }
0x2a: {  	[tilespmem:s15], [sflag:$0x1] =	stream.indirect_vreg.gather [hbm4b:s3+s2], $0x80, v4, vm0, $0xb8;
	[tilespmem:$0x1C100] =	vst v63  }
0x2b: {  	s14 =	simm.s32 $0x4900;
	v3 =	vadd.s32 v1, v3  }
0x2c: {  	[tilespmem:s14], [sflag:$0x1] =	stream.indirect_vreg.gather [hbm4b:s8+s2], $0x80, v4, vm0, $0xb8;
	[tilespmem:$0x1C100] =	vst v63  }
0x2d: {  	s16 =	simm.s32 $0x5100  }
0x2e: {  	[tilespmem:s16], [sflag:$0x1] =	stream.indirect_vreg.gather [hbm4b:s9+s2], $0x80, v4, vm0, $0xb8;
	[tilespmem:$0x1C100] =	vst v63  }
0x2f: {  	s17 =	simm.s32 $0x5900  }
0x30: {  	[tilespmem:s17], [sflag:$0x1] =	stream.indirect_vreg.gather [hbm4b:s3+s2], $0x80, v3, vm0, $0xb8;
	[tilespmem:$0x1C100] =	vst v63  }
0x31: {  	s18 =	simm.s32 $0x6100  }
0x32: {  	[tilespmem:s18], [sflag:$0x1] =	stream.indirect_vreg.gather [hbm4b:s8+s2], $0x80, v3, vm0, $0xb8;
	[tilespmem:$0x1C100] =	vst v63  }
0x33: {  	s19 =	simm.s32 $0x6900  }
0x34: {  	[tilespmem:s19], [sflag:$0x1] =	stream.indirect_vreg.gather [hbm4b:s9+s2], $0x80, v3, vm0, $0xb8;
	[tilespmem:$0x1C100] =	vst v63  }
0x35: {  	v3 =	vld [tilespmem:$0x10];
	_ =	sdelay $0x4  }
0x36: {  	v4 =	vshrl.u32 v3, $0x3  }
0x37: {  	v4 =	vmul.u32 $0x30, v4  }
0x38: {  	v3 =	vand.u32 $0x7, v3  }
0x39: {  	v3 =	vor.u32 v3, v4  }
0x3a: {  	v4 =	vperm.xlane v3, v0;
	_ =	sdelay $0x1  }
0x3b: {  	v4 =	vadd.s32 v1, v4;
	_ =	sdelay $0x3  }
0x3c: {  	s16 =	simm.s32 $0x7100;
	v3 =	vperm.xlane v3, v2  }
0x3d: {  	[tilespmem:s16], [sflag:$0x1] =	stream.indirect_vreg.gather [hbm4b:s3+s2], $0x80, v4, vm0, $0xb8;
	[tilespmem:$0x1C100] =	vst v63  }
0x3e: {  	s17 =	simm.s32 $0x7900;
	v3 =	vadd.s32 v1, v3  }
0x3f: {  	[tilespmem:s17], [sflag:$0x1] =	stream.indirect_vreg.gather [hbm4b:s8+s2], $0x80, v4, vm0, $0xb8;
	[tilespmem:$0x1C100] =	vst v63  }
0x40: {  	s18 =	simm.s32 $0x8100  }
0x41: {  	[tilespmem:s18], [sflag:$0x1] =	stream.indirect_vreg.gather [hbm4b:s9+s2], $0x80, v4, vm0, $0xb8;
	[tilespmem:$0x1C100] =	vst v63  }
0x42: {  	s19 =	simm.s32 $0x8900  }
0x43: {  	[tilespmem:s19], [sflag:$0x1] =	stream.indirect_vreg.gather [hbm4b:s3+s2], $0x80, v3, vm0, $0xb8;
	[tilespmem:$0x1C100] =	vst v63  }
0x44: {  	s16 =	simm.s32 $0x9100  }
0x45: {  	[tilespmem:s16], [sflag:$0x1] =	stream.indirect_vreg.gather [hbm4b:s8+s2], $0x80, v3, vm0, $0xb8;
	[tilespmem:$0x1C100] =	vst v63  }
0x46: {  	s17 =	simm.s32 $0x9900  }
0x47: {  	[tilespmem:s17], [sflag:$0x1] =	stream.indirect_vreg.gather [hbm4b:s9+s2], $0x80, v3, vm0, $0xb8;
	[tilespmem:$0x1C100] =	vst v63  }
0x48: {  	v3 =	vld [tilespmem:$0x80];
	_ =	sdelay $0x4  }
0x49: {  	v4 =	vshrl.u32 v3, $0x3  }
0x4a: {  	v4 =	vmul.u32 $0x30, v4  }
0x4b: {  	v3 =	vand.u32 $0x7, v3  }
0x4c: {  	v3 =	vor.u32 v3, v4  }
0x4d: {  	v4 =	vperm.xlane v3, v0;
	_ =	sdelay $0x1  }
0x4e: {  	v4 =	vadd.s32 v1, v4;
	_ =	sdelay $0x3  }
0x4f: {  	s18 =	simm.s32 $0x10100;
	v3 =	vperm.xlane v3, v2  }
0x50: {  	[tilespmem:s18], [sflag:$0x1] =	stream.indirect_vreg.gather [hbm4b:s3+s2], $0x80, v4, vm0, $0xb8;
	[tilespmem:$0x1C100] =	vst v63  }
0x51: {  	s19 =	simm.s32 $0x10900;
	v3 =	vadd.s32 v1, v3  }
0x52: {  	[tilespmem:s19], [sflag:$0x1] =	stream.indirect_vreg.gather [hbm4b:s8+s2], $0x80, v4, vm0, $0xb8;
	[tilespmem:$0x1C100] =	vst v63  }
0x53: {  	s16 =	simm.s32 $0x11100  }
0x54: {  	[tilespmem:s16], [sflag:$0x1] =	stream.indirect_vreg.gather [hbm4b:s9+s2], $0x80, v4, vm0, $0xb8;
	[tilespmem:$0x1C100] =	vst v63  }
0x55: {  	s17 =	simm.s32 $0x11900  }
0x56: {  	[tilespmem:s17], [sflag:$0x1] =	stream.indirect_vreg.gather [hbm4b:s3+s2], $0x80, v3, vm0, $0xb8;
	[tilespmem:$0x1C100] =	vst v63  }
0x57: {  	s18 =	simm.s32 $0x12100  }
0x58: {  	[tilespmem:s18], [sflag:$0x1] =	stream.indirect_vreg.gather [hbm4b:s8+s2], $0x80, v3, vm0, $0xb8;
	[tilespmem:$0x1C100] =	vst v63  }
0x59: {  	s19 =	simm.s32 $0x12900  }
0x5a: {  	[tilespmem:s19], [sflag:$0x1] =	stream.indirect_vreg.gather [hbm4b:s9+s2], $0x80, v3, vm0, $0xb8;
	[tilespmem:$0x1C100] =	vst v63  }
0x5b: {  	v3 =	vld [tilespmem:$0x90];
	_ =	sdelay $0x4  }
0x5c: {  	v4 =	vshrl.u32 v3, $0x3  }
0x5d: {  	v4 =	vmul.u32 $0x30, v4  }
0x5e: {  	v3 =	vand.u32 $0x7, v3  }
0x5f: {  	v3 =	vor.u32 v3, v4  }
0x60: {  	v4 =	vperm.xlane v3, v0;
	_ =	sdelay $0x1  }
0x61: {  	v4 =	vadd.s32 v1, v4;
	_ =	sdelay $0x3  }
0x62: {  	s16 =	simm.s32 $0x13100;
	v3 =	vperm.xlane v3, v2  }
0x63: {  	[tilespmem:s16], [sflag:$0x1] =	stream.indirect_vreg.gather [hbm4b:s3+s2], $0x80, v4, vm0, $0xb8;
	[tilespmem:$0x1C100] =	vst v63  }
0x64: {  	s17 =	simm.s32 $0x13900;
	v3 =	vadd.s32 v1, v3  }
0x65: {  	[tilespmem:s17], [sflag:$0x1] =	stream.indirect_vreg.gather [hbm4b:s8+s2], $0x80, v4, vm0, $0xb8;
	[tilespmem:$0x1C100] =	vst v63  }
0x66: {  	s18 =	simm.s32 $0x14100  }
0x67: {  	[tilespmem:s18], [sflag:$0x1] =	stream.indirect_vreg.gather [hbm4b:s9+s2], $0x80, v4, vm0, $0xb8;
	[tilespmem:$0x1C100] =	vst v63  }
0x68: {  	s19 =	simm.s32 $0x14900  }
0x69: {  	[tilespmem:s19], [sflag:$0x1] =	stream.indirect_vreg.gather [hbm4b:s3+s2], $0x80, v3, vm0, $0xb8;
	[tilespmem:$0x1C100] =	vst v63  }
0x6a: {  	s16 =	simm.s32 $0x15100  }
0x6b: {  	[tilespmem:s16], [sflag:$0x1] =	stream.indirect_vreg.gather [hbm4b:s8+s2], $0x80, v3, vm0, $0xb8;
	[tilespmem:$0x1C100] =	vst v63  }
0x6c: {  	s17 =	simm.s32 $0x15900  }
0x6d: {  	[tilespmem:s17], [sflag:$0x1] =	stream.indirect_vreg.gather [hbm4b:s9+s2], $0x80, v3, vm0, $0xb8;
	[tilespmem:$0x1C100] =	vst v63  }
0x6e: {  	v3 =	vld [tilespmem:$0x20];
	_ =	sdelay $0x4  }
0x6f: {  	v4 =	vshrl.u32 v3, $0x3  }
0x70: {  	v4 =	vmul.u32 $0x30, v4  }
0x71: {  	v3 =	vand.u32 $0x7, v3  }
0x72: {  	v3 =	vor.u32 v3, v4  }
0x73: {  	v4 =	vperm.xlane v3, v0;
	_ =	sdelay $0x1  }
0x74: {  	v4 =	vadd.s32 v1, v4;
	_ =	sdelay $0x3  }
0x75: {  	v3 =	vperm.xlane v3, v2  }
0x76: {  	[tilespmem:s21], [sflag:$0x2] =	stream.indirect_vreg.gather [hbm4b:s3+s2], $0x80, v4, vm0, $0xb8;
	[tilespmem:$0x1C100] =	vst v63  }
0x77: {  	s18 =	simm.s32 $0xA900;
	v3 =	vadd.s32 v1, v3  }
0x78: {  	[tilespmem:s18], [sflag:$0x2] =	stream.indirect_vreg.gather [hbm4b:s8+s2], $0x80, v4, vm0, $0xb8;
	[tilespmem:$0x1C100] =	vst v63  }
0x79: {  	s19 =	simm.s32 $0xB100  }
0x7a: {  	[tilespmem:s19], [sflag:$0x2] =	stream.indirect_vreg.gather [hbm4b:s9+s2], $0x80, v4, vm0, $0xb8;
	[tilespmem:$0x1C100] =	vst v63  }
0x7b: {  	s16 =	simm.s32 $0xB900  }
0x7c: {  	[tilespmem:s16], [sflag:$0x2] =	stream.indirect_vreg.gather [hbm4b:s3+s2], $0x80, v3, vm0, $0xb8;
	[tilespmem:$0x1C100] =	vst v63  }
0x7d: {  	s17 =	simm.s32 $0xC100  }
0x7e: {  	[tilespmem:s17], [sflag:$0x2] =	stream.indirect_vreg.gather [hbm4b:s8+s2], $0x80, v3, vm0, $0xb8;
	[tilespmem:$0x1C100] =	vst v63  }
0x7f: {  	s18 =	simm.s32 $0xC900  }
0x80: {  	[tilespmem:s18], [sflag:$0x2] =	stream.indirect_vreg.gather [hbm4b:s9+s2], $0x80, v3, vm0, $0xb8;
	[tilespmem:$0x1C100] =	vst v63  }
0x81: {  	v3 =	vld [tilespmem:$0x30];
	_ =	sdelay $0x4  }
0x82: {  	v4 =	vshrl.u32 v3, $0x3  }
0x83: {  	v4 =	vmul.u32 $0x30, v4  }
0x84: {  	v3 =	vand.u32 $0x7, v3  }
0x85: {  	v3 =	vor.u32 v3, v4  }
0x86: {  	v4 =	vperm.xlane v3, v0;
	_ =	sdelay $0x1  }
0x87: {  	v4 =	vadd.s32 v1, v4;
	_ =	sdelay $0x3  }
0x88: {  	s19 =	simm.s32 $0xD100;
	v3 =	vperm.xlane v3, v2  }
0x89: {  	[tilespmem:s19], [sflag:$0x2] =	stream.indirect_vreg.gather [hbm4b:s3+s2], $0x80, v4, vm0, $0xb8;
	[tilespmem:$0x1C100] =	vst v63  }
0x8a: {  	s16 =	simm.s32 $0xD900;
	v3 =	vadd.s32 v1, v3  }
0x8b: {  	[tilespmem:s16], [sflag:$0x2] =	stream.indirect_vreg.gather [hbm4b:s8+s2], $0x80, v4, vm0, $0xb8;
	[tilespmem:$0x1C100] =	vst v63  }
0x8c: {  	s17 =	simm.s32 $0xE100  }
0x8d: {  	[tilespmem:s17], [sflag:$0x2] =	stream.indirect_vreg.gather [hbm4b:s9+s2], $0x80, v4, vm0, $0xb8;
	[tilespmem:$0x1C100] =	vst v63  }
0x8e: {  	s18 =	simm.s32 $0xE900  }
0x8f: {  	[tilespmem:s18], [sflag:$0x2] =	stream.indirect_vreg.gather [hbm4b:s3+s2], $0x80, v3, vm0, $0xb8;
	[tilespmem:$0x1C100] =	vst v63  }
0x90: {  	s19 =	simm.s32 $0xF100  }
0x91: {  	[tilespmem:s19], [sflag:$0x2] =	stream.indirect_vreg.gather [hbm4b:s8+s2], $0x80, v3, vm0, $0xb8;
	[tilespmem:$0x1C100] =	vst v63  }
0x92: {  	s16 =	simm.s32 $0xF900  }
0x93: {  	[tilespmem:s16], [sflag:$0x2] =	stream.indirect_vreg.gather [hbm4b:s9+s2], $0x80, v3, vm0, $0xb8;
	[tilespmem:$0x1C100] =	vst v63  }
0x94: {  	v3 =	vld [tilespmem:$0xA0];
	_ =	sdelay $0x4  }
0x95: {  	v4 =	vshrl.u32 v3, $0x3  }
0x96: {  	v4 =	vmul.u32 $0x30, v4  }
0x97: {  	v3 =	vand.u32 $0x7, v3  }
0x98: {  	v3 =	vor.u32 v3, v4  }
0x99: {  	v4 =	vperm.xlane v3, v0;
	_ =	sdelay $0x1  }
0x9a: {  	v4 =	vadd.s32 v1, v4;
	_ =	sdelay $0x3  }
0x9b: {  	s17 =	simm.s32 $0x16100;
	v3 =	vperm.xlane v3, v2  }
0x9c: {  	[tilespmem:s17], [sflag:$0x2] =	stream.indirect_vreg.gather [hbm4b:s3+s2], $0x80, v4, vm0, $0xb8;
	[tilespmem:$0x1C100] =	vst v63  }
0x9d: {  	s18 =	simm.s32 $0x16900;
	v3 =	vadd.s32 v1, v3  }
0x9e: {  	[tilespmem:s18], [sflag:$0x2] =	stream.indirect_vreg.gather [hbm4b:s8+s2], $0x80, v4, vm0, $0xb8;
	[tilespmem:$0x1C100] =	vst v63  }
0x9f: {  	s19 =	simm.s32 $0x17100  }
0xa0: {  	[tilespmem:s19], [sflag:$0x2] =	stream.indirect_vreg.gather [hbm4b:s9+s2], $0x80, v4, vm0, $0xb8;
	[tilespmem:$0x1C100] =	vst v63  }
0xa1: {  	s16 =	simm.s32 $0x17900  }
0xa2: {  	[tilespmem:s16], [sflag:$0x2] =	stream.indirect_vreg.gather [hbm4b:s3+s2], $0x80, v3, vm0, $0xb8;
	[tilespmem:$0x1C100] =	vst v63  }
0xa3: {  	s17 =	simm.s32 $0x18100  }
0xa4: {  	[tilespmem:s17], [sflag:$0x2] =	stream.indirect_vreg.gather [hbm4b:s8+s2], $0x80, v3, vm0, $0xb8;
	[tilespmem:$0x1C100] =	vst v63  }
0xa5: {  	_ = 	snop  }
0xa6: {  	[tilespmem:s20], [sflag:$0x2] =	stream.indirect_vreg.gather [hbm4b:s9+s2], $0x80, v3, vm0, $0xb8;
	[tilespmem:$0x1C100] =	vst v63  }
0xa7: {  	v3 =	vld [tilespmem:$0xB0];
	_ =	sdelay $0x4  }
0xa8: {  	v4 =	vshrl.u32 v3, $0x3  }
0xa9: {  	v4 =	vmul.u32 $0x30, v4  }
0xaa: {  	v3 =	vand.u32 $0x7, v3  }
0xab: {  	v3 =	vor.u32 v3, v4  }
0xac: {  	v4 =	vperm.xlane v3, v0;
	_ =	sdelay $0x1  }
0xad: {  	v4 =	vadd.s32 v1, v4;
	_ =	sdelay $0x3  }
0xae: {  	v3 =	vperm.xlane v3, v2  }
0xaf: {  	[tilespmem:s22], [sflag:$0x2] =	stream.indirect_vreg.gather [hbm4b:s3+s2], $0x80, v4, vm0, $0xb8;
	[tilespmem:$0x1C100] =	vst v63  }
0xb0: {  	v3 =	vadd.s32 v1, v3  }
0xb1: {  	[tilespmem:s23], [sflag:$0x2] =	stream.indirect_vreg.gather [hbm4b:s8+s2], $0x80, v4, vm0, $0xb8;
	[tilespmem:$0x1C100] =	vst v63  }
0xb2: {  	_ = 	snop  }
0xb3: {  	[tilespmem:s24], [sflag:$0x2] =	stream.indirect_vreg.gather [hbm4b:s9+s2], $0x80, v4, vm0, $0xb8;
	[tilespmem:$0x1C100] =	vst v63  }
0xb4: {  	_ = 	snop  }
0xb5: {  	[tilespmem:s25], [sflag:$0x2] =	stream.indirect_vreg.gather [hbm4b:s3+s2], $0x80, v3, vm0, $0xb8;
	[tilespmem:$0x1C100] =	vst v63  }
0xb6: {  	_ = 	snop  }
0xb7: {  	[tilespmem:s26], [sflag:$0x2] =	stream.indirect_vreg.gather [hbm4b:s8+s2], $0x80, v3, vm0, $0xb8;
	[tilespmem:$0x1C100] =	vst v63  }
0xb8: {  	_ = 	snop  }
0xb9: {  	[tilespmem:s28], [sflag:$0x2] =	stream.indirect_vreg.gather [hbm4b:s9+s2], $0x80, v3, vm0, $0xb8;
	[tilespmem:$0x1C100] =	vst v63  }
0xba: {  	_ =	swait.ge [sflag:s29], $0x6000  }
0xbb: {  	[sflag:s29] =	ssyncset.done $0x0  }
0xbc: {  	s18 =	simm.s32 $0x0;
	[sflag:s29] =	ssyncadd.s32 $0xFFFFA000  }
0xbd: {  	s14 =	smul.u32 $0x1800, s18;
	_ =	swait.ge [sflag:s29], $0x6000  }
0xbe: {  	s16 =	sand.u32 $0x380, s2;
	[sflag:s29] =	ssyncset.done $0x0  }
0xbf: {  	s17 =	sor.u32 s16, s14;
	[sflag:s29] =	ssyncadd.s32 $0xFFFFA000  }
0xc0: {  	v4 =	vld [tilespmem:s17+$0x4110]  }
0xc1: {  	v3 =	vld [tilespmem:s17+$0x10110]  }
0xc2: {  	v6 =	vld [tilespmem:s17+$0x4120]  }
0xc3: {  	v5 =	vld [tilespmem:s17+$0x10120]  }
0xc4: {  	v10 =	vld [tilespmem:s17+$0x4130]  }
0xc5: {  	v9 =	vld [tilespmem:s17+$0x10130]  }
0xc6: {  	v12 =	vld [tilespmem:s17+$0x4140]  }
0xc7: {  	v11 =	vld [tilespmem:s17+$0x10140]  }
0xc8: {  	v13 =	vld [tilespmem:s17+$0x4160]  }
0xc9: {  	v14 =	vld [tilespmem:s17+$0x4170]  }
0xca: {  	v15 =	vld [tilespmem:s17+$0x4500]  }
0xcb: {  	v16 =	vld [tilespmem:s17+$0x4510]  }
0xcc: {  	v17 =	vld [tilespmem:s17+$0x4520]  }
0xcd: {  	v18 =	vld [tilespmem:s17+$0x4530]  }
0xce: {  	v19 =	vld [tilespmem:s17+$0x4540]  }
0xcf: {  	v20 =	vld [tilespmem:s17+$0x4550]  }
0xd0: {  	v21 =	vld [tilespmem:s17+$0x4560]  }
0xd1: {  	v22 =	vld [tilespmem:s17+$0x4570]  }
0xd2: {  	v23 =	vld [tilespmem:s17+$0x4900]  }
0xd3: {  	v24 =	vld [tilespmem:s17+$0x4910]  }
0xd4: {  	v25 =	vld [tilespmem:s17+$0x4920]  }
0xd5: {  	v26 =	vld [tilespmem:s17+$0x4930]  }
0xd6: {  	v27 =	vld [tilespmem:s17+$0x4940]  }
0xd7: {  	v28 =	vld [tilespmem:s17+$0x4950]  }
0xd8: {  	v29 =	vld [tilespmem:s17+$0x4960]  }
0xd9: {  	v30 =	vld [tilespmem:s17+$0x4970]  }
0xda: {  	v31 =	vld [tilespmem:s17+$0x4D00]  }
0xdb: {  	v32 =	vld [tilespmem:s17+$0x4D10]  }
0xdc: {  	v33 =	vld [tilespmem:s17+$0x4D20]  }
0xdd: {  	v34 =	vld [tilespmem:s17+$0x4D30]  }
0xde: {  	v35 =	vld [tilespmem:s17+$0x4D40]  }
0xdf: {  	v36 =	vld [tilespmem:s17+$0x4D50]  }
0xe0: {  	v37 =	vld [tilespmem:s17+$0x4D60]  }
0xe1: {  	v38 =	vld [tilespmem:s17+$0x4D70]  }
0xe2: {  	v39 =	vld [tilespmem:s17+$0x5100]  }
0xe3: {  	v40 =	vld [tilespmem:s17+$0x5110]  }
0xe4: {  	v41 =	vld [tilespmem:s17+$0x5120]  }
0xe5: {  	v42 =	vld [tilespmem:s17+$0x5130]  }
0xe6: {  	v43 =	vld [tilespmem:s17+$0x5140]  }
0xe7: {  	v44 =	vld [tilespmem:s17+$0x5150]  }
0xe8: {  	v45 =	vld [tilespmem:s17+$0x5160]  }
0xe9: {  	v46 =	vld [tilespmem:s17+$0x5500]  }
0xea: {  	v47 =	vld [tilespmem:s17+$0x5510]  }
0xeb: {  	v48 =	vld [tilespmem:s17+$0x11510]  }
0xec: {  	v49 =	vld [tilespmem:s17+$0x11530]  }
0xed: {  	v50 =	vld [tilespmem:s17+$0x5530]  }
0xee: {  	v51 =	vld [tilespmem:s17+$0x5520]  }
0xef: {  	v7 =	vld [tilespmem:s0+$0x0]  }
0xf0: {  	v8 =	vld [tilespmem:s1+$0x0]  }
0xf1: {  	v52 =	vld [tilespmem:s17+$0x11520]  }
0xf2: {  	v53 =	vld [tilespmem:s17+$0x11500]  }
0xf3: {  	v54 =	vld [tilespmem:s17+$0x5170]  }
0xf4: {  	v55 =	vld [tilespmem:s17+$0x11170];
	v50 =	vmul.f32 v50, v7  }
0xf5: {  	v56 =	vld [tilespmem:s17+$0x11160];
	v49 =	vmul.f32 v49, v8;
	v51 =	vmul.f32 v51, v7  }
0xf6: {  	v57 =	vld [tilespmem:s17+$0x11150];
	v52 =	vmul.f32 v52, v8;
	v47 =	vmul.f32 v47, v7  }
0xf7: {  	v61 =	vld [tilespmem:s17+$0x11100];
	v48 =	vmul.f32 v48, v8;
	v46 =	vmul.f32 v46, v7  }
0xf8: {  	v58 =	vld [tilespmem:s17+$0x11140];
	v62 =	vmul.f32 v53, v8;
	v63 =	vmul.f32 v54, v7;
	v49 =	vadd.f32 v49, v50  }
0xf9: {  	v53 =	vld [tilespmem:s17+$0x11130];
	v59 =	vmul.f32 v55, v8;
	v45 =	vmul.f32 v45, v7;
	v51 =	vadd.f32 v52, v51  }
0xfa: {  	v60 =	vmul.f32 v56, v8;
	v44 =	vmul.f32 v44, v7;
	v56 =	vld [tilespmem:s17+$0x10D60];
	v47 =	vadd.f32 v48, v47;
	[tilespmem:s17+$0x5530] =	vst v49  }
0xfb: {  	v43 =	vmul.f32 v43, v7;
	v39 =	vmul.f32 v39, v7;
	v55 =	vld [tilespmem:s17+$0x10970];
	v46 =	vadd.f32 v62, v46;
	[tilespmem:s17+$0x5520] =	vst v51  }
0xfc: {  	v61 =	vmul.f32 v61, v8;
	v12 =	vmul.f32 v12, v7;
	v48 =	vld [tilespmem:s17+$0x11120];
	v52 =	vadd.f32 v59, v63;
	[tilespmem:s17+$0x5510] =	vst v47  }
0xfd: {  	v11 =	vmul.f32 v11, v8;
	v63 =	vmul.f32 v58, v8;
	v45 =	vadd.f32 v60, v45;
	v58 =	vld [tilespmem:s17+$0x10D50];
	[tilespmem:s17+$0x5500] =	vst v46  }
0xfe: {  	v42 =	vmul.f32 v42, v7;
	v62 =	vmul.f32 v57, v8;
	v59 =	vld [tilespmem:s17+$0x10D40];
	v39 =	vadd.f32 v61, v39;
	[tilespmem:s17+$0x5170] =	vst v52  }
0xff: {  	v41 =	vmul.f32 v41, v7;
	v40 =	vmul.f32 v40, v7;
	v60 =	vld [tilespmem:s17+$0x10D30];
	v11 =	vadd.f32 v11, v12;
	[tilespmem:s17+$0x5160] =	vst v45  }
0x100: {  	v38 =	vmul.f32 v38, v7;
	v61 =	vld [tilespmem:s17+$0x10910];
	v44 =	vadd.f32 v62, v44;
	[tilespmem:s17+$0x5100] =	vst v39;
	v57 =	vmul.f32 v53, v8  }
0x101: {  	v37 =	vmul.f32 v37, v7;
	v49 =	vld [tilespmem:s17+$0x11110];
	v43 =	vadd.f32 v63, v43;
	[tilespmem:s17+$0x4140] =	vst v11;
	v46 =	vmul.f32 v56, v8  }
0x102: {  	v36 =	vmul.f32 v36, v7;
	v47 =	vld [tilespmem:s17+$0x10D70];
	[tilespmem:s17+$0x5150] =	vst v44;
	v48 =	vmul.f32 v48, v8;
	v42 =	vadd.f32 v57, v42  }
0x103: {  	v35 =	vmul.f32 v35, v7;
	v62 =	vld [tilespmem:s17+$0x10D20];
	[tilespmem:s17+$0x5140] =	vst v43;
	v54 =	vmul.f32 v58, v8;
	v37 =	vadd.f32 v46, v37  }
0x104: {  	v34 =	vmul.f32 v34, v7;
	v63 =	vld [tilespmem:s17+$0x10D10];
	v45 =	vmul.f32 v59, v8;
	v41 =	vadd.f32 v48, v41;
	[tilespmem:s17+$0x5130] =	vst v42  }
0x105: {  	v33 =	vmul.f32 v33, v7;
	v56 =	vld [tilespmem:s17+$0x10960];
	v44 =	vmul.f32 v60, v8;
	v36 =	vadd.f32 v54, v36;
	[tilespmem:s17+$0x4D60] =	vst v37  }
0x106: {  	v32 =	vmul.f32 v32, v7;
	v53 =	vld [tilespmem:s17+$0x10D00];
	v49 =	vmul.f32 v49, v8;
	v35 =	vadd.f32 v45, v35;
	[tilespmem:s17+$0x5120] =	vst v41  }
0x107: {  	v6 =	vmul.f32 v6, v7;
	v12 =	vld [tilespmem:s17+$0x5560];
	v47 =	vmul.f32 v47, v8;
	v34 =	vadd.f32 v44, v34;
	[tilespmem:s17+$0x4D50] =	vst v36  }
0x108: {  	v5 =	vmul.f32 v5, v8;
	v58 =	vld [tilespmem:s17+$0x10940];
	v43 =	vmul.f32 v62, v8;
	v40 =	vadd.f32 v49, v40;
	[tilespmem:s17+$0x4D40] =	vst v35  }
0x109: {  	v29 =	vmul.f32 v29, v7;
	v59 =	vld [tilespmem:s17+$0x10930];
	v42 =	vmul.f32 v63, v8;
	v38 =	vadd.f32 v47, v38;
	[tilespmem:s17+$0x4D30] =	vst v34  }
0x10a: {  	v5 =	vadd.f32 v5, v6;
	v6 =	vld [tilespmem:s17+$0x4100];
	v39 =	vmul.f32 v56, v8;
	v33 =	vadd.f32 v43, v33;
	[tilespmem:s17+$0x5110] =	vst v40  }
0x10b: {  	v31 =	vmul.f32 v31, v7;
	v60 =	vld [tilespmem:s17+$0x10920];
	v41 =	vmul.f32 v53, v8;
	v32 =	vadd.f32 v42, v32;
	[tilespmem:s17+$0x4D70] =	vst v38  }
0x10c: {  	v24 =	vmul.f32 v24, v7;
	v57 =	vld [tilespmem:s17+$0x10950];
	v34 =	vmul.f32 v61, v8;
	v29 =	vadd.f32 v39, v29;
	[tilespmem:s17+$0x4D20] =	vst v33  }
0x10d: {  	v27 =	vmul.f32 v27, v7;
	v62 =	vld [tilespmem:s17+$0x10900];
	v37 =	vmul.f32 v58, v8;
	v31 =	vadd.f32 v41, v31;
	[tilespmem:s17+$0x4D10] =	vst v32  }
0x10e: {  	v26 =	vmul.f32 v26, v7;
	v63 =	vld [tilespmem:s17+$0x10570];
	v36 =	vmul.f32 v59, v8;
	v24 =	vadd.f32 v34, v24;
	[tilespmem:s17+$0x4960] =	vst v29  }
0x10f: {  	v30 =	vmul.f32 v30, v7;
	v40 =	vmul.f32 v55, v8;
	v27 =	vadd.f32 v37, v27;
	v29 =	vld [tilespmem:s17+$0x10540];
	[tilespmem:s17+$0x4D00] =	vst v31  }
0x110: {  	v25 =	vmul.f32 v25, v7;
	v35 =	vmul.f32 v60, v8;
	v26 =	vadd.f32 v36, v26;
	v31 =	vld [tilespmem:s17+$0x10560];
	[tilespmem:s17+$0x4910] =	vst v24  }
0x111: {  	v28 =	vmul.f32 v28, v7;
	v38 =	vmul.f32 v57, v8;
	v30 =	vadd.f32 v40, v30;
	v24 =	vld [tilespmem:s17+$0x10170];
	[tilespmem:s17+$0x4940] =	vst v27  }
0x112: {  	v23 =	vmul.f32 v23, v7;
	v33 =	vmul.f32 v62, v8;
	v25 =	vadd.f32 v35, v25;
	v27 =	vld [tilespmem:s17+$0x10520];
	[tilespmem:s17+$0x4930] =	vst v26  }
0x113: {  	v22 =	vmul.f32 v22, v7;
	v32 =	vmul.f32 v63, v8;
	v28 =	vadd.f32 v38, v28;
	[tilespmem:s17+$0x4970] =	vst v30;
	v30 =	vld [tilespmem:s17+$0x10550]  }
0x114: {  	v19 =	vmul.f32 v19, v7;
	v23 =	vadd.f32 v33, v23;
	[tilespmem:s17+$0x4920] =	vst v25;
	v25 =	vld [tilespmem:s17+$0x10500];
	v29 =	vmul.f32 v29, v8  }
0x115: {  	v21 =	vmul.f32 v21, v7;
	v22 =	vadd.f32 v32, v22;
	[tilespmem:s17+$0x4950] =	vst v28;
	v28 =	vld [tilespmem:s17+$0x10530];
	v31 =	vmul.f32 v31, v8  }
0x116: {  	v14 =	vmul.f32 v14, v7;
	[tilespmem:s17+$0x4900] =	vst v23;
	v23 =	vld [tilespmem:s17+$0x10160];
	v24 =	vmul.f32 v24, v8;
	v19 =	vadd.f32 v29, v19  }
0x117: {  	v17 =	vmul.f32 v17, v7;
	v26 =	vld [tilespmem:s17+$0x10510];
	[tilespmem:s17+$0x4570] =	vst v22;
	v27 =	vmul.f32 v27, v8;
	v21 =	vadd.f32 v31, v21  }
0x118: {  	v20 =	vmul.f32 v20, v7;
	v22 =	vld [tilespmem:s17+$0x4150];
	v30 =	vmul.f32 v30, v8;
	v14 =	vadd.f32 v24, v14;
	[tilespmem:s17+$0x4540] =	vst v19  }
0x119: {  	v15 =	vmul.f32 v15, v7;
	v25 =	vmul.f32 v25, v8;
	v17 =	vadd.f32 v27, v17;
	v19 =	vld [tilespmem:s17+$0x11550];
	[tilespmem:s17+$0x4560] =	vst v21  }
0x11a: {  	v18 =	vmul.f32 v18, v7;
	v28 =	vmul.f32 v28, v8;
	v20 =	vadd.f32 v30, v20;
	v21 =	vld [tilespmem:s17+$0x10150];
	[tilespmem:s17+$0x4170] =	vst v14  }
0x11b: {  	v13 =	vmul.f32 v13, v7;
	v23 =	vmul.f32 v23, v8;
	v15 =	vadd.f32 v25, v15;
	[tilespmem:s17+$0x4520] =	vst v17;
	v17 =	vld [tilespmem:s17+$0x5540]  }
0x11c: {  	v16 =	vmul.f32 v16, v7;
	v26 =	vmul.f32 v26, v8;
	v18 =	vadd.f32 v28, v18;
	[tilespmem:s17+$0x4550] =	vst v20;
	v20 =	vld [tilespmem:s17+$0x11540]  }
0x11d: {  	v10 =	vmul.f32 v10, v7;
	v9 =	vmul.f32 v9, v8;
	v13 =	vadd.f32 v23, v13;
	[tilespmem:s17+$0x4500] =	vst v15;
	v15 =	vld [tilespmem:s17+$0x5550]  }
0x11e: {  	v4 =	vmul.f32 v4, v7;
	v3 =	vmul.f32 v3, v8;
	v16 =	vadd.f32 v26, v16;
	[tilespmem:s17+$0x4530] =	vst v18;
	v18 =	vld [tilespmem:s17+$0x11560]  }
0x11f: {  	v9 =	vadd.f32 v9, v10;
	v10 =	vmul.f32 v22, v7;
	v14 =	vld [tilespmem:s17+$0x5570];
	[tilespmem:s17+$0x4160] =	vst v13;
	v13 =	vmul.f32 v21, v8  }
0x120: {  	v3 =	vadd.f32 v3, v4;
	[tilespmem:s17+$0x4510] =	vst v16;
	v16 =	vld [tilespmem:s17+$0x11570]  }
0x121: {  	s19 =	simm.s32 $0x0;
	[tilespmem:s17+$0x4130] =	vst v9;
	v9 =	vld [tilespmem:s17+$0x10100];
	v11 =	vmul.f32 v17, v7;
	v17 =	vmul.f32 v20, v8;
	v4 =	vadd.f32 v13, v10  }
0x122: {  	s14 =	smul.u32 $0x1800, s19;
	s16 =	simm.s32 $0x80;
	[tilespmem:s17+$0x4120] =	vst v5;
	v5 =	vmul.f32 v15, v7;
	v10 =	vmul.f32 v19, v8  }
0x123: {  	s18 =	sand.u32 $0x380, s16;
	v11 =	vadd.f32 v17, v11;
	[tilespmem:s17+$0x4150] =	vst v4;
	v4 =	vmul.f32 v12, v7;
	v12 =	vmul.f32 v18, v8  }
0x124: {  	s14 =	sor.u32 s18, s14;
	[tilespmem:s17+$0x4110] =	vst v3;
	v5 =	vadd.f32 v10, v5  }
0x125: {  	v3 =	vld [tilespmem:s14+$0x4110];
	v10 =	vmul.f32 v14, v7;
	[tilespmem:s17+$0x5540] =	vst v11;
	v11 =	vmul.f32 v16, v8;
	v12 =	vadd.f32 v12, v4  }
0x126: {  	v7 =	vmul.f32 v6, v7;
	v8 =	vmul.f32 v9, v8;
	v4 =	vld [tilespmem:s14+$0x10110];
	[tilespmem:s17+$0x5550] =	vst v5  }
0x127: {  	v9 =	vadd.f32 v11, v10;
	v6 =	vld [tilespmem:s14+$0x4120];
	[tilespmem:s17+$0x5560] =	vst v12  }
0x128: {  	v7 =	vadd.f32 v8, v7;
	v5 =	vld [tilespmem:s14+$0x10120]  }
0x129: {  	v8 =	vld [tilespmem:s14+$0x4130];
	[tilespmem:s17+$0x5570] =	vst v9  }
0x12a: {  	v18 =	vld [tilespmem:s14+$0x4530];
	[tilespmem:s17+$0x4100] =	vst v7  }
0x12b: {  	v7 =	vld [tilespmem:s14+$0x10130]  }
0x12c: {  	v10 =	vld [tilespmem:s14+$0x4140]  }
0x12d: {  	v9 =	vld [tilespmem:s14+$0x10140]  }
0x12e: {  	v12 =	vld [tilespmem:s14+$0x4150]  }
0x12f: {  	v11 =	vld [tilespmem:s14+$0x10150]  }
0x130: {  	v13 =	vld [tilespmem:s14+$0x4160]  }
0x131: {  	v14 =	vld [tilespmem:s14+$0x4170]  }
0x132: {  	v15 =	vld [tilespmem:s14+$0x4500]  }
0x133: {  	v16 =	vld [tilespmem:s14+$0x4510]  }
0x134: {  	v17 =	vld [tilespmem:s14+$0x4520]  }
0x135: {  	v19 =	vld [tilespmem:s14+$0x4540]  }
0x136: {  	v20 =	vld [tilespmem:s14+$0x4550]  }
0x137: {  	v21 =	vld [tilespmem:s14+$0x4560]  }
0x138: {  	v22 =	vld [tilespmem:s14+$0x4570]  }
0x139: {  	v23 =	vld [tilespmem:s14+$0x4900]  }
0x13a: {  	v24 =	vld [tilespmem:s14+$0x4910]  }
0x13b: {  	v25 =	vld [tilespmem:s14+$0x4920]  }
0x13c: {  	v26 =	vld [tilespmem:s14+$0x4930]  }
0x13d: {  	v27 =	vld [tilespmem:s14+$0x4940]  }
0x13e: {  	v28 =	vld [tilespmem:s14+$0x4950]  }
0x13f: {  	v29 =	vld [tilespmem:s14+$0x4960]  }
0x140: {  	v30 =	vld [tilespmem:s14+$0x4970]  }
0x141: {  	v31 =	vld [tilespmem:s14+$0x4D00]  }
0x142: {  	v34 =	vld [tilespmem:s14+$0x4D10]  }
0x143: {  	v35 =	vld [tilespmem:s14+$0x4D20]  }
0x144: {  	v36 =	vld [tilespmem:s14+$0x4D30]  }
0x145: {  	v37 =	vld [tilespmem:s14+$0x4D40]  }
0x146: {  	v38 =	vld [tilespmem:s14+$0x4D50]  }
0x147: {  	v39 =	vld [tilespmem:s14+$0x4D60]  }
0x148: {  	v40 =	vld [tilespmem:s14+$0x4D70]  }
0x149: {  	v41 =	vld [tilespmem:s14+$0x5100]  }
0x14a: {  	v42 =	vld [tilespmem:s14+$0x5110]  }
0x14b: {  	v43 =	vld [tilespmem:s14+$0x5120]  }
0x14c: {  	v44 =	vld [tilespmem:s14+$0x5130]  }
0x14d: {  	v45 =	vld [tilespmem:s14+$0x5140]  }
0x14e: {  	v46 =	vld [tilespmem:s14+$0x5150]  }
0x14f: {  	v47 =	vld [tilespmem:s14+$0x5160]  }
0x150: {  	v48 =	vld [tilespmem:s14+$0x5500]  }
0x151: {  	v50 =	vld [tilespmem:s14+$0x5510]  }
0x152: {  	v49 =	vld [tilespmem:s14+$0x11510]  }
0x153: {  	s17 =	simm.s32 $0x2;
	v51 =	vld [tilespmem:s14+$0x11530]  }
.LBB2_2:
0x154: {  	p0 =	sne.s32 s17, $0x1F;
	v52 =	vld [tilespmem:s14+$0x5530]  }
0x155: {  	s0 =	sadd.s32 $0x80, s0;
	v53 =	vld [tilespmem:s14+$0x5520]  }
0x156: {  	s1 =	sadd.s32 $0x80, s1;
	v33 =	vld [tilespmem:s0+$0x0]  }
0x157: {  	v32 =	vld [tilespmem:s1+$0x0]  }
0x158: {  	v54 =	vld [tilespmem:s14+$0x11520]  }
0x159: {  	v55 =	vld [tilespmem:s14+$0x11500]  }
0x15a: {  	v56 =	vld [tilespmem:s14+$0x5170]  }
0x15b: {  	v57 =	vld [tilespmem:s14+$0x11170];
	v50 =	vmul.f32 v50, v33;
	v53 =	vmul.f32 v53, v33  }
0x15c: {  	v52 =	vmul.f32 v52, v33;
	v58 =	vld [tilespmem:s14+$0x11160];
	v51 =	vmul.f32 v51, v32  }
0x15d: {  	v49 =	vmul.f32 v49, v32;
	v59 =	vld [tilespmem:s14+$0x11150];
	v54 =	vmul.f32 v54, v32  }
0x15e: {  	v48 =	vmul.f32 v48, v33;
	v60 =	vld [tilespmem:s14+$0x11140];
	v55 =	vmul.f32 v55, v32;
	v51 =	vadd.f32 v51, v52  }
0x15f: {  	v49 =	vadd.f32 v49, v50;
	v52 =	vld [tilespmem:s14+$0x11130];
	v56 =	vmul.f32 v56, v33;
	v50 =	vadd.f32 v54, v53  }
0x160: {  	v47 =	vmul.f32 v47, v33;
	v53 =	vld [tilespmem:s14+$0x11120];
	v54 =	vmul.f32 v57, v32;
	v48 =	vadd.f32 v55, v48;
	[tilespmem:s14+$0x5530] =	vst v51  }
0x161: {  	v46 =	vmul.f32 v46, v33;
	v51 =	vld [tilespmem:s14+$0x11110];
	v55 =	vmul.f32 v58, v32;
	[tilespmem:s14+$0x5520] =	vst v50  }
0x162: {  	v45 =	vmul.f32 v45, v33;
	v50 =	vld [tilespmem:s14+$0x11100];
	v57 =	vmul.f32 v59, v32;
	v54 =	vadd.f32 v54, v56;
	[tilespmem:s14+$0x5510] =	vst v49  }
0x163: {  	v44 =	vmul.f32 v44, v33;
	v49 =	vld [tilespmem:s14+$0x10D70];
	v56 =	vmul.f32 v60, v32;
	v47 =	vadd.f32 v55, v47;
	[tilespmem:s14+$0x5500] =	vst v48  }
0x164: {  	v43 =	vmul.f32 v43, v33;
	v48 =	vld [tilespmem:s14+$0x10D60];
	v52 =	vmul.f32 v52, v32;
	v46 =	vadd.f32 v57, v46;
	[tilespmem:s14+$0x5170] =	vst v54  }
0x165: {  	v42 =	vmul.f32 v42, v33;
	v54 =	vld [tilespmem:s14+$0x10D50];
	v53 =	vmul.f32 v53, v32;
	v45 =	vadd.f32 v56, v45;
	[tilespmem:s14+$0x5160] =	vst v47  }
0x166: {  	v41 =	vmul.f32 v41, v33;
	v47 =	vld [tilespmem:s14+$0x10D40];
	v51 =	vmul.f32 v51, v32;
	v44 =	vadd.f32 v52, v44;
	[tilespmem:s14+$0x5150] =	vst v46  }
0x167: {  	v40 =	vmul.f32 v40, v33;
	v46 =	vld [tilespmem:s14+$0x10D30];
	v50 =	vmul.f32 v50, v32;
	v43 =	vadd.f32 v53, v43;
	[tilespmem:s14+$0x5140] =	vst v45  }
0x168: {  	v39 =	vmul.f32 v39, v33;
	v45 =	vld [tilespmem:s14+$0x10D20];
	v49 =	vmul.f32 v49, v32;
	v42 =	vadd.f32 v51, v42;
	[tilespmem:s14+$0x5130] =	vst v44  }
0x169: {  	v38 =	vmul.f32 v38, v33;
	v44 =	vld [tilespmem:s14+$0x10D10];
	v48 =	vmul.f32 v48, v32;
	v41 =	vadd.f32 v50, v41;
	[tilespmem:s14+$0x5120] =	vst v43  }
0x16a: {  	v37 =	vmul.f32 v37, v33;
	v43 =	vld [tilespmem:s14+$0x10D00];
	v50 =	vmul.f32 v54, v32;
	v40 =	vadd.f32 v49, v40;
	[tilespmem:s14+$0x5110] =	vst v42  }
0x16b: {  	v36 =	vmul.f32 v36, v33;
	v42 =	vld [tilespmem:s14+$0x10970];
	v47 =	vmul.f32 v47, v32;
	v39 =	vadd.f32 v48, v39;
	[tilespmem:s14+$0x5100] =	vst v41  }
0x16c: {  	v35 =	vmul.f32 v35, v33;
	v41 =	vld [tilespmem:s14+$0x10960];
	v46 =	vmul.f32 v46, v32;
	v38 =	vadd.f32 v50, v38;
	[tilespmem:s14+$0x4D70] =	vst v40  }
0x16d: {  	v34 =	vmul.f32 v34, v33;
	v40 =	vld [tilespmem:s14+$0x10950];
	v45 =	vmul.f32 v45, v32;
	v37 =	vadd.f32 v47, v37;
	[tilespmem:s14+$0x4D60] =	vst v39  }
0x16e: {  	v31 =	vmul.f32 v31, v33;
	v39 =	vld [tilespmem:s14+$0x10940];
	v44 =	vmul.f32 v44, v32;
	v36 =	vadd.f32 v46, v36;
	[tilespmem:s14+$0x4D50] =	vst v38  }
0x16f: {  	v30 =	vmul.f32 v30, v33;
	v38 =	vld [tilespmem:s14+$0x10930];
	v43 =	vmul.f32 v43, v32;
	v35 =	vadd.f32 v45, v35;
	[tilespmem:s14+$0x4D40] =	vst v37  }
0x170: {  	v29 =	vmul.f32 v29, v33;
	v37 =	vld [tilespmem:s14+$0x10920];
	v42 =	vmul.f32 v42, v32;
	v34 =	vadd.f32 v44, v34;
	[tilespmem:s14+$0x4D30] =	vst v36  }
0x171: {  	v28 =	vmul.f32 v28, v33;
	v36 =	vld [tilespmem:s14+$0x10910];
	v41 =	vmul.f32 v41, v32;
	v31 =	vadd.f32 v43, v31;
	[tilespmem:s14+$0x4D20] =	vst v35  }
0x172: {  	v27 =	vmul.f32 v27, v33;
	v35 =	vld [tilespmem:s14+$0x10900];
	v40 =	vmul.f32 v40, v32;
	v30 =	vadd.f32 v42, v30;
	[tilespmem:s14+$0x4D10] =	vst v34  }
0x173: {  	v26 =	vmul.f32 v26, v33;
	v34 =	vld [tilespmem:s14+$0x10570];
	v39 =	vmul.f32 v39, v32;
	v29 =	vadd.f32 v41, v29;
	[tilespmem:s14+$0x4D00] =	vst v31  }
0x174: {  	v25 =	vmul.f32 v25, v33;
	v31 =	vld [tilespmem:s14+$0x10560];
	v38 =	vmul.f32 v38, v32;
	v28 =	vadd.f32 v40, v28;
	[tilespmem:s14+$0x4970] =	vst v30  }
0x175: {  	v24 =	vmul.f32 v24, v33;
	v30 =	vld [tilespmem:s14+$0x10550];
	v37 =	vmul.f32 v37, v32;
	v27 =	vadd.f32 v39, v27;
	[tilespmem:s14+$0x4960] =	vst v29  }
0x176: {  	v23 =	vmul.f32 v23, v33;
	v29 =	vld [tilespmem:s14+$0x10540];
	v36 =	vmul.f32 v36, v32;
	v26 =	vadd.f32 v38, v26;
	[tilespmem:s14+$0x4950] =	vst v28  }
0x177: {  	v22 =	vmul.f32 v22, v33;
	v28 =	vld [tilespmem:s14+$0x10530];
	v35 =	vmul.f32 v35, v32;
	v25 =	vadd.f32 v37, v25;
	[tilespmem:s14+$0x4940] =	vst v27  }
0x178: {  	v21 =	vmul.f32 v21, v33;
	v27 =	vld [tilespmem:s14+$0x10520];
	v34 =	vmul.f32 v34, v32;
	v24 =	vadd.f32 v36, v24;
	[tilespmem:s14+$0x4930] =	vst v26  }
0x179: {  	v20 =	vmul.f32 v20, v33;
	v26 =	vld [tilespmem:s14+$0x10510];
	v31 =	vmul.f32 v31, v32;
	v23 =	vadd.f32 v35, v23;
	[tilespmem:s14+$0x4920] =	vst v25  }
0x17a: {  	v19 =	vmul.f32 v19, v33;
	v25 =	vld [tilespmem:s14+$0x10500];
	v30 =	vmul.f32 v30, v32;
	v22 =	vadd.f32 v34, v22;
	[tilespmem:s14+$0x4910] =	vst v24  }
0x17b: {  	v18 =	vmul.f32 v18, v33;
	v24 =	vld [tilespmem:s14+$0x10170];
	v29 =	vmul.f32 v29, v32;
	v21 =	vadd.f32 v31, v21;
	[tilespmem:s14+$0x4900] =	vst v23  }
0x17c: {  	v17 =	vmul.f32 v17, v33;
	v23 =	vld [tilespmem:s14+$0x10160];
	v28 =	vmul.f32 v28, v32;
	v20 =	vadd.f32 v30, v20;
	[tilespmem:s14+$0x4570] =	vst v22  }
0x17d: {  	v16 =	vmul.f32 v16, v33;
	v22 =	vmul.f32 v27, v32;
	v19 =	vadd.f32 v29, v19;
	[tilespmem:s14+$0x4560] =	vst v21;
	v21 =	vld [tilespmem:s14+$0x11540]  }
0x17e: {  	v15 =	vmul.f32 v15, v33;
	v26 =	vmul.f32 v26, v32;
	v18 =	vadd.f32 v28, v18;
	[tilespmem:s14+$0x4550] =	vst v20;
	v20 =	vld [tilespmem:s14+$0x11550]  }
0x17f: {  	v14 =	vmul.f32 v14, v33;
	v25 =	vmul.f32 v25, v32;
	v17 =	vadd.f32 v22, v17;
	[tilespmem:s14+$0x4540] =	vst v19;
	v19 =	vld [tilespmem:s14+$0x11560]  }
0x180: {  	v13 =	vmul.f32 v13, v33;
	v22 =	vmul.f32 v24, v32;
	v16 =	vadd.f32 v26, v16;
	[tilespmem:s14+$0x4530] =	vst v18;
	v18 =	vld [tilespmem:s14+$0x11570]  }
0x181: {  	v12 =	vmul.f32 v12, v33;
	v23 =	vmul.f32 v23, v32;
	v15 =	vadd.f32 v25, v15;
	[tilespmem:s14+$0x4520] =	vst v17;
	v17 =	vld [tilespmem:s14+$0x5540]  }
0x182: {  	v10 =	vmul.f32 v10, v33;
	v11 =	vmul.f32 v11, v32;
	v14 =	vadd.f32 v22, v14;
	[tilespmem:s14+$0x4510] =	vst v16;
	v16 =	vld [tilespmem:s14+$0x5550]  }
0x183: {  	v8 =	vmul.f32 v8, v33;
	v9 =	vmul.f32 v9, v32;
	v13 =	vadd.f32 v23, v13;
	[tilespmem:s14+$0x4500] =	vst v15;
	v15 =	vld [tilespmem:s14+$0x5560]  }
0x184: {  	v6 =	vmul.f32 v6, v33;
	v7 =	vmul.f32 v7, v32;
	v11 =	vadd.f32 v11, v12;
	[tilespmem:s14+$0x4170] =	vst v14;
	v12 =	vld [tilespmem:s14+$0x5570]  }
0x185: {  	v3 =	vmul.f32 v3, v33;
	v5 =	vmul.f32 v5, v32;
	v9 =	vadd.f32 v9, v10;
	v14 =	vld [tilespmem:s14+$0x4100];
	[tilespmem:s14+$0x4160] =	vst v13  }
0x186: {  	v4 =	vmul.f32 v4, v32;
	v7 =	vadd.f32 v7, v8;
	v10 =	vld [tilespmem:s14+$0x10100];
	[tilespmem:s14+$0x4150] =	vst v11;
	v8 =	vmul.f32 v17, v33  }
0x187: {  	s18 =	sshrl.u32 s17, $0x3;
	v5 =	vadd.f32 v5, v6;
	v6 =	vmul.f32 v21, v32;
	[tilespmem:s14+$0x4140] =	vst v9;
	v9 =	vmul.f32 v16, v33  }
0x188: {  	s16 =	sadd.s32 $0x80, s16;
	s18 =	smul.u32 $0x1800, s18;
	v3 =	vadd.f32 v4, v3;
	v4 =	vmul.f32 v20, v32;
	[tilespmem:s14+$0x4130] =	vst v7;
	v7 =	vmul.f32 v15, v33  }
0x189: {  	s19 =	sand.u32 $0x380, s16;
	[tilespmem:s14+$0x4120] =	vst v5;
	v5 =	vadd.f32 v6, v8;
	v6 =	vmul.f32 v19, v32;
	v8 =	vmul.f32 v12, v33  }
0x18a: {  	s18 =	sor.u32 s19, s18;
	v9 =	vadd.f32 v4, v9;
	v12 =	vmul.f32 v18, v32;
	v11 =	vmul.f32 v14, v33;
	[tilespmem:s14+$0x4110] =	vst v3  }
0x18b: {  	v3 =	vld [tilespmem:s18+$0x4110];
	v10 =	vmul.f32 v10, v32;
	[tilespmem:s14+$0x5540] =	vst v5;
	v5 =	vadd.f32 v6, v7  }
0x18c: {  	v7 =	vadd.f32 v12, v8;
	v4 =	vld [tilespmem:s18+$0x10110];
	[tilespmem:s14+$0x5550] =	vst v9  }
0x18d: {  	v6 =	vld [tilespmem:s18+$0x4120];
	v9 =	vadd.f32 v10, v11;
	[tilespmem:s14+$0x5560] =	vst v5  }
0x18e: {  	v5 =	vld [tilespmem:s18+$0x10120];
	[tilespmem:s14+$0x5570] =	vst v7  }
0x18f: {  	v8 =	vld [tilespmem:s18+$0x4130];
	[tilespmem:s14+$0x4100] =	vst v9;
	s14 =	smov.u32 s18  }
0x190: {  	v7 =	vld [tilespmem:s14+$0x10130]  }
0x191: {  	v10 =	vld [tilespmem:s14+$0x4140]  }
0x192: {  	v9 =	vld [tilespmem:s14+$0x10140]  }
0x193: {  	v12 =	vld [tilespmem:s14+$0x4150]  }
0x194: {  	v11 =	vld [tilespmem:s14+$0x10150]  }
0x195: {  	v13 =	vld [tilespmem:s14+$0x4160]  }
0x196: {  	v14 =	vld [tilespmem:s14+$0x4170]  }
0x197: {  	v15 =	vld [tilespmem:s14+$0x4500]  }
0x198: {  	v16 =	vld [tilespmem:s14+$0x4510]  }
0x199: {  	v17 =	vld [tilespmem:s14+$0x4520]  }
0x19a: {  	v18 =	vld [tilespmem:s14+$0x4530]  }
0x19b: {  	v19 =	vld [tilespmem:s14+$0x4540]  }
0x19c: {  	v20 =	vld [tilespmem:s14+$0x4550]  }
0x19d: {  	v21 =	vld [tilespmem:s14+$0x4560]  }
0x19e: {  	v22 =	vld [tilespmem:s14+$0x4570]  }
0x19f: {  	v23 =	vld [tilespmem:s14+$0x4900]  }
0x1a0: {  	v24 =	vld [tilespmem:s14+$0x4910]  }
0x1a1: {  	v25 =	vld [tilespmem:s14+$0x4920]  }
0x1a2: {  	v26 =	vld [tilespmem:s14+$0x4930]  }
0x1a3: {  	v27 =	vld [tilespmem:s14+$0x4940]  }
0x1a4: {  	v28 =	vld [tilespmem:s14+$0x4950]  }
0x1a5: {  	v29 =	vld [tilespmem:s14+$0x4960]  }
0x1a6: {  	v30 =	vld [tilespmem:s14+$0x4970]  }
0x1a7: {  	v31 =	vld [tilespmem:s14+$0x4D00]  }
0x1a8: {  	v34 =	vld [tilespmem:s14+$0x4D10]  }
0x1a9: {  	v35 =	vld [tilespmem:s14+$0x4D20]  }
0x1aa: {  	v36 =	vld [tilespmem:s14+$0x4D30]  }
0x1ab: {  	v37 =	vld [tilespmem:s14+$0x4D40]  }
0x1ac: {  	v38 =	vld [tilespmem:s14+$0x4D50]  }
0x1ad: {  	v39 =	vld [tilespmem:s14+$0x4D60]  }
0x1ae: {  	v40 =	vld [tilespmem:s14+$0x4D70]  }
0x1af: {  	v41 =	vld [tilespmem:s14+$0x5100]  }
0x1b0: {  	v42 =	vld [tilespmem:s14+$0x5110]  }
0x1b1: {  	v43 =	vld [tilespmem:s14+$0x5120]  }
0x1b2: {  	v44 =	vld [tilespmem:s14+$0x5130]  }
0x1b3: {  	v45 =	vld [tilespmem:s14+$0x5140]  }
0x1b4: {  	v46 =	vld [tilespmem:s14+$0x5150]  }
.Ltmp0:
0x1b5: {  	v47 =	vld [tilespmem:s14+$0x5160];
	(pc) =	sbr.rel @p0 .LBB2_2-.Ltmp0, $4  }
0x1b6: {  	v48 =	vld [tilespmem:s14+$0x5500]  }
0x1b7: {  	v50 =	vld [tilespmem:s14+$0x5510]  }
0x1b8: {  	v49 =	vld [tilespmem:s14+$0x11510]  }
0x1b9: {  	s17 =	sadd.s32 $0x1, s17;
	v51 =	vld [tilespmem:s14+$0x11530]  }
0x1ba: {  	v52 =	vld [tilespmem:s14+$0x5530]  }
0x1bb: {  	v53 =	vld [tilespmem:s14+$0x5520];
	s0 =	sadd.s32 $0x80, s0  }
0x1bc: {  	s16 =	sadd.s32 $0x80, s1;
	v32 =	vld [tilespmem:s0+$0x0]  }
0x1bd: {  	v33 =	vld [tilespmem:s16+$0x0]  }
0x1be: {  	v54 =	vld [tilespmem:s14+$0x11520]  }
0x1bf: {  	v55 =	vld [tilespmem:s14+$0x11500]  }
0x1c0: {  	v56 =	vld [tilespmem:s14+$0x5170]  }
0x1c1: {  	v57 =	vld [tilespmem:s14+$0x11170]  }
0x1c2: {  	v58 =	vld [tilespmem:s14+$0x11160];
	v52 =	vmul.f32 v52, v32;
	v51 =	vmul.f32 v51, v33  }
0x1c3: {  	v53 =	vmul.f32 v53, v32;
	v54 =	vmul.f32 v54, v33  }
0x1c4: {  	v59 =	vld [tilespmem:s14+$0x11150];
	v50 =	vmul.f32 v50, v32;
	v49 =	vmul.f32 v49, v33  }
0x1c5: {  	v61 =	vld [tilespmem:s14+$0x11120];
	v48 =	vmul.f32 v48, v32;
	v62 =	vmul.f32 v55, v33;
	v51 =	vadd.f32 v51, v52  }
0x1c6: {  	v60 =	vld [tilespmem:s14+$0x11140];
	v63 =	vmul.f32 v56, v32;
	v57 =	vmul.f32 v57, v33;
	v53 =	vadd.f32 v54, v53  }
0x1c7: {  	v47 =	vmul.f32 v47, v32;
	v58 =	vmul.f32 v58, v33;
	v52 =	vld [tilespmem:s14+$0x11130];
	v49 =	vadd.f32 v49, v50;
	[tilespmem:s14+$0x5530] =	vst v51  }
0x1c8: {  	v46 =	vmul.f32 v46, v32;
	v45 =	vmul.f32 v45, v32;
	v50 =	vld [tilespmem:s14+$0x11100];
	v48 =	vadd.f32 v62, v48;
	[tilespmem:s14+$0x5520] =	vst v53  }
0x1c9: {  	v44 =	vmul.f32 v44, v32;
	v62 =	vmul.f32 v59, v33;
	v47 =	vadd.f32 v58, v47;
	v58 =	vld [tilespmem:s14+$0x10D30];
	[tilespmem:s14+$0x5510] =	vst v49  }
0x1ca: {  	v43 =	vmul.f32 v43, v32;
	v59 =	vmul.f32 v61, v33;
	v51 =	vld [tilespmem:s14+$0x11110];
	v53 =	vadd.f32 v57, v63;
	[tilespmem:s14+$0x5500] =	vst v48  }
0x1cb: {  	v42 =	vmul.f32 v42, v32;
	v49 =	vld [tilespmem:s14+$0x10D70];
	v63 =	vmul.f32 v60, v33;
	v46 =	vadd.f32 v62, v46;
	[tilespmem:s14+$0x5160] =	vst v47  }
0x1cc: {  	v41 =	vmul.f32 v41, v32;
	v48 =	vld [tilespmem:s14+$0x10D60];
	v43 =	vadd.f32 v59, v43;
	[tilespmem:s14+$0x5170] =	vst v53;
	v52 =	vmul.f32 v52, v33  }
0x1cd: {  	v40 =	vmul.f32 v40, v32;
	v57 =	vld [tilespmem:s14+$0x10D40];
	v45 =	vadd.f32 v63, v45;
	[tilespmem:s14+$0x5150] =	vst v46;
	v50 =	vmul.f32 v50, v33  }
0x1ce: {  	v36 =	vmul.f32 v36, v32;
	v60 =	vld [tilespmem:s14+$0x10D20];
	[tilespmem:s14+$0x5120] =	vst v43;
	v46 =	vmul.f32 v58, v33;
	v44 =	vadd.f32 v52, v44  }
0x1cf: {  	v39 =	vmul.f32 v39, v32;
	v62 =	vld [tilespmem:s14+$0x10D00];
	[tilespmem:s14+$0x5140] =	vst v45;
	v51 =	vmul.f32 v51, v33;
	v41 =	vadd.f32 v50, v41  }
0x1d0: {  	v38 =	vmul.f32 v38, v32;
	v53 =	vld [tilespmem:s14+$0x10D50];
	v49 =	vmul.f32 v49, v33;
	v36 =	vadd.f32 v46, v36;
	[tilespmem:s14+$0x5130] =	vst v44  }
0x1d1: {  	v37 =	vmul.f32 v37, v32;
	v61 =	vld [tilespmem:s14+$0x10D10];
	v48 =	vmul.f32 v48, v33;
	v42 =	vadd.f32 v51, v42;
	[tilespmem:s14+$0x5100] =	vst v41  }
0x1d2: {  	v35 =	vmul.f32 v35, v32;
	v59 =	vld [tilespmem:s14+$0x10910];
	v47 =	vmul.f32 v57, v33;
	v40 =	vadd.f32 v49, v40;
	[tilespmem:s14+$0x4D30] =	vst v36  }
0x1d3: {  	v34 =	vmul.f32 v34, v32;
	v63 =	vld [tilespmem:s14+$0x10970];
	v45 =	vmul.f32 v60, v33;
	v39 =	vadd.f32 v48, v39;
	[tilespmem:s14+$0x5110] =	vst v42  }
0x1d4: {  	v55 =	vld [tilespmem:s14+$0x10950];
	v31 =	vmul.f32 v31, v32;
	v43 =	vmul.f32 v62, v33;
	v37 =	vadd.f32 v47, v37;
	[tilespmem:s14+$0x4D70] =	vst v40  }
0x1d5: {  	v30 =	vmul.f32 v30, v32;
	v52 =	vld [tilespmem:s14+$0x10960];
	v54 =	vmul.f32 v53, v33;
	v35 =	vadd.f32 v45, v35;
	[tilespmem:s14+$0x4D60] =	vst v39  }
0x1d6: {  	v56 =	vld [tilespmem:s14+$0x10940];
	v29 =	vmul.f32 v29, v32;
	v44 =	vmul.f32 v61, v33;
	v31 =	vadd.f32 v43, v31;
	[tilespmem:s14+$0x4D40] =	vst v37  }
0x1d7: {  	v24 =	vmul.f32 v24, v32;
	v58 =	vld [tilespmem:s14+$0x10920];
	v36 =	vmul.f32 v59, v33;
	v38 =	vadd.f32 v54, v38;
	[tilespmem:s14+$0x4D20] =	vst v35  }
0x1d8: {  	v28 =	vmul.f32 v28, v32;
	v60 =	vld [tilespmem:s14+$0x10900];
	v34 =	vadd.f32 v44, v34;
	v42 =	vmul.f32 v63, v33;
	[tilespmem:s14+$0x4D00] =	vst v31  }
0x1d9: {  	v27 =	vmul.f32 v27, v32;
	v57 =	vld [tilespmem:s14+$0x10930];
	v40 =	vmul.f32 v55, v33;
	v24 =	vadd.f32 v36, v24;
	[tilespmem:s14+$0x4D50] =	vst v38  }
0x1da: {  	v26 =	vmul.f32 v26, v32;
	v61 =	vld [tilespmem:s14+$0x10570];
	v41 =	vmul.f32 v52, v33;
	[tilespmem:s14+$0x4D10] =	vst v34;
	v30 =	vadd.f32 v42, v30  }
0x1db: {  	v25 =	vmul.f32 v25, v32;
	v39 =	vmul.f32 v56, v33;
	v28 =	vadd.f32 v40, v28;
	[tilespmem:s14+$0x4910] =	vst v24  }
0x1dc: {  	v23 =	vmul.f32 v23, v32;
	v31 =	vld [tilespmem:s14+$0x10560];
	v37 =	vmul.f32 v58, v33;
	v29 =	vadd.f32 v41, v29;
	[tilespmem:s14+$0x4970] =	vst v30  }
0x1dd: {  	v22 =	vmul.f32 v22, v32;
	v35 =	vmul.f32 v60, v33;
	v27 =	vadd.f32 v39, v27;
	v30 =	vld [tilespmem:s14+$0x10550];
	[tilespmem:s14+$0x4950] =	vst v28  }
0x1de: {  	v10 =	vmul.f32 v10, v32;
	v38 =	vmul.f32 v57, v33;
	v25 =	vadd.f32 v37, v25;
	[tilespmem:s14+$0x4960] =	vst v29;
	v29 =	vld [tilespmem:s14+$0x10540]  }
0x1df: {  	v9 =	vmul.f32 v9, v33;
	v34 =	vmul.f32 v61, v33;
	v23 =	vadd.f32 v35, v23;
	v28 =	vld [tilespmem:s14+$0x10530];
	[tilespmem:s14+$0x4940] =	vst v27  }
0x1e0: {  	v21 =	vmul.f32 v21, v32;
	v26 =	vadd.f32 v38, v26;
	v27 =	vld [tilespmem:s14+$0x10520];
	[tilespmem:s14+$0x4920] =	vst v25  }
0x1e1: {  	v9 =	vadd.f32 v9, v10;
	v10 =	vld [tilespmem:s14+$0x10100];
	v24 =	vmul.f32 v31, v33;
	v22 =	vadd.f32 v34, v22;
	[tilespmem:s14+$0x4900] =	vst v23  }
0x1e2: {  	v20 =	vmul.f32 v20, v32;
	[tilespmem:s14+$0x4930] =	vst v26;
	v26 =	vld [tilespmem:s14+$0x10510];
	v23 =	vmul.f32 v30, v33  }
0x1e3: {  	v19 =	vmul.f32 v19, v32;
	v25 =	vld [tilespmem:s14+$0x10500];
	v21 =	vadd.f32 v24, v21;
	[tilespmem:s14+$0x4570] =	vst v22;
	v22 =	vmul.f32 v29, v33  }
0x1e4: {  	v18 =	vmul.f32 v18, v32;
	v31 =	vld [tilespmem:s14+$0x10170];
	v20 =	vadd.f32 v23, v20;
	v23 =	vmul.f32 v28, v33  }
0x1e5: {  	v17 =	vmul.f32 v17, v32;
	v24 =	vld [tilespmem:s14+$0x10160];
	[tilespmem:s14+$0x4560] =	vst v21;
	v19 =	vadd.f32 v22, v19;
	v22 =	vmul.f32 v27, v33  }
0x1e6: {  	v12 =	vmul.f32 v12, v32;
	v11 =	vmul.f32 v11, v33;
	v21 =	vld [tilespmem:s14+$0x11540];
	[tilespmem:s14+$0x4550] =	vst v20;
	v18 =	vadd.f32 v23, v18  }
0x1e7: {  	v16 =	vmul.f32 v16, v32;
	v20 =	vld [tilespmem:s14+$0x11550];
	v23 =	vmul.f32 v26, v33;
	[tilespmem:s14+$0x4540] =	vst v19;
	v17 =	vadd.f32 v22, v17  }
0x1e8: {  	v15 =	vmul.f32 v15, v32;
	v11 =	vadd.f32 v11, v12;
	v19 =	vld [tilespmem:s14+$0x11560];
	[tilespmem:s14+$0x4530] =	vst v18;
	v18 =	vmul.f32 v25, v33  }
0x1e9: {  	v14 =	vmul.f32 v14, v32;
	v22 =	vld [tilespmem:s14+$0x11570];
	v16 =	vadd.f32 v23, v16;
	[tilespmem:s14+$0x4520] =	vst v17;
	v17 =	vmul.f32 v31, v33  }
0x1ea: {  	[tilespmem:s14+$0x4150] =	vst v11;
	v15 =	vadd.f32 v18, v15;
	v18 =	vld [tilespmem:s14+$0x5540]  }
0x1eb: {  	v8 =	vmul.f32 v8, v32;
	v7 =	vmul.f32 v7, v33;
	[tilespmem:s14+$0x4510] =	vst v16;
	v16 =	vld [tilespmem:s14+$0x5550];
	v14 =	vadd.f32 v17, v14  }
0x1ec: {  	v6 =	vmul.f32 v6, v32;
	v5 =	vmul.f32 v5, v33;
	[tilespmem:s14+$0x4500] =	vst v15;
	v15 =	vld [tilespmem:s14+$0x5560]  }
0x1ed: {  	v3 =	vmul.f32 v3, v32;
	v4 =	vmul.f32 v4, v33;
	v7 =	vadd.f32 v7, v8;
	[tilespmem:s14+$0x4170] =	vst v14;
	v14 =	vld [tilespmem:s14+$0x5570]  }
0x1ee: {  	v13 =	vmul.f32 v13, v32;
	v12 =	vld [tilespmem:s14+$0x4100];
	v5 =	vadd.f32 v5, v6;
	[tilespmem:s14+$0x4140] =	vst v9;
	v23 =	vmul.f32 v24, v33  }
0x1ef: {  	v3 =	vadd.f32 v4, v3;
	[tilespmem:s14+$0x4130] =	vst v7;
	v6 =	vmul.f32 v21, v33;
	v8 =	vmul.f32 v18, v32  }
0x1f0: {  	[tilespmem:s14+$0x4120] =	vst v5;
	v13 =	vadd.f32 v23, v13;
	v4 =	vmul.f32 v20, v33;
	v9 =	vmul.f32 v16, v32  }
0x1f1: {  	[tilespmem:s14+$0x4110] =	vst v3;
	v7 =	vmul.f32 v15, v32;
	v5 =	vadd.f32 v6, v8;
	v6 =	vmul.f32 v19, v33  }
0x1f2: {  	[tilespmem:s14+$0x4160] =	vst v13;
	v3 =	vadd.f32 v4, v9;
	v4 =	vmul.f32 v22, v33;
	v8 =	vmul.f32 v14, v32  }
0x1f3: {  	v10 =	vmul.f32 v10, v33;
	v9 =	vmul.f32 v12, v32;
	[tilespmem:s14+$0x5540] =	vst v5;
	v5 =	vadd.f32 v6, v7  }
0x1f4: {  	[tilespmem:s14+$0x5550] =	vst v3;
	v3 =	vadd.f32 v4, v8  }
0x1f5: {  	v4 =	vadd.f32 v10, v9;
	[tilespmem:s14+$0x5560] =	vst v5  }
0x1f6: {  	[tilespmem:s14+$0x5570] =	vst v3  }
0x1f7: {  	[tilespmem:s14+$0x4100] =	vst v4  }
0x1f8: {  	[hbm4b:s10+s2] =	stream.linear.scatter [tilespmem:s15], [sflag:$0x1], $0x6000, $0x38;
	[tilespmem:$0x1C100] =	vst v63  }
0x1f9: {  	_ =	swait.ge [sflag:s30], $0x6000  }
0x1fa: {  	[sflag:s30] =	ssyncset.done $0x0  }
0x1fb: {  	s17 =	simm.s32 $0x4;
	[sflag:s30] =	ssyncadd.s32 $0xFFFFA000  }
0x1fc: {  	s18 =	simm.s32 $0x1000;
	s0 =	smul.u32 $0x1800, s17;
	_ =	swait.ge [sflag:s30], $0x6000  }
0x1fd: {  	s1 =	sand.u32 $0x380, s18;
	[sflag:s30] =	ssyncset.done $0x0  }
0x1fe: {  	s16 =	sor.u32 s1, s0;
	[sflag:s30] =	ssyncadd.s32 $0xFFFFA000  }
0x1ff: {  	v4 =	vld [tilespmem:s16+$0x4110]  }
0x200: {  	v3 =	vld [tilespmem:s16+$0x10110]  }
0x201: {  	v6 =	vld [tilespmem:s16+$0x4120]  }
0x202: {  	v5 =	vld [tilespmem:s16+$0x10120]  }
0x203: {  	v10 =	vld [tilespmem:s16+$0x4130]  }
0x204: {  	v7 =	vld [tilespmem:s16+$0x10130]  }
0x205: {  	v12 =	vld [tilespmem:s16+$0x4140]  }
0x206: {  	v11 =	vld [tilespmem:s16+$0x10140]  }
0x207: {  	v13 =	vld [tilespmem:s16+$0x4160]  }
0x208: {  	v14 =	vld [tilespmem:s16+$0x4170]  }
0x209: {  	v15 =	vld [tilespmem:s16+$0x4500]  }
0x20a: {  	v16 =	vld [tilespmem:s16+$0x4510]  }
0x20b: {  	v17 =	vld [tilespmem:s16+$0x4520]  }
0x20c: {  	v18 =	vld [tilespmem:s16+$0x4530]  }
0x20d: {  	v19 =	vld [tilespmem:s16+$0x4540]  }
0x20e: {  	v20 =	vld [tilespmem:s16+$0x4550]  }
0x20f: {  	v21 =	vld [tilespmem:s16+$0x4560]  }
0x210: {  	v22 =	vld [tilespmem:s16+$0x4570]  }
0x211: {  	v23 =	vld [tilespmem:s16+$0x4900]  }
0x212: {  	v24 =	vld [tilespmem:s16+$0x4910]  }
0x213: {  	v25 =	vld [tilespmem:s16+$0x4920]  }
0x214: {  	v26 =	vld [tilespmem:s16+$0x4930]  }
0x215: {  	v27 =	vld [tilespmem:s16+$0x4940]  }
0x216: {  	v28 =	vld [tilespmem:s16+$0x4950]  }
0x217: {  	v29 =	vld [tilespmem:s16+$0x4960]  }
0x218: {  	v30 =	vld [tilespmem:s16+$0x4970]  }
0x219: {  	v31 =	vld [tilespmem:s16+$0x4D00]  }
0x21a: {  	v32 =	vld [tilespmem:s16+$0x4D10]  }
0x21b: {  	v33 =	vld [tilespmem:s16+$0x4D20]  }
0x21c: {  	v34 =	vld [tilespmem:s16+$0x4D30]  }
0x21d: {  	v35 =	vld [tilespmem:s16+$0x4D40]  }
0x21e: {  	v36 =	vld [tilespmem:s16+$0x4D50]  }
0x21f: {  	v37 =	vld [tilespmem:s16+$0x4D60]  }
0x220: {  	v38 =	vld [tilespmem:s16+$0x4D70]  }
0x221: {  	v39 =	vld [tilespmem:s16+$0x5100]  }
0x222: {  	v40 =	vld [tilespmem:s16+$0x5110]  }
0x223: {  	v41 =	vld [tilespmem:s16+$0x5120]  }
0x224: {  	v42 =	vld [tilespmem:s16+$0x5130]  }
0x225: {  	v43 =	vld [tilespmem:s16+$0x5140]  }
0x226: {  	v44 =	vld [tilespmem:s16+$0x5150]  }
0x227: {  	v45 =	vld [tilespmem:s16+$0x5160]  }
0x228: {  	v46 =	vld [tilespmem:s16+$0x5500]  }
0x229: {  	v47 =	vld [tilespmem:s16+$0x5510]  }
0x22a: {  	v48 =	vld [tilespmem:s16+$0x11510]  }
0x22b: {  	v49 =	vld [tilespmem:s16+$0x11530]  }
0x22c: {  	v50 =	vld [tilespmem:s16+$0x5530]  }
0x22d: {  	s1 =	simm.s32 $0x1100;
	v51 =	vld [tilespmem:s16+$0x5520]  }
0x22e: {  	s14 =	simm.s32 $0x3100;
	v8 =	vld [tilespmem:s1+$0x0]  }
0x22f: {  	v9 =	vld [tilespmem:s14+$0x0]  }
0x230: {  	v52 =	vld [tilespmem:s16+$0x11520]  }
0x231: {  	v62 =	vld [tilespmem:s16+$0x11500]  }
0x232: {  	v63 =	vld [tilespmem:s16+$0x5170]  }
0x233: {  	v60 =	vld [tilespmem:s16+$0x11170];
	v50 =	vmul.f32 v50, v8  }
0x234: {  	v61 =	vld [tilespmem:s16+$0x11160];
	v49 =	vmul.f32 v49, v9;
	v51 =	vmul.f32 v51, v8  }
0x235: {  	v57 =	vld [tilespmem:s16+$0x11150];
	v52 =	vmul.f32 v52, v9;
	v47 =	vmul.f32 v47, v8  }
0x236: {  	v58 =	vld [tilespmem:s16+$0x11140];
	v48 =	vmul.f32 v48, v9;
	v46 =	vmul.f32 v46, v8;
	v49 =	vadd.f32 v49, v50  }
0x237: {  	v53 =	vld [tilespmem:s16+$0x11130];
	v62 =	vmul.f32 v62, v9;
	v63 =	vmul.f32 v63, v8;
	v51 =	vadd.f32 v52, v51  }
0x238: {  	v56 =	vld [tilespmem:s16+$0x10D60];
	v59 =	vmul.f32 v60, v9;
	v45 =	vmul.f32 v45, v8;
	v47 =	vadd.f32 v48, v47;
	[tilespmem:s16+$0x5530] =	vst v49  }
0x239: {  	v55 =	vld [tilespmem:s16+$0x10970];
	v60 =	vmul.f32 v61, v9;
	v44 =	vmul.f32 v44, v8;
	v46 =	vadd.f32 v62, v46;
	[tilespmem:s16+$0x5520] =	vst v51  }
0x23a: {  	v61 =	vld [tilespmem:s16+$0x11100];
	v12 =	vmul.f32 v12, v8;
	v11 =	vmul.f32 v11, v9;
	v52 =	vadd.f32 v59, v63;
	[tilespmem:s16+$0x5510] =	vst v47  }
0x23b: {  	v10 =	vmul.f32 v10, v8;
	v7 =	vmul.f32 v7, v9;
	v48 =	vld [tilespmem:s16+$0x11120];
	v45 =	vadd.f32 v60, v45;
	[tilespmem:s16+$0x5500] =	vst v46  }
0x23c: {  	v62 =	vmul.f32 v57, v9;
	v63 =	vmul.f32 v58, v9;
	v58 =	vld [tilespmem:s16+$0x10D50];
	v11 =	vadd.f32 v11, v12;
	[tilespmem:s16+$0x5170] =	vst v52  }
0x23d: {  	v43 =	vmul.f32 v43, v8;
	v59 =	vld [tilespmem:s16+$0x10D40];
	v7 =	vadd.f32 v7, v10;
	[tilespmem:s16+$0x5160] =	vst v45  }
0x23e: {  	v42 =	vmul.f32 v42, v8;
	v57 =	vmul.f32 v53, v9;
	v60 =	vld [tilespmem:s16+$0x10D30];
	v44 =	vadd.f32 v62, v44;
	[tilespmem:s16+$0x4140] =	vst v11  }
0x23f: {  	v37 =	vmul.f32 v37, v8;
	v53 =	vld [tilespmem:s16+$0x10D00];
	v43 =	vadd.f32 v63, v43;
	v46 =	vmul.f32 v56, v9;
	[tilespmem:s16+$0x4130] =	vst v7  }
0x240: {  	v39 =	vmul.f32 v39, v8;
	v49 =	vld [tilespmem:s16+$0x11110];
	v42 =	vadd.f32 v57, v42;
	v61 =	vmul.f32 v61, v9;
	[tilespmem:s16+$0x5150] =	vst v44  }
0x241: {  	v41 =	vmul.f32 v41, v8;
	v47 =	vld [tilespmem:s16+$0x10D70];
	[tilespmem:s16+$0x5140] =	vst v43;
	v37 =	vadd.f32 v46, v37;
	v48 =	vmul.f32 v48, v9  }
0x242: {  	v36 =	vmul.f32 v36, v8;
	v62 =	vld [tilespmem:s16+$0x10D20];
	[tilespmem:s16+$0x5130] =	vst v42;
	v39 =	vadd.f32 v61, v39;
	v54 =	vmul.f32 v58, v9  }
0x243: {  	v35 =	vmul.f32 v35, v8;
	v63 =	vld [tilespmem:s16+$0x10D10];
	v45 =	vmul.f32 v59, v9;
	[tilespmem:s16+$0x4D60] =	vst v37;
	v41 =	vadd.f32 v48, v41  }
0x244: {  	v34 =	vmul.f32 v34, v8;
	v56 =	vld [tilespmem:s16+$0x10960];
	v44 =	vmul.f32 v60, v9;
	[tilespmem:s16+$0x5100] =	vst v39;
	v36 =	vadd.f32 v54, v36  }
0x245: {  	v40 =	vmul.f32 v40, v8;
	v12 =	vld [tilespmem:s16+$0x5560];
	v49 =	vmul.f32 v49, v9;
	v35 =	vadd.f32 v45, v35;
	[tilespmem:s16+$0x5120] =	vst v41  }
0x246: {  	v38 =	vmul.f32 v38, v8;
	v58 =	vld [tilespmem:s16+$0x10940];
	v47 =	vmul.f32 v47, v9;
	v34 =	vadd.f32 v44, v34;
	[tilespmem:s16+$0x4D50] =	vst v36  }
0x247: {  	v33 =	vmul.f32 v33, v8;
	v59 =	vld [tilespmem:s16+$0x10930];
	v43 =	vmul.f32 v62, v9;
	v40 =	vadd.f32 v49, v40;
	[tilespmem:s16+$0x4D40] =	vst v35  }
0x248: {  	v32 =	vmul.f32 v32, v8;
	v57 =	vld [tilespmem:s16+$0x10950];
	v42 =	vmul.f32 v63, v9;
	v38 =	vadd.f32 v47, v38;
	[tilespmem:s16+$0x4D30] =	vst v34  }
0x249: {  	v29 =	vmul.f32 v29, v8;
	v60 =	vld [tilespmem:s16+$0x10920];
	v39 =	vmul.f32 v56, v9;
	v33 =	vadd.f32 v43, v33;
	[tilespmem:s16+$0x5110] =	vst v40  }
0x24a: {  	v31 =	vmul.f32 v31, v8;
	v61 =	vld [tilespmem:s16+$0x10910];
	v41 =	vmul.f32 v53, v9;
	v32 =	vadd.f32 v42, v32;
	[tilespmem:s16+$0x4D70] =	vst v38  }
0x24b: {  	v27 =	vmul.f32 v27, v8;
	v62 =	vld [tilespmem:s16+$0x10900];
	v29 =	vadd.f32 v39, v29;
	v37 =	vmul.f32 v58, v9;
	[tilespmem:s16+$0x4D20] =	vst v33  }
0x24c: {  	v26 =	vmul.f32 v26, v8;
	v63 =	vld [tilespmem:s16+$0x10570];
	v36 =	vmul.f32 v59, v9;
	v31 =	vadd.f32 v41, v31;
	[tilespmem:s16+$0x4D10] =	vst v32  }
0x24d: {  	v30 =	vmul.f32 v30, v8;
	v40 =	vmul.f32 v55, v9;
	[tilespmem:s16+$0x4960] =	vst v29;
	v29 =	vld [tilespmem:s16+$0x10540];
	v27 =	vadd.f32 v37, v27  }
0x24e: {  	v25 =	vmul.f32 v25, v8;
	v35 =	vmul.f32 v60, v9;
	v26 =	vadd.f32 v36, v26;
	[tilespmem:s16+$0x4D00] =	vst v31;
	v31 =	vld [tilespmem:s16+$0x10560]  }
0x24f: {  	v28 =	vmul.f32 v28, v8;
	v38 =	vmul.f32 v57, v9;
	v30 =	vadd.f32 v40, v30;
	[tilespmem:s16+$0x4940] =	vst v27;
	v27 =	vld [tilespmem:s16+$0x10520]  }
0x250: {  	v23 =	vmul.f32 v23, v8;
	v33 =	vmul.f32 v62, v9;
	v25 =	vadd.f32 v35, v25;
	[tilespmem:s16+$0x4930] =	vst v26;
	v26 =	vld [tilespmem:s16+$0x10510]  }
0x251: {  	v24 =	vmul.f32 v24, v8;
	v34 =	vmul.f32 v61, v9;
	v28 =	vadd.f32 v38, v28;
	[tilespmem:s16+$0x4970] =	vst v30;
	v30 =	vld [tilespmem:s16+$0x10550]  }
0x252: {  	v22 =	vmul.f32 v22, v8;
	v32 =	vmul.f32 v63, v9;
	v23 =	vadd.f32 v33, v23;
	[tilespmem:s16+$0x4920] =	vst v25;
	v25 =	vld [tilespmem:s16+$0x10500]  }
0x253: {  	v19 =	vmul.f32 v19, v8;
	v24 =	vadd.f32 v34, v24;
	[tilespmem:s16+$0x4950] =	vst v28;
	v28 =	vld [tilespmem:s16+$0x10530];
	v29 =	vmul.f32 v29, v9  }
0x254: {  	v21 =	vmul.f32 v21, v8;
	v22 =	vadd.f32 v32, v22;
	[tilespmem:s16+$0x4900] =	vst v23;
	v23 =	vld [tilespmem:s16+$0x10160];
	v31 =	vmul.f32 v31, v9  }
0x255: {  	v17 =	vmul.f32 v17, v8;
	[tilespmem:s16+$0x4910] =	vst v24;
	v24 =	vld [tilespmem:s16+$0x10170];
	v19 =	vadd.f32 v29, v19;
	v27 =	vmul.f32 v27, v9  }
0x256: {  	v20 =	vmul.f32 v20, v8;
	[tilespmem:s16+$0x4570] =	vst v22;
	v22 =	vld [tilespmem:s16+$0x4150];
	v30 =	vmul.f32 v30, v9;
	v21 =	vadd.f32 v31, v21  }
0x257: {  	v15 =	vmul.f32 v15, v8;
	v25 =	vmul.f32 v25, v9;
	[tilespmem:s16+$0x4540] =	vst v19;
	v19 =	vld [tilespmem:s16+$0x11550];
	v17 =	vadd.f32 v27, v17  }
0x258: {  	v18 =	vmul.f32 v18, v8;
	v28 =	vmul.f32 v28, v9;
	v20 =	vadd.f32 v30, v20;
	[tilespmem:s16+$0x4560] =	vst v21;
	v21 =	vld [tilespmem:s16+$0x10150]  }
0x259: {  	v13 =	vmul.f32 v13, v8;
	v23 =	vmul.f32 v23, v9;
	v15 =	vadd.f32 v25, v15;
	[tilespmem:s16+$0x4520] =	vst v17;
	v17 =	vld [tilespmem:s16+$0x5540]  }
0x25a: {  	v6 =	vmul.f32 v6, v8;
	v5 =	vmul.f32 v5, v9;
	v18 =	vadd.f32 v28, v18;
	[tilespmem:s16+$0x4550] =	vst v20;
	v20 =	vld [tilespmem:s16+$0x11540]  }
0x25b: {  	v14 =	vmul.f32 v14, v8;
	v24 =	vmul.f32 v24, v9;
	v13 =	vadd.f32 v23, v13;
	[tilespmem:s16+$0x4500] =	vst v15;
	v15 =	vld [tilespmem:s16+$0x5550]  }
0x25c: {  	v4 =	vmul.f32 v4, v8;
	v3 =	vmul.f32 v3, v9;
	v5 =	vadd.f32 v5, v6;
	[tilespmem:s16+$0x4530] =	vst v18;
	v18 =	vld [tilespmem:s16+$0x11560]  }
0x25d: {  	v6 =	vld [tilespmem:s16+$0x4100];
	v14 =	vadd.f32 v24, v14;
	v10 =	vmul.f32 v22, v8;
	[tilespmem:s16+$0x4160] =	vst v13;
	v13 =	vmul.f32 v21, v9  }
0x25e: {  	s19 =	simm.s32 $0x4;
	v16 =	vmul.f32 v16, v8;
	v3 =	vadd.f32 v3, v4;
	v7 =	vld [tilespmem:s16+$0x10100];
	[tilespmem:s16+$0x4120] =	vst v5;
	v26 =	vmul.f32 v26, v9  }
0x25f: {  	s17 =	simm.s32 $0x1080;
	s0 =	smul.u32 $0x1800, s19;
	[tilespmem:s16+$0x4170] =	vst v14;
	v14 =	vld [tilespmem:s16+$0x5570];
	v11 =	vmul.f32 v17, v8;
	v17 =	vmul.f32 v20, v9;
	v4 =	vadd.f32 v13, v10  }
0x260: {  	s17 =	sand.u32 $0x380, s17;
	[tilespmem:s16+$0x4110] =	vst v3;
	v16 =	vadd.f32 v26, v16;
	v5 =	vmul.f32 v15, v8;
	v10 =	vmul.f32 v19, v9  }
0x261: {  	s0 =	sor.u32 s17, s0;
	v11 =	vadd.f32 v17, v11;
	[tilespmem:s16+$0x4150] =	vst v4;
	v4 =	vmul.f32 v12, v8;
	v12 =	vmul.f32 v18, v9  }
0x262: {  	v3 =	vld [tilespmem:s0+$0x4110];
	[tilespmem:s16+$0x4510] =	vst v16;
	v5 =	vadd.f32 v10, v5  }
0x263: {  	v7 =	vmul.f32 v7, v9;
	v16 =	vld [tilespmem:s16+$0x11570];
	[tilespmem:s16+$0x5540] =	vst v11;
	v12 =	vadd.f32 v12, v4  }
0x264: {  	v10 =	vmul.f32 v14, v8;
	v8 =	vmul.f32 v6, v8;
	v4 =	vld [tilespmem:s0+$0x10110];
	[tilespmem:s16+$0x5550] =	vst v5  }
0x265: {  	v6 =	vld [tilespmem:s0+$0x4120];
	[tilespmem:s16+$0x5560] =	vst v12  }
0x266: {  	v7 =	vadd.f32 v7, v8;
	v5 =	vld [tilespmem:s0+$0x10120]  }
0x267: {  	v8 =	vld [tilespmem:s0+$0x4130]  }
0x268: {  	[tilespmem:s16+$0x4100] =	vst v7;
	v18 =	vld [tilespmem:s0+$0x4530]  }
0x269: {  	v11 =	vmul.f32 v16, v9;
	v26 =	vld [tilespmem:s0+$0x4930]  }
0x26a: {  	v36 =	vld [tilespmem:s0+$0x4D30]  }
0x26b: {  	v9 =	vadd.f32 v11, v10;
	v44 =	vld [tilespmem:s0+$0x5130]  }
0x26c: {  	v48 =	vld [tilespmem:s0+$0x5500]  }
0x26d: {  	[tilespmem:s16+$0x5570] =	vst v9;
	v50 =	vld [tilespmem:s0+$0x5510]  }
0x26e: {  	v7 =	vld [tilespmem:s0+$0x10130]  }
0x26f: {  	v10 =	vld [tilespmem:s0+$0x4140]  }
0x270: {  	v9 =	vld [tilespmem:s0+$0x10140]  }
0x271: {  	v12 =	vld [tilespmem:s0+$0x4150]  }
0x272: {  	v11 =	vld [tilespmem:s0+$0x10150]  }
0x273: {  	v13 =	vld [tilespmem:s0+$0x4160]  }
0x274: {  	v14 =	vld [tilespmem:s0+$0x4170]  }
0x275: {  	v15 =	vld [tilespmem:s0+$0x4500]  }
0x276: {  	v16 =	vld [tilespmem:s0+$0x4510]  }
0x277: {  	v17 =	vld [tilespmem:s0+$0x4520]  }
0x278: {  	v19 =	vld [tilespmem:s0+$0x4540]  }
0x279: {  	v20 =	vld [tilespmem:s0+$0x4550]  }
0x27a: {  	v21 =	vld [tilespmem:s0+$0x4560]  }
0x27b: {  	v22 =	vld [tilespmem:s0+$0x4570]  }
0x27c: {  	v23 =	vld [tilespmem:s0+$0x4900]  }
0x27d: {  	v24 =	vld [tilespmem:s0+$0x4910]  }
0x27e: {  	v25 =	vld [tilespmem:s0+$0x4920]  }
0x27f: {  	v27 =	vld [tilespmem:s0+$0x4940]  }
0x280: {  	v28 =	vld [tilespmem:s0+$0x4950]  }
0x281: {  	v29 =	vld [tilespmem:s0+$0x4960]  }
0x282: {  	v30 =	vld [tilespmem:s0+$0x4970]  }
0x283: {  	v31 =	vld [tilespmem:s0+$0x4D00]  }
0x284: {  	v34 =	vld [tilespmem:s0+$0x4D10]  }
0x285: {  	v35 =	vld [tilespmem:s0+$0x4D20]  }
0x286: {  	v37 =	vld [tilespmem:s0+$0x4D40]  }
0x287: {  	v38 =	vld [tilespmem:s0+$0x4D50]  }
0x288: {  	v39 =	vld [tilespmem:s0+$0x4D60]  }
0x289: {  	v40 =	vld [tilespmem:s0+$0x4D70]  }
0x28a: {  	v41 =	vld [tilespmem:s0+$0x5100]  }
0x28b: {  	v42 =	vld [tilespmem:s0+$0x5110]  }
0x28c: {  	v43 =	vld [tilespmem:s0+$0x5120]  }
0x28d: {  	v45 =	vld [tilespmem:s0+$0x5140]  }
0x28e: {  	v46 =	vld [tilespmem:s0+$0x5150]  }
0x28f: {  	v47 =	vld [tilespmem:s0+$0x5160]  }
0x290: {  	v49 =	vld [tilespmem:s0+$0x11510]  }
0x291: {  	s17 =	simm.s32 $0x1100;
	s16 =	simm.s32 $0x21;
	v51 =	vld [tilespmem:s0+$0x11530]  }
.LBB2_4:
0x292: {  	p0 =	sne.s32 s17, $0x1F80;
	v52 =	vld [tilespmem:s0+$0x5530]  }
0x293: {  	s1 =	sadd.s32 $0x80, s1;
	v53 =	vld [tilespmem:s0+$0x5520]  }
0x294: {  	s14 =	sadd.s32 $0x80, s14;
	v33 =	vld [tilespmem:s1+$0x0]  }
0x295: {  	v32 =	vld [tilespmem:s14+$0x0]  }
0x296: {  	v54 =	vld [tilespmem:s0+$0x11520]  }
0x297: {  	v55 =	vld [tilespmem:s0+$0x11500]  }
0x298: {  	v56 =	vld [tilespmem:s0+$0x5170]  }
0x299: {  	v57 =	vld [tilespmem:s0+$0x11170];
	v50 =	vmul.f32 v50, v33;
	v53 =	vmul.f32 v53, v33  }
0x29a: {  	v52 =	vmul.f32 v52, v33;
	v58 =	vld [tilespmem:s0+$0x11160];
	v51 =	vmul.f32 v51, v32  }
0x29b: {  	v49 =	vmul.f32 v49, v32;
	v59 =	vld [tilespmem:s0+$0x11150];
	v54 =	vmul.f32 v54, v32  }
0x29c: {  	v48 =	vmul.f32 v48, v33;
	v60 =	vld [tilespmem:s0+$0x11140];
	v55 =	vmul.f32 v55, v32;
	v51 =	vadd.f32 v51, v52  }
0x29d: {  	v49 =	vadd.f32 v49, v50;
	v52 =	vld [tilespmem:s0+$0x11130];
	v56 =	vmul.f32 v56, v33;
	v50 =	vadd.f32 v54, v53  }
0x29e: {  	v47 =	vmul.f32 v47, v33;
	v53 =	vld [tilespmem:s0+$0x11120];
	v54 =	vmul.f32 v57, v32;
	v48 =	vadd.f32 v55, v48;
	[tilespmem:s0+$0x5530] =	vst v51  }
0x29f: {  	v46 =	vmul.f32 v46, v33;
	v51 =	vld [tilespmem:s0+$0x11110];
	v55 =	vmul.f32 v58, v32;
	[tilespmem:s0+$0x5520] =	vst v50  }
0x2a0: {  	v45 =	vmul.f32 v45, v33;
	v50 =	vld [tilespmem:s0+$0x11100];
	v57 =	vmul.f32 v59, v32;
	v54 =	vadd.f32 v54, v56;
	[tilespmem:s0+$0x5510] =	vst v49  }
0x2a1: {  	v44 =	vmul.f32 v44, v33;
	v49 =	vld [tilespmem:s0+$0x10D70];
	v56 =	vmul.f32 v60, v32;
	v47 =	vadd.f32 v55, v47;
	[tilespmem:s0+$0x5500] =	vst v48  }
0x2a2: {  	v43 =	vmul.f32 v43, v33;
	v48 =	vld [tilespmem:s0+$0x10D60];
	v52 =	vmul.f32 v52, v32;
	v46 =	vadd.f32 v57, v46;
	[tilespmem:s0+$0x5170] =	vst v54  }
0x2a3: {  	v42 =	vmul.f32 v42, v33;
	v54 =	vld [tilespmem:s0+$0x10D50];
	v53 =	vmul.f32 v53, v32;
	v45 =	vadd.f32 v56, v45;
	[tilespmem:s0+$0x5160] =	vst v47  }
0x2a4: {  	v41 =	vmul.f32 v41, v33;
	v47 =	vld [tilespmem:s0+$0x10D40];
	v51 =	vmul.f32 v51, v32;
	v44 =	vadd.f32 v52, v44;
	[tilespmem:s0+$0x5150] =	vst v46  }
0x2a5: {  	v40 =	vmul.f32 v40, v33;
	v46 =	vld [tilespmem:s0+$0x10D30];
	v50 =	vmul.f32 v50, v32;
	v43 =	vadd.f32 v53, v43;
	[tilespmem:s0+$0x5140] =	vst v45  }
0x2a6: {  	v39 =	vmul.f32 v39, v33;
	v45 =	vld [tilespmem:s0+$0x10D20];
	v49 =	vmul.f32 v49, v32;
	v42 =	vadd.f32 v51, v42;
	[tilespmem:s0+$0x5130] =	vst v44  }
0x2a7: {  	v38 =	vmul.f32 v38, v33;
	v44 =	vld [tilespmem:s0+$0x10D10];
	v48 =	vmul.f32 v48, v32;
	v41 =	vadd.f32 v50, v41;
	[tilespmem:s0+$0x5120] =	vst v43  }
0x2a8: {  	v37 =	vmul.f32 v37, v33;
	v43 =	vld [tilespmem:s0+$0x10D00];
	v50 =	vmul.f32 v54, v32;
	v40 =	vadd.f32 v49, v40;
	[tilespmem:s0+$0x5110] =	vst v42  }
0x2a9: {  	v36 =	vmul.f32 v36, v33;
	v42 =	vld [tilespmem:s0+$0x10970];
	v47 =	vmul.f32 v47, v32;
	v39 =	vadd.f32 v48, v39;
	[tilespmem:s0+$0x5100] =	vst v41  }
0x2aa: {  	v35 =	vmul.f32 v35, v33;
	v41 =	vld [tilespmem:s0+$0x10960];
	v46 =	vmul.f32 v46, v32;
	v38 =	vadd.f32 v50, v38;
	[tilespmem:s0+$0x4D70] =	vst v40  }
0x2ab: {  	v34 =	vmul.f32 v34, v33;
	v40 =	vld [tilespmem:s0+$0x10950];
	v45 =	vmul.f32 v45, v32;
	v37 =	vadd.f32 v47, v37;
	[tilespmem:s0+$0x4D60] =	vst v39  }
0x2ac: {  	v31 =	vmul.f32 v31, v33;
	v39 =	vld [tilespmem:s0+$0x10940];
	v44 =	vmul.f32 v44, v32;
	v36 =	vadd.f32 v46, v36;
	[tilespmem:s0+$0x4D50] =	vst v38  }
0x2ad: {  	v30 =	vmul.f32 v30, v33;
	v38 =	vld [tilespmem:s0+$0x10930];
	v43 =	vmul.f32 v43, v32;
	v35 =	vadd.f32 v45, v35;
	[tilespmem:s0+$0x4D40] =	vst v37  }
0x2ae: {  	v29 =	vmul.f32 v29, v33;
	v37 =	vld [tilespmem:s0+$0x10920];
	v42 =	vmul.f32 v42, v32;
	v34 =	vadd.f32 v44, v34;
	[tilespmem:s0+$0x4D30] =	vst v36  }
0x2af: {  	v28 =	vmul.f32 v28, v33;
	v36 =	vld [tilespmem:s0+$0x10910];
	v41 =	vmul.f32 v41, v32;
	v31 =	vadd.f32 v43, v31;
	[tilespmem:s0+$0x4D20] =	vst v35  }
0x2b0: {  	v27 =	vmul.f32 v27, v33;
	v35 =	vld [tilespmem:s0+$0x10900];
	v40 =	vmul.f32 v40, v32;
	v30 =	vadd.f32 v42, v30;
	[tilespmem:s0+$0x4D10] =	vst v34  }
0x2b1: {  	v26 =	vmul.f32 v26, v33;
	v34 =	vld [tilespmem:s0+$0x10570];
	v39 =	vmul.f32 v39, v32;
	v29 =	vadd.f32 v41, v29;
	[tilespmem:s0+$0x4D00] =	vst v31  }
0x2b2: {  	v25 =	vmul.f32 v25, v33;
	v31 =	vld [tilespmem:s0+$0x10560];
	v38 =	vmul.f32 v38, v32;
	v28 =	vadd.f32 v40, v28;
	[tilespmem:s0+$0x4970] =	vst v30  }
0x2b3: {  	v24 =	vmul.f32 v24, v33;
	v30 =	vld [tilespmem:s0+$0x10550];
	v37 =	vmul.f32 v37, v32;
	v27 =	vadd.f32 v39, v27;
	[tilespmem:s0+$0x4960] =	vst v29  }
0x2b4: {  	v23 =	vmul.f32 v23, v33;
	v29 =	vld [tilespmem:s0+$0x10540];
	v36 =	vmul.f32 v36, v32;
	v26 =	vadd.f32 v38, v26;
	[tilespmem:s0+$0x4950] =	vst v28  }
0x2b5: {  	v22 =	vmul.f32 v22, v33;
	v28 =	vld [tilespmem:s0+$0x10530];
	v35 =	vmul.f32 v35, v32;
	v25 =	vadd.f32 v37, v25;
	[tilespmem:s0+$0x4940] =	vst v27  }
0x2b6: {  	v21 =	vmul.f32 v21, v33;
	v27 =	vld [tilespmem:s0+$0x10520];
	v34 =	vmul.f32 v34, v32;
	v24 =	vadd.f32 v36, v24;
	[tilespmem:s0+$0x4930] =	vst v26  }
0x2b7: {  	v20 =	vmul.f32 v20, v33;
	v26 =	vld [tilespmem:s0+$0x10510];
	v31 =	vmul.f32 v31, v32;
	v23 =	vadd.f32 v35, v23;
	[tilespmem:s0+$0x4920] =	vst v25  }
0x2b8: {  	v19 =	vmul.f32 v19, v33;
	v25 =	vld [tilespmem:s0+$0x10500];
	v30 =	vmul.f32 v30, v32;
	v22 =	vadd.f32 v34, v22;
	[tilespmem:s0+$0x4910] =	vst v24  }
0x2b9: {  	v18 =	vmul.f32 v18, v33;
	v24 =	vld [tilespmem:s0+$0x10170];
	v29 =	vmul.f32 v29, v32;
	v21 =	vadd.f32 v31, v21;
	[tilespmem:s0+$0x4900] =	vst v23  }
0x2ba: {  	v17 =	vmul.f32 v17, v33;
	v23 =	vld [tilespmem:s0+$0x10160];
	v28 =	vmul.f32 v28, v32;
	v20 =	vadd.f32 v30, v20;
	[tilespmem:s0+$0x4570] =	vst v22  }
0x2bb: {  	v16 =	vmul.f32 v16, v33;
	v22 =	vmul.f32 v27, v32;
	v19 =	vadd.f32 v29, v19;
	[tilespmem:s0+$0x4560] =	vst v21;
	v21 =	vld [tilespmem:s0+$0x11540]  }
0x2bc: {  	v15 =	vmul.f32 v15, v33;
	v26 =	vmul.f32 v26, v32;
	v18 =	vadd.f32 v28, v18;
	[tilespmem:s0+$0x4550] =	vst v20;
	v20 =	vld [tilespmem:s0+$0x11550]  }
0x2bd: {  	v14 =	vmul.f32 v14, v33;
	v25 =	vmul.f32 v25, v32;
	v17 =	vadd.f32 v22, v17;
	[tilespmem:s0+$0x4540] =	vst v19;
	v19 =	vld [tilespmem:s0+$0x11560]  }
0x2be: {  	v13 =	vmul.f32 v13, v33;
	v22 =	vmul.f32 v24, v32;
	v16 =	vadd.f32 v26, v16;
	[tilespmem:s0+$0x4530] =	vst v18;
	v18 =	vld [tilespmem:s0+$0x11570]  }
0x2bf: {  	v12 =	vmul.f32 v12, v33;
	v23 =	vmul.f32 v23, v32;
	v15 =	vadd.f32 v25, v15;
	[tilespmem:s0+$0x4520] =	vst v17;
	v17 =	vld [tilespmem:s0+$0x5540]  }
0x2c0: {  	v10 =	vmul.f32 v10, v33;
	v11 =	vmul.f32 v11, v32;
	v14 =	vadd.f32 v22, v14;
	[tilespmem:s0+$0x4510] =	vst v16;
	v16 =	vld [tilespmem:s0+$0x5550]  }
0x2c1: {  	v8 =	vmul.f32 v8, v33;
	v9 =	vmul.f32 v9, v32;
	v13 =	vadd.f32 v23, v13;
	[tilespmem:s0+$0x4500] =	vst v15;
	v15 =	vld [tilespmem:s0+$0x5560]  }
0x2c2: {  	v6 =	vmul.f32 v6, v33;
	v7 =	vmul.f32 v7, v32;
	v11 =	vadd.f32 v11, v12;
	[tilespmem:s0+$0x4170] =	vst v14;
	v12 =	vld [tilespmem:s0+$0x5570]  }
0x2c3: {  	v3 =	vmul.f32 v3, v33;
	v5 =	vmul.f32 v5, v32;
	v9 =	vadd.f32 v9, v10;
	v14 =	vld [tilespmem:s0+$0x4100];
	[tilespmem:s0+$0x4160] =	vst v13  }
0x2c4: {  	s16 =	sadd.s32 $0x1, s16;
	v4 =	vmul.f32 v4, v32;
	v7 =	vadd.f32 v7, v8;
	v10 =	vld [tilespmem:s0+$0x10100];
	[tilespmem:s0+$0x4150] =	vst v11;
	v8 =	vmul.f32 v17, v33  }
0x2c5: {  	s18 =	sshrl.u32 s16, $0x3;
	v5 =	vadd.f32 v5, v6;
	v6 =	vmul.f32 v21, v32;
	[tilespmem:s0+$0x4140] =	vst v9;
	v9 =	vmul.f32 v16, v33  }
0x2c6: {  	s18 =	smul.u32 $0x1800, s18;
	v3 =	vadd.f32 v4, v3;
	v4 =	vmul.f32 v20, v32;
	[tilespmem:s0+$0x4130] =	vst v7;
	v7 =	vmul.f32 v15, v33  }
0x2c7: {  	s19 =	sand.u32 $0x380, s17;
	[tilespmem:s0+$0x4120] =	vst v5;
	v5 =	vadd.f32 v6, v8;
	v6 =	vmul.f32 v19, v32;
	v8 =	vmul.f32 v12, v33  }
0x2c8: {  	s18 =	sor.u32 s19, s18;
	v9 =	vadd.f32 v4, v9;
	v12 =	vmul.f32 v18, v32;
	v11 =	vmul.f32 v14, v33;
	[tilespmem:s0+$0x4110] =	vst v3  }
0x2c9: {  	v3 =	vld [tilespmem:s18+$0x4110];
	v10 =	vmul.f32 v10, v32;
	[tilespmem:s0+$0x5540] =	vst v5;
	v5 =	vadd.f32 v6, v7  }
0x2ca: {  	v7 =	vadd.f32 v12, v8;
	v4 =	vld [tilespmem:s18+$0x10110];
	[tilespmem:s0+$0x5550] =	vst v9  }
0x2cb: {  	v6 =	vld [tilespmem:s18+$0x4120];
	v9 =	vadd.f32 v10, v11;
	[tilespmem:s0+$0x5560] =	vst v5  }
0x2cc: {  	v5 =	vld [tilespmem:s18+$0x10120];
	[tilespmem:s0+$0x5570] =	vst v7  }
0x2cd: {  	v8 =	vld [tilespmem:s18+$0x4130];
	[tilespmem:s0+$0x4100] =	vst v9;
	s0 =	smov.u32 s18  }
0x2ce: {  	v7 =	vld [tilespmem:s0+$0x10130]  }
0x2cf: {  	v10 =	vld [tilespmem:s0+$0x4140]  }
0x2d0: {  	v9 =	vld [tilespmem:s0+$0x10140]  }
0x2d1: {  	v12 =	vld [tilespmem:s0+$0x4150]  }
0x2d2: {  	v11 =	vld [tilespmem:s0+$0x10150]  }
0x2d3: {  	v13 =	vld [tilespmem:s0+$0x4160]  }
0x2d4: {  	v14 =	vld [tilespmem:s0+$0x4170]  }
0x2d5: {  	v15 =	vld [tilespmem:s0+$0x4500]  }
0x2d6: {  	v16 =	vld [tilespmem:s0+$0x4510]  }
0x2d7: {  	v17 =	vld [tilespmem:s0+$0x4520]  }
0x2d8: {  	v18 =	vld [tilespmem:s0+$0x4530]  }
0x2d9: {  	v19 =	vld [tilespmem:s0+$0x4540]  }
0x2da: {  	v20 =	vld [tilespmem:s0+$0x4550]  }
0x2db: {  	v21 =	vld [tilespmem:s0+$0x4560]  }
0x2dc: {  	v22 =	vld [tilespmem:s0+$0x4570]  }
0x2dd: {  	v23 =	vld [tilespmem:s0+$0x4900]  }
0x2de: {  	v24 =	vld [tilespmem:s0+$0x4910]  }
0x2df: {  	v25 =	vld [tilespmem:s0+$0x4920]  }
0x2e0: {  	v26 =	vld [tilespmem:s0+$0x4930]  }
0x2e1: {  	v27 =	vld [tilespmem:s0+$0x4940]  }
0x2e2: {  	v28 =	vld [tilespmem:s0+$0x4950]  }
0x2e3: {  	v29 =	vld [tilespmem:s0+$0x4960]  }
0x2e4: {  	v30 =	vld [tilespmem:s0+$0x4970]  }
0x2e5: {  	v31 =	vld [tilespmem:s0+$0x4D00]  }
0x2e6: {  	v34 =	vld [tilespmem:s0+$0x4D10]  }
0x2e7: {  	v35 =	vld [tilespmem:s0+$0x4D20]  }
0x2e8: {  	v36 =	vld [tilespmem:s0+$0x4D30]  }
0x2e9: {  	v37 =	vld [tilespmem:s0+$0x4D40]  }
0x2ea: {  	v38 =	vld [tilespmem:s0+$0x4D50]  }
0x2eb: {  	v39 =	vld [tilespmem:s0+$0x4D60]  }
0x2ec: {  	v40 =	vld [tilespmem:s0+$0x4D70]  }
0x2ed: {  	v41 =	vld [tilespmem:s0+$0x5100]  }
0x2ee: {  	v42 =	vld [tilespmem:s0+$0x5110]  }
0x2ef: {  	v43 =	vld [tilespmem:s0+$0x5120]  }
0x2f0: {  	v44 =	vld [tilespmem:s0+$0x5130]  }
0x2f1: {  	v45 =	vld [tilespmem:s0+$0x5140]  }
0x2f2: {  	v46 =	vld [tilespmem:s0+$0x5150]  }
.Ltmp1:
0x2f3: {  	v47 =	vld [tilespmem:s0+$0x5160];
	(pc) =	sbr.rel @p0 .LBB2_4-.Ltmp1, $4  }
0x2f4: {  	v48 =	vld [tilespmem:s0+$0x5500]  }
0x2f5: {  	v50 =	vld [tilespmem:s0+$0x5510]  }
0x2f6: {  	v49 =	vld [tilespmem:s0+$0x11510]  }
0x2f7: {  	s17 =	sadd.s32 $0x80, s17;
	v51 =	vld [tilespmem:s0+$0x11530]  }
0x2f8: {  	v52 =	vld [tilespmem:s0+$0x5530]  }
0x2f9: {  	v53 =	vld [tilespmem:s0+$0x5520];
	s1 =	sadd.s32 $0x80, s1  }
0x2fa: {  	s19 =	sadd.s32 $0x80, s14;
	v32 =	vld [tilespmem:s1+$0x0]  }
0x2fb: {  	v33 =	vld [tilespmem:s19+$0x0]  }
0x2fc: {  	v54 =	vld [tilespmem:s0+$0x11520];
	_ =	sdelay $0x1  }
0x2fd: {  	v55 =	vld [tilespmem:s0+$0x11500]  }
0x2fe: {  	v56 =	vld [tilespmem:s0+$0x5170]  }
0x2ff: {  	v58 =	vld [tilespmem:s0+$0x11160];
	v52 =	vmul.f32 v52, v32;
	v51 =	vmul.f32 v51, v33  }
0x300: {  	v57 =	vld [tilespmem:s0+$0x11170];
	v53 =	vmul.f32 v53, v32;
	v54 =	vmul.f32 v54, v33  }
0x301: {  	v59 =	vld [tilespmem:s0+$0x11150];
	v50 =	vmul.f32 v50, v32;
	v49 =	vmul.f32 v49, v33  }
0x302: {  	v60 =	vld [tilespmem:s0+$0x11140];
	v48 =	vmul.f32 v48, v32;
	v62 =	vmul.f32 v55, v33;
	v51 =	vadd.f32 v51, v52  }
0x303: {  	v61 =	vld [tilespmem:s0+$0x11120];
	v63 =	vmul.f32 v56, v32;
	v47 =	vmul.f32 v47, v32;
	v53 =	vadd.f32 v54, v53  }
0x304: {  	v58 =	vmul.f32 v58, v33;
	v55 =	vld [tilespmem:s0+$0x10560];
	v12 =	vmul.f32 v12, v32;
	v49 =	vadd.f32 v49, v50;
	[tilespmem:s0+$0x5530] =	vst v51  }
0x305: {  	v56 =	vld [tilespmem:s0+$0x10550];
	v11 =	vmul.f32 v11, v33;
	v10 =	vmul.f32 v10, v32;
	v48 =	vadd.f32 v62, v48;
	[tilespmem:s0+$0x5520] =	vst v53  }
0x306: {  	v9 =	vmul.f32 v9, v33;
	v8 =	vmul.f32 v8, v32;
	v52 =	vld [tilespmem:s0+$0x11130];
	v47 =	vadd.f32 v58, v47;
	[tilespmem:s0+$0x5510] =	vst v49  }
0x307: {  	v7 =	vmul.f32 v7, v33;
	v6 =	vmul.f32 v6, v32;
	v50 =	vld [tilespmem:s0+$0x11100];
	v11 =	vadd.f32 v11, v12;
	[tilespmem:s0+$0x5500] =	vst v48  }
0x308: {  	v5 =	vmul.f32 v5, v33;
	v3 =	vmul.f32 v3, v32;
	v58 =	vld [tilespmem:s0+$0x10D20];
	v9 =	vadd.f32 v9, v10;
	[tilespmem:s0+$0x5160] =	vst v47  }
0x309: {  	v4 =	vmul.f32 v4, v33;
	v62 =	vmul.f32 v59, v33;
	v59 =	vld [tilespmem:s0+$0x10D10];
	v7 =	vadd.f32 v7, v8;
	[tilespmem:s0+$0x4150] =	vst v11  }
0x30a: {  	v57 =	vmul.f32 v57, v33;
	v54 =	vld [tilespmem:s0+$0x10570];
	v5 =	vadd.f32 v5, v6;
	[tilespmem:s0+$0x4140] =	vst v9  }
0x30b: {  	v46 =	vmul.f32 v46, v32;
	v3 =	vadd.f32 v4, v3;
	v51 =	vld [tilespmem:s0+$0x11110];
	[tilespmem:s0+$0x4130] =	vst v7  }
0x30c: {  	v45 =	vmul.f32 v45, v32;
	v49 =	vld [tilespmem:s0+$0x10D70];
	v53 =	vadd.f32 v57, v63;
	v63 =	vmul.f32 v60, v33;
	[tilespmem:s0+$0x4120] =	vst v5  }
0x30d: {  	v43 =	vmul.f32 v43, v32;
	v48 =	vld [tilespmem:s0+$0x10D60];
	v46 =	vadd.f32 v62, v46;
	v57 =	vmul.f32 v61, v33;
	[tilespmem:s0+$0x4110] =	vst v3  }
0x30e: {  	v44 =	vmul.f32 v44, v32;
	v47 =	vld [tilespmem:s0+$0x10D40];
	[tilespmem:s0+$0x5170] =	vst v53;
	v45 =	vadd.f32 v63, v45;
	v52 =	vmul.f32 v52, v33  }
0x30f: {  	v41 =	vmul.f32 v41, v32;
	v60 =	vld [tilespmem:s0+$0x10D00];
	[tilespmem:s0+$0x5150] =	vst v46;
	v43 =	vadd.f32 v57, v43;
	v50 =	vmul.f32 v50, v33  }
0x310: {  	v35 =	vmul.f32 v35, v32;
	v61 =	vld [tilespmem:s0+$0x10970];
	[tilespmem:s0+$0x5140] =	vst v45;
	v45 =	vmul.f32 v58, v33;
	v44 =	vadd.f32 v52, v44  }
0x311: {  	v42 =	vmul.f32 v42, v32;
	v53 =	vld [tilespmem:s0+$0x10D50];
	[tilespmem:s0+$0x5120] =	vst v43;
	v51 =	vmul.f32 v51, v33;
	v41 =	vadd.f32 v50, v41  }
0x312: {  	v40 =	vmul.f32 v40, v32;
	v46 =	vld [tilespmem:s0+$0x10D30];
	v49 =	vmul.f32 v49, v33;
	v35 =	vadd.f32 v45, v35;
	[tilespmem:s0+$0x5130] =	vst v44  }
0x313: {  	v39 =	vmul.f32 v39, v32;
	v62 =	vld [tilespmem:s0+$0x10960];
	v48 =	vmul.f32 v48, v33;
	v42 =	vadd.f32 v51, v42;
	[tilespmem:s0+$0x5100] =	vst v41  }
0x314: {  	v37 =	vmul.f32 v37, v32;
	v57 =	vld [tilespmem:s0+$0x10540];
	v47 =	vmul.f32 v47, v33;
	v40 =	vadd.f32 v49, v40;
	[tilespmem:s0+$0x4D20] =	vst v35  }
0x315: {  	v31 =	vmul.f32 v31, v32;
	v58 =	vld [tilespmem:s0+$0x10530];
	v43 =	vmul.f32 v60, v33;
	v39 =	vadd.f32 v48, v39;
	[tilespmem:s0+$0x5110] =	vst v42  }
0x316: {  	v38 =	vmul.f32 v38, v32;
	v50 =	vld [tilespmem:s0+$0x10930];
	v63 =	vmul.f32 v53, v33;
	v37 =	vadd.f32 v47, v37;
	[tilespmem:s0+$0x4D70] =	vst v40  }
0x317: {  	v36 =	vmul.f32 v36, v32;
	v60 =	vld [tilespmem:s0+$0x10510];
	v46 =	vmul.f32 v46, v33;
	v31 =	vadd.f32 v43, v31;
	[tilespmem:s0+$0x4D60] =	vst v39  }
0x318: {  	v34 =	vmul.f32 v34, v32;
	v52 =	vld [tilespmem:s0+$0x10910];
	v44 =	vmul.f32 v59, v33;
	v38 =	vadd.f32 v63, v38;
	[tilespmem:s0+$0x4D40] =	vst v37  }
0x319: {  	v29 =	vmul.f32 v29, v32;
	v45 =	vld [tilespmem:s0+$0x5540];
	v41 =	vmul.f32 v62, v33;
	v36 =	vadd.f32 v46, v36;
	[tilespmem:s0+$0x4D00] =	vst v31  }
0x31a: {  	v21 =	vmul.f32 v21, v32;
	v48 =	vld [tilespmem:s0+$0x10950];
	v62 =	vmul.f32 v55, v33;
	v34 =	vadd.f32 v44, v34;
	[tilespmem:s0+$0x4D50] =	vst v38  }
0x31b: {  	v30 =	vmul.f32 v30, v32;
	v49 =	vld [tilespmem:s0+$0x10940];
	v42 =	vmul.f32 v61, v33;
	v29 =	vadd.f32 v41, v29;
	[tilespmem:s0+$0x4D30] =	vst v36  }
0x31c: {  	v16 =	vmul.f32 v16, v32;
	v51 =	vld [tilespmem:s0+$0x10920];
	v21 =	vadd.f32 v62, v21;
	v41 =	vmul.f32 v60, v33;
	[tilespmem:s0+$0x4D10] =	vst v34  }
0x31d: {  	v26 =	vmul.f32 v26, v32;
	v53 =	vld [tilespmem:s0+$0x10900];
	v30 =	vadd.f32 v42, v30;
	[tilespmem:s0+$0x4960] =	vst v29;
	v38 =	vmul.f32 v50, v33  }
0x31e: {  	v24 =	vmul.f32 v24, v32;
	v59 =	vld [tilespmem:s0+$0x10520];
	v36 =	vmul.f32 v52, v33;
	[tilespmem:s0+$0x4560] =	vst v21;
	v16 =	vadd.f32 v41, v16  }
0x31f: {  	v22 =	vmul.f32 v22, v32;
	v43 =	vld [tilespmem:s0+$0x11570];
	v34 =	vmul.f32 v54, v33;
	[tilespmem:s0+$0x4970] =	vst v30;
	v26 =	vadd.f32 v38, v26  }
0x320: {  	v28 =	vmul.f32 v28, v32;
	v61 =	vld [tilespmem:s0+$0x10500];
	v40 =	vmul.f32 v48, v33;
	v24 =	vadd.f32 v36, v24;
	[tilespmem:s0+$0x4510] =	vst v16  }
0x321: {  	v27 =	vmul.f32 v27, v32;
	v63 =	vld [tilespmem:s0+$0x10170];
	v39 =	vmul.f32 v49, v33;
	v22 =	vadd.f32 v34, v22;
	[tilespmem:s0+$0x4930] =	vst v26  }
0x322: {  	v25 =	vmul.f32 v25, v32;
	v46 =	vld [tilespmem:s0+$0x5550];
	v37 =	vmul.f32 v51, v33;
	v28 =	vadd.f32 v40, v28;
	[tilespmem:s0+$0x4910] =	vst v24  }
0x323: {  	v23 =	vmul.f32 v23, v32;
	v50 =	vld [tilespmem:s0+$0x10100];
	v35 =	vmul.f32 v53, v33;
	v27 =	vadd.f32 v39, v27;
	[tilespmem:s0+$0x4570] =	vst v22  }
0x324: {  	v20 =	vmul.f32 v20, v32;
	v48 =	vld [tilespmem:s0+$0x5560];
	v30 =	vmul.f32 v56, v33;
	v25 =	vadd.f32 v37, v25;
	[tilespmem:s0+$0x4950] =	vst v28  }
0x325: {  	v19 =	vmul.f32 v19, v32;
	v51 =	vld [tilespmem:s0+$0x4100];
	v23 =	vadd.f32 v35, v23;
	v35 =	vmul.f32 v57, v33;
	[tilespmem:s0+$0x4940] =	vst v27  }
0x326: {  	v18 =	vmul.f32 v18, v32;
	v34 =	vld [tilespmem:s0+$0x10160];
	v37 =	vmul.f32 v58, v33;
	v20 =	vadd.f32 v30, v20;
	[tilespmem:s0+$0x4920] =	vst v25  }
0x327: {  	v17 =	vmul.f32 v17, v32;
	v36 =	vld [tilespmem:s0+$0x11540];
	v39 =	vmul.f32 v59, v33;
	[tilespmem:s0+$0x4900] =	vst v23;
	v19 =	vadd.f32 v35, v19  }
0x328: {  	v15 =	vmul.f32 v15, v32;
	v38 =	vld [tilespmem:s0+$0x11550];
	v42 =	vmul.f32 v61, v33;
	v18 =	vadd.f32 v37, v18;
	[tilespmem:s0+$0x4550] =	vst v20  }
0x329: {  	v14 =	vmul.f32 v14, v32;
	v40 =	vld [tilespmem:s0+$0x11560];
	v44 =	vmul.f32 v63, v33;
	v17 =	vadd.f32 v39, v17;
	[tilespmem:s0+$0x4540] =	vst v19  }
0x32a: {  	v49 =	vld [tilespmem:s0+$0x5570];
	v15 =	vadd.f32 v42, v15;
	v10 =	vmul.f32 v50, v33;
	v61 =	vmul.f32 v51, v32;
	[tilespmem:s0+$0x4530] =	vst v18  }
0x32b: {  	v13 =	vmul.f32 v13, v32;
	v14 =	vadd.f32 v44, v14;
	[tilespmem:s0+$0x4520] =	vst v17;
	v47 =	vmul.f32 v34, v33  }
0x32c: {  	v52 =	vmul.f32 v45, v32;
	[tilespmem:s0+$0x4500] =	vst v15;
	v53 =	vmul.f32 v36, v33;
	v63 =	vadd.f32 v10, v61  }
0x32d: {  	v54 =	vmul.f32 v46, v32;
	[tilespmem:s0+$0x4170] =	vst v14;
	v55 =	vmul.f32 v38, v33;
	v13 =	vadd.f32 v47, v13  }
0x32e: {  	v56 =	vmul.f32 v48, v32;
	v58 =	vmul.f32 v40, v33;
	v57 =	vadd.f32 v53, v52;
	[tilespmem:s0+$0x4100] =	vst v63  }
0x32f: {  	v60 =	vmul.f32 v43, v33;
	v59 =	vmul.f32 v49, v32;
	v3 =	vadd.f32 v55, v54;
	[tilespmem:s0+$0x4160] =	vst v13  }
0x330: {  	v62 =	vadd.f32 v58, v56;
	[tilespmem:s0+$0x5540] =	vst v57  }
0x331: {  	[tilespmem:s0+$0x5550] =	vst v3;
	v3 =	vadd.f32 v60, v59  }
0x332: {  	[tilespmem:s0+$0x5560] =	vst v62  }
0x333: {  	[tilespmem:s0+$0x5570] =	vst v3  }
0x334: {  	s31 =	sadd.s32 $0x1, s31;
	_ =	swait.ge [sflag:s29], $0x6000  }
0x335: {  	p0 =	sne.s32 s31, s12;
	[sflag:s29] =	ssyncset.done $0x0  }
.Ltmp2:
0x336: {  	[sflag:s29] =	ssyncadd.s32 $0xFFFFA000;
	(pc) =	sbr.rel @p0 .LBB2_1-.Ltmp2, $4  }
0x337: {  	[hbm4b:s11+s2] =	stream.linear.scatter [tilespmem:s21], [sflag:$0x3], $0x6000, $0x38;
	[tilespmem:$0x1C100] =	vst v63  }
0x338: {  	_ =	swait.ge [sflag:s13], $0x6000  }
0x339: {  	[sflag:s13] =	ssyncset.done $0x0  }
0x33a: {  	[sflag:s13] =	ssyncadd.s32 $0xFFFFA000  }
0x33b: {  	_ =	sfence.sel $0x180000  }
0x33c: {  	[bflag:$0x0] =	sbarrier.arrive $0xFFFF  }
0x33d: {  	_ =	strace $0x9000004A  }
0x33e: {  	s0 =	stileid.u32;
	[bflag:$0x2] =	sbarrier.arrive $0xFFFF  }
0x33f: {  	p0 =	sne.s32 s0, $0x0;
	s0 =	rddreg [dreg:$0x2]  }
0x340: {  	s0 =	sadd.s32 @!p0 $0x100000, s0  }
0x341: {  	[sflag:s0] =	ssyncadd.tile.s32 @!p0 $0x1;
	_ =	shalt  }
.Lfunc_end2:
_tile_overlayer_lowered:
.L_overlay_start_2:
0x342: {  	(tag) =	ssettag $0x2  }
0x343: {  	s0 =	rddreg [dreg:$0x0];
	s2 =	stileid.u32  }
0x344: {  	s1 =	rddreg [dreg:$0x1];
	p0 =	sne.s32 s2, $0x0  }
0x345: {  	s3 =	rddreg [dreg:$0x2];
	[bflag:$0x3] =	sbarrier.arrive $0xFFFF;
	s2 =	simm.s32 @!p0 $0x1C03  }
0x346: {  	[timem:s3], [sflag:s2] =	dma.local @!p0 [hbm:s0], s1  }
0x347: {  	s0 =	simm.s32 @!p0 $0x3  }
0x348: {  	_ =	swait.ge @!p0 [sflag:s0], s1  }
0x349: {  	s1 =	ssub.s32 @!p0 $0x0, s1;
	[sflag:s0] =	ssyncset.done @!p0 $0x0  }
0x34a: {  	[sflag:s0] =	ssyncadd.s32 @!p0 s1  }
0x34b: {  	[bflag:$0x3] =	sbarrier.arrive $0xFFFF  }
0x34c: {  	_ =	shalt  }

</sc_bundles>
